<compile_context>
chip_gen: v7x
topology: tpu7x:2x2x1
jax: 0.10.2.dev20260603
libtpu: 0.0.44.dev20260713+nightly
codegen_flags: <defaults>
</compile_context>

<pallas_src>
import functools

import jax
import jax.numpy as jnp
from jax import lax
from jax.experimental import pallas as pl
from jax.experimental.pallas import tpu as pltpu
from jax.experimental.pallas import tpu_sc as plsc

N_BONDS = 14
EMB_DIM = 8
NC_DIM = 4
OUT_DIM = EMB_DIM + NC_DIM
E = 6_400_000
NBLOCKS = E // 128
NUM_CORES = 2
NUM_SUBCORES = 16
NW = NUM_CORES * NUM_SUBCORES
NBLK = 16
CHUNK = NBLK * 128
TOTAL_CHUNKS = NBLOCKS // NBLK
B_BASE = NBLOCKS * 1024


def _sc_kernel_body(idx_hbm, feat_hbm, tbl_hbm, out_hbm,
                    tbl_v, idx0, idx1, f0, f1, a0, a1, b0, b1,
                    semi0, semi1, semb0, semb1, semo0, semo1):
    c = lax.axis_index("c")
    s = lax.axis_index("s")
    wid = s * NUM_CORES + c

    pltpu.sync_copy(tbl_hbm, tbl_v)

    trips = (TOTAL_CHUNKS - wid + NW - 1) // NW

    def in_copies(cb, idx_b, f_b, semi, semb):
        return (pltpu.make_async_copy(
                    idx_hbm.at[pl.ds(cb * CHUNK, CHUNK)], idx_b, semi),
                pltpu.make_async_copy(
                    feat_hbm.at[pl.ds(cb * NBLK * 512, NBLK * 512)],
                    f_b, semb))

    def out_copies(cb, a_b, b_b, semo):
        return (pltpu.make_async_copy(
                    a_b, out_hbm.at[pl.ds(cb * NBLK * 1024, NBLK * 1024)],
                    semo),
                pltpu.make_async_copy(
                    b_b,
                    out_hbm.at[pl.ds(B_BASE + cb * NBLK * 1024, NBLK * 1024)],
                    semo))

    tbl_cols = [tbl_v.at[pl.ds(cc * 16, 16)] for cc in range(EMB_DIM)]

    def assemble(idx_b, a_b):
        def block(j, carry):
            base = j * 1024
            ib = j * 128
            idxvs = [idx_b[pl.ds(ib + t * 16, 16)] for t in range(8)]
            for cc in range(EMB_DIM):
                for t in range(8):
                    vals = plsc.load_gather(tbl_cols[cc], [idxvs[t]])
                    a_b[pl.ds(base + cc * 128 + t * 16, 16)] = vals
            return carry
        lax.fori_loop(0, NBLK, block, 0)

    def fspread(f_b, b_b):
        def sp(j, carry):
            for k in range(32):
                b_b[pl.ds(j * 1024 + k * 16, 16)] = \
                    f_b[pl.ds(j * 512 + k * 16, 16)]
            return carry
        lax.fori_loop(0, NBLK, sp, 0)

    def half(g, par, idx_b, f_b, a_b, b_b, semi, semb, semo):
        i = 2 * g + par
        cb = wid + i * NW

        @pl.when(i < trips)
        def _():
            ci, cf = in_copies(cb, idx_b, f_b, semi, semb)
            ci.wait()
            @pl.when(i >= 2)
            def _():
                for cp in out_copies(cb - 2 * NW, a_b, b_b, semo):
                    cp.wait()
            assemble(idx_b, a_b)
            cf.wait()
            fspread(f_b, b_b)
            for cp in out_copies(cb, a_b, b_b, semo):
                cp.start()

            @pl.when(i + 2 < trips)
            def _():
                for cp in in_copies(cb + 2 * NW, idx_b, f_b, semi, semb):
                    cp.start()

    for cp in in_copies(wid, idx0, f0, semi0, semb0):
        cp.start()
    for cp in in_copies(wid + NW, idx1, f1, semi1, semb1):
        cp.start()

    def gbody(g, carry):
        half(g, 0, idx0, f0, a0, b0, semi0, semb0, semo0)
        half(g, 1, idx1, f1, a1, b1, semi1, semb1, semo1)
        return carry
    lax.fori_loop(0, (trips + 1) // 2, gbody, 0)

    r = (trips - 1) % 2
    i_last_even = trips - 1 - r
    i_last_odd = trips - 2 + r
    for cp in out_copies(wid + i_last_even * NW, a0, b0, semo0):
        cp.wait()
    for cp in out_copies(wid + i_last_odd * NW, a1, b1, semo1):
        cp.wait()


_sc_call = functools.partial(
    pl.kernel,
    out_type=jax.ShapeDtypeStruct((2 * NBLOCKS * 1024,), jnp.float32),
    mesh=plsc.VectorSubcoreMesh(
        core_axis_name="c", subcore_axis_name="s",
        num_cores=NUM_CORES, num_subcores=NUM_SUBCORES),
    scratch_types=[
        pltpu.VMEM((EMB_DIM * 16,), jnp.float32),
        pltpu.VMEM((CHUNK,), jnp.int32),
        pltpu.VMEM((CHUNK,), jnp.int32),
        pltpu.VMEM((NBLK * 512,), jnp.float32),
        pltpu.VMEM((NBLK * 512,), jnp.float32),
        pltpu.VMEM((NBLK * 1024,), jnp.float32),
        pltpu.VMEM((NBLK * 1024,), jnp.float32),
        pltpu.VMEM((NBLK * 1024,), jnp.float32),
        pltpu.VMEM((NBLK * 1024,), jnp.float32),
        pltpu.SemaphoreType.DMA,
        pltpu.SemaphoreType.DMA,
        pltpu.SemaphoreType.DMA,
        pltpu.SemaphoreType.DMA,
        pltpu.SemaphoreType.DMA,
        pltpu.SemaphoreType.DMA,
    ],
    compiler_params=pltpu.CompilerParams(needs_layout_passes=False),
)(_sc_kernel_body)


def kernel(bond_idx, non_cov_feat, bond_emb):
    feat_lin = (non_cov_feat.reshape(NBLOCKS, 128, NC_DIM)
                .transpose(0, 2, 1).reshape(-1))
    tbl_t = jnp.pad(bond_emb.T, ((0, 0), (0, 16 - N_BONDS))).reshape(-1)
    out_lin = _sc_call(bond_idx.astype(jnp.int32),
                       feat_lin,
                       tbl_t)
    out = (out_lin.reshape(2, NBLOCKS, EMB_DIM, 128)
           .transpose(1, 3, 0, 2).reshape(E, 16)[:, :OUT_DIM])
    return out

# --- scband reference (transcript-rebuilt; emitter-appended) ---
"""Pipeline reference for scband-bond-embedding-40527311405118 (READ-ONLY COPY).

The authoritative reference and input builder live on the scoring server;
editing this copy changes nothing except your own understanding.
"""

import jax, jax.numpy as jnp
import numpy as np

N_BONDS = 14
EMB_DIM = 8
E = 6400000
NC_DIM = 4

def setup_inputs(seed: int = 0) -> dict:
    key = jax.random.key(seed)
    k1, k2, k3 = jax.random.split(key, 3)
    bond_idx = jax.random.randint(k1, (E,), 0, N_BONDS, dtype=jnp.int64 if jax.config.jax_enable_x64 else jnp.int32)
    non_cov_feat = jax.random.normal(k2, (E, NC_DIM), dtype=jnp.float32)
    bond_emb = jax.random.normal(k3, (N_BONDS, EMB_DIM), dtype=jnp.float32) * 0.1
    return {"bond_idx": bond_idx, "non_cov_feat": non_cov_feat, "bond_emb": bond_emb}

def reference(bond_idx, non_cov_feat, bond_emb):
    # e_bond = self.bond_emb(bond_idx)  -> embedding gather
    e_bond = jnp.take(bond_emb, bond_idx, axis=0)
    # x = torch.cat([e_bond, nc_features], dim=-1)
    x = jnp.concatenate([e_bond, non_cov_feat], axis=-1)
    return x

if __name__ == "__main__":
    import jax
    _d = setup_inputs()
    print(jax.jit(kernel)(*tuple(_d.values())))

</pallas_src>

<mosaic_0001>
#map = affine_map<(d0, d1) -> (0)>
module attributes {stable_mosaic.version = 14 : i64} {
  func.func @_sc_kernel_body(%arg0: i32, %arg1: i32, %arg2: memref<6400000xi32, #tpu.memory_space<hbm>>, %arg3: memref<25600000xf32, #tpu.memory_space<hbm>>, %arg4: memref<128xf32, #tpu.memory_space<hbm>>, %arg5: memref<102400000xf32, #tpu.memory_space<hbm>>, %arg6: memref<128xf32, #tpu.memory_space<vmem>>, %arg7: memref<2048xi32, #tpu.memory_space<vmem>>, %arg8: memref<2048xi32, #tpu.memory_space<vmem>>, %arg9: memref<8192xf32, #tpu.memory_space<vmem>>, %arg10: memref<8192xf32, #tpu.memory_space<vmem>>, %arg11: memref<16384xf32, #tpu.memory_space<vmem>>, %arg12: memref<16384xf32, #tpu.memory_space<vmem>>, %arg13: memref<16384xf32, #tpu.memory_space<vmem>>, %arg14: memref<16384xf32, #tpu.memory_space<vmem>>, %arg15: memref<!tpu.dma_semaphore, #tpu.memory_space<semaphore_mem>>, %arg16: memref<!tpu.dma_semaphore, #tpu.memory_space<semaphore_mem>>, %arg17: memref<!tpu.dma_semaphore, #tpu.memory_space<semaphore_mem>>, %arg18: memref<!tpu.dma_semaphore, #tpu.memory_space<semaphore_mem>>, %arg19: memref<!tpu.dma_semaphore, #tpu.memory_space<semaphore_mem>>, %arg20: memref<!tpu.dma_semaphore, #tpu.memory_space<semaphore_mem>>) attributes {dimension_semantics = [#tpu.dimension_semantics<core_parallel>, #tpu.dimension_semantics<subcore_parallel>], iteration_bounds = array<i64: 2, 16>, scalar_prefetch = 0 : i64, scratch_operands = 15 : i64, tpu.core_type = #tpu.core_type<sc_vector_subcore>, window_params = [{transform_indices = #map}, {transform_indices = #map}, {transform_indices = #map}, {transform_indices = #map}]} {
    %mul3A = arith.constant 2 : i32
    %mul3A_0 = arith.muli %arg1, %mul3A : i32
    %add3A = arith.addi %mul3A_0, %arg0 : i32
    "tpu.region"() ({
      %run_scoped3A = tpu.sem_alloc : memref<!tpu.dma_semaphore, #tpu.memory_space<semaphore_mem>>
      tpu.enqueue_dma source(%arg4 : memref<128xf32, #tpu.memory_space<hbm>>) target(%arg6 : memref<128xf32, #tpu.memory_space<vmem>>) target_semaphore(%run_scoped3A : memref<!tpu.dma_semaphore, #tpu.memory_space<semaphore_mem>>)
      tpu.wait_dma2 semaphore(%run_scoped3A : memref<!tpu.dma_semaphore, #tpu.memory_space<semaphore_mem>>) src(%arg4 : memref<128xf32, #tpu.memory_space<hbm>>) dst(%arg6 : memref<128xf32, #tpu.memory_space<vmem>>)
      tpu.yield
    }) : () -> ()
    %sub3A = arith.constant 3125 : i32
    %sub3A_1 = arith.subi %sub3A, %add3A : i32
    %add3A_2 = arith.constant 32 : i32
    %add3A_3 = arith.addi %sub3A_1, %add3A_2 : i32
    %sub3A_4 = arith.constant 1 : i32
    %sub3A_5 = arith.subi %add3A_3, %sub3A_4 : i32
    %jit3A = arith.constant 32 : i32
    %div3A = arith.divsi %sub3A_5, %jit3A : i32
    %sign3A = arith.constant 0 : i32
    %sign3A_6 = arith.cmpi sgt, %sub3A_5, %sign3A : i32
    %sign3A_7 = arith.extui %sign3A_6 : i1 to i32
    %sign3A_8 = arith.constant 0 : i32
    %sign3A_9 = arith.cmpi slt, %sub3A_5, %sign3A_8 : i32
    %sign3A_10 = arith.extui %sign3A_9 : i1 to i32
    %sign3A_11 = arith.subi %sign3A_7, %sign3A_10 : i32
    %sign3A_12 = arith.constant 0 : i32
    %sign3A_13 = arith.cmpi sgt, %jit3A, %sign3A_12 : i32
    %sign3A_14 = arith.extui %sign3A_13 : i1 to i32
    %sign3A_15 = arith.constant 0 : i32
    %sign3A_16 = arith.cmpi slt, %jit3A, %sign3A_15 : i32
    %sign3A_17 = arith.extui %sign3A_16 : i1 to i32
    %sign3A_18 = arith.subi %sign3A_14, %sign3A_17 : i32
    %ne3A = arith.cmpi ne, %sign3A_11, %sign3A_18 : i32
    %rem3A = arith.remsi %sub3A_5, %jit3A : i32
    %ne3A_19 = arith.constant 0 : i32
    %ne3A_20 = arith.cmpi ne, %rem3A, %ne3A_19 : i32
    %and3A = arith.andi %ne3A, %ne3A_20 : i1
    %sub3A_21 = arith.constant 1 : i32
    %sub3A_22 = arith.subi %div3A, %sub3A_21 : i32
    %select_n3A = arith.select %and3A, %sub3A_22, %div3A : i32
    %mul3A_23 = arith.constant 2048 : i32
    %mul3A_24 = arith.muli %add3A, %mul3A_23 : i32
    %mul3A_25 = arith.constant 16 : i32
    %mul3A_26 = arith.muli %add3A, %mul3A_25 : i32
    %mul3A_27 = arith.constant 512 : i32
    %mul3A_28 = arith.muli %mul3A_26, %mul3A_27 : i32
    %dma_start3A = tpu.memref_slice %arg2[%mul3A_24] : memref<6400000xi32, #tpu.memory_space<hbm>> -> memref<2048xi32, #tpu.memory_space<hbm>>
    %dma_start3A_29 = tpu.memref_slice %arg2[%mul3A_24] : memref<6400000xi32, #tpu.memory_space<hbm>> -> memref<2048xi32, #tpu.memory_space<hbm>>
    tpu.enqueue_dma source(%dma_start3A_29 : memref<2048xi32, #tpu.memory_space<hbm>>) target(%arg7 : memref<2048xi32, #tpu.memory_space<vmem>>) target_semaphore(%arg15 : memref<!tpu.dma_semaphore, #tpu.memory_space<semaphore_mem>>)
    %dma_start3A_30 = tpu.memref_slice %arg3[%mul3A_28] : memref<25600000xf32, #tpu.memory_space<hbm>> -> memref<8192xf32, #tpu.memory_space<hbm>>
    %dma_start3A_31 = tpu.memref_slice %arg3[%mul3A_28] : memref<25600000xf32, #tpu.memory_space<hbm>> -> memref<8192xf32, #tpu.memory_space<hbm>>
    tpu.enqueue_dma source(%dma_start3A_31 : memref<8192xf32, #tpu.memory_space<hbm>>) target(%arg9 : memref<8192xf32, #tpu.memory_space<vmem>>) target_semaphore(%arg17 : memref<!tpu.dma_semaphore, #tpu.memory_space<semaphore_mem>>)
    %add3A_32 = arith.constant 32 : i32
    %add3A_33 = arith.addi %add3A, %add3A_32 : i32
    %mul3A_34 = arith.constant 2048 : i32
    %mul3A_35 = arith.muli %add3A_33, %mul3A_34 : i32
    %mul3A_36 = arith.constant 16 : i32
    %mul3A_37 = arith.muli %add3A_33, %mul3A_36 : i32
    %mul3A_38 = arith.constant 512 : i32
    %mul3A_39 = arith.muli %mul3A_37, %mul3A_38 : i32
    %dma_start3A_40 = tpu.memref_slice %arg2[%mul3A_35] : memref<6400000xi32, #tpu.memory_space<hbm>> -> memref<2048xi32, #tpu.memory_space<hbm>>
    %dma_start3A_41 = tpu.memref_slice %arg2[%mul3A_35] : memref<6400000xi32, #tpu.memory_space<hbm>> -> memref<2048xi32, #tpu.memory_space<hbm>>
    tpu.enqueue_dma source(%dma_start3A_41 : memref<2048xi32, #tpu.memory_space<hbm>>) target(%arg8 : memref<2048xi32, #tpu.memory_space<vmem>>) target_semaphore(%arg16 : memref<!tpu.dma_semaphore, #tpu.memory_space<semaphore_mem>>)
    %dma_start3A_42 = tpu.memref_slice %arg3[%mul3A_39] : memref<25600000xf32, #tpu.memory_space<hbm>> -> memref<8192xf32, #tpu.memory_space<hbm>>
    %dma_start3A_43 = tpu.memref_slice %arg3[%mul3A_39] : memref<25600000xf32, #tpu.memory_space<hbm>> -> memref<8192xf32, #tpu.memory_space<hbm>>
    tpu.enqueue_dma source(%dma_start3A_43 : memref<8192xf32, #tpu.memory_space<hbm>>) target(%arg10 : memref<8192xf32, #tpu.memory_space<vmem>>) target_semaphore(%arg18 : memref<!tpu.dma_semaphore, #tpu.memory_space<semaphore_mem>>)
    %add3A_44 = arith.constant 1 : i32
    %add3A_45 = arith.addi %select_n3A, %add3A_44 : i32
    %jit3A_46 = arith.constant 2 : i32
    %div3A_47 = arith.divsi %add3A_45, %jit3A_46 : i32
    %sign3A_48 = arith.constant 0 : i32
    %sign3A_49 = arith.cmpi sgt, %add3A_45, %sign3A_48 : i32
    %sign3A_50 = arith.extui %sign3A_49 : i1 to i32
    %sign3A_51 = arith.constant 0 : i32
    %sign3A_52 = arith.cmpi slt, %add3A_45, %sign3A_51 : i32
    %sign3A_53 = arith.extui %sign3A_52 : i1 to i32
    %sign3A_54 = arith.subi %sign3A_50, %sign3A_53 : i32
    %sign3A_55 = arith.constant 0 : i32
    %sign3A_56 = arith.cmpi sgt, %jit3A_46, %sign3A_55 : i32
    %sign3A_57 = arith.extui %sign3A_56 : i1 to i32
    %sign3A_58 = arith.constant 0 : i32
    %sign3A_59 = arith.cmpi slt, %jit3A_46, %sign3A_58 : i32
    %sign3A_60 = arith.extui %sign3A_59 : i1 to i32
    %sign3A_61 = arith.subi %sign3A_57, %sign3A_60 : i32
    %ne3A_62 = arith.cmpi ne, %sign3A_54, %sign3A_61 : i32
    %rem3A_63 = arith.remsi %add3A_45, %jit3A_46 : i32
    %ne3A_64 = arith.constant 0 : i32
    %ne3A_65 = arith.cmpi ne, %rem3A_63, %ne3A_64 : i32
    %and3A_66 = arith.andi %ne3A_62, %ne3A_65 : i1
    %sub3A_67 = arith.constant 1 : i32
    %sub3A_68 = arith.subi %div3A_47, %sub3A_67 : i32
    %select_n3A_69 = arith.select %and3A_66, %sub3A_68, %div3A_47 : i32
    %while3A = arith.constant 0 : i32
    %while3A_70 = arith.constant 0 : i32
    %while3A_71 = arith.subi %select_n3A_69, %while3A_70 : i32
    %while3A_72 = arith.addi %while3A_70, %while3A_71 : i32
    %while3A_73 = arith.constant 1 : i32
    %while3A_74 = arith.divsi %while3A_71, %while3A_73 : i32
    %while3A_75 = arith.muli %while3A_74, %while3A_73 : i32
    %while3A_76 = arith.addi %while3A_70, %while3A_75 : i32
    %while3A_77 = arith.constant 1 : i32
    scf.for %while3A_134 = %while3A_70 to %while3A_76 step %while3A_77  : i32 {
      %mul3A_135 = arith.constant 2 : i32
      %mul3A_136 = arith.muli %mul3A_135, %while3A_134 : i32
      %add3A_137 = arith.constant 0 : i32
      %add3A_138 = arith.addi %mul3A_136, %add3A_137 : i32
      %mul3A_139 = arith.constant 32 : i32
      %mul3A_140 = arith.muli %add3A_138, %mul3A_139 : i32
      %add3A_141 = arith.addi %add3A, %mul3A_140 : i32
      %lt3A_142 = arith.cmpi slt, %add3A_138, %select_n3A : i32
      %convert_element_type3A = arith.extui %lt3A_142 : i1 to i32
      %cond3A = arith.constant 0 : i32
      %cond3A_143 = arith.cmpi ne, %convert_element_type3A, %cond3A : i32
      scf.if %cond3A_143 {
        %mul3A_155 = arith.constant 2048 : i32
        %mul3A_156 = arith.muli %add3A_141, %mul3A_155 : i32
        %mul3A_157 = arith.constant 16 : i32
        %mul3A_158 = arith.muli %add3A_141, %mul3A_157 : i32
        %mul3A_159 = arith.constant 512 : i32
        %mul3A_160 = arith.muli %mul3A_158, %mul3A_159 : i32
        %dma_wait3A_161 = tpu.memref_slice %arg2[%mul3A_156] : memref<6400000xi32, #tpu.memory_space<hbm>> -> memref<2048xi32, #tpu.memory_space<hbm>>
        %dma_wait3A_162 = tpu.memref_slice %arg2[%mul3A_156] : memref<6400000xi32, #tpu.memory_space<hbm>> -> memref<2048xi32, #tpu.memory_space<hbm>>
        tpu.wait_dma2 semaphore(%arg15 : memref<!tpu.dma_semaphore, #tpu.memory_space<semaphore_mem>>) src(%dma_wait3A_162 : memref<2048xi32, #tpu.memory_space<hbm>>) dst(%arg7 : memref<2048xi32, #tpu.memory_space<vmem>>)
        %ge3A = arith.constant 2 : i32
        %ge3A_163 = arith.cmpi sge, %add3A_138, %ge3A : i32
        %convert_element_type3A_164 = arith.extui %ge3A_163 : i1 to i32
        %cond3A_165 = arith.constant 0 : i32
        %cond3A_166 = arith.cmpi ne, %convert_element_type3A_164, %cond3A_165 : i32
        scf.if %cond3A_166 {
          %sub3A_200 = arith.constant 64 : i32
          %sub3A_201 = arith.subi %add3A_141, %sub3A_200 : i32
          %mul3A_202 = arith.constant 16 : i32
          %mul3A_203 = arith.muli %sub3A_201, %mul3A_202 : i32
          %mul3A_204 = arith.constant 1024 : i32
          %mul3A_205 = arith.muli %mul3A_203, %mul3A_204 : i32
          %mul3A_206 = arith.constant 16 : i32
          %mul3A_207 = arith.muli %sub3A_201, %mul3A_206 : i32
          %mul3A_208 = arith.constant 1024 : i32
          %mul3A_209 = arith.muli %mul3A_207, %mul3A_208 : i32
          %add3A_210 = arith.constant 51200000 : i32
          %add3A_211 = arith.addi %add3A_210, %mul3A_209 : i32
          %dma_wait3A_212 = tpu.memref_slice %arg5[%mul3A_205] : memref<102400000xf32, #tpu.memory_space<hbm>> -> memref<16384xf32, #tpu.memory_space<hbm>>
          %dma_wait3A_213 = tpu.memref_slice %arg5[%mul3A_205] : memref<102400000xf32, #tpu.memory_space<hbm>> -> memref<16384xf32, #tpu.memory_space<hbm>>
          tpu.wait_dma2 semaphore(%arg19 : memref<!tpu.dma_semaphore, #tpu.memory_space<semaphore_mem>>) src(%arg11 : memref<16384xf32, #tpu.memory_space<vmem>>) dst(%dma_wait3A_213 : memref<16384xf32, #tpu.memory_space<hbm>>)
          %dma_wait3A_214 = tpu.memref_slice %arg5[%add3A_211] : memref<102400000xf32, #tpu.memory_space<hbm>> -> memref<16384xf32, #tpu.memory_space<hbm>>
          %dma_wait3A_215 = tpu.memref_slice %arg5[%add3A_211] : memref<102400000xf32, #tpu.memory_space<hbm>> -> memref<16384xf32, #tpu.memory_space<hbm>>
          tpu.wait_dma2 semaphore(%arg19 : memref<!tpu.dma_semaphore, #tpu.memory_space<semaphore_mem>>) src(%arg13 : memref<16384xf32, #tpu.memory_space<vmem>>) dst(%dma_wait3A_215 : memref<16384xf32, #tpu.memory_space<hbm>>)
        } else {
        }
        %scan3A = arith.constant 0 : i32
        %scan3A_167 = arith.constant 0 : i32
        %scan3A_168 = arith.constant 16 : i32
        %scan3A_169 = arith.addi %scan3A_167, %scan3A_168 : i32
        %scan3A_170 = arith.constant 1 : i32
        scf.for %scan3A_200 = %scan3A_167 to %scan3A_169 step %scan3A_170  : i32 {
          %mul3A_201 = arith.constant 1024 : i32
          %mul3A_202 = arith.muli %scan3A_200, %mul3A_201 : i32
          %mul3A_203 = arith.constant 128 : i32
          %mul3A_204 = arith.muli %scan3A_200, %mul3A_203 : i32
          %add3A_205 = arith.constant 0 : i32
          %add3A_206 = arith.addi %mul3A_204, %add3A_205 : i32
          %get3A = arith.index_cast %add3A_206 : i32 to index
          %get3A_207 = tpu.vector_load %arg7[%get3A] {strides = array<i32>} : memref<2048xi32, #tpu.memory_space<vmem>>, vector<16xi32>,
          %add3A_208 = arith.constant 16 : i32
          %add3A_209 = arith.addi %mul3A_204, %add3A_208 : i32
          %get3A_210 = arith.index_cast %add3A_209 : i32 to index
          %get3A_211 = tpu.vector_load %arg7[%get3A_210] {strides = array<i32>} : memref<2048xi32, #tpu.memory_space<vmem>>, vector<16xi32>,
          %add3A_212 = arith.constant 32 : i32
          %add3A_213 = arith.addi %mul3A_204, %add3A_212 : i32
          %get3A_214 = arith.index_cast %add3A_213 : i32 to index
          %get3A_215 = tpu.vector_load %arg7[%get3A_214] {strides = array<i32>} : memref<2048xi32, #tpu.memory_space<vmem>>, vector<16xi32>,
          %add3A_216 = arith.constant 48 : i32
          %add3A_217 = arith.addi %mul3A_204, %add3A_216 : i32
          %get3A_218 = arith.index_cast %add3A_217 : i32 to index
          %get3A_219 = tpu.vector_load %arg7[%get3A_218] {strides = array<i32>} : memref<2048xi32, #tpu.memory_space<vmem>>, vector<16xi32>,
          %add3A_220 = arith.constant 64 : i32
          %add3A_221 = arith.addi %mul3A_204, %add3A_220 : i32
          %get3A_222 = arith.index_cast %add3A_221 : i32 to index
          %get3A_223 = tpu.vector_load %arg7[%get3A_222] {strides = array<i32>} : memref<2048xi32, #tpu.memory_space<vmem>>, vector<16xi32>,
          %add3A_224 = arith.constant 80 : i32
          %add3A_225 = arith.addi %mul3A_204, %add3A_224 : i32
          %get3A_226 = arith.index_cast %add3A_225 : i32 to index
          %get3A_227 = tpu.vector_load %arg7[%get3A_226] {strides = array<i32>} : memref<2048xi32, #tpu.memory_space<vmem>>, vector<16xi32>,
          %add3A_228 = arith.constant 96 : i32
          %add3A_229 = arith.addi %mul3A_204, %add3A_228 : i32
          %get3A_230 = arith.index_cast %add3A_229 : i32 to index
          %get3A_231 = tpu.vector_load %arg7[%get3A_230] {strides = array<i32>} : memref<2048xi32, #tpu.memory_space<vmem>>, vector<16xi32>,
          %add3A_232 = arith.constant 112 : i32
          %add3A_233 = arith.addi %mul3A_204, %add3A_232 : i32
          %get3A_234 = arith.index_cast %add3A_233 : i32 to index
          %get3A_235 = tpu.vector_load %arg7[%get3A_234] {strides = array<i32>} : memref<2048xi32, #tpu.memory_space<vmem>>, vector<16xi32>,
          %gather3A = arith.constant 0 : i32
          %gather3A_236 = tpu.memref_slice %arg6[%gather3A] : memref<128xf32, #tpu.memory_space<vmem>> -> memref<16xf32, #tpu.memory_space<vmem>>
          %gather3A_237 = tpu.vector_load_idx %gather3A_236[%get3A_207] : memref<16xf32, #tpu.memory_space<vmem>>[vector<16xi32>], vector<16xf32>,
          %add3A_238 = arith.constant 0 : i32
          %add3A_239 = arith.addi %mul3A_202, %add3A_238 : i32
          %add3A_240 = arith.constant 0 : i32
          %add3A_241 = arith.addi %add3A_239, %add3A_240 : i32
          %swap3A = arith.index_cast %add3A_241 : i32 to index
          %swap3A_242 = tpu.vector_load %arg11[%swap3A] {strides = array<i32>} : memref<16384xf32, #tpu.memory_space<vmem>>, vector<16xf32>,
          tpu.vector_store %arg11[%swap3A], %gather3A_237 {strides = array<i32>} : memref<16384xf32, #tpu.memory_space<vmem>>, vector<16xf32>,
          %gather3A_243 = arith.constant 0 : i32
          %gather3A_244 = tpu.memref_slice %arg6[%gather3A_243] : memref<128xf32, #tpu.memory_space<vmem>> -> memref<16xf32, #tpu.memory_space<vmem>>
          %gather3A_245 = tpu.vector_load_idx %gather3A_244[%get3A_211] : memref<16xf32, #tpu.memory_space<vmem>>[vector<16xi32>], vector<16xf32>,
          %add3A_246 = arith.constant 0 : i32
          %add3A_247 = arith.addi %mul3A_202, %add3A_246 : i32
          %add3A_248 = arith.constant 16 : i32
          %add3A_249 = arith.addi %add3A_247, %add3A_248 : i32
          %swap3A_250 = arith.index_cast %add3A_249 : i32 to index
          %swap3A_251 = tpu.vector_load %arg11[%swap3A_250] {strides = array<i32>} : memref<16384xf32, #tpu.memory_space<vmem>>, vector<16xf32>,
          tpu.vector_store %arg11[%swap3A_250], %gather3A_245 {strides = array<i32>} : memref<16384xf32, #tpu.memory_space<vmem>>, vector<16xf32>,
          %gather3A_252 = arith.constant 0 : i32
          %gather3A_253 = tpu.memref_slice %arg6[%gather3A_252] : memref<128xf32, #tpu.memory_space<vmem>> -> memref<16xf32, #tpu.memory_space<vmem>>
          %gather3A_254 = tpu.vector_load_idx %gather3A_253[%get3A_215] : memref<16xf32, #tpu.memory_space<vmem>>[vector<16xi32>], vector<16xf32>,
          %add3A_255 = arith.constant 0 : i32
          %add3A_256 = arith.addi %mul3A_202, %add3A_255 : i32
          %add3A_257 = arith.constant 32 : i32
          %add3A_258 = arith.addi %add3A_256, %add3A_257 : i32
          %swap3A_259 = arith.index_cast %add3A_258 : i32 to index
          %swap3A_260 = tpu.vector_load %arg11[%swap3A_259] {strides = array<i32>} : memref<16384xf32, #tpu.memory_space<vmem>>, vector<16xf32>,
          tpu.vector_store %arg11[%swap3A_259], %gather3A_254 {strides = array<i32>} : memref<16384xf32, #tpu.memory_space<vmem>>, vector<16xf32>,
          %gather3A_261 = arith.constant 0 : i32
          %gather3A_262 = tpu.memref_slice %arg6[%gather3A_261] : memref<128xf32, #tpu.memory_space<vmem>> -> memref<16xf32, #tpu.memory_space<vmem>>
          %gather3A_263 = tpu.vector_load_idx %gather3A_262[%get3A_219] : memref<16xf32, #tpu.memory_space<vmem>>[vector<16xi32>], vector<16xf32>,
          %add3A_264 = arith.constant 0 : i32
          %add3A_265 = arith.addi %mul3A_202, %add3A_264 : i32
          %add3A_266 = arith.constant 48 : i32
          %add3A_267 = arith.addi %add3A_265, %add3A_266 : i32
          %swap3A_268 = arith.index_cast %add3A_267 : i32 to index
          %swap3A_269 = tpu.vector_load %arg11[%swap3A_268] {strides = array<i32>} : memref<16384xf32, #tpu.memory_space<vmem>>, vector<16xf32>,
          tpu.vector_store %arg11[%swap3A_268], %gather3A_263 {strides = array<i32>} : memref<16384xf32, #tpu.memory_space<vmem>>, vector<16xf32>,
          %gather3A_270 = arith.constant 0 : i32
          %gather3A_271 = tpu.memref_slice %arg6[%gather3A_270] : memref<128xf32, #tpu.memory_space<vmem>> -> memref<16xf32, #tpu.memory_space<vmem>>
          %gather3A_272 = tpu.vector_load_idx %gather3A_271[%get3A_223] : memref<16xf32, #tpu.memory_space<vmem>>[vector<16xi32>], vector<16xf32>,
          %add3A_273 = arith.constant 0 : i32
          %add3A_274 = arith.addi %mul3A_202, %add3A_273 : i32
          %add3A_275 = arith.constant 64 : i32
          %add3A_276 = arith.addi %add3A_274, %add3A_275 : i32
          %swap3A_277 = arith.index_cast %add3A_276 : i32 to index
          %swap3A_278 = tpu.vector_load %arg11[%swap3A_277] {strides = array<i32>} : memref<16384xf32, #tpu.memory_space<vmem>>, vector<16xf32>,
          tpu.vector_store %arg11[%swap3A_277], %gather3A_272 {strides = array<i32>} : memref<16384xf32, #tpu.memory_space<vmem>>, vector<16xf32>,
          %gather3A_279 = arith.constant 0 : i32
          %gather3A_280 = tpu.memref_slice %arg6[%gather3A_279] : memref<128xf32, #tpu.memory_space<vmem>> -> memref<16xf32, #tpu.memory_space<vmem>>
          %gather3A_281 = tpu.vector_load_idx %gather3A_280[%get3A_227] : memref<16xf32, #tpu.memory_space<vmem>>[vector<16xi32>], vector<16xf32>,
          %add3A_282 = arith.constant 0 : i32
          %add3A_283 = arith.addi %mul3A_202, %add3A_282 : i32
          %add3A_284 = arith.constant 80 : i32
          %add3A_285 = arith.addi %add3A_283, %add3A_284 : i32
          %swap3A_286 = arith.index_cast %add3A_285 : i32 to index
          %swap3A_287 = tpu.vector_load %arg11[%swap3A_286] {strides = array<i32>} : memref<16384xf32, #tpu.memory_space<vmem>>, vector<16xf32>,
          tpu.vector_store %arg11[%swap3A_286], %gather3A_281 {strides = array<i32>} : memref<16384xf32, #tpu.memory_space<vmem>>, vector<16xf32>,
          %gather3A_288 = arith.constant 0 : i32
          %gather3A_289 = tpu.memref_slice %arg6[%gather3A_288] : memref<128xf32, #tpu.memory_space<vmem>> -> memref<16xf32, #tpu.memory_space<vmem>>
          %gather3A_290 = tpu.vector_load_idx %gather3A_289[%get3A_231] : memref<16xf32, #tpu.memory_space<vmem>>[vector<16xi32>], vector<16xf32>,
          %add3A_291 = arith.constant 0 : i32
          %add3A_292 = arith.addi %mul3A_202, %add3A_291 : i32
          %add3A_293 = arith.constant 96 : i32
          %add3A_294 = arith.addi %add3A_292, %add3A_293 : i32
          %swap3A_295 = arith.index_cast %add3A_294 : i32 to index
          %swap3A_296 = tpu.vector_load %arg11[%swap3A_295] {strides = array<i32>} : memref<16384xf32, #tpu.memory_space<vmem>>, vector<16xf32>,
          tpu.vector_store %arg11[%swap3A_295], %gather3A_290 {strides = array<i32>} : memref<16384xf32, #tpu.memory_space<vmem>>, vector<16xf32>,
          %gather3A_297 = arith.constant 0 : i32
          %gather3A_298 = tpu.memref_slice %arg6[%gather3A_297] : memref<128xf32, #tpu.memory_space<vmem>> -> memref<16xf32, #tpu.memory_space<vmem>>
          %gather3A_299 = tpu.vector_load_idx %gather3A_298[%get3A_235] : memref<16xf32, #tpu.memory_space<vmem>>[vector<16xi32>], vector<16xf32>,
          %add3A_300 = arith.constant 0 : i32
          %add3A_301 = arith.addi %mul3A_202, %add3A_300 : i32
          %add3A_302 = arith.constant 112 : i32
          %add3A_303 = arith.addi %add3A_301, %add3A_302 : i32
          %swap3A_304 = arith.index_cast %add3A_303 : i32 to index
          %swap3A_305 = tpu.vector_load %arg11[%swap3A_304] {strides = array<i32>} : memref<16384xf32, #tpu.memory_space<vmem>>, vector<16xf32>,
          tpu.vector_store %arg11[%swap3A_304], %gather3A_299 {strides = array<i32>} : memref<16384xf32, #tpu.memory_space<vmem>>, vector<16xf32>,
          %gather3A_306 = arith.constant 16 : i32
          %gather3A_307 = tpu.memref_slice %arg6[%gather3A_306] : memref<128xf32, #tpu.memory_space<vmem>> -> memref<16xf32, #tpu.memory_space<vmem>>
          %gather3A_308 = tpu.vector_load_idx %gather3A_307[%get3A_207] : memref<16xf32, #tpu.memory_space<vmem>>[vector<16xi32>], vector<16xf32>,
          %add3A_309 = arith.constant 128 : i32
          %add3A_310 = arith.addi %mul3A_202, %add3A_309 : i32
          %add3A_311 = arith.constant 0 : i32
          %add3A_312 = arith.addi %add3A_310, %add3A_311 : i32
          %swap3A_313 = arith.index_cast %add3A_312 : i32 to index
          %swap3A_314 = tpu.vector_load %arg11[%swap3A_313] {strides = array<i32>} : memref<16384xf32, #tpu.memory_space<vmem>>, vector<16xf32>,
          tpu.vector_store %arg11[%swap3A_313], %gather3A_308 {strides = array<i32>} : memref<16384xf32, #tpu.memory_space<vmem>>, vector<16xf32>,
          %gather3A_315 = arith.constant 16 : i32
          %gather3A_316 = tpu.memref_slice %arg6[%gather3A_315] : memref<128xf32, #tpu.memory_space<vmem>> -> memref<16xf32, #tpu.memory_space<vmem>>
          %gather3A_317 = tpu.vector_load_idx %gather3A_316[%get3A_211] : memref<16xf32, #tpu.memory_space<vmem>>[vector<16xi32>], vector<16xf32>,
          %add3A_318 = arith.constant 128 : i32
          %add3A_319 = arith.addi %mul3A_202, %add3A_318 : i32
          %add3A_320 = arith.constant 16 : i32
          %add3A_321 = arith.addi %add3A_319, %add3A_320 : i32
          %swap3A_322 = arith.index_cast %add3A_321 : i32 to index
          %swap3A_323 = tpu.vector_load %arg11[%swap3A_322] {strides = array<i32>} : memref<16384xf32, #tpu.memory_space<vmem>>, vector<16xf32>,
          tpu.vector_store %arg11[%swap3A_322], %gather3A_317 {strides = array<i32>} : memref<16384xf32, #tpu.memory_space<vmem>>, vector<16xf32>,
          %gather3A_324 = arith.constant 16 : i32
          %gather3A_325 = tpu.memref_slice %arg6[%gather3A_324] : memref<128xf32, #tpu.memory_space<vmem>> -> memref<16xf32, #tpu.memory_space<vmem>>
          %gather3A_326 = tpu.vector_load_idx %gather3A_325[%get3A_215] : memref<16xf32, #tpu.memory_space<vmem>>[vector<16xi32>], vector<16xf32>,
          %add3A_327 = arith.constant 128 : i32
          %add3A_328 = arith.addi %mul3A_202, %add3A_327 : i32
          %add3A_329 = arith.constant 32 : i32
          %add3A_330 = arith.addi %add3A_328, %add3A_329 : i32
          %swap3A_331 = arith.index_cast %add3A_330 : i32 to index
          %swap3A_332 = tpu.vector_load %arg11[%swap3A_331] {strides = array<i32>} : memref<16384xf32, #tpu.memory_space<vmem>>, vector<16xf32>,
          tpu.vector_store %arg11[%swap3A_331], %gather3A_326 {strides = array<i32>} : memref<16384xf32, #tpu.memory_space<vmem>>, vector<16xf32>,
          %gather3A_333 = arith.constant 16 : i32
          %gather3A_334 = tpu.memref_slice %arg6[%gather3A_333] : memref<128xf32, #tpu.memory_space<vmem>> -> memref<16xf32, #tpu.memory_space<vmem>>
          %gather3A_335 = tpu.vector_load_idx %gather3A_334[%get3A_219] : memref<16xf32, #tpu.memory_space<vmem>>[vector<16xi32>], vector<16xf32>,
          %add3A_336 = arith.constant 128 : i32
          %add3A_337 = arith.addi %mul3A_202, %add3A_336 : i32
          %add3A_338 = arith.constant 48 : i32
          %add3A_339 = arith.addi %add3A_337, %add3A_338 : i32
          %swap3A_340 = arith.index_cast %add3A_339 : i32 to index
          %swap3A_341 = tpu.vector_load %arg11[%swap3A_340] {strides = array<i32>} : memref<16384xf32, #tpu.memory_space<vmem>>, vector<16xf32>,
          tpu.vector_store %arg11[%swap3A_340], %gather3A_335 {strides = array<i32>} : memref<16384xf32, #tpu.memory_space<vmem>>, vector<16xf32>,
          %gather3A_342 = arith.constant 16 : i32
          %gather3A_343 = tpu.memref_slice %arg6[%gather3A_342] : memref<128xf32, #tpu.memory_space<vmem>> -> memref<16xf32, #tpu.memory_space<vmem>>
          %gather3A_344 = tpu.vector_load_idx %gather3A_343[%get3A_223] : memref<16xf32, #tpu.memory_space<vmem>>[vector<16xi32>], vector<16xf32>,
          %add3A_345 = arith.constant 128 : i32
          %add3A_346 = arith.addi %mul3A_202, %add3A_345 : i32
          %add3A_347 = arith.constant 64 : i32
          %add3A_348 = arith.addi %add3A_346, %add3A_347 : i32
          %swap3A_349 = arith.index_cast %add3A_348 : i32 to index
          %swap3A_350 = tpu.vector_load %arg11[%swap3A_349] {strides = array<i32>} : memref<16384xf32, #tpu.memory_space<vmem>>, vector<16xf32>,
          tpu.vector_store %arg11[%swap3A_349], %gather3A_344 {strides = array<i32>} : memref<16384xf32, #tpu.memory_space<vmem>>, vector<16xf32>,
          %gather3A_351 = arith.constant 16 : i32
          %gather3A_352 = tpu.memref_slice %arg6[%gather3A_351] : memref<128xf32, #tpu.memory_space<vmem>> -> memref<16xf32, #tpu.memory_space<vmem>>
          %gather3A_353 = tpu.vector_load_idx %gather3A_352[%get3A_227] : memref<16xf32, #tpu.memory_space<vmem>>[vector<16xi32>], vector<16xf32>,
          %add3A_354 = arith.constant 128 : i32
          %add3A_355 = arith.addi %mul3A_202, %add3A_354 : i32
          %add3A_356 = arith.constant 80 : i32
          %add3A_357 = arith.addi %add3A_355, %add3A_356 : i32
          %swap3A_358 = arith.index_cast %add3A_357 : i32 to index
          %swap3A_359 = tpu.vector_load %arg11[%swap3A_358] {strides = array<i32>} : memref<16384xf32, #tpu.memory_space<vmem>>, vector<16xf32>,
          tpu.vector_store %arg11[%swap3A_358], %gather3A_353 {strides = array<i32>} : memref<16384xf32, #tpu.memory_space<vmem>>, vector<16xf32>,
          %gather3A_360 = arith.constant 16 : i32
          %gather3A_361 = tpu.memref_slice %arg6[%gather3A_360] : memref<128xf32, #tpu.memory_space<vmem>> -> memref<16xf32, #tpu.memory_space<vmem>>
          %gather3A_362 = tpu.vector_load_idx %gather3A_361[%get3A_231] : memref<16xf32, #tpu.memory_space<vmem>>[vector<16xi32>], vector<16xf32>,
          %add3A_363 = arith.constant 128 : i32
          %add3A_364 = arith.addi %mul3A_202, %add3A_363 : i32
          %add3A_365 = arith.constant 96 : i32
          %add3A_366 = arith.addi %add3A_364, %add3A_365 : i32
          %swap3A_367 = arith.index_cast %add3A_366 : i32 to index
          %swap3A_368 = tpu.vector_load %arg11[%swap3A_367] {strides = array<i32>} : memref<16384xf32, #tpu.memory_space<vmem>>, vector<16xf32>,
          tpu.vector_store %arg11[%swap3A_367], %gather3A_362 {strides = array<i32>} : memref<16384xf32, #tpu.memory_space<vmem>>, vector<16xf32>,
          %gather3A_369 = arith.constant 16 : i32
          %gather3A_370 = tpu.memref_slice %arg6[%gather3A_369] : memref<128xf32, #tpu.memory_space<vmem>> -> memref<16xf32, #tpu.memory_space<vmem>>
          %gather3A_371 = tpu.vector_load_idx %gather3A_370[%get3A_235] : memref<16xf32, #tpu.memory_space<vmem>>[vector<16xi32>], vector<16xf32>,
          %add3A_372 = arith.constant 128 : i32
          %add3A_373 = arith.addi %mul3A_202, %add3A_372 : i32
          %add3A_374 = arith.constant 112 : i32
          %add3A_375 = arith.addi %add3A_373, %add3A_374 : i32
          %swap3A_376 = arith.index_cast %add3A_375 : i32 to index
          %swap3A_377 = tpu.vector_load %arg11[%swap3A_376] {strides = array<i32>} : memref<16384xf32, #tpu.memory_space<vmem>>, vector<16xf32>,
          tpu.vector_store %arg11[%swap3A_376], %gather3A_371 {strides = array<i32>} : memref<16384xf32, #tpu.memory_space<vmem>>, vector<16xf32>,
          %gather3A_378 = arith.constant 32 : i32
          %gather3A_379 = tpu.memref_slice %arg6[%gather3A_378] : memref<128xf32, #tpu.memory_space<vmem>> -> memref<16xf32, #tpu.memory_space<vmem>>
          %gather3A_380 = tpu.vector_load_idx %gather3A_379[%get3A_207] : memref<16xf32, #tpu.memory_space<vmem>>[vector<16xi32>], vector<16xf32>,
          %add3A_381 = arith.constant 256 : i32
          %add3A_382 = arith.addi %mul3A_202, %add3A_381 : i32
          %add3A_383 = arith.constant 0 : i32
          %add3A_384 = arith.addi %add3A_382, %add3A_383 : i32
          %swap3A_385 = arith.index_cast %add3A_384 : i32 to index
          %swap3A_386 = tpu.vector_load %arg11[%swap3A_385] {strides = array<i32>} : memref<16384xf32, #tpu.memory_space<vmem>>, vector<16xf32>,
          tpu.vector_store %arg11[%swap3A_385], %gather3A_380 {strides = array<i32>} : memref<16384xf32, #tpu.memory_space<vmem>>, vector<16xf32>,
          %gather3A_387 = arith.constant 32 : i32
          %gather3A_388 = tpu.memref_slice %arg6[%gather3A_387] : memref<128xf32, #tpu.memory_space<vmem>> -> memref<16xf32, #tpu.memory_space<vmem>>
          %gather3A_389 = tpu.vector_load_idx %gather3A_388[%get3A_211] : memref<16xf32, #tpu.memory_space<vmem>>[vector<16xi32>], vector<16xf32>,
          %add3A_390 = arith.constant 256 : i32
          %add3A_391 = arith.addi %mul3A_202, %add3A_390 : i32
          %add3A_392 = arith.constant 16 : i32
          %add3A_393 = arith.addi %add3A_391, %add3A_392 : i32
          %swap3A_394 = arith.index_cast %add3A_393 : i32 to index
          %swap3A_395 = tpu.vector_load %arg11[%swap3A_394] {strides = array<i32>} : memref<16384xf32, #tpu.memory_space<vmem>>, vector<16xf32>,
          tpu.vector_store %arg11[%swap3A_394], %gather3A_389 {strides = array<i32>} : memref<16384xf32, #tpu.memory_space<vmem>>, vector<16xf32>,
          %gather3A_396 = arith.constant 32 : i32
          %gather3A_397 = tpu.memref_slice %arg6[%gather3A_396] : memref<128xf32, #tpu.memory_space<vmem>> -> memref<16xf32, #tpu.memory_space<vmem>>
          %gather3A_398 = tpu.vector_load_idx %gather3A_397[%get3A_215] : memref<16xf32, #tpu.memory_space<vmem>>[vector<16xi32>], vector<16xf32>,
          %add3A_399 = arith.constant 256 : i32
          %add3A_400 = arith.addi %mul3A_202, %add3A_399 : i32
          %add3A_401 = arith.constant 32 : i32
          %add3A_402 = arith.addi %add3A_400, %add3A_401 : i32
          %swap3A_403 = arith.index_cast %add3A_402 : i32 to index
          %swap3A_404 = tpu.vector_load %arg11[%swap3A_403] {strides = array<i32>} : memref<16384xf32, #tpu.memory_space<vmem>>, vector<16xf32>,
          tpu.vector_store %arg11[%swap3A_403], %gather3A_398 {strides = array<i32>} : memref<16384xf32, #tpu.memory_space<vmem>>, vector<16xf32>,
          %gather3A_405 = arith.constant 32 : i32
          %gather3A_406 = tpu.memref_slice %arg6[%gather3A_405] : memref<128xf32, #tpu.memory_space<vmem>> -> memref<16xf32, #tpu.memory_space<vmem>>
          %gather3A_407 = tpu.vector_load_idx %gather3A_406[%get3A_219] : memref<16xf32, #tpu.memory_space<vmem>>[vector<16xi32>], vector<16xf32>,
          %add3A_408 = arith.constant 256 : i32
          %add3A_409 = arith.addi %mul3A_202, %add3A_408 : i32
          %add3A_410 = arith.constant 48 : i32
          %add3A_411 = arith.addi %add3A_409, %add3A_410 : i32
          %swap3A_412 = arith.index_cast %add3A_411 : i32 to index
          %swap3A_413 = tpu.vector_load %arg11[%swap3A_412] {strides = array<i32>} : memref<16384xf32, #tpu.memory_space<vmem>>, vector<16xf32>,
          tpu.vector_store %arg11[%swap3A_412], %gather3A_407 {strides = array<i32>} : memref<16384xf32, #tpu.memory_space<vmem>>, vector<16xf32>,
          %gather3A_414 = arith.constant 32 : i32
          %gather3A_415 = tpu.memref_slice %arg6[%gather3A_414] : memref<128xf32, #tpu.memory_space<vmem>> -> memref<16xf32, #tpu.memory_space<vmem>>
          %gather3A_416 = tpu.vector_load_idx %gather3A_415[%get3A_223] : memref<16xf32, #tpu.memory_space<vmem>>[vector<16xi32>], vector<16xf32>,
          %add3A_417 = arith.constant 256 : i32
          %add3A_418 = arith.addi %mul3A_202, %add3A_417 : i32
          %add3A_419 = arith.constant 64 : i32
          %add3A_420 = arith.addi %add3A_418, %add3A_419 : i32
          %swap3A_421 = arith.index_cast %add3A_420 : i32 to index
          %swap3A_422 = tpu.vector_load %arg11[%swap3A_421] {strides = array<i32>} : memref<16384xf32, #tpu.memory_space<vmem>>, vector<16xf32>,
          tpu.vector_store %arg11[%swap3A_421], %gather3A_416 {strides = array<i32>} : memref<16384xf32, #tpu.memory_space<vmem>>, vector<16xf32>,
          %gather3A_423 = arith.constant 32 : i32
          %gather3A_424 = tpu.memref_slice %arg6[%gather3A_423] : memref<128xf32, #tpu.memory_space<vmem>> -> memref<16xf32, #tpu.memory_space<vmem>>
          %gather3A_425 = tpu.vector_load_idx %gather3A_424[%get3A_227] : memref<16xf32, #tpu.memory_space<vmem>>[vector<16xi32>], vector<16xf32>,
          %add3A_426 = arith.constant 256 : i32
          %add3A_427 = arith.addi %mul3A_202, %add3A_426 : i32
          %add3A_428 = arith.constant 80 : i32
          %add3A_429 = arith.addi %add3A_427, %add3A_428 : i32
          %swap3A_430 = arith.index_cast %add3A_429 : i32 to index
          %swap3A_431 = tpu.vector_load %arg11[%swap3A_430] {strides = array<i32>} : memref<16384xf32, #tpu.memory_space<vmem>>, vector<16xf32>,
          tpu.vector_store %arg11[%swap3A_430], %gather3A_425 {strides = array<i32>} : memref<16384xf32, #tpu.memory_space<vmem>>, vector<16xf32>,
          %gather3A_432 = arith.constant 32 : i32
          %gather3A_433 = tpu.memref_slice %arg6[%gather3A_432] : memref<128xf32, #tpu.memory_space<vmem>> -> memref<16xf32, #tpu.memory_space<vmem>>
          %gather3A_434 = tpu.vector_load_idx %gather3A_433[%get3A_231] : memref<16xf32, #tpu.memory_space<vmem>>[vector<16xi32>], vector<16xf32>,
          %add3A_435 = arith.constant 256 : i32
          %add3A_436 = arith.addi %mul3A_202, %add3A_435 : i32
          %add3A_437 = arith.constant 96 : i32
          %add3A_438 = arith.addi %add3A_436, %add3A_437 : i32
          %swap3A_439 = arith.index_cast %add3A_438 : i32 to index
          %swap3A_440 = tpu.vector_load %arg11[%swap3A_439] {strides = array<i32>} : memref<16384xf32, #tpu.memory_space<vmem>>, vector<16xf32>,
          tpu.vector_store %arg11[%swap3A_439], %gather3A_434 {strides = array<i32>} : memref<16384xf32, #tpu.memory_space<vmem>>, vector<16xf32>,
          %gather3A_441 = arith.constant 32 : i32
          %gather3A_442 = tpu.memref_slice %arg6[%gather3A_441] : memref<128xf32, #tpu.memory_space<vmem>> -> memref<16xf32, #tpu.memory_space<vmem>>
          %gather3A_443 = tpu.vector_load_idx %gather3A_442[%get3A_235] : memref<16xf32, #tpu.memory_space<vmem>>[vector<16xi32>], vector<16xf32>,
          %add3A_444 = arith.constant 256 : i32
          %add3A_445 = arith.addi %mul3A_202, %add3A_444 : i32
          %add3A_446 = arith.constant 112 : i32
          %add3A_447 = arith.addi %add3A_445, %add3A_446 : i32
          %swap3A_448 = arith.index_cast %add3A_447 : i32 to index
          %swap3A_449 = tpu.vector_load %arg11[%swap3A_448] {strides = array<i32>} : memref<16384xf32, #tpu.memory_space<vmem>>, vector<16xf32>,
          tpu.vector_store %arg11[%swap3A_448], %gather3A_443 {strides = array<i32>} : memref<16384xf32, #tpu.memory_space<vmem>>, vector<16xf32>,
          %gather3A_450 = arith.constant 48 : i32
          %gather3A_451 = tpu.memref_slice %arg6[%gather3A_450] : memref<128xf32, #tpu.memory_space<vmem>> -> memref<16xf32, #tpu.memory_space<vmem>>
          %gather3A_452 = tpu.vector_load_idx %gather3A_451[%get3A_207] : memref<16xf32, #tpu.memory_space<vmem>>[vector<16xi32>], vector<16xf32>,
          %add3A_453 = arith.constant 384 : i32
          %add3A_454 = arith.addi %mul3A_202, %add3A_453 : i32
          %add3A_455 = arith.constant 0 : i32
          %add3A_456 = arith.addi %add3A_454, %add3A_455 : i32
          %swap3A_457 = arith.index_cast %add3A_456 : i32 to index
          %swap3A_458 = tpu.vector_load %arg11[%swap3A_457] {strides = array<i32>} : memref<16384xf32, #tpu.memory_space<vmem>>, vector<16xf32>,
          tpu.vector_store %arg11[%swap3A_457], %gather3A_452 {strides = array<i32>} : memref<16384xf32, #tpu.memory_space<vmem>>, vector<16xf32>,
          %gather3A_459 = arith.constant 48 : i32
          %gather3A_460 = tpu.memref_slice %arg6[%gather3A_459] : memref<128xf32, #tpu.memory_space<vmem>> -> memref<16xf32, #tpu.memory_space<vmem>>
          %gather3A_461 = tpu.vector_load_idx %gather3A_460[%get3A_211] : memref<16xf32, #tpu.memory_space<vmem>>[vector<16xi32>], vector<16xf32>,
          %add3A_462 = arith.constant 384 : i32
          %add3A_463 = arith.addi %mul3A_202, %add3A_462 : i32
          %add3A_464 = arith.constant 16 : i32
          %add3A_465 = arith.addi %add3A_463, %add3A_464 : i32
          %swap3A_466 = arith.index_cast %add3A_465 : i32 to index
          %swap3A_467 = tpu.vector_load %arg11[%swap3A_466] {strides = array<i32>} : memref<16384xf32, #tpu.memory_space<vmem>>, vector<16xf32>,
          tpu.vector_store %arg11[%swap3A_466], %gather3A_461 {strides = array<i32>} : memref<16384xf32, #tpu.memory_space<vmem>>, vector<16xf32>,
          %gather3A_468 = arith.constant 48 : i32
          %gather3A_469 = tpu.memref_slice %arg6[%gather3A_468] : memref<128xf32, #tpu.memory_space<vmem>> -> memref<16xf32, #tpu.memory_space<vmem>>
          %gather3A_470 = tpu.vector_load_idx %gather3A_469[%get3A_215] : memref<16xf32, #tpu.memory_space<vmem>>[vector<16xi32>], vector<16xf32>,
          %add3A_471 = arith.constant 384 : i32
          %add3A_472 = arith.addi %mul3A_202, %add3A_471 : i32
          %add3A_473 = arith.constant 32 : i32
          %add3A_474 = arith.addi %add3A_472, %add3A_473 : i32
          %swap3A_475 = arith.index_cast %add3A_474 : i32 to index
          %swap3A_476 = tpu.vector_load %arg11[%swap3A_475] {strides = array<i32>} : memref<16384xf32, #tpu.memory_space<vmem>>, vector<16xf32>,
          tpu.vector_store %arg11[%swap3A_475], %gather3A_470 {strides = array<i32>} : memref<16384xf32, #tpu.memory_space<vmem>>, vector<16xf32>,
          %gather3A_477 = arith.constant 48 : i32
          %gather3A_478 = tpu.memref_slice %arg6[%gather3A_477] : memref<128xf32, #tpu.memory_space<vmem>> -> memref<16xf32, #tpu.memory_space<vmem>>
          %gather3A_479 = tpu.vector_load_idx %gather3A_478[%get3A_219] : memref<16xf32, #tpu.memory_space<vmem>>[vector<16xi32>], vector<16xf32>,
          %add3A_480 = arith.constant 384 : i32
          %add3A_481 = arith.addi %mul3A_202, %add3A_480 : i32
          %add3A_482 = arith.constant 48 : i32
          %add3A_483 = arith.addi %add3A_481, %add3A_482 : i32
          %swap3A_484 = arith.index_cast %add3A_483 : i32 to index
          %swap3A_485 = tpu.vector_load %arg11[%swap3A_484] {strides = array<i32>} : memref<16384xf32, #tpu.memory_space<vmem>>, vector<16xf32>,
          tpu.vector_store %arg11[%swap3A_484], %gather3A_479 {strides = array<i32>} : memref<16384xf32, #tpu.memory_space<vmem>>, vector<16xf32>,
          %gather3A_486 = arith.constant 48 : i32
          %gather3A_487 = tpu.memref_slice %arg6[%gather3A_486] : memref<128xf32, #tpu.memory_space<vmem>> -> memref<16xf32, #tpu.memory_space<vmem>>
          %gather3A_488 = tpu.vector_load_idx %gather3A_487[%get3A_223] : memref<16xf32, #tpu.memory_space<vmem>>[vector<16xi32>], vector<16xf32>,
          %add3A_489 = arith.constant 384 : i32
          %add3A_490 = arith.addi %mul3A_202, %add3A_489 : i32
          %add3A_491 = arith.constant 64 : i32
          %add3A_492 = arith.addi %add3A_490, %add3A_491 : i32
          %swap3A_493 = arith.index_cast %add3A_492 : i32 to index
          %swap3A_494 = tpu.vector_load %arg11[%swap3A_493] {strides = array<i32>} : memref<16384xf32, #tpu.memory_space<vmem>>, vector<16xf32>,
          tpu.vector_store %arg11[%swap3A_493], %gather3A_488 {strides = array<i32>} : memref<16384xf32, #tpu.memory_space<vmem>>, vector<16xf32>,
          %gather3A_495 = arith.constant 48 : i32
          %gather3A_496 = tpu.memref_slice %arg6[%gather3A_495] : memref<128xf32, #tpu.memory_space<vmem>> -> memref<16xf32, #tpu.memory_space<vmem>>
          %gather3A_497 = tpu.vector_load_idx %gather3A_496[%get3A_227] : memref<16xf32, #tpu.memory_space<vmem>>[vector<16xi32>], vector<16xf32>,
          %add3A_498 = arith.constant 384 : i32
          %add3A_499 = arith.addi %mul3A_202, %add3A_498 : i32
          %add3A_500 = arith.constant 80 : i32
          %add3A_501 = arith.addi %add3A_499, %add3A_500 : i32
          %swap3A_502 = arith.index_cast %add3A_501 : i32 to index
          %swap3A_503 = tpu.vector_load %arg11[%swap3A_502] {strides = array<i32>} : memref<16384xf32, #tpu.memory_space<vmem>>, vector<16xf32>,
          tpu.vector_store %arg11[%swap3A_502], %gather3A_497 {strides = array<i32>} : memref<16384xf32, #tpu.memory_space<vmem>>, vector<16xf32>,
          %gather3A_504 = arith.constant 48 : i32
          %gather3A_505 = tpu.memref_slice %arg6[%gather3A_504] : memref<128xf32, #tpu.memory_space<vmem>> -> memref<16xf32, #tpu.memory_space<vmem>>
          %gather3A_506 = tpu.vector_load_idx %gather3A_505[%get3A_231] : memref<16xf32, #tpu.memory_space<vmem>>[vector<16xi32>], vector<16xf32>,
          %add3A_507 = arith.constant 384 : i32
          %add3A_508 = arith.addi %mul3A_202, %add3A_507 : i32
          %add3A_509 = arith.constant 96 : i32
          %add3A_510 = arith.addi %add3A_508, %add3A_509 : i32
          %swap3A_511 = arith.index_cast %add3A_510 : i32 to index
          %swap3A_512 = tpu.vector_load %arg11[%swap3A_511] {strides = array<i32>} : memref<16384xf32, #tpu.memory_space<vmem>>, vector<16xf32>,
          tpu.vector_store %arg11[%swap3A_511], %gather3A_506 {strides = array<i32>} : memref<16384xf32, #tpu.memory_space<vmem>>, vector<16xf32>,
          %gather3A_513 = arith.constant 48 : i32
          %gather3A_514 = tpu.memref_slice %arg6[%gather3A_513] : memref<128xf32, #tpu.memory_space<vmem>> -> memref<16xf32, #tpu.memory_space<vmem>>
          %gather3A_515 = tpu.vector_load_idx %gather3A_514[%get3A_235] : memref<16xf32, #tpu.memory_space<vmem>>[vector<16xi32>], vector<16xf32>,
          %add3A_516 = arith.constant 384 : i32
          %add3A_517 = arith.addi %mul3A_202, %add3A_516 : i32
          %add3A_518 = arith.constant 112 : i32
          %add3A_519 = arith.addi %add3A_517, %add3A_518 : i32
          %swap3A_520 = arith.index_cast %add3A_519 : i32 to index
          %swap3A_521 = tpu.vector_load %arg11[%swap3A_520] {strides = array<i32>} : memref<16384xf32, #tpu.memory_space<vmem>>, vector<16xf32>,
          tpu.vector_store %arg11[%swap3A_520], %gather3A_515 {strides = array<i32>} : memref<16384xf32, #tpu.memory_space<vmem>>, vector<16xf32>,
          %gather3A_522 = arith.constant 64 : i32
          %gather3A_523 = tpu.memref_slice %arg6[%gather3A_522] : memref<128xf32, #tpu.memory_space<vmem>> -> memref<16xf32, #tpu.memory_space<vmem>>
          %gather3A_524 = tpu.vector_load_idx %gather3A_523[%get3A_207] : memref<16xf32, #tpu.memory_space<vmem>>[vector<16xi32>], vector<16xf32>,
          %add3A_525 = arith.constant 512 : i32
          %add3A_526 = arith.addi %mul3A_202, %add3A_525 : i32
          %add3A_527 = arith.constant 0 : i32
          %add3A_528 = arith.addi %add3A_526, %add3A_527 : i32
          %swap3A_529 = arith.index_cast %add3A_528 : i32 to index
          %swap3A_530 = tpu.vector_load %arg11[%swap3A_529] {strides = array<i32>} : memref<16384xf32, #tpu.memory_space<vmem>>, vector<16xf32>,
          tpu.vector_store %arg11[%swap3A_529], %gather3A_524 {strides = array<i32>} : memref<16384xf32, #tpu.memory_space<vmem>>, vector<16xf32>,
          %gather3A_531 = arith.constant 64 : i32
          %gather3A_532 = tpu.memref_slice %arg6[%gather3A_531] : memref<128xf32, #tpu.memory_space<vmem>> -> memref<16xf32, #tpu.memory_space<vmem>>
          %gather3A_533 = tpu.vector_load_idx %gather3A_532[%get3A_211] : memref<16xf32, #tpu.memory_space<vmem>>[vector<16xi32>], vector<16xf32>,
          %add3A_534 = arith.constant 512 : i32
          %add3A_535 = arith.addi %mul3A_202, %add3A_534 : i32
          %add3A_536 = arith.constant 16 : i32
          %add3A_537 = arith.addi %add3A_535, %add3A_536 : i32
          %swap3A_538 = arith.index_cast %add3A_537 : i32 to index
          %swap3A_539 = tpu.vector_load %arg11[%swap3A_538] {strides = array<i32>} : memref<16384xf32, #tpu.memory_space<vmem>>, vector<16xf32>,
          tpu.vector_store %arg11[%swap3A_538], %gather3A_533 {strides = array<i32>} : memref<16384xf32, #tpu.memory_space<vmem>>, vector<16xf32>,
          %gather3A_540 = arith.constant 64 : i32
          %gather3A_541 = tpu.memref_slice %arg6[%gather3A_540] : memref<128xf32, #tpu.memory_space<vmem>> -> memref<16xf32, #tpu.memory_space<vmem>>
          %gather3A_542 = tpu.vector_load_idx %gather3A_541[%get3A_215] : memref<16xf32, #tpu.memory_space<vmem>>[vector<16xi32>], vector<16xf32>,
          %add3A_543 = arith.constant 512 : i32
          %add3A_544 = arith.addi %mul3A_202, %add3A_543 : i32
          %add3A_545 = arith.constant 32 : i32
          %add3A_546 = arith.addi %add3A_544, %add3A_545 : i32
          %swap3A_547 = arith.index_cast %add3A_546 : i32 to index
          %swap3A_548 = tpu.vector_load %arg11[%swap3A_547] {strides = array<i32>} : memref<16384xf32, #tpu.memory_space<vmem>>, vector<16xf32>,
          tpu.vector_store %arg11[%swap3A_547], %gather3A_542 {strides = array<i32>} : memref<16384xf32, #tpu.memory_space<vmem>>, vector<16xf32>,
          %gather3A_549 = arith.constant 64 : i32
          %gather3A_550 = tpu.memref_slice %arg6[%gather3A_549] : memref<128xf32, #tpu.memory_space<vmem>> -> memref<16xf32, #tpu.memory_space<vmem>>
          %gather3A_551 = tpu.vector_load_idx %gather3A_550[%get3A_219] : memref<16xf32, #tpu.memory_space<vmem>>[vector<16xi32>], vector<16xf32>,
          %add3A_552 = arith.constant 512 : i32
          %add3A_553 = arith.addi %mul3A_202, %add3A_552 : i32
          %add3A_554 = arith.constant 48 : i32
          %add3A_555 = arith.addi %add3A_553, %add3A_554 : i32
          %swap3A_556 = arith.index_cast %add3A_555 : i32 to index
          %swap3A_557 = tpu.vector_load %arg11[%swap3A_556] {strides = array<i32>} : memref<16384xf32, #tpu.memory_space<vmem>>, vector<16xf32>,
          tpu.vector_store %arg11[%swap3A_556], %gather3A_551 {strides = array<i32>} : memref<16384xf32, #tpu.memory_space<vmem>>, vector<16xf32>,
          %gather3A_558 = arith.constant 64 : i32
          %gather3A_559 = tpu.memref_slice %arg6[%gather3A_558] : memref<128xf32, #tpu.memory_space<vmem>> -> memref<16xf32, #tpu.memory_space<vmem>>
          %gather3A_560 = tpu.vector_load_idx %gather3A_559[%get3A_223] : memref<16xf32, #tpu.memory_space<vmem>>[vector<16xi32>], vector<16xf32>,
          %add3A_561 = arith.constant 512 : i32
          %add3A_562 = arith.addi %mul3A_202, %add3A_561 : i32
          %add3A_563 = arith.constant 64 : i32
          %add3A_564 = arith.addi %add3A_562, %add3A_563 : i32
          %swap3A_565 = arith.index_cast %add3A_564 : i32 to index
          %swap3A_566 = tpu.vector_load %arg11[%swap3A_565] {strides = array<i32>} : memref<16384xf32, #tpu.memory_space<vmem>>, vector<16xf32>,
          tpu.vector_store %arg11[%swap3A_565], %gather3A_560 {strides = array<i32>} : memref<16384xf32, #tpu.memory_space<vmem>>, vector<16xf32>,
          %gather3A_567 = arith.constant 64 : i32
          %gather3A_568 = tpu.memref_slice %arg6[%gather3A_567] : memref<128xf32, #tpu.memory_space<vmem>> -> memref<16xf32, #tpu.memory_space<vmem>>
          %gather3A_569 = tpu.vector_load_idx %gather3A_568[%get3A_227] : memref<16xf32, #tpu.memory_space<vmem>>[vector<16xi32>], vector<16xf32>,
          %add3A_570 = arith.constant 512 : i32
          %add3A_571 = arith.addi %mul3A_202, %add3A_570 : i32
          %add3A_572 = arith.constant 80 : i32
          %add3A_573 = arith.addi %add3A_571, %add3A_572 : i32
          %swap3A_574 = arith.index_cast %add3A_573 : i32 to index
          %swap3A_575 = tpu.vector_load %arg11[%swap3A_574] {strides = array<i32>} : memref<16384xf32, #tpu.memory_space<vmem>>, vector<16xf32>,
          tpu.vector_store %arg11[%swap3A_574], %gather3A_569 {strides = array<i32>} : memref<16384xf32, #tpu.memory_space<vmem>>, vector<16xf32>,
          %gather3A_576 = arith.constant 64 : i32
          %gather3A_577 = tpu.memref_slice %arg6[%gather3A_576] : memref<128xf32, #tpu.memory_space<vmem>> -> memref<16xf32, #tpu.memory_space<vmem>>
          %gather3A_578 = tpu.vector_load_idx %gather3A_577[%get3A_231] : memref<16xf32, #tpu.memory_space<vmem>>[vector<16xi32>], vector<16xf32>,
          %add3A_579 = arith.constant 512 : i32
          %add3A_580 = arith.addi %mul3A_202, %add3A_579 : i32
          %add3A_581 = arith.constant 96 : i32
          %add3A_582 = arith.addi %add3A_580, %add3A_581 : i32
          %swap3A_583 = arith.index_cast %add3A_582 : i32 to index
          %swap3A_584 = tpu.vector_load %arg11[%swap3A_583] {strides = array<i32>} : memref<16384xf32, #tpu.memory_space<vmem>>, vector<16xf32>,
          tpu.vector_store %arg11[%swap3A_583], %gather3A_578 {strides = array<i32>} : memref<16384xf32, #tpu.memory_space<vmem>>, vector<16xf32>,
          %gather3A_585 = arith.constant 64 : i32
          %gather3A_586 = tpu.memref_slice %arg6[%gather3A_585] : memref<128xf32, #tpu.memory_space<vmem>> -> memref<16xf32, #tpu.memory_space<vmem>>
          %gather3A_587 = tpu.vector_load_idx %gather3A_586[%get3A_235] : memref<16xf32, #tpu.memory_space<vmem>>[vector<16xi32>], vector<16xf32>,
          %add3A_588 = arith.constant 512 : i32
          %add3A_589 = arith.addi %mul3A_202, %add3A_588 : i32
          %add3A_590 = arith.constant 112 : i32
          %add3A_591 = arith.addi %add3A_589, %add3A_590 : i32
          %swap3A_592 = arith.index_cast %add3A_591 : i32 to index
          %swap3A_593 = tpu.vector_load %arg11[%swap3A_592] {strides = array<i32>} : memref<16384xf32, #tpu.memory_space<vmem>>, vector<16xf32>,
          tpu.vector_store %arg11[%swap3A_592], %gather3A_587 {strides = array<i32>} : memref<16384xf32, #tpu.memory_space<vmem>>, vector<16xf32>,
          %gather3A_594 = arith.constant 80 : i32
          %gather3A_595 = tpu.memref_slice %arg6[%gather3A_594] : memref<128xf32, #tpu.memory_space<vmem>> -> memref<16xf32, #tpu.memory_space<vmem>>
          %gather3A_596 = tpu.vector_load_idx %gather3A_595[%get3A_207] : memref<16xf32, #tpu.memory_space<vmem>>[vector<16xi32>], vector<16xf32>,
          %add3A_597 = arith.constant 640 : i32
          %add3A_598 = arith.addi %mul3A_202, %add3A_597 : i32
          %add3A_599 = arith.constant 0 : i32
          %add3A_600 = arith.addi %add3A_598, %add3A_599 : i32
          %swap3A_601 = arith.index_cast %add3A_600 : i32 to index
          %swap3A_602 = tpu.vector_load %arg11[%swap3A_601] {strides = array<i32>} : memref<16384xf32, #tpu.memory_space<vmem>>, vector<16xf32>,
          tpu.vector_store %arg11[%swap3A_601], %gather3A_596 {strides = array<i32>} : memref<16384xf32, #tpu.memory_space<vmem>>, vector<16xf32>,
          %gather3A_603 = arith.constant 80 : i32
          %gather3A_604 = tpu.memref_slice %arg6[%gather3A_603] : memref<128xf32, #tpu.memory_space<vmem>> -> memref<16xf32, #tpu.memory_space<vmem>>
          %gather3A_605 = tpu.vector_load_idx %gather3A_604[%get3A_211] : memref<16xf32, #tpu.memory_space<vmem>>[vector<16xi32>], vector<16xf32>,
          %add3A_606 = arith.constant 640 : i32
          %add3A_607 = arith.addi %mul3A_202, %add3A_606 : i32
          %add3A_608 = arith.constant 16 : i32
          %add3A_609 = arith.addi %add3A_607, %add3A_608 : i32
          %swap3A_610 = arith.index_cast %add3A_609 : i32 to index
          %swap3A_611 = tpu.vector_load %arg11[%swap3A_610] {strides = array<i32>} : memref<16384xf32, #tpu.memory_space<vmem>>, vector<16xf32>,
          tpu.vector_store %arg11[%swap3A_610], %gather3A_605 {strides = array<i32>} : memref<16384xf32, #tpu.memory_space<vmem>>, vector<16xf32>,
          %gather3A_612 = arith.constant 80 : i32
          %gather3A_613 = tpu.memref_slice %arg6[%gather3A_612] : memref<128xf32, #tpu.memory_space<vmem>> -> memref<16xf32, #tpu.memory_space<vmem>>
          %gather3A_614 = tpu.vector_load_idx %gather3A_613[%get3A_215] : memref<16xf32, #tpu.memory_space<vmem>>[vector<16xi32>], vector<16xf32>,
          %add3A_615 = arith.constant 640 : i32
          %add3A_616 = arith.addi %mul3A_202, %add3A_615 : i32
          %add3A_617 = arith.constant 32 : i32
          %add3A_618 = arith.addi %add3A_616, %add3A_617 : i32
          %swap3A_619 = arith.index_cast %add3A_618 : i32 to index
          %swap3A_620 = tpu.vector_load %arg11[%swap3A_619] {strides = array<i32>} : memref<16384xf32, #tpu.memory_space<vmem>>, vector<16xf32>,
          tpu.vector_store %arg11[%swap3A_619], %gather3A_614 {strides = array<i32>} : memref<16384xf32, #tpu.memory_space<vmem>>, vector<16xf32>,
          %gather3A_621 = arith.constant 80 : i32
          %gather3A_622 = tpu.memref_slice %arg6[%gather3A_621] : memref<128xf32, #tpu.memory_space<vmem>> -> memref<16xf32, #tpu.memory_space<vmem>>
          %gather3A_623 = tpu.vector_load_idx %gather3A_622[%get3A_219] : memref<16xf32, #tpu.memory_space<vmem>>[vector<16xi32>], vector<16xf32>,
          %add3A_624 = arith.constant 640 : i32
          %add3A_625 = arith.addi %mul3A_202, %add3A_624 : i32
          %add3A_626 = arith.constant 48 : i32
          %add3A_627 = arith.addi %add3A_625, %add3A_626 : i32
          %swap3A_628 = arith.index_cast %add3A_627 : i32 to index
          %swap3A_629 = tpu.vector_load %arg11[%swap3A_628] {strides = array<i32>} : memref<16384xf32, #tpu.memory_space<vmem>>, vector<16xf32>,
          tpu.vector_store %arg11[%swap3A_628], %gather3A_623 {strides = array<i32>} : memref<16384xf32, #tpu.memory_space<vmem>>, vector<16xf32>,
          %gather3A_630 = arith.constant 80 : i32
          %gather3A_631 = tpu.memref_slice %arg6[%gather3A_630] : memref<128xf32, #tpu.memory_space<vmem>> -> memref<16xf32, #tpu.memory_space<vmem>>
          %gather3A_632 = tpu.vector_load_idx %gather3A_631[%get3A_223] : memref<16xf32, #tpu.memory_space<vmem>>[vector<16xi32>], vector<16xf32>,
          %add3A_633 = arith.constant 640 : i32
          %add3A_634 = arith.addi %mul3A_202, %add3A_633 : i32
          %add3A_635 = arith.constant 64 : i32
          %add3A_636 = arith.addi %add3A_634, %add3A_635 : i32
          %swap3A_637 = arith.index_cast %add3A_636 : i32 to index
          %swap3A_638 = tpu.vector_load %arg11[%swap3A_637] {strides = array<i32>} : memref<16384xf32, #tpu.memory_space<vmem>>, vector<16xf32>,
          tpu.vector_store %arg11[%swap3A_637], %gather3A_632 {strides = array<i32>} : memref<16384xf32, #tpu.memory_space<vmem>>, vector<16xf32>,
          %gather3A_639 = arith.constant 80 : i32
          %gather3A_640 = tpu.memref_slice %arg6[%gather3A_639] : memref<128xf32, #tpu.memory_space<vmem>> -> memref<16xf32, #tpu.memory_space<vmem>>
          %gather3A_641 = tpu.vector_load_idx %gather3A_640[%get3A_227] : memref<16xf32, #tpu.memory_space<vmem>>[vector<16xi32>], vector<16xf32>,
          %add3A_642 = arith.constant 640 : i32
          %add3A_643 = arith.addi %mul3A_202, %add3A_642 : i32
          %add3A_644 = arith.constant 80 : i32
          %add3A_645 = arith.addi %add3A_643, %add3A_644 : i32
          %swap3A_646 = arith.index_cast %add3A_645 : i32 to index
          %swap3A_647 = tpu.vector_load %arg11[%swap3A_646] {strides = array<i32>} : memref<16384xf32, #tpu.memory_space<vmem>>, vector<16xf32>,
          tpu.vector_store %arg11[%swap3A_646], %gather3A_641 {strides = array<i32>} : memref<16384xf32, #tpu.memory_space<vmem>>, vector<16xf32>,
          %gather3A_648 = arith.constant 80 : i32
          %gather3A_649 = tpu.memref_slice %arg6[%gather3A_648] : memref<128xf32, #tpu.memory_space<vmem>> -> memref<16xf32, #tpu.memory_space<vmem>>
          %gather3A_650 = tpu.vector_load_idx %gather3A_649[%get3A_231] : memref<16xf32, #tpu.memory_space<vmem>>[vector<16xi32>], vector<16xf32>,
          %add3A_651 = arith.constant 640 : i32
          %add3A_652 = arith.addi %mul3A_202, %add3A_651 : i32
          %add3A_653 = arith.constant 96 : i32
          %add3A_654 = arith.addi %add3A_652, %add3A_653 : i32
          %swap3A_655 = arith.index_cast %add3A_654 : i32 to index
          %swap3A_656 = tpu.vector_load %arg11[%swap3A_655] {strides = array<i32>} : memref<16384xf32, #tpu.memory_space<vmem>>, vector<16xf32>,
          tpu.vector_store %arg11[%swap3A_655], %gather3A_650 {strides = array<i32>} : memref<16384xf32, #tpu.memory_space<vmem>>, vector<16xf32>,
          %gather3A_657 = arith.constant 80 : i32
          %gather3A_658 = tpu.memref_slice %arg6[%gather3A_657] : memref<128xf32, #tpu.memory_space<vmem>> -> memref<16xf32, #tpu.memory_space<vmem>>
          %gather3A_659 = tpu.vector_load_idx %gather3A_658[%get3A_235] : memref<16xf32, #tpu.memory_space<vmem>>[vector<16xi32>], vector<16xf32>,
          %add3A_660 = arith.constant 640 : i32
          %add3A_661 = arith.addi %mul3A_202, %add3A_660 : i32
          %add3A_662 = arith.constant 112 : i32
          %add3A_663 = arith.addi %add3A_661, %add3A_662 : i32
          %swap3A_664 = arith.index_cast %add3A_663 : i32 to index
          %swap3A_665 = tpu.vector_load %arg11[%swap3A_664] {strides = array<i32>} : memref<16384xf32, #tpu.memory_space<vmem>>, vector<16xf32>,
          tpu.vector_store %arg11[%swap3A_664], %gather3A_659 {strides = array<i32>} : memref<16384xf32, #tpu.memory_space<vmem>>, vector<16xf32>,
          %gather3A_666 = arith.constant 96 : i32
          %gather3A_667 = tpu.memref_slice %arg6[%gather3A_666] : memref<128xf32, #tpu.memory_space<vmem>> -> memref<16xf32, #tpu.memory_space<vmem>>
          %gather3A_668 = tpu.vector_load_idx %gather3A_667[%get3A_207] : memref<16xf32, #tpu.memory_space<vmem>>[vector<16xi32>], vector<16xf32>,
          %add3A_669 = arith.constant 768 : i32
          %add3A_670 = arith.addi %mul3A_202, %add3A_669 : i32
          %add3A_671 = arith.constant 0 : i32
          %add3A_672 = arith.addi %add3A_670, %add3A_671 : i32
          %swap3A_673 = arith.index_cast %add3A_672 : i32 to index
          %swap3A_674 = tpu.vector_load %arg11[%swap3A_673] {strides = array<i32>} : memref<16384xf32, #tpu.memory_space<vmem>>, vector<16xf32>,
          tpu.vector_store %arg11[%swap3A_673], %gather3A_668 {strides = array<i32>} : memref<16384xf32, #tpu.memory_space<vmem>>, vector<16xf32>,
          %gather3A_675 = arith.constant 96 : i32
          %gather3A_676 = tpu.memref_slice %arg6[%gather3A_675] : memref<128xf32, #tpu.memory_space<vmem>> -> memref<16xf32, #tpu.memory_space<vmem>>
          %gather3A_677 = tpu.vector_load_idx %gather3A_676[%get3A_211] : memref<16xf32, #tpu.memory_space<vmem>>[vector<16xi32>], vector<16xf32>,
          %add3A_678 = arith.constant 768 : i32
          %add3A_679 = arith.addi %mul3A_202, %add3A_678 : i32
          %add3A_680 = arith.constant 16 : i32
          %add3A_681 = arith.addi %add3A_679, %add3A_680 : i32
          %swap3A_682 = arith.index_cast %add3A_681 : i32 to index
          %swap3A_683 = tpu.vector_load %arg11[%swap3A_682] {strides = array<i32>} : memref<16384xf32, #tpu.memory_space<vmem>>, vector<16xf32>,
          tpu.vector_store %arg11[%swap3A_682], %gather3A_677 {strides = array<i32>} : memref<16384xf32, #tpu.memory_space<vmem>>, vector<16xf32>,
          %gather3A_684 = arith.constant 96 : i32
          %gather3A_685 = tpu.memref_slice %arg6[%gather3A_684] : memref<128xf32, #tpu.memory_space<vmem>> -> memref<16xf32, #tpu.memory_space<vmem>>
          %gather3A_686 = tpu.vector_load_idx %gather3A_685[%get3A_215] : memref<16xf32, #tpu.memory_space<vmem>>[vector<16xi32>], vector<16xf32>,
          %add3A_687 = arith.constant 768 : i32
          %add3A_688 = arith.addi %mul3A_202, %add3A_687 : i32
          %add3A_689 = arith.constant 32 : i32
          %add3A_690 = arith.addi %add3A_688, %add3A_689 : i32
          %swap3A_691 = arith.index_cast %add3A_690 : i32 to index
          %swap3A_692 = tpu.vector_load %arg11[%swap3A_691] {strides = array<i32>} : memref<16384xf32, #tpu.memory_space<vmem>>, vector<16xf32>,
          tpu.vector_store %arg11[%swap3A_691], %gather3A_686 {strides = array<i32>} : memref<16384xf32, #tpu.memory_space<vmem>>, vector<16xf32>,
          %gather3A_693 = arith.constant 96 : i32
          %gather3A_694 = tpu.memref_slice %arg6[%gather3A_693] : memref<128xf32, #tpu.memory_space<vmem>> -> memref<16xf32, #tpu.memory_space<vmem>>
          %gather3A_695 = tpu.vector_load_idx %gather3A_694[%get3A_219] : memref<16xf32, #tpu.memory_space<vmem>>[vector<16xi32>], vector<16xf32>,
          %add3A_696 = arith.constant 768 : i32
          %add3A_697 = arith.addi %mul3A_202, %add3A_696 : i32
          %add3A_698 = arith.constant 48 : i32
          %add3A_699 = arith.addi %add3A_697, %add3A_698 : i32
          %swap3A_700 = arith.index_cast %add3A_699 : i32 to index
          %swap3A_701 = tpu.vector_load %arg11[%swap3A_700] {strides = array<i32>} : memref<16384xf32, #tpu.memory_space<vmem>>, vector<16xf32>,
          tpu.vector_store %arg11[%swap3A_700], %gather3A_695 {strides = array<i32>} : memref<16384xf32, #tpu.memory_space<vmem>>, vector<16xf32>,
          %gather3A_702 = arith.constant 96 : i32
          %gather3A_703 = tpu.memref_slice %arg6[%gather3A_702] : memref<128xf32, #tpu.memory_space<vmem>> -> memref<16xf32, #tpu.memory_space<vmem>>
          %gather3A_704 = tpu.vector_load_idx %gather3A_703[%get3A_223] : memref<16xf32, #tpu.memory_space<vmem>>[vector<16xi32>], vector<16xf32>,
          %add3A_705 = arith.constant 768 : i32
          %add3A_706 = arith.addi %mul3A_202, %add3A_705 : i32
          %add3A_707 = arith.constant 64 : i32
          %add3A_708 = arith.addi %add3A_706, %add3A_707 : i32
          %swap3A_709 = arith.index_cast %add3A_708 : i32 to index
          %swap3A_710 = tpu.vector_load %arg11[%swap3A_709] {strides = array<i32>} : memref<16384xf32, #tpu.memory_space<vmem>>, vector<16xf32>,
          tpu.vector_store %arg11[%swap3A_709], %gather3A_704 {strides = array<i32>} : memref<16384xf32, #tpu.memory_space<vmem>>, vector<16xf32>,
          %gather3A_711 = arith.constant 96 : i32
          %gather3A_712 = tpu.memref_slice %arg6[%gather3A_711] : memref<128xf32, #tpu.memory_space<vmem>> -> memref<16xf32, #tpu.memory_space<vmem>>
          %gather3A_713 = tpu.vector_load_idx %gather3A_712[%get3A_227] : memref<16xf32, #tpu.memory_space<vmem>>[vector<16xi32>], vector<16xf32>,
          %add3A_714 = arith.constant 768 : i32
          %add3A_715 = arith.addi %mul3A_202, %add3A_714 : i32
          %add3A_716 = arith.constant 80 : i32
          %add3A_717 = arith.addi %add3A_715, %add3A_716 : i32
          %swap3A_718 = arith.index_cast %add3A_717 : i32 to index
          %swap3A_719 = tpu.vector_load %arg11[%swap3A_718] {strides = array<i32>} : memref<16384xf32, #tpu.memory_space<vmem>>, vector<16xf32>,
          tpu.vector_store %arg11[%swap3A_718], %gather3A_713 {strides = array<i32>} : memref<16384xf32, #tpu.memory_space<vmem>>, vector<16xf32>,
          %gather3A_720 = arith.constant 96 : i32
          %gather3A_721 = tpu.memref_slice %arg6[%gather3A_720] : memref<128xf32, #tpu.memory_space<vmem>> -> memref<16xf32, #tpu.memory_space<vmem>>
          %gather3A_722 = tpu.vector_load_idx %gather3A_721[%get3A_231] : memref<16xf32, #tpu.memory_space<vmem>>[vector<16xi32>], vector<16xf32>,
          %add3A_723 = arith.constant 768 : i32
          %add3A_724 = arith.addi %mul3A_202, %add3A_723 : i32
          %add3A_725 = arith.constant 96 : i32
          %add3A_726 = arith.addi %add3A_724, %add3A_725 : i32
          %swap3A_727 = arith.index_cast %add3A_726 : i32 to index
          %swap3A_728 = tpu.vector_load %arg11[%swap3A_727] {strides = array<i32>} : memref<16384xf32, #tpu.memory_space<vmem>>, vector<16xf32>,
          tpu.vector_store %arg11[%swap3A_727], %gather3A_722 {strides = array<i32>} : memref<16384xf32, #tpu.memory_space<vmem>>, vector<16xf32>,
          %gather3A_729 = arith.constant 96 : i32
          %gather3A_730 = tpu.memref_slice %arg6[%gather3A_729] : memref<128xf32, #tpu.memory_space<vmem>> -> memref<16xf32, #tpu.memory_space<vmem>>
          %gather3A_731 = tpu.vector_load_idx %gather3A_730[%get3A_235] : memref<16xf32, #tpu.memory_space<vmem>>[vector<16xi32>], vector<16xf32>,
          %add3A_732 = arith.constant 768 : i32
          %add3A_733 = arith.addi %mul3A_202, %add3A_732 : i32
          %add3A_734 = arith.constant 112 : i32
          %add3A_735 = arith.addi %add3A_733, %add3A_734 : i32
          %swap3A_736 = arith.index_cast %add3A_735 : i32 to index
          %swap3A_737 = tpu.vector_load %arg11[%swap3A_736] {strides = array<i32>} : memref<16384xf32, #tpu.memory_space<vmem>>, vector<16xf32>,
          tpu.vector_store %arg11[%swap3A_736], %gather3A_731 {strides = array<i32>} : memref<16384xf32, #tpu.memory_space<vmem>>, vector<16xf32>,
          %gather3A_738 = arith.constant 112 : i32
          %gather3A_739 = tpu.memref_slice %arg6[%gather3A_738] : memref<128xf32, #tpu.memory_space<vmem>> -> memref<16xf32, #tpu.memory_space<vmem>>
          %gather3A_740 = tpu.vector_load_idx %gather3A_739[%get3A_207] : memref<16xf32, #tpu.memory_space<vmem>>[vector<16xi32>], vector<16xf32>,
          %add3A_741 = arith.constant 896 : i32
          %add3A_742 = arith.addi %mul3A_202, %add3A_741 : i32
          %add3A_743 = arith.constant 0 : i32
          %add3A_744 = arith.addi %add3A_742, %add3A_743 : i32
          %swap3A_745 = arith.index_cast %add3A_744 : i32 to index
          %swap3A_746 = tpu.vector_load %arg11[%swap3A_745] {strides = array<i32>} : memref<16384xf32, #tpu.memory_space<vmem>>, vector<16xf32>,
          tpu.vector_store %arg11[%swap3A_745], %gather3A_740 {strides = array<i32>} : memref<16384xf32, #tpu.memory_space<vmem>>, vector<16xf32>,
          %gather3A_747 = arith.constant 112 : i32
          %gather3A_748 = tpu.memref_slice %arg6[%gather3A_747] : memref<128xf32, #tpu.memory_space<vmem>> -> memref<16xf32, #tpu.memory_space<vmem>>
          %gather3A_749 = tpu.vector_load_idx %gather3A_748[%get3A_211] : memref<16xf32, #tpu.memory_space<vmem>>[vector<16xi32>], vector<16xf32>,
          %add3A_750 = arith.constant 896 : i32
          %add3A_751 = arith.addi %mul3A_202, %add3A_750 : i32
          %add3A_752 = arith.constant 16 : i32
          %add3A_753 = arith.addi %add3A_751, %add3A_752 : i32
          %swap3A_754 = arith.index_cast %add3A_753 : i32 to index
          %swap3A_755 = tpu.vector_load %arg11[%swap3A_754] {strides = array<i32>} : memref<16384xf32, #tpu.memory_space<vmem>>, vector<16xf32>,
          tpu.vector_store %arg11[%swap3A_754], %gather3A_749 {strides = array<i32>} : memref<16384xf32, #tpu.memory_space<vmem>>, vector<16xf32>,
          %gather3A_756 = arith.constant 112 : i32
          %gather3A_757 = tpu.memref_slice %arg6[%gather3A_756] : memref<128xf32, #tpu.memory_space<vmem>> -> memref<16xf32, #tpu.memory_space<vmem>>
          %gather3A_758 = tpu.vector_load_idx %gather3A_757[%get3A_215] : memref<16xf32, #tpu.memory_space<vmem>>[vector<16xi32>], vector<16xf32>,
          %add3A_759 = arith.constant 896 : i32
          %add3A_760 = arith.addi %mul3A_202, %add3A_759 : i32
          %add3A_761 = arith.constant 32 : i32
          %add3A_762 = arith.addi %add3A_760, %add3A_761 : i32
          %swap3A_763 = arith.index_cast %add3A_762 : i32 to index
          %swap3A_764 = tpu.vector_load %arg11[%swap3A_763] {strides = array<i32>} : memref<16384xf32, #tpu.memory_space<vmem>>, vector<16xf32>,
          tpu.vector_store %arg11[%swap3A_763], %gather3A_758 {strides = array<i32>} : memref<16384xf32, #tpu.memory_space<vmem>>, vector<16xf32>,
          %gather3A_765 = arith.constant 112 : i32
          %gather3A_766 = tpu.memref_slice %arg6[%gather3A_765] : memref<128xf32, #tpu.memory_space<vmem>> -> memref<16xf32, #tpu.memory_space<vmem>>
          %gather3A_767 = tpu.vector_load_idx %gather3A_766[%get3A_219] : memref<16xf32, #tpu.memory_space<vmem>>[vector<16xi32>], vector<16xf32>,
          %add3A_768 = arith.constant 896 : i32
          %add3A_769 = arith.addi %mul3A_202, %add3A_768 : i32
          %add3A_770 = arith.constant 48 : i32
          %add3A_771 = arith.addi %add3A_769, %add3A_770 : i32
          %swap3A_772 = arith.index_cast %add3A_771 : i32 to index
          %swap3A_773 = tpu.vector_load %arg11[%swap3A_772] {strides = array<i32>} : memref<16384xf32, #tpu.memory_space<vmem>>, vector<16xf32>,
          tpu.vector_store %arg11[%swap3A_772], %gather3A_767 {strides = array<i32>} : memref<16384xf32, #tpu.memory_space<vmem>>, vector<16xf32>,
          %gather3A_774 = arith.constant 112 : i32
          %gather3A_775 = tpu.memref_slice %arg6[%gather3A_774] : memref<128xf32, #tpu.memory_space<vmem>> -> memref<16xf32, #tpu.memory_space<vmem>>
          %gather3A_776 = tpu.vector_load_idx %gather3A_775[%get3A_223] : memref<16xf32, #tpu.memory_space<vmem>>[vector<16xi32>], vector<16xf32>,
          %add3A_777 = arith.constant 896 : i32
          %add3A_778 = arith.addi %mul3A_202, %add3A_777 : i32
          %add3A_779 = arith.constant 64 : i32
          %add3A_780 = arith.addi %add3A_778, %add3A_779 : i32
          %swap3A_781 = arith.index_cast %add3A_780 : i32 to index
          %swap3A_782 = tpu.vector_load %arg11[%swap3A_781] {strides = array<i32>} : memref<16384xf32, #tpu.memory_space<vmem>>, vector<16xf32>,
          tpu.vector_store %arg11[%swap3A_781], %gather3A_776 {strides = array<i32>} : memref<16384xf32, #tpu.memory_space<vmem>>, vector<16xf32>,
          %gather3A_783 = arith.constant 112 : i32
          %gather3A_784 = tpu.memref_slice %arg6[%gather3A_783] : memref<128xf32, #tpu.memory_space<vmem>> -> memref<16xf32, #tpu.memory_space<vmem>>
          %gather3A_785 = tpu.vector_load_idx %gather3A_784[%get3A_227] : memref<16xf32, #tpu.memory_space<vmem>>[vector<16xi32>], vector<16xf32>,
          %add3A_786 = arith.constant 896 : i32
          %add3A_787 = arith.addi %mul3A_202, %add3A_786 : i32
          %add3A_788 = arith.constant 80 : i32
          %add3A_789 = arith.addi %add3A_787, %add3A_788 : i32
          %swap3A_790 = arith.index_cast %add3A_789 : i32 to index
          %swap3A_791 = tpu.vector_load %arg11[%swap3A_790] {strides = array<i32>} : memref<16384xf32, #tpu.memory_space<vmem>>, vector<16xf32>,
          tpu.vector_store %arg11[%swap3A_790], %gather3A_785 {strides = array<i32>} : memref<16384xf32, #tpu.memory_space<vmem>>, vector<16xf32>,
          %gather3A_792 = arith.constant 112 : i32
          %gather3A_793 = tpu.memref_slice %arg6[%gather3A_792] : memref<128xf32, #tpu.memory_space<vmem>> -> memref<16xf32, #tpu.memory_space<vmem>>
          %gather3A_794 = tpu.vector_load_idx %gather3A_793[%get3A_231] : memref<16xf32, #tpu.memory_space<vmem>>[vector<16xi32>], vector<16xf32>,
          %add3A_795 = arith.constant 896 : i32
          %add3A_796 = arith.addi %mul3A_202, %add3A_795 : i32
          %add3A_797 = arith.constant 96 : i32
          %add3A_798 = arith.addi %add3A_796, %add3A_797 : i32
          %swap3A_799 = arith.index_cast %add3A_798 : i32 to index
          %swap3A_800 = tpu.vector_load %arg11[%swap3A_799] {strides = array<i32>} : memref<16384xf32, #tpu.memory_space<vmem>>, vector<16xf32>,
          tpu.vector_store %arg11[%swap3A_799], %gather3A_794 {strides = array<i32>} : memref<16384xf32, #tpu.memory_space<vmem>>, vector<16xf32>,
          %gather3A_801 = arith.constant 112 : i32
          %gather3A_802 = tpu.memref_slice %arg6[%gather3A_801] : memref<128xf32, #tpu.memory_space<vmem>> -> memref<16xf32, #tpu.memory_space<vmem>>
          %gather3A_803 = tpu.vector_load_idx %gather3A_802[%get3A_235] : memref<16xf32, #tpu.memory_space<vmem>>[vector<16xi32>], vector<16xf32>,
          %add3A_804 = arith.constant 896 : i32
          %add3A_805 = arith.addi %mul3A_202, %add3A_804 : i32
          %add3A_806 = arith.constant 112 : i32
          %add3A_807 = arith.addi %add3A_805, %add3A_806 : i32
          %swap3A_808 = arith.index_cast %add3A_807 : i32 to index
          %swap3A_809 = tpu.vector_load %arg11[%swap3A_808] {strides = array<i32>} : memref<16384xf32, #tpu.memory_space<vmem>>, vector<16xf32>,
          tpu.vector_store %arg11[%swap3A_808], %gather3A_803 {strides = array<i32>} : memref<16384xf32, #tpu.memory_space<vmem>>, vector<16xf32>,
        }
        %scan3A_171 = arith.constant 16 : i32
        %dma_wait3A_172 = tpu.memref_slice %arg3[%mul3A_160] : memref<25600000xf32, #tpu.memory_space<hbm>> -> memref<8192xf32, #tpu.memory_space<hbm>>
        %dma_wait3A_173 = tpu.memref_slice %arg3[%mul3A_160] : memref<25600000xf32, #tpu.memory_space<hbm>> -> memref<8192xf32, #tpu.memory_space<hbm>>
        tpu.wait_dma2 semaphore(%arg17 : memref<!tpu.dma_semaphore, #tpu.memory_space<semaphore_mem>>) src(%dma_wait3A_173 : memref<8192xf32, #tpu.memory_space<hbm>>) dst(%arg9 : memref<8192xf32, #tpu.memory_space<vmem>>)
        %scan3A_174 = arith.constant 0 : i32
        %scan3A_175 = arith.constant 0 : i32
        %scan3A_176 = arith.constant 16 : i32
        %scan3A_177 = arith.addi %scan3A_175, %scan3A_176 : i32
        %scan3A_178 = arith.constant 1 : i32
        scf.for %scan3A_200 = %scan3A_175 to %scan3A_177 step %scan3A_178  : i32 {
          %mul3A_201 = arith.constant 512 : i32
          %mul3A_202 = arith.muli %scan3A_200, %mul3A_201 : i32
          %add3A_203 = arith.constant 0 : i32
          %add3A_204 = arith.addi %mul3A_202, %add3A_203 : i32
          %get3A = arith.index_cast %add3A_204 : i32 to index
          %get3A_205 = tpu.vector_load %arg9[%get3A] {strides = array<i32>} : memref<8192xf32, #tpu.memory_space<vmem>>, vector<16xf32>,
          %mul3A_206 = arith.constant 1024 : i32
          %mul3A_207 = arith.muli %scan3A_200, %mul3A_206 : i32
          %add3A_208 = arith.constant 0 : i32
          %add3A_209 = arith.addi %mul3A_207, %add3A_208 : i32
          %swap3A = arith.index_cast %add3A_209 : i32 to index
          %swap3A_210 = tpu.vector_load %arg13[%swap3A] {strides = array<i32>} : memref<16384xf32, #tpu.memory_space<vmem>>, vector<16xf32>,
          tpu.vector_store %arg13[%swap3A], %get3A_205 {strides = array<i32>} : memref<16384xf32, #tpu.memory_space<vmem>>, vector<16xf32>,
          %mul3A_211 = arith.constant 512 : i32
          %mul3A_212 = arith.muli %scan3A_200, %mul3A_211 : i32
          %add3A_213 = arith.constant 16 : i32
          %add3A_214 = arith.addi %mul3A_212, %add3A_213 : i32
          %get3A_215 = arith.index_cast %add3A_214 : i32 to index
          %get3A_216 = tpu.vector_load %arg9[%get3A_215] {strides = array<i32>} : memref<8192xf32, #tpu.memory_space<vmem>>, vector<16xf32>,
          %mul3A_217 = arith.constant 1024 : i32
          %mul3A_218 = arith.muli %scan3A_200, %mul3A_217 : i32
          %add3A_219 = arith.constant 16 : i32
          %add3A_220 = arith.addi %mul3A_218, %add3A_219 : i32
          %swap3A_221 = arith.index_cast %add3A_220 : i32 to index
          %swap3A_222 = tpu.vector_load %arg13[%swap3A_221] {strides = array<i32>} : memref<16384xf32, #tpu.memory_space<vmem>>, vector<16xf32>,
          tpu.vector_store %arg13[%swap3A_221], %get3A_216 {strides = array<i32>} : memref<16384xf32, #tpu.memory_space<vmem>>, vector<16xf32>,
          %mul3A_223 = arith.constant 512 : i32
          %mul3A_224 = arith.muli %scan3A_200, %mul3A_223 : i32
          %add3A_225 = arith.constant 32 : i32
          %add3A_226 = arith.addi %mul3A_224, %add3A_225 : i32
          %get3A_227 = arith.index_cast %add3A_226 : i32 to index
          %get3A_228 = tpu.vector_load %arg9[%get3A_227] {strides = array<i32>} : memref<8192xf32, #tpu.memory_space<vmem>>, vector<16xf32>,
          %mul3A_229 = arith.constant 1024 : i32
          %mul3A_230 = arith.muli %scan3A_200, %mul3A_229 : i32
          %add3A_231 = arith.constant 32 : i32
          %add3A_232 = arith.addi %mul3A_230, %add3A_231 : i32
          %swap3A_233 = arith.index_cast %add3A_232 : i32 to index
          %swap3A_234 = tpu.vector_load %arg13[%swap3A_233] {strides = array<i32>} : memref<16384xf32, #tpu.memory_space<vmem>>, vector<16xf32>,
          tpu.vector_store %arg13[%swap3A_233], %get3A_228 {strides = array<i32>} : memref<16384xf32, #tpu.memory_space<vmem>>, vector<16xf32>,
          %mul3A_235 = arith.constant 512 : i32
          %mul3A_236 = arith.muli %scan3A_200, %mul3A_235 : i32
          %add3A_237 = arith.constant 48 : i32
          %add3A_238 = arith.addi %mul3A_236, %add3A_237 : i32
          %get3A_239 = arith.index_cast %add3A_238 : i32 to index
          %get3A_240 = tpu.vector_load %arg9[%get3A_239] {strides = array<i32>} : memref<8192xf32, #tpu.memory_space<vmem>>, vector<16xf32>,
          %mul3A_241 = arith.constant 1024 : i32
          %mul3A_242 = arith.muli %scan3A_200, %mul3A_241 : i32
          %add3A_243 = arith.constant 48 : i32
          %add3A_244 = arith.addi %mul3A_242, %add3A_243 : i32
          %swap3A_245 = arith.index_cast %add3A_244 : i32 to index
          %swap3A_246 = tpu.vector_load %arg13[%swap3A_245] {strides = array<i32>} : memref<16384xf32, #tpu.memory_space<vmem>>, vector<16xf32>,
          tpu.vector_store %arg13[%swap3A_245], %get3A_240 {strides = array<i32>} : memref<16384xf32, #tpu.memory_space<vmem>>, vector<16xf32>,
          %mul3A_247 = arith.constant 512 : i32
          %mul3A_248 = arith.muli %scan3A_200, %mul3A_247 : i32
          %add3A_249 = arith.constant 64 : i32
          %add3A_250 = arith.addi %mul3A_248, %add3A_249 : i32
          %get3A_251 = arith.index_cast %add3A_250 : i32 to index
          %get3A_252 = tpu.vector_load %arg9[%get3A_251] {strides = array<i32>} : memref<8192xf32, #tpu.memory_space<vmem>>, vector<16xf32>,
          %mul3A_253 = arith.constant 1024 : i32
          %mul3A_254 = arith.muli %scan3A_200, %mul3A_253 : i32
          %add3A_255 = arith.constant 64 : i32
          %add3A_256 = arith.addi %mul3A_254, %add3A_255 : i32
          %swap3A_257 = arith.index_cast %add3A_256 : i32 to index
          %swap3A_258 = tpu.vector_load %arg13[%swap3A_257] {strides = array<i32>} : memref<16384xf32, #tpu.memory_space<vmem>>, vector<16xf32>,
          tpu.vector_store %arg13[%swap3A_257], %get3A_252 {strides = array<i32>} : memref<16384xf32, #tpu.memory_space<vmem>>, vector<16xf32>,
          %mul3A_259 = arith.constant 512 : i32
          %mul3A_260 = arith.muli %scan3A_200, %mul3A_259 : i32
          %add3A_261 = arith.constant 80 : i32
          %add3A_262 = arith.addi %mul3A_260, %add3A_261 : i32
          %get3A_263 = arith.index_cast %add3A_262 : i32 to index
          %get3A_264 = tpu.vector_load %arg9[%get3A_263] {strides = array<i32>} : memref<8192xf32, #tpu.memory_space<vmem>>, vector<16xf32>,
          %mul3A_265 = arith.constant 1024 : i32
          %mul3A_266 = arith.muli %scan3A_200, %mul3A_265 : i32
          %add3A_267 = arith.constant 80 : i32
          %add3A_268 = arith.addi %mul3A_266, %add3A_267 : i32
          %swap3A_269 = arith.index_cast %add3A_268 : i32 to index
          %swap3A_270 = tpu.vector_load %arg13[%swap3A_269] {strides = array<i32>} : memref<16384xf32, #tpu.memory_space<vmem>>, vector<16xf32>,
          tpu.vector_store %arg13[%swap3A_269], %get3A_264 {strides = array<i32>} : memref<16384xf32, #tpu.memory_space<vmem>>, vector<16xf32>,
          %mul3A_271 = arith.constant 512 : i32
          %mul3A_272 = arith.muli %scan3A_200, %mul3A_271 : i32
          %add3A_273 = arith.constant 96 : i32
          %add3A_274 = arith.addi %mul3A_272, %add3A_273 : i32
          %get3A_275 = arith.index_cast %add3A_274 : i32 to index
          %get3A_276 = tpu.vector_load %arg9[%get3A_275] {strides = array<i32>} : memref<8192xf32, #tpu.memory_space<vmem>>, vector<16xf32>,
          %mul3A_277 = arith.constant 1024 : i32
          %mul3A_278 = arith.muli %scan3A_200, %mul3A_277 : i32
          %add3A_279 = arith.constant 96 : i32
          %add3A_280 = arith.addi %mul3A_278, %add3A_279 : i32
          %swap3A_281 = arith.index_cast %add3A_280 : i32 to index
          %swap3A_282 = tpu.vector_load %arg13[%swap3A_281] {strides = array<i32>} : memref<16384xf32, #tpu.memory_space<vmem>>, vector<16xf32>,
          tpu.vector_store %arg13[%swap3A_281], %get3A_276 {strides = array<i32>} : memref<16384xf32, #tpu.memory_space<vmem>>, vector<16xf32>,
          %mul3A_283 = arith.constant 512 : i32
          %mul3A_284 = arith.muli %scan3A_200, %mul3A_283 : i32
          %add3A_285 = arith.constant 112 : i32
          %add3A_286 = arith.addi %mul3A_284, %add3A_285 : i32
          %get3A_287 = arith.index_cast %add3A_286 : i32 to index
          %get3A_288 = tpu.vector_load %arg9[%get3A_287] {strides = array<i32>} : memref<8192xf32, #tpu.memory_space<vmem>>, vector<16xf32>,
          %mul3A_289 = arith.constant 1024 : i32
          %mul3A_290 = arith.muli %scan3A_200, %mul3A_289 : i32
          %add3A_291 = arith.constant 112 : i32
          %add3A_292 = arith.addi %mul3A_290, %add3A_291 : i32
          %swap3A_293 = arith.index_cast %add3A_292 : i32 to index
          %swap3A_294 = tpu.vector_load %arg13[%swap3A_293] {strides = array<i32>} : memref<16384xf32, #tpu.memory_space<vmem>>, vector<16xf32>,
          tpu.vector_store %arg13[%swap3A_293], %get3A_288 {strides = array<i32>} : memref<16384xf32, #tpu.memory_space<vmem>>, vector<16xf32>,
          %mul3A_295 = arith.constant 512 : i32
          %mul3A_296 = arith.muli %scan3A_200, %mul3A_295 : i32
          %add3A_297 = arith.constant 128 : i32
          %add3A_298 = arith.addi %mul3A_296, %add3A_297 : i32
          %get3A_299 = arith.index_cast %add3A_298 : i32 to index
          %get3A_300 = tpu.vector_load %arg9[%get3A_299] {strides = array<i32>} : memref<8192xf32, #tpu.memory_space<vmem>>, vector<16xf32>,
          %mul3A_301 = arith.constant 1024 : i32
          %mul3A_302 = arith.muli %scan3A_200, %mul3A_301 : i32
          %add3A_303 = arith.constant 128 : i32
          %add3A_304 = arith.addi %mul3A_302, %add3A_303 : i32
          %swap3A_305 = arith.index_cast %add3A_304 : i32 to index
          %swap3A_306 = tpu.vector_load %arg13[%swap3A_305] {strides = array<i32>} : memref<16384xf32, #tpu.memory_space<vmem>>, vector<16xf32>,
          tpu.vector_store %arg13[%swap3A_305], %get3A_300 {strides = array<i32>} : memref<16384xf32, #tpu.memory_space<vmem>>, vector<16xf32>,
          %mul3A_307 = arith.constant 512 : i32
          %mul3A_308 = arith.muli %scan3A_200, %mul3A_307 : i32
          %add3A_309 = arith.constant 144 : i32
          %add3A_310 = arith.addi %mul3A_308, %add3A_309 : i32
          %get3A_311 = arith.index_cast %add3A_310 : i32 to index
          %get3A_312 = tpu.vector_load %arg9[%get3A_311] {strides = array<i32>} : memref<8192xf32, #tpu.memory_space<vmem>>, vector<16xf32>,
          %mul3A_313 = arith.constant 1024 : i32
          %mul3A_314 = arith.muli %scan3A_200, %mul3A_313 : i32
          %add3A_315 = arith.constant 144 : i32
          %add3A_316 = arith.addi %mul3A_314, %add3A_315 : i32
          %swap3A_317 = arith.index_cast %add3A_316 : i32 to index
          %swap3A_318 = tpu.vector_load %arg13[%swap3A_317] {strides = array<i32>} : memref<16384xf32, #tpu.memory_space<vmem>>, vector<16xf32>,
          tpu.vector_store %arg13[%swap3A_317], %get3A_312 {strides = array<i32>} : memref<16384xf32, #tpu.memory_space<vmem>>, vector<16xf32>,
          %mul3A_319 = arith.constant 512 : i32
          %mul3A_320 = arith.muli %scan3A_200, %mul3A_319 : i32
          %add3A_321 = arith.constant 160 : i32
          %add3A_322 = arith.addi %mul3A_320, %add3A_321 : i32
          %get3A_323 = arith.index_cast %add3A_322 : i32 to index
          %get3A_324 = tpu.vector_load %arg9[%get3A_323] {strides = array<i32>} : memref<8192xf32, #tpu.memory_space<vmem>>, vector<16xf32>,
          %mul3A_325 = arith.constant 1024 : i32
          %mul3A_326 = arith.muli %scan3A_200, %mul3A_325 : i32
          %add3A_327 = arith.constant 160 : i32
          %add3A_328 = arith.addi %mul3A_326, %add3A_327 : i32
          %swap3A_329 = arith.index_cast %add3A_328 : i32 to index
          %swap3A_330 = tpu.vector_load %arg13[%swap3A_329] {strides = array<i32>} : memref<16384xf32, #tpu.memory_space<vmem>>, vector<16xf32>,
          tpu.vector_store %arg13[%swap3A_329], %get3A_324 {strides = array<i32>} : memref<16384xf32, #tpu.memory_space<vmem>>, vector<16xf32>,
          %mul3A_331 = arith.constant 512 : i32
          %mul3A_332 = arith.muli %scan3A_200, %mul3A_331 : i32
          %add3A_333 = arith.constant 176 : i32
          %add3A_334 = arith.addi %mul3A_332, %add3A_333 : i32
          %get3A_335 = arith.index_cast %add3A_334 : i32 to index
          %get3A_336 = tpu.vector_load %arg9[%get3A_335] {strides = array<i32>} : memref<8192xf32, #tpu.memory_space<vmem>>, vector<16xf32>,
          %mul3A_337 = arith.constant 1024 : i32
          %mul3A_338 = arith.muli %scan3A_200, %mul3A_337 : i32
          %add3A_339 = arith.constant 176 : i32
          %add3A_340 = arith.addi %mul3A_338, %add3A_339 : i32
          %swap3A_341 = arith.index_cast %add3A_340 : i32 to index
          %swap3A_342 = tpu.vector_load %arg13[%swap3A_341] {strides = array<i32>} : memref<16384xf32, #tpu.memory_space<vmem>>, vector<16xf32>,
          tpu.vector_store %arg13[%swap3A_341], %get3A_336 {strides = array<i32>} : memref<16384xf32, #tpu.memory_space<vmem>>, vector<16xf32>,
          %mul3A_343 = arith.constant 512 : i32
          %mul3A_344 = arith.muli %scan3A_200, %mul3A_343 : i32
          %add3A_345 = arith.constant 192 : i32
          %add3A_346 = arith.addi %mul3A_344, %add3A_345 : i32
          %get3A_347 = arith.index_cast %add3A_346 : i32 to index
          %get3A_348 = tpu.vector_load %arg9[%get3A_347] {strides = array<i32>} : memref<8192xf32, #tpu.memory_space<vmem>>, vector<16xf32>,
          %mul3A_349 = arith.constant 1024 : i32
          %mul3A_350 = arith.muli %scan3A_200, %mul3A_349 : i32
          %add3A_351 = arith.constant 192 : i32
          %add3A_352 = arith.addi %mul3A_350, %add3A_351 : i32
          %swap3A_353 = arith.index_cast %add3A_352 : i32 to index
          %swap3A_354 = tpu.vector_load %arg13[%swap3A_353] {strides = array<i32>} : memref<16384xf32, #tpu.memory_space<vmem>>, vector<16xf32>,
          tpu.vector_store %arg13[%swap3A_353], %get3A_348 {strides = array<i32>} : memref<16384xf32, #tpu.memory_space<vmem>>, vector<16xf32>,
          %mul3A_355 = arith.constant 512 : i32
          %mul3A_356 = arith.muli %scan3A_200, %mul3A_355 : i32
          %add3A_357 = arith.constant 208 : i32
          %add3A_358 = arith.addi %mul3A_356, %add3A_357 : i32
          %get3A_359 = arith.index_cast %add3A_358 : i32 to index
          %get3A_360 = tpu.vector_load %arg9[%get3A_359] {strides = array<i32>} : memref<8192xf32, #tpu.memory_space<vmem>>, vector<16xf32>,
          %mul3A_361 = arith.constant 1024 : i32
          %mul3A_362 = arith.muli %scan3A_200, %mul3A_361 : i32
          %add3A_363 = arith.constant 208 : i32
          %add3A_364 = arith.addi %mul3A_362, %add3A_363 : i32
          %swap3A_365 = arith.index_cast %add3A_364 : i32 to index
          %swap3A_366 = tpu.vector_load %arg13[%swap3A_365] {strides = array<i32>} : memref<16384xf32, #tpu.memory_space<vmem>>, vector<16xf32>,
          tpu.vector_store %arg13[%swap3A_365], %get3A_360 {strides = array<i32>} : memref<16384xf32, #tpu.memory_space<vmem>>, vector<16xf32>,
          %mul3A_367 = arith.constant 512 : i32
          %mul3A_368 = arith.muli %scan3A_200, %mul3A_367 : i32
          %add3A_369 = arith.constant 224 : i32
          %add3A_370 = arith.addi %mul3A_368, %add3A_369 : i32
          %get3A_371 = arith.index_cast %add3A_370 : i32 to index
          %get3A_372 = tpu.vector_load %arg9[%get3A_371] {strides = array<i32>} : memref<8192xf32, #tpu.memory_space<vmem>>, vector<16xf32>,
          %mul3A_373 = arith.constant 1024 : i32
          %mul3A_374 = arith.muli %scan3A_200, %mul3A_373 : i32
          %add3A_375 = arith.constant 224 : i32
          %add3A_376 = arith.addi %mul3A_374, %add3A_375 : i32
          %swap3A_377 = arith.index_cast %add3A_376 : i32 to index
          %swap3A_378 = tpu.vector_load %arg13[%swap3A_377] {strides = array<i32>} : memref<16384xf32, #tpu.memory_space<vmem>>, vector<16xf32>,
          tpu.vector_store %arg13[%swap3A_377], %get3A_372 {strides = array<i32>} : memref<16384xf32, #tpu.memory_space<vmem>>, vector<16xf32>,
          %mul3A_379 = arith.constant 512 : i32
          %mul3A_380 = arith.muli %scan3A_200, %mul3A_379 : i32
          %add3A_381 = arith.constant 240 : i32
          %add3A_382 = arith.addi %mul3A_380, %add3A_381 : i32
          %get3A_383 = arith.index_cast %add3A_382 : i32 to index
          %get3A_384 = tpu.vector_load %arg9[%get3A_383] {strides = array<i32>} : memref<8192xf32, #tpu.memory_space<vmem>>, vector<16xf32>,
          %mul3A_385 = arith.constant 1024 : i32
          %mul3A_386 = arith.muli %scan3A_200, %mul3A_385 : i32
          %add3A_387 = arith.constant 240 : i32
          %add3A_388 = arith.addi %mul3A_386, %add3A_387 : i32
          %swap3A_389 = arith.index_cast %add3A_388 : i32 to index
          %swap3A_390 = tpu.vector_load %arg13[%swap3A_389] {strides = array<i32>} : memref<16384xf32, #tpu.memory_space<vmem>>, vector<16xf32>,
          tpu.vector_store %arg13[%swap3A_389], %get3A_384 {strides = array<i32>} : memref<16384xf32, #tpu.memory_space<vmem>>, vector<16xf32>,
          %mul3A_391 = arith.constant 512 : i32
          %mul3A_392 = arith.muli %scan3A_200, %mul3A_391 : i32
          %add3A_393 = arith.constant 256 : i32
          %add3A_394 = arith.addi %mul3A_392, %add3A_393 : i32
          %get3A_395 = arith.index_cast %add3A_394 : i32 to index
          %get3A_396 = tpu.vector_load %arg9[%get3A_395] {strides = array<i32>} : memref<8192xf32, #tpu.memory_space<vmem>>, vector<16xf32>,
          %mul3A_397 = arith.constant 1024 : i32
          %mul3A_398 = arith.muli %scan3A_200, %mul3A_397 : i32
          %add3A_399 = arith.constant 256 : i32
          %add3A_400 = arith.addi %mul3A_398, %add3A_399 : i32
          %swap3A_401 = arith.index_cast %add3A_400 : i32 to index
          %swap3A_402 = tpu.vector_load %arg13[%swap3A_401] {strides = array<i32>} : memref<16384xf32, #tpu.memory_space<vmem>>, vector<16xf32>,
          tpu.vector_store %arg13[%swap3A_401], %get3A_396 {strides = array<i32>} : memref<16384xf32, #tpu.memory_space<vmem>>, vector<16xf32>,
          %mul3A_403 = arith.constant 512 : i32
          %mul3A_404 = arith.muli %scan3A_200, %mul3A_403 : i32
          %add3A_405 = arith.constant 272 : i32
          %add3A_406 = arith.addi %mul3A_404, %add3A_405 : i32
          %get3A_407 = arith.index_cast %add3A_406 : i32 to index
          %get3A_408 = tpu.vector_load %arg9[%get3A_407] {strides = array<i32>} : memref<8192xf32, #tpu.memory_space<vmem>>, vector<16xf32>,
          %mul3A_409 = arith.constant 1024 : i32
          %mul3A_410 = arith.muli %scan3A_200, %mul3A_409 : i32
          %add3A_411 = arith.constant 272 : i32
          %add3A_412 = arith.addi %mul3A_410, %add3A_411 : i32
          %swap3A_413 = arith.index_cast %add3A_412 : i32 to index
          %swap3A_414 = tpu.vector_load %arg13[%swap3A_413] {strides = array<i32>} : memref<16384xf32, #tpu.memory_space<vmem>>, vector<16xf32>,
          tpu.vector_store %arg13[%swap3A_413], %get3A_408 {strides = array<i32>} : memref<16384xf32, #tpu.memory_space<vmem>>, vector<16xf32>,
          %mul3A_415 = arith.constant 512 : i32
          %mul3A_416 = arith.muli %scan3A_200, %mul3A_415 : i32
          %add3A_417 = arith.constant 288 : i32
          %add3A_418 = arith.addi %mul3A_416, %add3A_417 : i32
          %get3A_419 = arith.index_cast %add3A_418 : i32 to index
          %get3A_420 = tpu.vector_load %arg9[%get3A_419] {strides = array<i32>} : memref<8192xf32, #tpu.memory_space<vmem>>, vector<16xf32>,
          %mul3A_421 = arith.constant 1024 : i32
          %mul3A_422 = arith.muli %scan3A_200, %mul3A_421 : i32
          %add3A_423 = arith.constant 288 : i32
          %add3A_424 = arith.addi %mul3A_422, %add3A_423 : i32
          %swap3A_425 = arith.index_cast %add3A_424 : i32 to index
          %swap3A_426 = tpu.vector_load %arg13[%swap3A_425] {strides = array<i32>} : memref<16384xf32, #tpu.memory_space<vmem>>, vector<16xf32>,
          tpu.vector_store %arg13[%swap3A_425], %get3A_420 {strides = array<i32>} : memref<16384xf32, #tpu.memory_space<vmem>>, vector<16xf32>,
          %mul3A_427 = arith.constant 512 : i32
          %mul3A_428 = arith.muli %scan3A_200, %mul3A_427 : i32
          %add3A_429 = arith.constant 304 : i32
          %add3A_430 = arith.addi %mul3A_428, %add3A_429 : i32
          %get3A_431 = arith.index_cast %add3A_430 : i32 to index
          %get3A_432 = tpu.vector_load %arg9[%get3A_431] {strides = array<i32>} : memref<8192xf32, #tpu.memory_space<vmem>>, vector<16xf32>,
          %mul3A_433 = arith.constant 1024 : i32
          %mul3A_434 = arith.muli %scan3A_200, %mul3A_433 : i32
          %add3A_435 = arith.constant 304 : i32
          %add3A_436 = arith.addi %mul3A_434, %add3A_435 : i32
          %swap3A_437 = arith.index_cast %add3A_436 : i32 to index
          %swap3A_438 = tpu.vector_load %arg13[%swap3A_437] {strides = array<i32>} : memref<16384xf32, #tpu.memory_space<vmem>>, vector<16xf32>,
          tpu.vector_store %arg13[%swap3A_437], %get3A_432 {strides = array<i32>} : memref<16384xf32, #tpu.memory_space<vmem>>, vector<16xf32>,
          %mul3A_439 = arith.constant 512 : i32
          %mul3A_440 = arith.muli %scan3A_200, %mul3A_439 : i32
          %add3A_441 = arith.constant 320 : i32
          %add3A_442 = arith.addi %mul3A_440, %add3A_441 : i32
          %get3A_443 = arith.index_cast %add3A_442 : i32 to index
          %get3A_444 = tpu.vector_load %arg9[%get3A_443] {strides = array<i32>} : memref<8192xf32, #tpu.memory_space<vmem>>, vector<16xf32>,
          %mul3A_445 = arith.constant 1024 : i32
          %mul3A_446 = arith.muli %scan3A_200, %mul3A_445 : i32
          %add3A_447 = arith.constant 320 : i32
          %add3A_448 = arith.addi %mul3A_446, %add3A_447 : i32
          %swap3A_449 = arith.index_cast %add3A_448 : i32 to index
          %swap3A_450 = tpu.vector_load %arg13[%swap3A_449] {strides = array<i32>} : memref<16384xf32, #tpu.memory_space<vmem>>, vector<16xf32>,
          tpu.vector_store %arg13[%swap3A_449], %get3A_444 {strides = array<i32>} : memref<16384xf32, #tpu.memory_space<vmem>>, vector<16xf32>,
          %mul3A_451 = arith.constant 512 : i32
          %mul3A_452 = arith.muli %scan3A_200, %mul3A_451 : i32
          %add3A_453 = arith.constant 336 : i32
          %add3A_454 = arith.addi %mul3A_452, %add3A_453 : i32
          %get3A_455 = arith.index_cast %add3A_454 : i32 to index
          %get3A_456 = tpu.vector_load %arg9[%get3A_455] {strides = array<i32>} : memref<8192xf32, #tpu.memory_space<vmem>>, vector<16xf32>,
          %mul3A_457 = arith.constant 1024 : i32
          %mul3A_458 = arith.muli %scan3A_200, %mul3A_457 : i32
          %add3A_459 = arith.constant 336 : i32
          %add3A_460 = arith.addi %mul3A_458, %add3A_459 : i32
          %swap3A_461 = arith.index_cast %add3A_460 : i32 to index
          %swap3A_462 = tpu.vector_load %arg13[%swap3A_461] {strides = array<i32>} : memref<16384xf32, #tpu.memory_space<vmem>>, vector<16xf32>,
          tpu.vector_store %arg13[%swap3A_461], %get3A_456 {strides = array<i32>} : memref<16384xf32, #tpu.memory_space<vmem>>, vector<16xf32>,
          %mul3A_463 = arith.constant 512 : i32
          %mul3A_464 = arith.muli %scan3A_200, %mul3A_463 : i32
          %add3A_465 = arith.constant 352 : i32
          %add3A_466 = arith.addi %mul3A_464, %add3A_465 : i32
          %get3A_467 = arith.index_cast %add3A_466 : i32 to index
          %get3A_468 = tpu.vector_load %arg9[%get3A_467] {strides = array<i32>} : memref<8192xf32, #tpu.memory_space<vmem>>, vector<16xf32>,
          %mul3A_469 = arith.constant 1024 : i32
          %mul3A_470 = arith.muli %scan3A_200, %mul3A_469 : i32
          %add3A_471 = arith.constant 352 : i32
          %add3A_472 = arith.addi %mul3A_470, %add3A_471 : i32
          %swap3A_473 = arith.index_cast %add3A_472 : i32 to index
          %swap3A_474 = tpu.vector_load %arg13[%swap3A_473] {strides = array<i32>} : memref<16384xf32, #tpu.memory_space<vmem>>, vector<16xf32>,
          tpu.vector_store %arg13[%swap3A_473], %get3A_468 {strides = array<i32>} : memref<16384xf32, #tpu.memory_space<vmem>>, vector<16xf32>,
          %mul3A_475 = arith.constant 512 : i32
          %mul3A_476 = arith.muli %scan3A_200, %mul3A_475 : i32
          %add3A_477 = arith.constant 368 : i32
          %add3A_478 = arith.addi %mul3A_476, %add3A_477 : i32
          %get3A_479 = arith.index_cast %add3A_478 : i32 to index
          %get3A_480 = tpu.vector_load %arg9[%get3A_479] {strides = array<i32>} : memref<8192xf32, #tpu.memory_space<vmem>>, vector<16xf32>,
          %mul3A_481 = arith.constant 1024 : i32
          %mul3A_482 = arith.muli %scan3A_200, %mul3A_481 : i32
          %add3A_483 = arith.constant 368 : i32
          %add3A_484 = arith.addi %mul3A_482, %add3A_483 : i32
          %swap3A_485 = arith.index_cast %add3A_484 : i32 to index
          %swap3A_486 = tpu.vector_load %arg13[%swap3A_485] {strides = array<i32>} : memref<16384xf32, #tpu.memory_space<vmem>>, vector<16xf32>,
          tpu.vector_store %arg13[%swap3A_485], %get3A_480 {strides = array<i32>} : memref<16384xf32, #tpu.memory_space<vmem>>, vector<16xf32>,
          %mul3A_487 = arith.constant 512 : i32
          %mul3A_488 = arith.muli %scan3A_200, %mul3A_487 : i32
          %add3A_489 = arith.constant 384 : i32
          %add3A_490 = arith.addi %mul3A_488, %add3A_489 : i32
          %get3A_491 = arith.index_cast %add3A_490 : i32 to index
          %get3A_492 = tpu.vector_load %arg9[%get3A_491] {strides = array<i32>} : memref<8192xf32, #tpu.memory_space<vmem>>, vector<16xf32>,
          %mul3A_493 = arith.constant 1024 : i32
          %mul3A_494 = arith.muli %scan3A_200, %mul3A_493 : i32
          %add3A_495 = arith.constant 384 : i32
          %add3A_496 = arith.addi %mul3A_494, %add3A_495 : i32
          %swap3A_497 = arith.index_cast %add3A_496 : i32 to index
          %swap3A_498 = tpu.vector_load %arg13[%swap3A_497] {strides = array<i32>} : memref<16384xf32, #tpu.memory_space<vmem>>, vector<16xf32>,
          tpu.vector_store %arg13[%swap3A_497], %get3A_492 {strides = array<i32>} : memref<16384xf32, #tpu.memory_space<vmem>>, vector<16xf32>,
          %mul3A_499 = arith.constant 512 : i32
          %mul3A_500 = arith.muli %scan3A_200, %mul3A_499 : i32
          %add3A_501 = arith.constant 400 : i32
          %add3A_502 = arith.addi %mul3A_500, %add3A_501 : i32
          %get3A_503 = arith.index_cast %add3A_502 : i32 to index
          %get3A_504 = tpu.vector_load %arg9[%get3A_503] {strides = array<i32>} : memref<8192xf32, #tpu.memory_space<vmem>>, vector<16xf32>,
          %mul3A_505 = arith.constant 1024 : i32
          %mul3A_506 = arith.muli %scan3A_200, %mul3A_505 : i32
          %add3A_507 = arith.constant 400 : i32
          %add3A_508 = arith.addi %mul3A_506, %add3A_507 : i32
          %swap3A_509 = arith.index_cast %add3A_508 : i32 to index
          %swap3A_510 = tpu.vector_load %arg13[%swap3A_509] {strides = array<i32>} : memref<16384xf32, #tpu.memory_space<vmem>>, vector<16xf32>,
          tpu.vector_store %arg13[%swap3A_509], %get3A_504 {strides = array<i32>} : memref<16384xf32, #tpu.memory_space<vmem>>, vector<16xf32>,
          %mul3A_511 = arith.constant 512 : i32
          %mul3A_512 = arith.muli %scan3A_200, %mul3A_511 : i32
          %add3A_513 = arith.constant 416 : i32
          %add3A_514 = arith.addi %mul3A_512, %add3A_513 : i32
          %get3A_515 = arith.index_cast %add3A_514 : i32 to index
          %get3A_516 = tpu.vector_load %arg9[%get3A_515] {strides = array<i32>} : memref<8192xf32, #tpu.memory_space<vmem>>, vector<16xf32>,
          %mul3A_517 = arith.constant 1024 : i32
          %mul3A_518 = arith.muli %scan3A_200, %mul3A_517 : i32
          %add3A_519 = arith.constant 416 : i32
          %add3A_520 = arith.addi %mul3A_518, %add3A_519 : i32
          %swap3A_521 = arith.index_cast %add3A_520 : i32 to index
          %swap3A_522 = tpu.vector_load %arg13[%swap3A_521] {strides = array<i32>} : memref<16384xf32, #tpu.memory_space<vmem>>, vector<16xf32>,
          tpu.vector_store %arg13[%swap3A_521], %get3A_516 {strides = array<i32>} : memref<16384xf32, #tpu.memory_space<vmem>>, vector<16xf32>,
          %mul3A_523 = arith.constant 512 : i32
          %mul3A_524 = arith.muli %scan3A_200, %mul3A_523 : i32
          %add3A_525 = arith.constant 432 : i32
          %add3A_526 = arith.addi %mul3A_524, %add3A_525 : i32
          %get3A_527 = arith.index_cast %add3A_526 : i32 to index
          %get3A_528 = tpu.vector_load %arg9[%get3A_527] {strides = array<i32>} : memref<8192xf32, #tpu.memory_space<vmem>>, vector<16xf32>,
          %mul3A_529 = arith.constant 1024 : i32
          %mul3A_530 = arith.muli %scan3A_200, %mul3A_529 : i32
          %add3A_531 = arith.constant 432 : i32
          %add3A_532 = arith.addi %mul3A_530, %add3A_531 : i32
          %swap3A_533 = arith.index_cast %add3A_532 : i32 to index
          %swap3A_534 = tpu.vector_load %arg13[%swap3A_533] {strides = array<i32>} : memref<16384xf32, #tpu.memory_space<vmem>>, vector<16xf32>,
          tpu.vector_store %arg13[%swap3A_533], %get3A_528 {strides = array<i32>} : memref<16384xf32, #tpu.memory_space<vmem>>, vector<16xf32>,
          %mul3A_535 = arith.constant 512 : i32
          %mul3A_536 = arith.muli %scan3A_200, %mul3A_535 : i32
          %add3A_537 = arith.constant 448 : i32
          %add3A_538 = arith.addi %mul3A_536, %add3A_537 : i32
          %get3A_539 = arith.index_cast %add3A_538 : i32 to index
          %get3A_540 = tpu.vector_load %arg9[%get3A_539] {strides = array<i32>} : memref<8192xf32, #tpu.memory_space<vmem>>, vector<16xf32>,
          %mul3A_541 = arith.constant 1024 : i32
          %mul3A_542 = arith.muli %scan3A_200, %mul3A_541 : i32
          %add3A_543 = arith.constant 448 : i32
          %add3A_544 = arith.addi %mul3A_542, %add3A_543 : i32
          %swap3A_545 = arith.index_cast %add3A_544 : i32 to index
          %swap3A_546 = tpu.vector_load %arg13[%swap3A_545] {strides = array<i32>} : memref<16384xf32, #tpu.memory_space<vmem>>, vector<16xf32>,
          tpu.vector_store %arg13[%swap3A_545], %get3A_540 {strides = array<i32>} : memref<16384xf32, #tpu.memory_space<vmem>>, vector<16xf32>,
          %mul3A_547 = arith.constant 512 : i32
          %mul3A_548 = arith.muli %scan3A_200, %mul3A_547 : i32
          %add3A_549 = arith.constant 464 : i32
          %add3A_550 = arith.addi %mul3A_548, %add3A_549 : i32
          %get3A_551 = arith.index_cast %add3A_550 : i32 to index
          %get3A_552 = tpu.vector_load %arg9[%get3A_551] {strides = array<i32>} : memref<8192xf32, #tpu.memory_space<vmem>>, vector<16xf32>,
          %mul3A_553 = arith.constant 1024 : i32
          %mul3A_554 = arith.muli %scan3A_200, %mul3A_553 : i32
          %add3A_555 = arith.constant 464 : i32
          %add3A_556 = arith.addi %mul3A_554, %add3A_555 : i32
          %swap3A_557 = arith.index_cast %add3A_556 : i32 to index
          %swap3A_558 = tpu.vector_load %arg13[%swap3A_557] {strides = array<i32>} : memref<16384xf32, #tpu.memory_space<vmem>>, vector<16xf32>,
          tpu.vector_store %arg13[%swap3A_557], %get3A_552 {strides = array<i32>} : memref<16384xf32, #tpu.memory_space<vmem>>, vector<16xf32>,
          %mul3A_559 = arith.constant 512 : i32
          %mul3A_560 = arith.muli %scan3A_200, %mul3A_559 : i32
          %add3A_561 = arith.constant 480 : i32
          %add3A_562 = arith.addi %mul3A_560, %add3A_561 : i32
          %get3A_563 = arith.index_cast %add3A_562 : i32 to index
          %get3A_564 = tpu.vector_load %arg9[%get3A_563] {strides = array<i32>} : memref<8192xf32, #tpu.memory_space<vmem>>, vector<16xf32>,
          %mul3A_565 = arith.constant 1024 : i32
          %mul3A_566 = arith.muli %scan3A_200, %mul3A_565 : i32
          %add3A_567 = arith.constant 480 : i32
          %add3A_568 = arith.addi %mul3A_566, %add3A_567 : i32
          %swap3A_569 = arith.index_cast %add3A_568 : i32 to index
          %swap3A_570 = tpu.vector_load %arg13[%swap3A_569] {strides = array<i32>} : memref<16384xf32, #tpu.memory_space<vmem>>, vector<16xf32>,
          tpu.vector_store %arg13[%swap3A_569], %get3A_564 {strides = array<i32>} : memref<16384xf32, #tpu.memory_space<vmem>>, vector<16xf32>,
          %mul3A_571 = arith.constant 512 : i32
          %mul3A_572 = arith.muli %scan3A_200, %mul3A_571 : i32
          %add3A_573 = arith.constant 496 : i32
          %add3A_574 = arith.addi %mul3A_572, %add3A_573 : i32
          %get3A_575 = arith.index_cast %add3A_574 : i32 to index
          %get3A_576 = tpu.vector_load %arg9[%get3A_575] {strides = array<i32>} : memref<8192xf32, #tpu.memory_space<vmem>>, vector<16xf32>,
          %mul3A_577 = arith.constant 1024 : i32
          %mul3A_578 = arith.muli %scan3A_200, %mul3A_577 : i32
          %add3A_579 = arith.constant 496 : i32
          %add3A_580 = arith.addi %mul3A_578, %add3A_579 : i32
          %swap3A_581 = arith.index_cast %add3A_580 : i32 to index
          %swap3A_582 = tpu.vector_load %arg13[%swap3A_581] {strides = array<i32>} : memref<16384xf32, #tpu.memory_space<vmem>>, vector<16xf32>,
          tpu.vector_store %arg13[%swap3A_581], %get3A_576 {strides = array<i32>} : memref<16384xf32, #tpu.memory_space<vmem>>, vector<16xf32>,
        }
        %scan3A_179 = arith.constant 16 : i32
        %mul3A_180 = arith.constant 16 : i32
        %mul3A_181 = arith.muli %add3A_141, %mul3A_180 : i32
        %mul3A_182 = arith.constant 1024 : i32
        %mul3A_183 = arith.muli %mul3A_181, %mul3A_182 : i32
        %mul3A_184 = arith.constant 16 : i32
        %mul3A_185 = arith.muli %add3A_141, %mul3A_184 : i32
        %mul3A_186 = arith.constant 1024 : i32
        %mul3A_187 = arith.muli %mul3A_185, %mul3A_186 : i32
        %add3A_188 = arith.constant 51200000 : i32
        %add3A_189 = arith.addi %add3A_188, %mul3A_187 : i32
        %dma_start3A_190 = tpu.memref_slice %arg5[%mul3A_183] : memref<102400000xf32, #tpu.memory_space<hbm>> -> memref<16384xf32, #tpu.memory_space<hbm>>
        %dma_start3A_191 = tpu.memref_slice %arg5[%mul3A_183] : memref<102400000xf32, #tpu.memory_space<hbm>> -> memref<16384xf32, #tpu.memory_space<hbm>>
        tpu.enqueue_dma source(%arg11 : memref<16384xf32, #tpu.memory_space<vmem>>) target(%dma_start3A_191 : memref<16384xf32, #tpu.memory_space<hbm>>) target_semaphore(%arg19 : memref<!tpu.dma_semaphore, #tpu.memory_space<semaphore_mem>>)
        %dma_start3A_192 = tpu.memref_slice %arg5[%add3A_189] : memref<102400000xf32, #tpu.memory_space<hbm>> -> memref<16384xf32, #tpu.memory_space<hbm>>
        %dma_start3A_193 = tpu.memref_slice %arg5[%add3A_189] : memref<102400000xf32, #tpu.memory_space<hbm>> -> memref<16384xf32, #tpu.memory_space<hbm>>
        tpu.enqueue_dma source(%arg13 : memref<16384xf32, #tpu.memory_space<vmem>>) target(%dma_start3A_193 : memref<16384xf32, #tpu.memory_space<hbm>>) target_semaphore(%arg19 : memref<!tpu.dma_semaphore, #tpu.memory_space<semaphore_mem>>)
        %add3A_194 = arith.constant 2 : i32
        %add3A_195 = arith.addi %add3A_138, %add3A_194 : i32
        %lt3A_196 = arith.cmpi slt, %add3A_195, %select_n3A : i32
        %convert_element_type3A_197 = arith.extui %lt3A_196 : i1 to i32
        %cond3A_198 = arith.constant 0 : i32
        %cond3A_199 = arith.cmpi ne, %convert_element_type3A_197, %cond3A_198 : i32
        scf.if %cond3A_199 {
          %add3A_200 = arith.constant 64 : i32
          %add3A_201 = arith.addi %add3A_141, %add3A_200 : i32
          %mul3A_202 = arith.constant 2048 : i32
          %mul3A_203 = arith.muli %add3A_201, %mul3A_202 : i32
          %mul3A_204 = arith.constant 16 : i32
          %mul3A_205 = arith.muli %add3A_201, %mul3A_204 : i32
          %mul3A_206 = arith.constant 512 : i32
          %mul3A_207 = arith.muli %mul3A_205, %mul3A_206 : i32
          %dma_start3A_208 = tpu.memref_slice %arg2[%mul3A_203] : memref<6400000xi32, #tpu.memory_space<hbm>> -> memref<2048xi32, #tpu.memory_space<hbm>>
          %dma_start3A_209 = tpu.memref_slice %arg2[%mul3A_203] : memref<6400000xi32, #tpu.memory_space<hbm>> -> memref<2048xi32, #tpu.memory_space<hbm>>
          tpu.enqueue_dma source(%dma_start3A_209 : memref<2048xi32, #tpu.memory_space<hbm>>) target(%arg7 : memref<2048xi32, #tpu.memory_space<vmem>>) target_semaphore(%arg15 : memref<!tpu.dma_semaphore, #tpu.memory_space<semaphore_mem>>)
          %dma_start3A_210 = tpu.memref_slice %arg3[%mul3A_207] : memref<25600000xf32, #tpu.memory_space<hbm>> -> memref<8192xf32, #tpu.memory_space<hbm>>
          %dma_start3A_211 = tpu.memref_slice %arg3[%mul3A_207] : memref<25600000xf32, #tpu.memory_space<hbm>> -> memref<8192xf32, #tpu.memory_space<hbm>>
          tpu.enqueue_dma source(%dma_start3A_211 : memref<8192xf32, #tpu.memory_space<hbm>>) target(%arg9 : memref<8192xf32, #tpu.memory_space<vmem>>) target_semaphore(%arg17 : memref<!tpu.dma_semaphore, #tpu.memory_space<semaphore_mem>>)
        } else {
        }
      } else {
      }
      %mul3A_144 = arith.constant 2 : i32
      %mul3A_145 = arith.muli %mul3A_144, %while3A_134 : i32
      %add3A_146 = arith.constant 1 : i32
      %add3A_147 = arith.addi %mul3A_145, %add3A_146 : i32
      %mul3A_148 = arith.constant 32 : i32
      %mul3A_149 = arith.muli %add3A_147, %mul3A_148 : i32
      %add3A_150 = arith.addi %add3A, %mul3A_149 : i32
      %lt3A_151 = arith.cmpi slt, %add3A_147, %select_n3A : i32
      %convert_element_type3A_152 = arith.extui %lt3A_151 : i1 to i32
      %cond3A_153 = arith.constant 0 : i32
      %cond3A_154 = arith.cmpi ne, %convert_element_type3A_152, %cond3A_153 : i32
      scf.if %cond3A_154 {
        %mul3A_155 = arith.constant 2048 : i32
        %mul3A_156 = arith.muli %add3A_150, %mul3A_155 : i32
        %mul3A_157 = arith.constant 16 : i32
        %mul3A_158 = arith.muli %add3A_150, %mul3A_157 : i32
        %mul3A_159 = arith.constant 512 : i32
        %mul3A_160 = arith.muli %mul3A_158, %mul3A_159 : i32
        %dma_wait3A_161 = tpu.memref_slice %arg2[%mul3A_156] : memref<6400000xi32, #tpu.memory_space<hbm>> -> memref<2048xi32, #tpu.memory_space<hbm>>
        %dma_wait3A_162 = tpu.memref_slice %arg2[%mul3A_156] : memref<6400000xi32, #tpu.memory_space<hbm>> -> memref<2048xi32, #tpu.memory_space<hbm>>
        tpu.wait_dma2 semaphore(%arg16 : memref<!tpu.dma_semaphore, #tpu.memory_space<semaphore_mem>>) src(%dma_wait3A_162 : memref<2048xi32, #tpu.memory_space<hbm>>) dst(%arg8 : memref<2048xi32, #tpu.memory_space<vmem>>)
        %ge3A = arith.constant 2 : i32
        %ge3A_163 = arith.cmpi sge, %add3A_147, %ge3A : i32
        %convert_element_type3A_164 = arith.extui %ge3A_163 : i1 to i32
        %cond3A_165 = arith.constant 0 : i32
        %cond3A_166 = arith.cmpi ne, %convert_element_type3A_164, %cond3A_165 : i32
        scf.if %cond3A_166 {
          %sub3A_200 = arith.constant 64 : i32
          %sub3A_201 = arith.subi %add3A_150, %sub3A_200 : i32
          %mul3A_202 = arith.constant 16 : i32
          %mul3A_203 = arith.muli %sub3A_201, %mul3A_202 : i32
          %mul3A_204 = arith.constant 1024 : i32
          %mul3A_205 = arith.muli %mul3A_203, %mul3A_204 : i32
          %mul3A_206 = arith.constant 16 : i32
          %mul3A_207 = arith.muli %sub3A_201, %mul3A_206 : i32
          %mul3A_208 = arith.constant 1024 : i32
          %mul3A_209 = arith.muli %mul3A_207, %mul3A_208 : i32
          %add3A_210 = arith.constant 51200000 : i32
          %add3A_211 = arith.addi %add3A_210, %mul3A_209 : i32
          %dma_wait3A_212 = tpu.memref_slice %arg5[%mul3A_205] : memref<102400000xf32, #tpu.memory_space<hbm>> -> memref<16384xf32, #tpu.memory_space<hbm>>
          %dma_wait3A_213 = tpu.memref_slice %arg5[%mul3A_205] : memref<102400000xf32, #tpu.memory_space<hbm>> -> memref<16384xf32, #tpu.memory_space<hbm>>
          tpu.wait_dma2 semaphore(%arg20 : memref<!tpu.dma_semaphore, #tpu.memory_space<semaphore_mem>>) src(%arg12 : memref<16384xf32, #tpu.memory_space<vmem>>) dst(%dma_wait3A_213 : memref<16384xf32, #tpu.memory_space<hbm>>)
          %dma_wait3A_214 = tpu.memref_slice %arg5[%add3A_211] : memref<102400000xf32, #tpu.memory_space<hbm>> -> memref<16384xf32, #tpu.memory_space<hbm>>
          %dma_wait3A_215 = tpu.memref_slice %arg5[%add3A_211] : memref<102400000xf32, #tpu.memory_space<hbm>> -> memref<16384xf32, #tpu.memory_space<hbm>>
          tpu.wait_dma2 semaphore(%arg20 : memref<!tpu.dma_semaphore, #tpu.memory_space<semaphore_mem>>) src(%arg14 : memref<16384xf32, #tpu.memory_space<vmem>>) dst(%dma_wait3A_215 : memref<16384xf32, #tpu.memory_space<hbm>>)
        } else {
        }
        %scan3A = arith.constant 0 : i32
        %scan3A_167 = arith.constant 0 : i32
        %scan3A_168 = arith.constant 16 : i32
        %scan3A_169 = arith.addi %scan3A_167, %scan3A_168 : i32
        %scan3A_170 = arith.constant 1 : i32
        scf.for %scan3A_200 = %scan3A_167 to %scan3A_169 step %scan3A_170  : i32 {
          %mul3A_201 = arith.constant 1024 : i32
          %mul3A_202 = arith.muli %scan3A_200, %mul3A_201 : i32
          %mul3A_203 = arith.constant 128 : i32
          %mul3A_204 = arith.muli %scan3A_200, %mul3A_203 : i32
          %add3A_205 = arith.constant 0 : i32
          %add3A_206 = arith.addi %mul3A_204, %add3A_205 : i32
          %get3A = arith.index_cast %add3A_206 : i32 to index
          %get3A_207 = tpu.vector_load %arg8[%get3A] {strides = array<i32>} : memref<2048xi32, #tpu.memory_space<vmem>>, vector<16xi32>,
          %add3A_208 = arith.constant 16 : i32
          %add3A_209 = arith.addi %mul3A_204, %add3A_208 : i32
          %get3A_210 = arith.index_cast %add3A_209 : i32 to index
          %get3A_211 = tpu.vector_load %arg8[%get3A_210] {strides = array<i32>} : memref<2048xi32, #tpu.memory_space<vmem>>, vector<16xi32>,
          %add3A_212 = arith.constant 32 : i32
          %add3A_213 = arith.addi %mul3A_204, %add3A_212 : i32
          %get3A_214 = arith.index_cast %add3A_213 : i32 to index
          %get3A_215 = tpu.vector_load %arg8[%get3A_214] {strides = array<i32>} : memref<2048xi32, #tpu.memory_space<vmem>>, vector<16xi32>,
          %add3A_216 = arith.constant 48 : i32
          %add3A_217 = arith.addi %mul3A_204, %add3A_216 : i32
          %get3A_218 = arith.index_cast %add3A_217 : i32 to index
          %get3A_219 = tpu.vector_load %arg8[%get3A_218] {strides = array<i32>} : memref<2048xi32, #tpu.memory_space<vmem>>, vector<16xi32>,
          %add3A_220 = arith.constant 64 : i32
          %add3A_221 = arith.addi %mul3A_204, %add3A_220 : i32
          %get3A_222 = arith.index_cast %add3A_221 : i32 to index
          %get3A_223 = tpu.vector_load %arg8[%get3A_222] {strides = array<i32>} : memref<2048xi32, #tpu.memory_space<vmem>>, vector<16xi32>,
          %add3A_224 = arith.constant 80 : i32
          %add3A_225 = arith.addi %mul3A_204, %add3A_224 : i32
          %get3A_226 = arith.index_cast %add3A_225 : i32 to index
          %get3A_227 = tpu.vector_load %arg8[%get3A_226] {strides = array<i32>} : memref<2048xi32, #tpu.memory_space<vmem>>, vector<16xi32>,
          %add3A_228 = arith.constant 96 : i32
          %add3A_229 = arith.addi %mul3A_204, %add3A_228 : i32
          %get3A_230 = arith.index_cast %add3A_229 : i32 to index
          %get3A_231 = tpu.vector_load %arg8[%get3A_230] {strides = array<i32>} : memref<2048xi32, #tpu.memory_space<vmem>>, vector<16xi32>,
          %add3A_232 = arith.constant 112 : i32
          %add3A_233 = arith.addi %mul3A_204, %add3A_232 : i32
          %get3A_234 = arith.index_cast %add3A_233 : i32 to index
          %get3A_235 = tpu.vector_load %arg8[%get3A_234] {strides = array<i32>} : memref<2048xi32, #tpu.memory_space<vmem>>, vector<16xi32>,
          %gather3A = arith.constant 0 : i32
          %gather3A_236 = tpu.memref_slice %arg6[%gather3A] : memref<128xf32, #tpu.memory_space<vmem>> -> memref<16xf32, #tpu.memory_space<vmem>>
          %gather3A_237 = tpu.vector_load_idx %gather3A_236[%get3A_207] : memref<16xf32, #tpu.memory_space<vmem>>[vector<16xi32>], vector<16xf32>,
          %add3A_238 = arith.constant 0 : i32
          %add3A_239 = arith.addi %mul3A_202, %add3A_238 : i32
          %add3A_240 = arith.constant 0 : i32
          %add3A_241 = arith.addi %add3A_239, %add3A_240 : i32
          %swap3A = arith.index_cast %add3A_241 : i32 to index
          %swap3A_242 = tpu.vector_load %arg12[%swap3A] {strides = array<i32>} : memref<16384xf32, #tpu.memory_space<vmem>>, vector<16xf32>,
          tpu.vector_store %arg12[%swap3A], %gather3A_237 {strides = array<i32>} : memref<16384xf32, #tpu.memory_space<vmem>>, vector<16xf32>,
          %gather3A_243 = arith.constant 0 : i32
          %gather3A_244 = tpu.memref_slice %arg6[%gather3A_243] : memref<128xf32, #tpu.memory_space<vmem>> -> memref<16xf32, #tpu.memory_space<vmem>>
          %gather3A_245 = tpu.vector_load_idx %gather3A_244[%get3A_211] : memref<16xf32, #tpu.memory_space<vmem>>[vector<16xi32>], vector<16xf32>,
          %add3A_246 = arith.constant 0 : i32
          %add3A_247 = arith.addi %mul3A_202, %add3A_246 : i32
          %add3A_248 = arith.constant 16 : i32
          %add3A_249 = arith.addi %add3A_247, %add3A_248 : i32
          %swap3A_250 = arith.index_cast %add3A_249 : i32 to index
          %swap3A_251 = tpu.vector_load %arg12[%swap3A_250] {strides = array<i32>} : memref<16384xf32, #tpu.memory_space<vmem>>, vector<16xf32>,
          tpu.vector_store %arg12[%swap3A_250], %gather3A_245 {strides = array<i32>} : memref<16384xf32, #tpu.memory_space<vmem>>, vector<16xf32>,
          %gather3A_252 = arith.constant 0 : i32
          %gather3A_253 = tpu.memref_slice %arg6[%gather3A_252] : memref<128xf32, #tpu.memory_space<vmem>> -> memref<16xf32, #tpu.memory_space<vmem>>
          %gather3A_254 = tpu.vector_load_idx %gather3A_253[%get3A_215] : memref<16xf32, #tpu.memory_space<vmem>>[vector<16xi32>], vector<16xf32>,
          %add3A_255 = arith.constant 0 : i32
          %add3A_256 = arith.addi %mul3A_202, %add3A_255 : i32
          %add3A_257 = arith.constant 32 : i32
          %add3A_258 = arith.addi %add3A_256, %add3A_257 : i32
          %swap3A_259 = arith.index_cast %add3A_258 : i32 to index
          %swap3A_260 = tpu.vector_load %arg12[%swap3A_259] {strides = array<i32>} : memref<16384xf32, #tpu.memory_space<vmem>>, vector<16xf32>,
          tpu.vector_store %arg12[%swap3A_259], %gather3A_254 {strides = array<i32>} : memref<16384xf32, #tpu.memory_space<vmem>>, vector<16xf32>,
          %gather3A_261 = arith.constant 0 : i32
          %gather3A_262 = tpu.memref_slice %arg6[%gather3A_261] : memref<128xf32, #tpu.memory_space<vmem>> -> memref<16xf32, #tpu.memory_space<vmem>>
          %gather3A_263 = tpu.vector_load_idx %gather3A_262[%get3A_219] : memref<16xf32, #tpu.memory_space<vmem>>[vector<16xi32>], vector<16xf32>,
          %add3A_264 = arith.constant 0 : i32
          %add3A_265 = arith.addi %mul3A_202, %add3A_264 : i32
          %add3A_266 = arith.constant 48 : i32
          %add3A_267 = arith.addi %add3A_265, %add3A_266 : i32
          %swap3A_268 = arith.index_cast %add3A_267 : i32 to index
          %swap3A_269 = tpu.vector_load %arg12[%swap3A_268] {strides = array<i32>} : memref<16384xf32, #tpu.memory_space<vmem>>, vector<16xf32>,
          tpu.vector_store %arg12[%swap3A_268], %gather3A_263 {strides = array<i32>} : memref<16384xf32, #tpu.memory_space<vmem>>, vector<16xf32>,
          %gather3A_270 = arith.constant 0 : i32
          %gather3A_271 = tpu.memref_slice %arg6[%gather3A_270] : memref<128xf32, #tpu.memory_space<vmem>> -> memref<16xf32, #tpu.memory_space<vmem>>
          %gather3A_272 = tpu.vector_load_idx %gather3A_271[%get3A_223] : memref<16xf32, #tpu.memory_space<vmem>>[vector<16xi32>], vector<16xf32>,
          %add3A_273 = arith.constant 0 : i32
          %add3A_274 = arith.addi %mul3A_202, %add3A_273 : i32
          %add3A_275 = arith.constant 64 : i32
          %add3A_276 = arith.addi %add3A_274, %add3A_275 : i32
          %swap3A_277 = arith.index_cast %add3A_276 : i32 to index
          %swap3A_278 = tpu.vector_load %arg12[%swap3A_277] {strides = array<i32>} : memref<16384xf32, #tpu.memory_space<vmem>>, vector<16xf32>,
          tpu.vector_store %arg12[%swap3A_277], %gather3A_272 {strides = array<i32>} : memref<16384xf32, #tpu.memory_space<vmem>>, vector<16xf32>,
          %gather3A_279 = arith.constant 0 : i32
          %gather3A_280 = tpu.memref_slice %arg6[%gather3A_279] : memref<128xf32, #tpu.memory_space<vmem>> -> memref<16xf32, #tpu.memory_space<vmem>>
          %gather3A_281 = tpu.vector_load_idx %gather3A_280[%get3A_227] : memref<16xf32, #tpu.memory_space<vmem>>[vector<16xi32>], vector<16xf32>,
          %add3A_282 = arith.constant 0 : i32
          %add3A_283 = arith.addi %mul3A_202, %add3A_282 : i32
          %add3A_284 = arith.constant 80 : i32
          %add3A_285 = arith.addi %add3A_283, %add3A_284 : i32
          %swap3A_286 = arith.index_cast %add3A_285 : i32 to index
          %swap3A_287 = tpu.vector_load %arg12[%swap3A_286] {strides = array<i32>} : memref<16384xf32, #tpu.memory_space<vmem>>, vector<16xf32>,
          tpu.vector_store %arg12[%swap3A_286], %gather3A_281 {strides = array<i32>} : memref<16384xf32, #tpu.memory_space<vmem>>, vector<16xf32>,
          %gather3A_288 = arith.constant 0 : i32
          %gather3A_289 = tpu.memref_slice %arg6[%gather3A_288] : memref<128xf32, #tpu.memory_space<vmem>> -> memref<16xf32, #tpu.memory_space<vmem>>
          %gather3A_290 = tpu.vector_load_idx %gather3A_289[%get3A_231] : memref<16xf32, #tpu.memory_space<vmem>>[vector<16xi32>], vector<16xf32>,
          %add3A_291 = arith.constant 0 : i32
          %add3A_292 = arith.addi %mul3A_202, %add3A_291 : i32
          %add3A_293 = arith.constant 96 : i32
          %add3A_294 = arith.addi %add3A_292, %add3A_293 : i32
          %swap3A_295 = arith.index_cast %add3A_294 : i32 to index
          %swap3A_296 = tpu.vector_load %arg12[%swap3A_295] {strides = array<i32>} : memref<16384xf32, #tpu.memory_space<vmem>>, vector<16xf32>,
          tpu.vector_store %arg12[%swap3A_295], %gather3A_290 {strides = array<i32>} : memref<16384xf32, #tpu.memory_space<vmem>>, vector<16xf32>,
          %gather3A_297 = arith.constant 0 : i32
          %gather3A_298 = tpu.memref_slice %arg6[%gather3A_297] : memref<128xf32, #tpu.memory_space<vmem>> -> memref<16xf32, #tpu.memory_space<vmem>>
          %gather3A_299 = tpu.vector_load_idx %gather3A_298[%get3A_235] : memref<16xf32, #tpu.memory_space<vmem>>[vector<16xi32>], vector<16xf32>,
          %add3A_300 = arith.constant 0 : i32
          %add3A_301 = arith.addi %mul3A_202, %add3A_300 : i32
          %add3A_302 = arith.constant 112 : i32
          %add3A_303 = arith.addi %add3A_301, %add3A_302 : i32
          %swap3A_304 = arith.index_cast %add3A_303 : i32 to index
          %swap3A_305 = tpu.vector_load %arg12[%swap3A_304] {strides = array<i32>} : memref<16384xf32, #tpu.memory_space<vmem>>, vector<16xf32>,
          tpu.vector_store %arg12[%swap3A_304], %gather3A_299 {strides = array<i32>} : memref<16384xf32, #tpu.memory_space<vmem>>, vector<16xf32>,
          %gather3A_306 = arith.constant 16 : i32
          %gather3A_307 = tpu.memref_slice %arg6[%gather3A_306] : memref<128xf32, #tpu.memory_space<vmem>> -> memref<16xf32, #tpu.memory_space<vmem>>
          %gather3A_308 = tpu.vector_load_idx %gather3A_307[%get3A_207] : memref<16xf32, #tpu.memory_space<vmem>>[vector<16xi32>], vector<16xf32>,
          %add3A_309 = arith.constant 128 : i32
          %add3A_310 = arith.addi %mul3A_202, %add3A_309 : i32
          %add3A_311 = arith.constant 0 : i32
          %add3A_312 = arith.addi %add3A_310, %add3A_311 : i32
          %swap3A_313 = arith.index_cast %add3A_312 : i32 to index
          %swap3A_314 = tpu.vector_load %arg12[%swap3A_313] {strides = array<i32>} : memref<16384xf32, #tpu.memory_space<vmem>>, vector<16xf32>,
          tpu.vector_store %arg12[%swap3A_313], %gather3A_308 {strides = array<i32>} : memref<16384xf32, #tpu.memory_space<vmem>>, vector<16xf32>,
          %gather3A_315 = arith.constant 16 : i32
          %gather3A_316 = tpu.memref_slice %arg6[%gather3A_315] : memref<128xf32, #tpu.memory_space<vmem>> -> memref<16xf32, #tpu.memory_space<vmem>>
          %gather3A_317 = tpu.vector_load_idx %gather3A_316[%get3A_211] : memref<16xf32, #tpu.memory_space<vmem>>[vector<16xi32>], vector<16xf32>,
          %add3A_318 = arith.constant 128 : i32
          %add3A_319 = arith.addi %mul3A_202, %add3A_318 : i32
          %add3A_320 = arith.constant 16 : i32
          %add3A_321 = arith.addi %add3A_319, %add3A_320 : i32
          %swap3A_322 = arith.index_cast %add3A_321 : i32 to index
          %swap3A_323 = tpu.vector_load %arg12[%swap3A_322] {strides = array<i32>} : memref<16384xf32, #tpu.memory_space<vmem>>, vector<16xf32>,
          tpu.vector_store %arg12[%swap3A_322], %gather3A_317 {strides = array<i32>} : memref<16384xf32, #tpu.memory_space<vmem>>, vector<16xf32>,
          %gather3A_324 = arith.constant 16 : i32
          %gather3A_325 = tpu.memref_slice %arg6[%gather3A_324] : memref<128xf32, #tpu.memory_space<vmem>> -> memref<16xf32, #tpu.memory_space<vmem>>
          %gather3A_326 = tpu.vector_load_idx %gather3A_325[%get3A_215] : memref<16xf32, #tpu.memory_space<vmem>>[vector<16xi32>], vector<16xf32>,
          %add3A_327 = arith.constant 128 : i32
          %add3A_328 = arith.addi %mul3A_202, %add3A_327 : i32
          %add3A_329 = arith.constant 32 : i32
          %add3A_330 = arith.addi %add3A_328, %add3A_329 : i32
          %swap3A_331 = arith.index_cast %add3A_330 : i32 to index
          %swap3A_332 = tpu.vector_load %arg12[%swap3A_331] {strides = array<i32>} : memref<16384xf32, #tpu.memory_space<vmem>>, vector<16xf32>,
          tpu.vector_store %arg12[%swap3A_331], %gather3A_326 {strides = array<i32>} : memref<16384xf32, #tpu.memory_space<vmem>>, vector<16xf32>,
          %gather3A_333 = arith.constant 16 : i32
          %gather3A_334 = tpu.memref_slice %arg6[%gather3A_333] : memref<128xf32, #tpu.memory_space<vmem>> -> memref<16xf32, #tpu.memory_space<vmem>>
          %gather3A_335 = tpu.vector_load_idx %gather3A_334[%get3A_219] : memref<16xf32, #tpu.memory_space<vmem>>[vector<16xi32>], vector<16xf32>,
          %add3A_336 = arith.constant 128 : i32
          %add3A_337 = arith.addi %mul3A_202, %add3A_336 : i32
          %add3A_338 = arith.constant 48 : i32
          %add3A_339 = arith.addi %add3A_337, %add3A_338 : i32
          %swap3A_340 = arith.index_cast %add3A_339 : i32 to index
          %swap3A_341 = tpu.vector_load %arg12[%swap3A_340] {strides = array<i32>} : memref<16384xf32, #tpu.memory_space<vmem>>, vector<16xf32>,
          tpu.vector_store %arg12[%swap3A_340], %gather3A_335 {strides = array<i32>} : memref<16384xf32, #tpu.memory_space<vmem>>, vector<16xf32>,
          %gather3A_342 = arith.constant 16 : i32
          %gather3A_343 = tpu.memref_slice %arg6[%gather3A_342] : memref<128xf32, #tpu.memory_space<vmem>> -> memref<16xf32, #tpu.memory_space<vmem>>
          %gather3A_344 = tpu.vector_load_idx %gather3A_343[%get3A_223] : memref<16xf32, #tpu.memory_space<vmem>>[vector<16xi32>], vector<16xf32>,
          %add3A_345 = arith.constant 128 : i32
          %add3A_346 = arith.addi %mul3A_202, %add3A_345 : i32
          %add3A_347 = arith.constant 64 : i32
          %add3A_348 = arith.addi %add3A_346, %add3A_347 : i32
          %swap3A_349 = arith.index_cast %add3A_348 : i32 to index
          %swap3A_350 = tpu.vector_load %arg12[%swap3A_349] {strides = array<i32>} : memref<16384xf32, #tpu.memory_space<vmem>>, vector<16xf32>,
          tpu.vector_store %arg12[%swap3A_349], %gather3A_344 {strides = array<i32>} : memref<16384xf32, #tpu.memory_space<vmem>>, vector<16xf32>,
          %gather3A_351 = arith.constant 16 : i32
          %gather3A_352 = tpu.memref_slice %arg6[%gather3A_351] : memref<128xf32, #tpu.memory_space<vmem>> -> memref<16xf32, #tpu.memory_space<vmem>>
          %gather3A_353 = tpu.vector_load_idx %gather3A_352[%get3A_227] : memref<16xf32, #tpu.memory_space<vmem>>[vector<16xi32>], vector<16xf32>,
          %add3A_354 = arith.constant 128 : i32
          %add3A_355 = arith.addi %mul3A_202, %add3A_354 : i32
          %add3A_356 = arith.constant 80 : i32
          %add3A_357 = arith.addi %add3A_355, %add3A_356 : i32
          %swap3A_358 = arith.index_cast %add3A_357 : i32 to index
          %swap3A_359 = tpu.vector_load %arg12[%swap3A_358] {strides = array<i32>} : memref<16384xf32, #tpu.memory_space<vmem>>, vector<16xf32>,
          tpu.vector_store %arg12[%swap3A_358], %gather3A_353 {strides = array<i32>} : memref<16384xf32, #tpu.memory_space<vmem>>, vector<16xf32>,
          %gather3A_360 = arith.constant 16 : i32
          %gather3A_361 = tpu.memref_slice %arg6[%gather3A_360] : memref<128xf32, #tpu.memory_space<vmem>> -> memref<16xf32, #tpu.memory_space<vmem>>
          %gather3A_362 = tpu.vector_load_idx %gather3A_361[%get3A_231] : memref<16xf32, #tpu.memory_space<vmem>>[vector<16xi32>], vector<16xf32>,
          %add3A_363 = arith.constant 128 : i32
          %add3A_364 = arith.addi %mul3A_202, %add3A_363 : i32
          %add3A_365 = arith.constant 96 : i32
          %add3A_366 = arith.addi %add3A_364, %add3A_365 : i32
          %swap3A_367 = arith.index_cast %add3A_366 : i32 to index
          %swap3A_368 = tpu.vector_load %arg12[%swap3A_367] {strides = array<i32>} : memref<16384xf32, #tpu.memory_space<vmem>>, vector<16xf32>,
          tpu.vector_store %arg12[%swap3A_367], %gather3A_362 {strides = array<i32>} : memref<16384xf32, #tpu.memory_space<vmem>>, vector<16xf32>,
          %gather3A_369 = arith.constant 16 : i32
          %gather3A_370 = tpu.memref_slice %arg6[%gather3A_369] : memref<128xf32, #tpu.memory_space<vmem>> -> memref<16xf32, #tpu.memory_space<vmem>>
          %gather3A_371 = tpu.vector_load_idx %gather3A_370[%get3A_235] : memref<16xf32, #tpu.memory_space<vmem>>[vector<16xi32>], vector<16xf32>,
          %add3A_372 = arith.constant 128 : i32
          %add3A_373 = arith.addi %mul3A_202, %add3A_372 : i32
          %add3A_374 = arith.constant 112 : i32
          %add3A_375 = arith.addi %add3A_373, %add3A_374 : i32
          %swap3A_376 = arith.index_cast %add3A_375 : i32 to index
          %swap3A_377 = tpu.vector_load %arg12[%swap3A_376] {strides = array<i32>} : memref<16384xf32, #tpu.memory_space<vmem>>, vector<16xf32>,
          tpu.vector_store %arg12[%swap3A_376], %gather3A_371 {strides = array<i32>} : memref<16384xf32, #tpu.memory_space<vmem>>, vector<16xf32>,
          %gather3A_378 = arith.constant 32 : i32
          %gather3A_379 = tpu.memref_slice %arg6[%gather3A_378] : memref<128xf32, #tpu.memory_space<vmem>> -> memref<16xf32, #tpu.memory_space<vmem>>
          %gather3A_380 = tpu.vector_load_idx %gather3A_379[%get3A_207] : memref<16xf32, #tpu.memory_space<vmem>>[vector<16xi32>], vector<16xf32>,
          %add3A_381 = arith.constant 256 : i32
          %add3A_382 = arith.addi %mul3A_202, %add3A_381 : i32
          %add3A_383 = arith.constant 0 : i32
          %add3A_384 = arith.addi %add3A_382, %add3A_383 : i32
          %swap3A_385 = arith.index_cast %add3A_384 : i32 to index
          %swap3A_386 = tpu.vector_load %arg12[%swap3A_385] {strides = array<i32>} : memref<16384xf32, #tpu.memory_space<vmem>>, vector<16xf32>,
          tpu.vector_store %arg12[%swap3A_385], %gather3A_380 {strides = array<i32>} : memref<16384xf32, #tpu.memory_space<vmem>>, vector<16xf32>,
          %gather3A_387 = arith.constant 32 : i32
          %gather3A_388 = tpu.memref_slice %arg6[%gather3A_387] : memref<128xf32, #tpu.memory_space<vmem>> -> memref<16xf32, #tpu.memory_space<vmem>>
          %gather3A_389 = tpu.vector_load_idx %gather3A_388[%get3A_211] : memref<16xf32, #tpu.memory_space<vmem>>[vector<16xi32>], vector<16xf32>,
          %add3A_390 = arith.constant 256 : i32
          %add3A_391 = arith.addi %mul3A_202, %add3A_390 : i32
          %add3A_392 = arith.constant 16 : i32
          %add3A_393 = arith.addi %add3A_391, %add3A_392 : i32
          %swap3A_394 = arith.index_cast %add3A_393 : i32 to index
          %swap3A_395 = tpu.vector_load %arg12[%swap3A_394] {strides = array<i32>} : memref<16384xf32, #tpu.memory_space<vmem>>, vector<16xf32>,
          tpu.vector_store %arg12[%swap3A_394], %gather3A_389 {strides = array<i32>} : memref<16384xf32, #tpu.memory_space<vmem>>, vector<16xf32>,
          %gather3A_396 = arith.constant 32 : i32
          %gather3A_397 = tpu.memref_slice %arg6[%gather3A_396] : memref<128xf32, #tpu.memory_space<vmem>> -> memref<16xf32, #tpu.memory_space<vmem>>
          %gather3A_398 = tpu.vector_load_idx %gather3A_397[%get3A_215] : memref<16xf32, #tpu.memory_space<vmem>>[vector<16xi32>], vector<16xf32>,
          %add3A_399 = arith.constant 256 : i32
          %add3A_400 = arith.addi %mul3A_202, %add3A_399 : i32
          %add3A_401 = arith.constant 32 : i32
          %add3A_402 = arith.addi %add3A_400, %add3A_401 : i32
          %swap3A_403 = arith.index_cast %add3A_402 : i32 to index
          %swap3A_404 = tpu.vector_load %arg12[%swap3A_403] {strides = array<i32>} : memref<16384xf32, #tpu.memory_space<vmem>>, vector<16xf32>,
          tpu.vector_store %arg12[%swap3A_403], %gather3A_398 {strides = array<i32>} : memref<16384xf32, #tpu.memory_space<vmem>>, vector<16xf32>,
          %gather3A_405 = arith.constant 32 : i32
          %gather3A_406 = tpu.memref_slice %arg6[%gather3A_405] : memref<128xf32, #tpu.memory_space<vmem>> -> memref<16xf32, #tpu.memory_space<vmem>>
          %gather3A_407 = tpu.vector_load_idx %gather3A_406[%get3A_219] : memref<16xf32, #tpu.memory_space<vmem>>[vector<16xi32>], vector<16xf32>,
          %add3A_408 = arith.constant 256 : i32
          %add3A_409 = arith.addi %mul3A_202, %add3A_408 : i32
          %add3A_410 = arith.constant 48 : i32
          %add3A_411 = arith.addi %add3A_409, %add3A_410 : i32
          %swap3A_412 = arith.index_cast %add3A_411 : i32 to index
          %swap3A_413 = tpu.vector_load %arg12[%swap3A_412] {strides = array<i32>} : memref<16384xf32, #tpu.memory_space<vmem>>, vector<16xf32>,
          tpu.vector_store %arg12[%swap3A_412], %gather3A_407 {strides = array<i32>} : memref<16384xf32, #tpu.memory_space<vmem>>, vector<16xf32>,
          %gather3A_414 = arith.constant 32 : i32
          %gather3A_415 = tpu.memref_slice %arg6[%gather3A_414] : memref<128xf32, #tpu.memory_space<vmem>> -> memref<16xf32, #tpu.memory_space<vmem>>
          %gather3A_416 = tpu.vector_load_idx %gather3A_415[%get3A_223] : memref<16xf32, #tpu.memory_space<vmem>>[vector<16xi32>], vector<16xf32>,
          %add3A_417 = arith.constant 256 : i32
          %add3A_418 = arith.addi %mul3A_202, %add3A_417 : i32
          %add3A_419 = arith.constant 64 : i32
          %add3A_420 = arith.addi %add3A_418, %add3A_419 : i32
          %swap3A_421 = arith.index_cast %add3A_420 : i32 to index
          %swap3A_422 = tpu.vector_load %arg12[%swap3A_421] {strides = array<i32>} : memref<16384xf32, #tpu.memory_space<vmem>>, vector<16xf32>,
          tpu.vector_store %arg12[%swap3A_421], %gather3A_416 {strides = array<i32>} : memref<16384xf32, #tpu.memory_space<vmem>>, vector<16xf32>,
          %gather3A_423 = arith.constant 32 : i32
          %gather3A_424 = tpu.memref_slice %arg6[%gather3A_423] : memref<128xf32, #tpu.memory_space<vmem>> -> memref<16xf32, #tpu.memory_space<vmem>>
          %gather3A_425 = tpu.vector_load_idx %gather3A_424[%get3A_227] : memref<16xf32, #tpu.memory_space<vmem>>[vector<16xi32>], vector<16xf32>,
          %add3A_426 = arith.constant 256 : i32
          %add3A_427 = arith.addi %mul3A_202, %add3A_426 : i32
          %add3A_428 = arith.constant 80 : i32
          %add3A_429 = arith.addi %add3A_427, %add3A_428 : i32
          %swap3A_430 = arith.index_cast %add3A_429 : i32 to index
          %swap3A_431 = tpu.vector_load %arg12[%swap3A_430] {strides = array<i32>} : memref<16384xf32, #tpu.memory_space<vmem>>, vector<16xf32>,
          tpu.vector_store %arg12[%swap3A_430], %gather3A_425 {strides = array<i32>} : memref<16384xf32, #tpu.memory_space<vmem>>, vector<16xf32>,
          %gather3A_432 = arith.constant 32 : i32
          %gather3A_433 = tpu.memref_slice %arg6[%gather3A_432] : memref<128xf32, #tpu.memory_space<vmem>> -> memref<16xf32, #tpu.memory_space<vmem>>
          %gather3A_434 = tpu.vector_load_idx %gather3A_433[%get3A_231] : memref<16xf32, #tpu.memory_space<vmem>>[vector<16xi32>], vector<16xf32>,
          %add3A_435 = arith.constant 256 : i32
          %add3A_436 = arith.addi %mul3A_202, %add3A_435 : i32
          %add3A_437 = arith.constant 96 : i32
          %add3A_438 = arith.addi %add3A_436, %add3A_437 : i32
          %swap3A_439 = arith.index_cast %add3A_438 : i32 to index
          %swap3A_440 = tpu.vector_load %arg12[%swap3A_439] {strides = array<i32>} : memref<16384xf32, #tpu.memory_space<vmem>>, vector<16xf32>,
          tpu.vector_store %arg12[%swap3A_439], %gather3A_434 {strides = array<i32>} : memref<16384xf32, #tpu.memory_space<vmem>>, vector<16xf32>,
          %gather3A_441 = arith.constant 32 : i32
          %gather3A_442 = tpu.memref_slice %arg6[%gather3A_441] : memref<128xf32, #tpu.memory_space<vmem>> -> memref<16xf32, #tpu.memory_space<vmem>>
          %gather3A_443 = tpu.vector_load_idx %gather3A_442[%get3A_235] : memref<16xf32, #tpu.memory_space<vmem>>[vector<16xi32>], vector<16xf32>,
          %add3A_444 = arith.constant 256 : i32
          %add3A_445 = arith.addi %mul3A_202, %add3A_444 : i32
          %add3A_446 = arith.constant 112 : i32
          %add3A_447 = arith.addi %add3A_445, %add3A_446 : i32
          %swap3A_448 = arith.index_cast %add3A_447 : i32 to index
          %swap3A_449 = tpu.vector_load %arg12[%swap3A_448] {strides = array<i32>} : memref<16384xf32, #tpu.memory_space<vmem>>, vector<16xf32>,
          tpu.vector_store %arg12[%swap3A_448], %gather3A_443 {strides = array<i32>} : memref<16384xf32, #tpu.memory_space<vmem>>, vector<16xf32>,
          %gather3A_450 = arith.constant 48 : i32
          %gather3A_451 = tpu.memref_slice %arg6[%gather3A_450] : memref<128xf32, #tpu.memory_space<vmem>> -> memref<16xf32, #tpu.memory_space<vmem>>
          %gather3A_452 = tpu.vector_load_idx %gather3A_451[%get3A_207] : memref<16xf32, #tpu.memory_space<vmem>>[vector<16xi32>], vector<16xf32>,
          %add3A_453 = arith.constant 384 : i32
          %add3A_454 = arith.addi %mul3A_202, %add3A_453 : i32
          %add3A_455 = arith.constant 0 : i32
          %add3A_456 = arith.addi %add3A_454, %add3A_455 : i32
          %swap3A_457 = arith.index_cast %add3A_456 : i32 to index
          %swap3A_458 = tpu.vector_load %arg12[%swap3A_457] {strides = array<i32>} : memref<16384xf32, #tpu.memory_space<vmem>>, vector<16xf32>,
          tpu.vector_store %arg12[%swap3A_457], %gather3A_452 {strides = array<i32>} : memref<16384xf32, #tpu.memory_space<vmem>>, vector<16xf32>,
          %gather3A_459 = arith.constant 48 : i32
          %gather3A_460 = tpu.memref_slice %arg6[%gather3A_459] : memref<128xf32, #tpu.memory_space<vmem>> -> memref<16xf32, #tpu.memory_space<vmem>>
          %gather3A_461 = tpu.vector_load_idx %gather3A_460[%get3A_211] : memref<16xf32, #tpu.memory_space<vmem>>[vector<16xi32>], vector<16xf32>,
          %add3A_462 = arith.constant 384 : i32
          %add3A_463 = arith.addi %mul3A_202, %add3A_462 : i32
          %add3A_464 = arith.constant 16 : i32
          %add3A_465 = arith.addi %add3A_463, %add3A_464 : i32
          %swap3A_466 = arith.index_cast %add3A_465 : i32 to index
          %swap3A_467 = tpu.vector_load %arg12[%swap3A_466] {strides = array<i32>} : memref<16384xf32, #tpu.memory_space<vmem>>, vector<16xf32>,
          tpu.vector_store %arg12[%swap3A_466], %gather3A_461 {strides = array<i32>} : memref<16384xf32, #tpu.memory_space<vmem>>, vector<16xf32>,
          %gather3A_468 = arith.constant 48 : i32
          %gather3A_469 = tpu.memref_slice %arg6[%gather3A_468] : memref<128xf32, #tpu.memory_space<vmem>> -> memref<16xf32, #tpu.memory_space<vmem>>
          %gather3A_470 = tpu.vector_load_idx %gather3A_469[%get3A_215] : memref<16xf32, #tpu.memory_space<vmem>>[vector<16xi32>], vector<16xf32>,
          %add3A_471 = arith.constant 384 : i32
          %add3A_472 = arith.addi %mul3A_202, %add3A_471 : i32
          %add3A_473 = arith.constant 32 : i32
          %add3A_474 = arith.addi %add3A_472, %add3A_473 : i32
          %swap3A_475 = arith.index_cast %add3A_474 : i32 to index
          %swap3A_476 = tpu.vector_load %arg12[%swap3A_475] {strides = array<i32>} : memref<16384xf32, #tpu.memory_space<vmem>>, vector<16xf32>,
          tpu.vector_store %arg12[%swap3A_475], %gather3A_470 {strides = array<i32>} : memref<16384xf32, #tpu.memory_space<vmem>>, vector<16xf32>,
          %gather3A_477 = arith.constant 48 : i32
          %gather3A_478 = tpu.memref_slice %arg6[%gather3A_477] : memref<128xf32, #tpu.memory_space<vmem>> -> memref<16xf32, #tpu.memory_space<vmem>>
          %gather3A_479 = tpu.vector_load_idx %gather3A_478[%get3A_219] : memref<16xf32, #tpu.memory_space<vmem>>[vector<16xi32>], vector<16xf32>,
          %add3A_480 = arith.constant 384 : i32
          %add3A_481 = arith.addi %mul3A_202, %add3A_480 : i32
          %add3A_482 = arith.constant 48 : i32
          %add3A_483 = arith.addi %add3A_481, %add3A_482 : i32
          %swap3A_484 = arith.index_cast %add3A_483 : i32 to index
          %swap3A_485 = tpu.vector_load %arg12[%swap3A_484] {strides = array<i32>} : memref<16384xf32, #tpu.memory_space<vmem>>, vector<16xf32>,
          tpu.vector_store %arg12[%swap3A_484], %gather3A_479 {strides = array<i32>} : memref<16384xf32, #tpu.memory_space<vmem>>, vector<16xf32>,
          %gather3A_486 = arith.constant 48 : i32
          %gather3A_487 = tpu.memref_slice %arg6[%gather3A_486] : memref<128xf32, #tpu.memory_space<vmem>> -> memref<16xf32, #tpu.memory_space<vmem>>
          %gather3A_488 = tpu.vector_load_idx %gather3A_487[%get3A_223] : memref<16xf32, #tpu.memory_space<vmem>>[vector<16xi32>], vector<16xf32>,
          %add3A_489 = arith.constant 384 : i32
          %add3A_490 = arith.addi %mul3A_202, %add3A_489 : i32
          %add3A_491 = arith.constant 64 : i32
          %add3A_492 = arith.addi %add3A_490, %add3A_491 : i32
          %swap3A_493 = arith.index_cast %add3A_492 : i32 to index
          %swap3A_494 = tpu.vector_load %arg12[%swap3A_493] {strides = array<i32>} : memref<16384xf32, #tpu.memory_space<vmem>>, vector<16xf32>,
          tpu.vector_store %arg12[%swap3A_493], %gather3A_488 {strides = array<i32>} : memref<16384xf32, #tpu.memory_space<vmem>>, vector<16xf32>,
          %gather3A_495 = arith.constant 48 : i32
          %gather3A_496 = tpu.memref_slice %arg6[%gather3A_495] : memref<128xf32, #tpu.memory_space<vmem>> -> memref<16xf32, #tpu.memory_space<vmem>>
          %gather3A_497 = tpu.vector_load_idx %gather3A_496[%get3A_227] : memref<16xf32, #tpu.memory_space<vmem>>[vector<16xi32>], vector<16xf32>,
          %add3A_498 = arith.constant 384 : i32
          %add3A_499 = arith.addi %mul3A_202, %add3A_498 : i32
          %add3A_500 = arith.constant 80 : i32
          %add3A_501 = arith.addi %add3A_499, %add3A_500 : i32
          %swap3A_502 = arith.index_cast %add3A_501 : i32 to index
          %swap3A_503 = tpu.vector_load %arg12[%swap3A_502] {strides = array<i32>} : memref<16384xf32, #tpu.memory_space<vmem>>, vector<16xf32>,
          tpu.vector_store %arg12[%swap3A_502], %gather3A_497 {strides = array<i32>} : memref<16384xf32, #tpu.memory_space<vmem>>, vector<16xf32>,
          %gather3A_504 = arith.constant 48 : i32
          %gather3A_505 = tpu.memref_slice %arg6[%gather3A_504] : memref<128xf32, #tpu.memory_space<vmem>> -> memref<16xf32, #tpu.memory_space<vmem>>
          %gather3A_506 = tpu.vector_load_idx %gather3A_505[%get3A_231] : memref<16xf32, #tpu.memory_space<vmem>>[vector<16xi32>], vector<16xf32>,
          %add3A_507 = arith.constant 384 : i32
          %add3A_508 = arith.addi %mul3A_202, %add3A_507 : i32
          %add3A_509 = arith.constant 96 : i32
          %add3A_510 = arith.addi %add3A_508, %add3A_509 : i32
          %swap3A_511 = arith.index_cast %add3A_510 : i32 to index
          %swap3A_512 = tpu.vector_load %arg12[%swap3A_511] {strides = array<i32>} : memref<16384xf32, #tpu.memory_space<vmem>>, vector<16xf32>,
          tpu.vector_store %arg12[%swap3A_511], %gather3A_506 {strides = array<i32>} : memref<16384xf32, #tpu.memory_space<vmem>>, vector<16xf32>,
          %gather3A_513 = arith.constant 48 : i32
          %gather3A_514 = tpu.memref_slice %arg6[%gather3A_513] : memref<128xf32, #tpu.memory_space<vmem>> -> memref<16xf32, #tpu.memory_space<vmem>>
          %gather3A_515 = tpu.vector_load_idx %gather3A_514[%get3A_235] : memref<16xf32, #tpu.memory_space<vmem>>[vector<16xi32>], vector<16xf32>,
          %add3A_516 = arith.constant 384 : i32
          %add3A_517 = arith.addi %mul3A_202, %add3A_516 : i32
          %add3A_518 = arith.constant 112 : i32
          %add3A_519 = arith.addi %add3A_517, %add3A_518 : i32
          %swap3A_520 = arith.index_cast %add3A_519 : i32 to index
          %swap3A_521 = tpu.vector_load %arg12[%swap3A_520] {strides = array<i32>} : memref<16384xf32, #tpu.memory_space<vmem>>, vector<16xf32>,
          tpu.vector_store %arg12[%swap3A_520], %gather3A_515 {strides = array<i32>} : memref<16384xf32, #tpu.memory_space<vmem>>, vector<16xf32>,
          %gather3A_522 = arith.constant 64 : i32
          %gather3A_523 = tpu.memref_slice %arg6[%gather3A_522] : memref<128xf32, #tpu.memory_space<vmem>> -> memref<16xf32, #tpu.memory_space<vmem>>
          %gather3A_524 = tpu.vector_load_idx %gather3A_523[%get3A_207] : memref<16xf32, #tpu.memory_space<vmem>>[vector<16xi32>], vector<16xf32>,
          %add3A_525 = arith.constant 512 : i32
          %add3A_526 = arith.addi %mul3A_202, %add3A_525 : i32
          %add3A_527 = arith.constant 0 : i32
          %add3A_528 = arith.addi %add3A_526, %add3A_527 : i32
          %swap3A_529 = arith.index_cast %add3A_528 : i32 to index
          %swap3A_530 = tpu.vector_load %arg12[%swap3A_529] {strides = array<i32>} : memref<16384xf32, #tpu.memory_space<vmem>>, vector<16xf32>,
          tpu.vector_store %arg12[%swap3A_529], %gather3A_524 {strides = array<i32>} : memref<16384xf32, #tpu.memory_space<vmem>>, vector<16xf32>,
          %gather3A_531 = arith.constant 64 : i32
          %gather3A_532 = tpu.memref_slice %arg6[%gather3A_531] : memref<128xf32, #tpu.memory_space<vmem>> -> memref<16xf32, #tpu.memory_space<vmem>>
          %gather3A_533 = tpu.vector_load_idx %gather3A_532[%get3A_211] : memref<16xf32, #tpu.memory_space<vmem>>[vector<16xi32>], vector<16xf32>,
          %add3A_534 = arith.constant 512 : i32
          %add3A_535 = arith.addi %mul3A_202, %add3A_534 : i32
          %add3A_536 = arith.constant 16 : i32
          %add3A_537 = arith.addi %add3A_535, %add3A_536 : i32
          %swap3A_538 = arith.index_cast %add3A_537 : i32 to index
          %swap3A_539 = tpu.vector_load %arg12[%swap3A_538] {strides = array<i32>} : memref<16384xf32, #tpu.memory_space<vmem>>, vector<16xf32>,
          tpu.vector_store %arg12[%swap3A_538], %gather3A_533 {strides = array<i32>} : memref<16384xf32, #tpu.memory_space<vmem>>, vector<16xf32>,
          %gather3A_540 = arith.constant 64 : i32
          %gather3A_541 = tpu.memref_slice %arg6[%gather3A_540] : memref<128xf32, #tpu.memory_space<vmem>> -> memref<16xf32, #tpu.memory_space<vmem>>
          %gather3A_542 = tpu.vector_load_idx %gather3A_541[%get3A_215] : memref<16xf32, #tpu.memory_space<vmem>>[vector<16xi32>], vector<16xf32>,
          %add3A_543 = arith.constant 512 : i32
          %add3A_544 = arith.addi %mul3A_202, %add3A_543 : i32
          %add3A_545 = arith.constant 32 : i32
          %add3A_546 = arith.addi %add3A_544, %add3A_545 : i32
          %swap3A_547 = arith.index_cast %add3A_546 : i32 to index
          %swap3A_548 = tpu.vector_load %arg12[%swap3A_547] {strides = array<i32>} : memref<16384xf32, #tpu.memory_space<vmem>>, vector<16xf32>,
          tpu.vector_store %arg12[%swap3A_547], %gather3A_542 {strides = array<i32>} : memref<16384xf32, #tpu.memory_space<vmem>>, vector<16xf32>,
          %gather3A_549 = arith.constant 64 : i32
          %gather3A_550 = tpu.memref_slice %arg6[%gather3A_549] : memref<128xf32, #tpu.memory_space<vmem>> -> memref<16xf32, #tpu.memory_space<vmem>>
          %gather3A_551 = tpu.vector_load_idx %gather3A_550[%get3A_219] : memref<16xf32, #tpu.memory_space<vmem>>[vector<16xi32>], vector<16xf32>,
          %add3A_552 = arith.constant 512 : i32
          %add3A_553 = arith.addi %mul3A_202, %add3A_552 : i32
          %add3A_554 = arith.constant 48 : i32
          %add3A_555 = arith.addi %add3A_553, %add3A_554 : i32
          %swap3A_556 = arith.index_cast %add3A_555 : i32 to index
          %swap3A_557 = tpu.vector_load %arg12[%swap3A_556] {strides = array<i32>} : memref<16384xf32, #tpu.memory_space<vmem>>, vector<16xf32>,
          tpu.vector_store %arg12[%swap3A_556], %gather3A_551 {strides = array<i32>} : memref<16384xf32, #tpu.memory_space<vmem>>, vector<16xf32>,
          %gather3A_558 = arith.constant 64 : i32
          %gather3A_559 = tpu.memref_slice %arg6[%gather3A_558] : memref<128xf32, #tpu.memory_space<vmem>> -> memref<16xf32, #tpu.memory_space<vmem>>
          %gather3A_560 = tpu.vector_load_idx %gather3A_559[%get3A_223] : memref<16xf32, #tpu.memory_space<vmem>>[vector<16xi32>], vector<16xf32>,
          %add3A_561 = arith.constant 512 : i32
          %add3A_562 = arith.addi %mul3A_202, %add3A_561 : i32
          %add3A_563 = arith.constant 64 : i32
          %add3A_564 = arith.addi %add3A_562, %add3A_563 : i32
          %swap3A_565 = arith.index_cast %add3A_564 : i32 to index
          %swap3A_566 = tpu.vector_load %arg12[%swap3A_565] {strides = array<i32>} : memref<16384xf32, #tpu.memory_space<vmem>>, vector<16xf32>,
          tpu.vector_store %arg12[%swap3A_565], %gather3A_560 {strides = array<i32>} : memref<16384xf32, #tpu.memory_space<vmem>>, vector<16xf32>,
          %gather3A_567 = arith.constant 64 : i32
          %gather3A_568 = tpu.memref_slice %arg6[%gather3A_567] : memref<128xf32, #tpu.memory_space<vmem>> -> memref<16xf32, #tpu.memory_space<vmem>>
          %gather3A_569 = tpu.vector_load_idx %gather3A_568[%get3A_227] : memref<16xf32, #tpu.memory_space<vmem>>[vector<16xi32>], vector<16xf32>,
          %add3A_570 = arith.constant 512 : i32
          %add3A_571 = arith.addi %mul3A_202, %add3A_570 : i32
          %add3A_572 = arith.constant 80 : i32
          %add3A_573 = arith.addi %add3A_571, %add3A_572 : i32
          %swap3A_574 = arith.index_cast %add3A_573 : i32 to index
          %swap3A_575 = tpu.vector_load %arg12[%swap3A_574] {strides = array<i32>} : memref<16384xf32, #tpu.memory_space<vmem>>, vector<16xf32>,
          tpu.vector_store %arg12[%swap3A_574], %gather3A_569 {strides = array<i32>} : memref<16384xf32, #tpu.memory_space<vmem>>, vector<16xf32>,
          %gather3A_576 = arith.constant 64 : i32
          %gather3A_577 = tpu.memref_slice %arg6[%gather3A_576] : memref<128xf32, #tpu.memory_space<vmem>> -> memref<16xf32, #tpu.memory_space<vmem>>
          %gather3A_578 = tpu.vector_load_idx %gather3A_577[%get3A_231] : memref<16xf32, #tpu.memory_space<vmem>>[vector<16xi32>], vector<16xf32>,
          %add3A_579 = arith.constant 512 : i32
          %add3A_580 = arith.addi %mul3A_202, %add3A_579 : i32
          %add3A_581 = arith.constant 96 : i32
          %add3A_582 = arith.addi %add3A_580, %add3A_581 : i32
          %swap3A_583 = arith.index_cast %add3A_582 : i32 to index
          %swap3A_584 = tpu.vector_load %arg12[%swap3A_583] {strides = array<i32>} : memref<16384xf32, #tpu.memory_space<vmem>>, vector<16xf32>,
          tpu.vector_store %arg12[%swap3A_583], %gather3A_578 {strides = array<i32>} : memref<16384xf32, #tpu.memory_space<vmem>>, vector<16xf32>,
          %gather3A_585 = arith.constant 64 : i32
          %gather3A_586 = tpu.memref_slice %arg6[%gather3A_585] : memref<128xf32, #tpu.memory_space<vmem>> -> memref<16xf32, #tpu.memory_space<vmem>>
          %gather3A_587 = tpu.vector_load_idx %gather3A_586[%get3A_235] : memref<16xf32, #tpu.memory_space<vmem>>[vector<16xi32>], vector<16xf32>,
          %add3A_588 = arith.constant 512 : i32
          %add3A_589 = arith.addi %mul3A_202, %add3A_588 : i32
          %add3A_590 = arith.constant 112 : i32
          %add3A_591 = arith.addi %add3A_589, %add3A_590 : i32
          %swap3A_592 = arith.index_cast %add3A_591 : i32 to index
          %swap3A_593 = tpu.vector_load %arg12[%swap3A_592] {strides = array<i32>} : memref<16384xf32, #tpu.memory_space<vmem>>, vector<16xf32>,
          tpu.vector_store %arg12[%swap3A_592], %gather3A_587 {strides = array<i32>} : memref<16384xf32, #tpu.memory_space<vmem>>, vector<16xf32>,
          %gather3A_594 = arith.constant 80 : i32
          %gather3A_595 = tpu.memref_slice %arg6[%gather3A_594] : memref<128xf32, #tpu.memory_space<vmem>> -> memref<16xf32, #tpu.memory_space<vmem>>
          %gather3A_596 = tpu.vector_load_idx %gather3A_595[%get3A_207] : memref<16xf32, #tpu.memory_space<vmem>>[vector<16xi32>], vector<16xf32>,
          %add3A_597 = arith.constant 640 : i32
          %add3A_598 = arith.addi %mul3A_202, %add3A_597 : i32
          %add3A_599 = arith.constant 0 : i32
          %add3A_600 = arith.addi %add3A_598, %add3A_599 : i32
          %swap3A_601 = arith.index_cast %add3A_600 : i32 to index
          %swap3A_602 = tpu.vector_load %arg12[%swap3A_601] {strides = array<i32>} : memref<16384xf32, #tpu.memory_space<vmem>>, vector<16xf32>,
          tpu.vector_store %arg12[%swap3A_601], %gather3A_596 {strides = array<i32>} : memref<16384xf32, #tpu.memory_space<vmem>>, vector<16xf32>,
          %gather3A_603 = arith.constant 80 : i32
          %gather3A_604 = tpu.memref_slice %arg6[%gather3A_603] : memref<128xf32, #tpu.memory_space<vmem>> -> memref<16xf32, #tpu.memory_space<vmem>>
          %gather3A_605 = tpu.vector_load_idx %gather3A_604[%get3A_211] : memref<16xf32, #tpu.memory_space<vmem>>[vector<16xi32>], vector<16xf32>,
          %add3A_606 = arith.constant 640 : i32
          %add3A_607 = arith.addi %mul3A_202, %add3A_606 : i32
          %add3A_608 = arith.constant 16 : i32
          %add3A_609 = arith.addi %add3A_607, %add3A_608 : i32
          %swap3A_610 = arith.index_cast %add3A_609 : i32 to index
          %swap3A_611 = tpu.vector_load %arg12[%swap3A_610] {strides = array<i32>} : memref<16384xf32, #tpu.memory_space<vmem>>, vector<16xf32>,
          tpu.vector_store %arg12[%swap3A_610], %gather3A_605 {strides = array<i32>} : memref<16384xf32, #tpu.memory_space<vmem>>, vector<16xf32>,
          %gather3A_612 = arith.constant 80 : i32
          %gather3A_613 = tpu.memref_slice %arg6[%gather3A_612] : memref<128xf32, #tpu.memory_space<vmem>> -> memref<16xf32, #tpu.memory_space<vmem>>
          %gather3A_614 = tpu.vector_load_idx %gather3A_613[%get3A_215] : memref<16xf32, #tpu.memory_space<vmem>>[vector<16xi32>], vector<16xf32>,
          %add3A_615 = arith.constant 640 : i32
          %add3A_616 = arith.addi %mul3A_202, %add3A_615 : i32
          %add3A_617 = arith.constant 32 : i32
          %add3A_618 = arith.addi %add3A_616, %add3A_617 : i32
          %swap3A_619 = arith.index_cast %add3A_618 : i32 to index
          %swap3A_620 = tpu.vector_load %arg12[%swap3A_619] {strides = array<i32>} : memref<16384xf32, #tpu.memory_space<vmem>>, vector<16xf32>,
          tpu.vector_store %arg12[%swap3A_619], %gather3A_614 {strides = array<i32>} : memref<16384xf32, #tpu.memory_space<vmem>>, vector<16xf32>,
          %gather3A_621 = arith.constant 80 : i32
          %gather3A_622 = tpu.memref_slice %arg6[%gather3A_621] : memref<128xf32, #tpu.memory_space<vmem>> -> memref<16xf32, #tpu.memory_space<vmem>>
          %gather3A_623 = tpu.vector_load_idx %gather3A_622[%get3A_219] : memref<16xf32, #tpu.memory_space<vmem>>[vector<16xi32>], vector<16xf32>,
          %add3A_624 = arith.constant 640 : i32
          %add3A_625 = arith.addi %mul3A_202, %add3A_624 : i32
          %add3A_626 = arith.constant 48 : i32
          %add3A_627 = arith.addi %add3A_625, %add3A_626 : i32
          %swap3A_628 = arith.index_cast %add3A_627 : i32 to index
          %swap3A_629 = tpu.vector_load %arg12[%swap3A_628] {strides = array<i32>} : memref<16384xf32, #tpu.memory_space<vmem>>, vector<16xf32>,
          tpu.vector_store %arg12[%swap3A_628], %gather3A_623 {strides = array<i32>} : memref<16384xf32, #tpu.memory_space<vmem>>, vector<16xf32>,
          %gather3A_630 = arith.constant 80 : i32
          %gather3A_631 = tpu.memref_slice %arg6[%gather3A_630] : memref<128xf32, #tpu.memory_space<vmem>> -> memref<16xf32, #tpu.memory_space<vmem>>
          %gather3A_632 = tpu.vector_load_idx %gather3A_631[%get3A_223] : memref<16xf32, #tpu.memory_space<vmem>>[vector<16xi32>], vector<16xf32>,
          %add3A_633 = arith.constant 640 : i32
          %add3A_634 = arith.addi %mul3A_202, %add3A_633 : i32
          %add3A_635 = arith.constant 64 : i32
          %add3A_636 = arith.addi %add3A_634, %add3A_635 : i32
          %swap3A_637 = arith.index_cast %add3A_636 : i32 to index
          %swap3A_638 = tpu.vector_load %arg12[%swap3A_637] {strides = array<i32>} : memref<16384xf32, #tpu.memory_space<vmem>>, vector<16xf32>,
          tpu.vector_store %arg12[%swap3A_637], %gather3A_632 {strides = array<i32>} : memref<16384xf32, #tpu.memory_space<vmem>>, vector<16xf32>,
          %gather3A_639 = arith.constant 80 : i32
          %gather3A_640 = tpu.memref_slice %arg6[%gather3A_639] : memref<128xf32, #tpu.memory_space<vmem>> -> memref<16xf32, #tpu.memory_space<vmem>>
          %gather3A_641 = tpu.vector_load_idx %gather3A_640[%get3A_227] : memref<16xf32, #tpu.memory_space<vmem>>[vector<16xi32>], vector<16xf32>,
          %add3A_642 = arith.constant 640 : i32
          %add3A_643 = arith.addi %mul3A_202, %add3A_642 : i32
          %add3A_644 = arith.constant 80 : i32
          %add3A_645 = arith.addi %add3A_643, %add3A_644 : i32
          %swap3A_646 = arith.index_cast %add3A_645 : i32 to index
          %swap3A_647 = tpu.vector_load %arg12[%swap3A_646] {strides = array<i32>} : memref<16384xf32, #tpu.memory_space<vmem>>, vector<16xf32>,
          tpu.vector_store %arg12[%swap3A_646], %gather3A_641 {strides = array<i32>} : memref<16384xf32, #tpu.memory_space<vmem>>, vector<16xf32>,
          %gather3A_648 = arith.constant 80 : i32
          %gather3A_649 = tpu.memref_slice %arg6[%gather3A_648] : memref<128xf32, #tpu.memory_space<vmem>> -> memref<16xf32, #tpu.memory_space<vmem>>
          %gather3A_650 = tpu.vector_load_idx %gather3A_649[%get3A_231] : memref<16xf32, #tpu.memory_space<vmem>>[vector<16xi32>], vector<16xf32>,
          %add3A_651 = arith.constant 640 : i32
          %add3A_652 = arith.addi %mul3A_202, %add3A_651 : i32
          %add3A_653 = arith.constant 96 : i32
          %add3A_654 = arith.addi %add3A_652, %add3A_653 : i32
          %swap3A_655 = arith.index_cast %add3A_654 : i32 to index
          %swap3A_656 = tpu.vector_load %arg12[%swap3A_655] {strides = array<i32>} : memref<16384xf32, #tpu.memory_space<vmem>>, vector<16xf32>,
          tpu.vector_store %arg12[%swap3A_655], %gather3A_650 {strides = array<i32>} : memref<16384xf32, #tpu.memory_space<vmem>>, vector<16xf32>,
          %gather3A_657 = arith.constant 80 : i32
          %gather3A_658 = tpu.memref_slice %arg6[%gather3A_657] : memref<128xf32, #tpu.memory_space<vmem>> -> memref<16xf32, #tpu.memory_space<vmem>>
          %gather3A_659 = tpu.vector_load_idx %gather3A_658[%get3A_235] : memref<16xf32, #tpu.memory_space<vmem>>[vector<16xi32>], vector<16xf32>,
          %add3A_660 = arith.constant 640 : i32
          %add3A_661 = arith.addi %mul3A_202, %add3A_660 : i32
          %add3A_662 = arith.constant 112 : i32
          %add3A_663 = arith.addi %add3A_661, %add3A_662 : i32
          %swap3A_664 = arith.index_cast %add3A_663 : i32 to index
          %swap3A_665 = tpu.vector_load %arg12[%swap3A_664] {strides = array<i32>} : memref<16384xf32, #tpu.memory_space<vmem>>, vector<16xf32>,
          tpu.vector_store %arg12[%swap3A_664], %gather3A_659 {strides = array<i32>} : memref<16384xf32, #tpu.memory_space<vmem>>, vector<16xf32>,
          %gather3A_666 = arith.constant 96 : i32
          %gather3A_667 = tpu.memref_slice %arg6[%gather3A_666] : memref<128xf32, #tpu.memory_space<vmem>> -> memref<16xf32, #tpu.memory_space<vmem>>
          %gather3A_668 = tpu.vector_load_idx %gather3A_667[%get3A_207] : memref<16xf32, #tpu.memory_space<vmem>>[vector<16xi32>], vector<16xf32>,
          %add3A_669 = arith.constant 768 : i32
          %add3A_670 = arith.addi %mul3A_202, %add3A_669 : i32
          %add3A_671 = arith.constant 0 : i32
          %add3A_672 = arith.addi %add3A_670, %add3A_671 : i32
          %swap3A_673 = arith.index_cast %add3A_672 : i32 to index
          %swap3A_674 = tpu.vector_load %arg12[%swap3A_673] {strides = array<i32>} : memref<16384xf32, #tpu.memory_space<vmem>>, vector<16xf32>,
          tpu.vector_store %arg12[%swap3A_673], %gather3A_668 {strides = array<i32>} : memref<16384xf32, #tpu.memory_space<vmem>>, vector<16xf32>,
          %gather3A_675 = arith.constant 96 : i32
          %gather3A_676 = tpu.memref_slice %arg6[%gather3A_675] : memref<128xf32, #tpu.memory_space<vmem>> -> memref<16xf32, #tpu.memory_space<vmem>>
          %gather3A_677 = tpu.vector_load_idx %gather3A_676[%get3A_211] : memref<16xf32, #tpu.memory_space<vmem>>[vector<16xi32>], vector<16xf32>,
          %add3A_678 = arith.constant 768 : i32
          %add3A_679 = arith.addi %mul3A_202, %add3A_678 : i32
          %add3A_680 = arith.constant 16 : i32
          %add3A_681 = arith.addi %add3A_679, %add3A_680 : i32
          %swap3A_682 = arith.index_cast %add3A_681 : i32 to index
          %swap3A_683 = tpu.vector_load %arg12[%swap3A_682] {strides = array<i32>} : memref<16384xf32, #tpu.memory_space<vmem>>, vector<16xf32>,
          tpu.vector_store %arg12[%swap3A_682], %gather3A_677 {strides = array<i32>} : memref<16384xf32, #tpu.memory_space<vmem>>, vector<16xf32>,
          %gather3A_684 = arith.constant 96 : i32
          %gather3A_685 = tpu.memref_slice %arg6[%gather3A_684] : memref<128xf32, #tpu.memory_space<vmem>> -> memref<16xf32, #tpu.memory_space<vmem>>
          %gather3A_686 = tpu.vector_load_idx %gather3A_685[%get3A_215] : memref<16xf32, #tpu.memory_space<vmem>>[vector<16xi32>], vector<16xf32>,
          %add3A_687 = arith.constant 768 : i32
          %add3A_688 = arith.addi %mul3A_202, %add3A_687 : i32
          %add3A_689 = arith.constant 32 : i32
          %add3A_690 = arith.addi %add3A_688, %add3A_689 : i32
          %swap3A_691 = arith.index_cast %add3A_690 : i32 to index
          %swap3A_692 = tpu.vector_load %arg12[%swap3A_691] {strides = array<i32>} : memref<16384xf32, #tpu.memory_space<vmem>>, vector<16xf32>,
          tpu.vector_store %arg12[%swap3A_691], %gather3A_686 {strides = array<i32>} : memref<16384xf32, #tpu.memory_space<vmem>>, vector<16xf32>,
          %gather3A_693 = arith.constant 96 : i32
          %gather3A_694 = tpu.memref_slice %arg6[%gather3A_693] : memref<128xf32, #tpu.memory_space<vmem>> -> memref<16xf32, #tpu.memory_space<vmem>>
          %gather3A_695 = tpu.vector_load_idx %gather3A_694[%get3A_219] : memref<16xf32, #tpu.memory_space<vmem>>[vector<16xi32>], vector<16xf32>,
          %add3A_696 = arith.constant 768 : i32
          %add3A_697 = arith.addi %mul3A_202, %add3A_696 : i32
          %add3A_698 = arith.constant 48 : i32
          %add3A_699 = arith.addi %add3A_697, %add3A_698 : i32
          %swap3A_700 = arith.index_cast %add3A_699 : i32 to index
          %swap3A_701 = tpu.vector_load %arg12[%swap3A_700] {strides = array<i32>} : memref<16384xf32, #tpu.memory_space<vmem>>, vector<16xf32>,
          tpu.vector_store %arg12[%swap3A_700], %gather3A_695 {strides = array<i32>} : memref<16384xf32, #tpu.memory_space<vmem>>, vector<16xf32>,
          %gather3A_702 = arith.constant 96 : i32
          %gather3A_703 = tpu.memref_slice %arg6[%gather3A_702] : memref<128xf32, #tpu.memory_space<vmem>> -> memref<16xf32, #tpu.memory_space<vmem>>
          %gather3A_704 = tpu.vector_load_idx %gather3A_703[%get3A_223] : memref<16xf32, #tpu.memory_space<vmem>>[vector<16xi32>], vector<16xf32>,
          %add3A_705 = arith.constant 768 : i32
          %add3A_706 = arith.addi %mul3A_202, %add3A_705 : i32
          %add3A_707 = arith.constant 64 : i32
          %add3A_708 = arith.addi %add3A_706, %add3A_707 : i32
          %swap3A_709 = arith.index_cast %add3A_708 : i32 to index
          %swap3A_710 = tpu.vector_load %arg12[%swap3A_709] {strides = array<i32>} : memref<16384xf32, #tpu.memory_space<vmem>>, vector<16xf32>,
          tpu.vector_store %arg12[%swap3A_709], %gather3A_704 {strides = array<i32>} : memref<16384xf32, #tpu.memory_space<vmem>>, vector<16xf32>,
          %gather3A_711 = arith.constant 96 : i32
          %gather3A_712 = tpu.memref_slice %arg6[%gather3A_711] : memref<128xf32, #tpu.memory_space<vmem>> -> memref<16xf32, #tpu.memory_space<vmem>>
          %gather3A_713 = tpu.vector_load_idx %gather3A_712[%get3A_227] : memref<16xf32, #tpu.memory_space<vmem>>[vector<16xi32>], vector<16xf32>,
          %add3A_714 = arith.constant 768 : i32
          %add3A_715 = arith.addi %mul3A_202, %add3A_714 : i32
          %add3A_716 = arith.constant 80 : i32
          %add3A_717 = arith.addi %add3A_715, %add3A_716 : i32
          %swap3A_718 = arith.index_cast %add3A_717 : i32 to index
          %swap3A_719 = tpu.vector_load %arg12[%swap3A_718] {strides = array<i32>} : memref<16384xf32, #tpu.memory_space<vmem>>, vector<16xf32>,
          tpu.vector_store %arg12[%swap3A_718], %gather3A_713 {strides = array<i32>} : memref<16384xf32, #tpu.memory_space<vmem>>, vector<16xf32>,
          %gather3A_720 = arith.constant 96 : i32
          %gather3A_721 = tpu.memref_slice %arg6[%gather3A_720] : memref<128xf32, #tpu.memory_space<vmem>> -> memref<16xf32, #tpu.memory_space<vmem>>
          %gather3A_722 = tpu.vector_load_idx %gather3A_721[%get3A_231] : memref<16xf32, #tpu.memory_space<vmem>>[vector<16xi32>], vector<16xf32>,
          %add3A_723 = arith.constant 768 : i32
          %add3A_724 = arith.addi %mul3A_202, %add3A_723 : i32
          %add3A_725 = arith.constant 96 : i32
          %add3A_726 = arith.addi %add3A_724, %add3A_725 : i32
          %swap3A_727 = arith.index_cast %add3A_726 : i32 to index
          %swap3A_728 = tpu.vector_load %arg12[%swap3A_727] {strides = array<i32>} : memref<16384xf32, #tpu.memory_space<vmem>>, vector<16xf32>,
          tpu.vector_store %arg12[%swap3A_727], %gather3A_722 {strides = array<i32>} : memref<16384xf32, #tpu.memory_space<vmem>>, vector<16xf32>,
          %gather3A_729 = arith.constant 96 : i32
          %gather3A_730 = tpu.memref_slice %arg6[%gather3A_729] : memref<128xf32, #tpu.memory_space<vmem>> -> memref<16xf32, #tpu.memory_space<vmem>>
          %gather3A_731 = tpu.vector_load_idx %gather3A_730[%get3A_235] : memref<16xf32, #tpu.memory_space<vmem>>[vector<16xi32>], vector<16xf32>,
          %add3A_732 = arith.constant 768 : i32
          %add3A_733 = arith.addi %mul3A_202, %add3A_732 : i32
          %add3A_734 = arith.constant 112 : i32
          %add3A_735 = arith.addi %add3A_733, %add3A_734 : i32
          %swap3A_736 = arith.index_cast %add3A_735 : i32 to index
          %swap3A_737 = tpu.vector_load %arg12[%swap3A_736] {strides = array<i32>} : memref<16384xf32, #tpu.memory_space<vmem>>, vector<16xf32>,
          tpu.vector_store %arg12[%swap3A_736], %gather3A_731 {strides = array<i32>} : memref<16384xf32, #tpu.memory_space<vmem>>, vector<16xf32>,
          %gather3A_738 = arith.constant 112 : i32
          %gather3A_739 = tpu.memref_slice %arg6[%gather3A_738] : memref<128xf32, #tpu.memory_space<vmem>> -> memref<16xf32, #tpu.memory_space<vmem>>
          %gather3A_740 = tpu.vector_load_idx %gather3A_739[%get3A_207] : memref<16xf32, #tpu.memory_space<vmem>>[vector<16xi32>], vector<16xf32>,
          %add3A_741 = arith.constant 896 : i32
          %add3A_742 = arith.addi %mul3A_202, %add3A_741 : i32
          %add3A_743 = arith.constant 0 : i32
          %add3A_744 = arith.addi %add3A_742, %add3A_743 : i32
          %swap3A_745 = arith.index_cast %add3A_744 : i32 to index
          %swap3A_746 = tpu.vector_load %arg12[%swap3A_745] {strides = array<i32>} : memref<16384xf32, #tpu.memory_space<vmem>>, vector<16xf32>,
          tpu.vector_store %arg12[%swap3A_745], %gather3A_740 {strides = array<i32>} : memref<16384xf32, #tpu.memory_space<vmem>>, vector<16xf32>,
          %gather3A_747 = arith.constant 112 : i32
          %gather3A_748 = tpu.memref_slice %arg6[%gather3A_747] : memref<128xf32, #tpu.memory_space<vmem>> -> memref<16xf32, #tpu.memory_space<vmem>>
          %gather3A_749 = tpu.vector_load_idx %gather3A_748[%get3A_211] : memref<16xf32, #tpu.memory_space<vmem>>[vector<16xi32>], vector<16xf32>,
          %add3A_750 = arith.constant 896 : i32
          %add3A_751 = arith.addi %mul3A_202, %add3A_750 : i32
          %add3A_752 = arith.constant 16 : i32
          %add3A_753 = arith.addi %add3A_751, %add3A_752 : i32
          %swap3A_754 = arith.index_cast %add3A_753 : i32 to index
          %swap3A_755 = tpu.vector_load %arg12[%swap3A_754] {strides = array<i32>} : memref<16384xf32, #tpu.memory_space<vmem>>, vector<16xf32>,
          tpu.vector_store %arg12[%swap3A_754], %gather3A_749 {strides = array<i32>} : memref<16384xf32, #tpu.memory_space<vmem>>, vector<16xf32>,
          %gather3A_756 = arith.constant 112 : i32
          %gather3A_757 = tpu.memref_slice %arg6[%gather3A_756] : memref<128xf32, #tpu.memory_space<vmem>> -> memref<16xf32, #tpu.memory_space<vmem>>
          %gather3A_758 = tpu.vector_load_idx %gather3A_757[%get3A_215] : memref<16xf32, #tpu.memory_space<vmem>>[vector<16xi32>], vector<16xf32>,
          %add3A_759 = arith.constant 896 : i32
          %add3A_760 = arith.addi %mul3A_202, %add3A_759 : i32
          %add3A_761 = arith.constant 32 : i32
          %add3A_762 = arith.addi %add3A_760, %add3A_761 : i32
          %swap3A_763 = arith.index_cast %add3A_762 : i32 to index
          %swap3A_764 = tpu.vector_load %arg12[%swap3A_763] {strides = array<i32>} : memref<16384xf32, #tpu.memory_space<vmem>>, vector<16xf32>,
          tpu.vector_store %arg12[%swap3A_763], %gather3A_758 {strides = array<i32>} : memref<16384xf32, #tpu.memory_space<vmem>>, vector<16xf32>,
          %gather3A_765 = arith.constant 112 : i32
          %gather3A_766 = tpu.memref_slice %arg6[%gather3A_765] : memref<128xf32, #tpu.memory_space<vmem>> -> memref<16xf32, #tpu.memory_space<vmem>>
          %gather3A_767 = tpu.vector_load_idx %gather3A_766[%get3A_219] : memref<16xf32, #tpu.memory_space<vmem>>[vector<16xi32>], vector<16xf32>,
          %add3A_768 = arith.constant 896 : i32
          %add3A_769 = arith.addi %mul3A_202, %add3A_768 : i32
          %add3A_770 = arith.constant 48 : i32
          %add3A_771 = arith.addi %add3A_769, %add3A_770 : i32
          %swap3A_772 = arith.index_cast %add3A_771 : i32 to index
          %swap3A_773 = tpu.vector_load %arg12[%swap3A_772] {strides = array<i32>} : memref<16384xf32, #tpu.memory_space<vmem>>, vector<16xf32>,
          tpu.vector_store %arg12[%swap3A_772], %gather3A_767 {strides = array<i32>} : memref<16384xf32, #tpu.memory_space<vmem>>, vector<16xf32>,
          %gather3A_774 = arith.constant 112 : i32
          %gather3A_775 = tpu.memref_slice %arg6[%gather3A_774] : memref<128xf32, #tpu.memory_space<vmem>> -> memref<16xf32, #tpu.memory_space<vmem>>
          %gather3A_776 = tpu.vector_load_idx %gather3A_775[%get3A_223] : memref<16xf32, #tpu.memory_space<vmem>>[vector<16xi32>], vector<16xf32>,
          %add3A_777 = arith.constant 896 : i32
          %add3A_778 = arith.addi %mul3A_202, %add3A_777 : i32
          %add3A_779 = arith.constant 64 : i32
          %add3A_780 = arith.addi %add3A_778, %add3A_779 : i32
          %swap3A_781 = arith.index_cast %add3A_780 : i32 to index
          %swap3A_782 = tpu.vector_load %arg12[%swap3A_781] {strides = array<i32>} : memref<16384xf32, #tpu.memory_space<vmem>>, vector<16xf32>,
          tpu.vector_store %arg12[%swap3A_781], %gather3A_776 {strides = array<i32>} : memref<16384xf32, #tpu.memory_space<vmem>>, vector<16xf32>,
          %gather3A_783 = arith.constant 112 : i32
          %gather3A_784 = tpu.memref_slice %arg6[%gather3A_783] : memref<128xf32, #tpu.memory_space<vmem>> -> memref<16xf32, #tpu.memory_space<vmem>>
          %gather3A_785 = tpu.vector_load_idx %gather3A_784[%get3A_227] : memref<16xf32, #tpu.memory_space<vmem>>[vector<16xi32>], vector<16xf32>,
          %add3A_786 = arith.constant 896 : i32
          %add3A_787 = arith.addi %mul3A_202, %add3A_786 : i32
          %add3A_788 = arith.constant 80 : i32
          %add3A_789 = arith.addi %add3A_787, %add3A_788 : i32
          %swap3A_790 = arith.index_cast %add3A_789 : i32 to index
          %swap3A_791 = tpu.vector_load %arg12[%swap3A_790] {strides = array<i32>} : memref<16384xf32, #tpu.memory_space<vmem>>, vector<16xf32>,
          tpu.vector_store %arg12[%swap3A_790], %gather3A_785 {strides = array<i32>} : memref<16384xf32, #tpu.memory_space<vmem>>, vector<16xf32>,
          %gather3A_792 = arith.constant 112 : i32
          %gather3A_793 = tpu.memref_slice %arg6[%gather3A_792] : memref<128xf32, #tpu.memory_space<vmem>> -> memref<16xf32, #tpu.memory_space<vmem>>
          %gather3A_794 = tpu.vector_load_idx %gather3A_793[%get3A_231] : memref<16xf32, #tpu.memory_space<vmem>>[vector<16xi32>], vector<16xf32>,
          %add3A_795 = arith.constant 896 : i32
          %add3A_796 = arith.addi %mul3A_202, %add3A_795 : i32
          %add3A_797 = arith.constant 96 : i32
          %add3A_798 = arith.addi %add3A_796, %add3A_797 : i32
          %swap3A_799 = arith.index_cast %add3A_798 : i32 to index
          %swap3A_800 = tpu.vector_load %arg12[%swap3A_799] {strides = array<i32>} : memref<16384xf32, #tpu.memory_space<vmem>>, vector<16xf32>,
          tpu.vector_store %arg12[%swap3A_799], %gather3A_794 {strides = array<i32>} : memref<16384xf32, #tpu.memory_space<vmem>>, vector<16xf32>,
          %gather3A_801 = arith.constant 112 : i32
          %gather3A_802 = tpu.memref_slice %arg6[%gather3A_801] : memref<128xf32, #tpu.memory_space<vmem>> -> memref<16xf32, #tpu.memory_space<vmem>>
          %gather3A_803 = tpu.vector_load_idx %gather3A_802[%get3A_235] : memref<16xf32, #tpu.memory_space<vmem>>[vector<16xi32>], vector<16xf32>,
          %add3A_804 = arith.constant 896 : i32
          %add3A_805 = arith.addi %mul3A_202, %add3A_804 : i32
          %add3A_806 = arith.constant 112 : i32
          %add3A_807 = arith.addi %add3A_805, %add3A_806 : i32
          %swap3A_808 = arith.index_cast %add3A_807 : i32 to index
          %swap3A_809 = tpu.vector_load %arg12[%swap3A_808] {strides = array<i32>} : memref<16384xf32, #tpu.memory_space<vmem>>, vector<16xf32>,
          tpu.vector_store %arg12[%swap3A_808], %gather3A_803 {strides = array<i32>} : memref<16384xf32, #tpu.memory_space<vmem>>, vector<16xf32>,
        }
        %scan3A_171 = arith.constant 16 : i32
        %dma_wait3A_172 = tpu.memref_slice %arg3[%mul3A_160] : memref<25600000xf32, #tpu.memory_space<hbm>> -> memref<8192xf32, #tpu.memory_space<hbm>>
        %dma_wait3A_173 = tpu.memref_slice %arg3[%mul3A_160] : memref<25600000xf32, #tpu.memory_space<hbm>> -> memref<8192xf32, #tpu.memory_space<hbm>>
        tpu.wait_dma2 semaphore(%arg18 : memref<!tpu.dma_semaphore, #tpu.memory_space<semaphore_mem>>) src(%dma_wait3A_173 : memref<8192xf32, #tpu.memory_space<hbm>>) dst(%arg10 : memref<8192xf32, #tpu.memory_space<vmem>>)
        %scan3A_174 = arith.constant 0 : i32
        %scan3A_175 = arith.constant 0 : i32
        %scan3A_176 = arith.constant 16 : i32
        %scan3A_177 = arith.addi %scan3A_175, %scan3A_176 : i32
        %scan3A_178 = arith.constant 1 : i32
        scf.for %scan3A_200 = %scan3A_175 to %scan3A_177 step %scan3A_178  : i32 {
          %mul3A_201 = arith.constant 512 : i32
          %mul3A_202 = arith.muli %scan3A_200, %mul3A_201 : i32
          %add3A_203 = arith.constant 0 : i32
          %add3A_204 = arith.addi %mul3A_202, %add3A_203 : i32
          %get3A = arith.index_cast %add3A_204 : i32 to index
          %get3A_205 = tpu.vector_load %arg10[%get3A] {strides = array<i32>} : memref<8192xf32, #tpu.memory_space<vmem>>, vector<16xf32>,
          %mul3A_206 = arith.constant 1024 : i32
          %mul3A_207 = arith.muli %scan3A_200, %mul3A_206 : i32
          %add3A_208 = arith.constant 0 : i32
          %add3A_209 = arith.addi %mul3A_207, %add3A_208 : i32
          %swap3A = arith.index_cast %add3A_209 : i32 to index
          %swap3A_210 = tpu.vector_load %arg14[%swap3A] {strides = array<i32>} : memref<16384xf32, #tpu.memory_space<vmem>>, vector<16xf32>,
          tpu.vector_store %arg14[%swap3A], %get3A_205 {strides = array<i32>} : memref<16384xf32, #tpu.memory_space<vmem>>, vector<16xf32>,
          %mul3A_211 = arith.constant 512 : i32
          %mul3A_212 = arith.muli %scan3A_200, %mul3A_211 : i32
          %add3A_213 = arith.constant 16 : i32
          %add3A_214 = arith.addi %mul3A_212, %add3A_213 : i32
          %get3A_215 = arith.index_cast %add3A_214 : i32 to index
          %get3A_216 = tpu.vector_load %arg10[%get3A_215] {strides = array<i32>} : memref<8192xf32, #tpu.memory_space<vmem>>, vector<16xf32>,
          %mul3A_217 = arith.constant 1024 : i32
          %mul3A_218 = arith.muli %scan3A_200, %mul3A_217 : i32
          %add3A_219 = arith.constant 16 : i32
          %add3A_220 = arith.addi %mul3A_218, %add3A_219 : i32
          %swap3A_221 = arith.index_cast %add3A_220 : i32 to index
          %swap3A_222 = tpu.vector_load %arg14[%swap3A_221] {strides = array<i32>} : memref<16384xf32, #tpu.memory_space<vmem>>, vector<16xf32>,
          tpu.vector_store %arg14[%swap3A_221], %get3A_216 {strides = array<i32>} : memref<16384xf32, #tpu.memory_space<vmem>>, vector<16xf32>,
          %mul3A_223 = arith.constant 512 : i32
          %mul3A_224 = arith.muli %scan3A_200, %mul3A_223 : i32
          %add3A_225 = arith.constant 32 : i32
          %add3A_226 = arith.addi %mul3A_224, %add3A_225 : i32
          %get3A_227 = arith.index_cast %add3A_226 : i32 to index
          %get3A_228 = tpu.vector_load %arg10[%get3A_227] {strides = array<i32>} : memref<8192xf32, #tpu.memory_space<vmem>>, vector<16xf32>,
          %mul3A_229 = arith.constant 1024 : i32
          %mul3A_230 = arith.muli %scan3A_200, %mul3A_229 : i32
          %add3A_231 = arith.constant 32 : i32
          %add3A_232 = arith.addi %mul3A_230, %add3A_231 : i32
          %swap3A_233 = arith.index_cast %add3A_232 : i32 to index
          %swap3A_234 = tpu.vector_load %arg14[%swap3A_233] {strides = array<i32>} : memref<16384xf32, #tpu.memory_space<vmem>>, vector<16xf32>,
          tpu.vector_store %arg14[%swap3A_233], %get3A_228 {strides = array<i32>} : memref<16384xf32, #tpu.memory_space<vmem>>, vector<16xf32>,
          %mul3A_235 = arith.constant 512 : i32
          %mul3A_236 = arith.muli %scan3A_200, %mul3A_235 : i32
          %add3A_237 = arith.constant 48 : i32
          %add3A_238 = arith.addi %mul3A_236, %add3A_237 : i32
          %get3A_239 = arith.index_cast %add3A_238 : i32 to index
          %get3A_240 = tpu.vector_load %arg10[%get3A_239] {strides = array<i32>} : memref<8192xf32, #tpu.memory_space<vmem>>, vector<16xf32>,
          %mul3A_241 = arith.constant 1024 : i32
          %mul3A_242 = arith.muli %scan3A_200, %mul3A_241 : i32
          %add3A_243 = arith.constant 48 : i32
          %add3A_244 = arith.addi %mul3A_242, %add3A_243 : i32
          %swap3A_245 = arith.index_cast %add3A_244 : i32 to index
          %swap3A_246 = tpu.vector_load %arg14[%swap3A_245] {strides = array<i32>} : memref<16384xf32, #tpu.memory_space<vmem>>, vector<16xf32>,
          tpu.vector_store %arg14[%swap3A_245], %get3A_240 {strides = array<i32>} : memref<16384xf32, #tpu.memory_space<vmem>>, vector<16xf32>,
          %mul3A_247 = arith.constant 512 : i32
          %mul3A_248 = arith.muli %scan3A_200, %mul3A_247 : i32
          %add3A_249 = arith.constant 64 : i32
          %add3A_250 = arith.addi %mul3A_248, %add3A_249 : i32
          %get3A_251 = arith.index_cast %add3A_250 : i32 to index
          %get3A_252 = tpu.vector_load %arg10[%get3A_251] {strides = array<i32>} : memref<8192xf32, #tpu.memory_space<vmem>>, vector<16xf32>,
          %mul3A_253 = arith.constant 1024 : i32
          %mul3A_254 = arith.muli %scan3A_200, %mul3A_253 : i32
          %add3A_255 = arith.constant 64 : i32
          %add3A_256 = arith.addi %mul3A_254, %add3A_255 : i32
          %swap3A_257 = arith.index_cast %add3A_256 : i32 to index
          %swap3A_258 = tpu.vector_load %arg14[%swap3A_257] {strides = array<i32>} : memref<16384xf32, #tpu.memory_space<vmem>>, vector<16xf32>,
          tpu.vector_store %arg14[%swap3A_257], %get3A_252 {strides = array<i32>} : memref<16384xf32, #tpu.memory_space<vmem>>, vector<16xf32>,
          %mul3A_259 = arith.constant 512 : i32
          %mul3A_260 = arith.muli %scan3A_200, %mul3A_259 : i32
          %add3A_261 = arith.constant 80 : i32
          %add3A_262 = arith.addi %mul3A_260, %add3A_261 : i32
          %get3A_263 = arith.index_cast %add3A_262 : i32 to index
          %get3A_264 = tpu.vector_load %arg10[%get3A_263] {strides = array<i32>} : memref<8192xf32, #tpu.memory_space<vmem>>, vector<16xf32>,
          %mul3A_265 = arith.constant 1024 : i32
          %mul3A_266 = arith.muli %scan3A_200, %mul3A_265 : i32
          %add3A_267 = arith.constant 80 : i32
          %add3A_268 = arith.addi %mul3A_266, %add3A_267 : i32
          %swap3A_269 = arith.index_cast %add3A_268 : i32 to index
          %swap3A_270 = tpu.vector_load %arg14[%swap3A_269] {strides = array<i32>} : memref<16384xf32, #tpu.memory_space<vmem>>, vector<16xf32>,
          tpu.vector_store %arg14[%swap3A_269], %get3A_264 {strides = array<i32>} : memref<16384xf32, #tpu.memory_space<vmem>>, vector<16xf32>,
          %mul3A_271 = arith.constant 512 : i32
          %mul3A_272 = arith.muli %scan3A_200, %mul3A_271 : i32
          %add3A_273 = arith.constant 96 : i32
          %add3A_274 = arith.addi %mul3A_272, %add3A_273 : i32
          %get3A_275 = arith.index_cast %add3A_274 : i32 to index
          %get3A_276 = tpu.vector_load %arg10[%get3A_275] {strides = array<i32>} : memref<8192xf32, #tpu.memory_space<vmem>>, vector<16xf32>,
          %mul3A_277 = arith.constant 1024 : i32
          %mul3A_278 = arith.muli %scan3A_200, %mul3A_277 : i32
          %add3A_279 = arith.constant 96 : i32
          %add3A_280 = arith.addi %mul3A_278, %add3A_279 : i32
          %swap3A_281 = arith.index_cast %add3A_280 : i32 to index
          %swap3A_282 = tpu.vector_load %arg14[%swap3A_281] {strides = array<i32>} : memref<16384xf32, #tpu.memory_space<vmem>>, vector<16xf32>,
          tpu.vector_store %arg14[%swap3A_281], %get3A_276 {strides = array<i32>} : memref<16384xf32, #tpu.memory_space<vmem>>, vector<16xf32>,
          %mul3A_283 = arith.constant 512 : i32
          %mul3A_284 = arith.muli %scan3A_200, %mul3A_283 : i32
          %add3A_285 = arith.constant 112 : i32
          %add3A_286 = arith.addi %mul3A_284, %add3A_285 : i32
          %get3A_287 = arith.index_cast %add3A_286 : i32 to index
          %get3A_288 = tpu.vector_load %arg10[%get3A_287] {strides = array<i32>} : memref<8192xf32, #tpu.memory_space<vmem>>, vector<16xf32>,
          %mul3A_289 = arith.constant 1024 : i32
          %mul3A_290 = arith.muli %scan3A_200, %mul3A_289 : i32
          %add3A_291 = arith.constant 112 : i32
          %add3A_292 = arith.addi %mul3A_290, %add3A_291 : i32
          %swap3A_293 = arith.index_cast %add3A_292 : i32 to index
          %swap3A_294 = tpu.vector_load %arg14[%swap3A_293] {strides = array<i32>} : memref<16384xf32, #tpu.memory_space<vmem>>, vector<16xf32>,
          tpu.vector_store %arg14[%swap3A_293], %get3A_288 {strides = array<i32>} : memref<16384xf32, #tpu.memory_space<vmem>>, vector<16xf32>,
          %mul3A_295 = arith.constant 512 : i32
          %mul3A_296 = arith.muli %scan3A_200, %mul3A_295 : i32
          %add3A_297 = arith.constant 128 : i32
          %add3A_298 = arith.addi %mul3A_296, %add3A_297 : i32
          %get3A_299 = arith.index_cast %add3A_298 : i32 to index
          %get3A_300 = tpu.vector_load %arg10[%get3A_299] {strides = array<i32>} : memref<8192xf32, #tpu.memory_space<vmem>>, vector<16xf32>,
          %mul3A_301 = arith.constant 1024 : i32
          %mul3A_302 = arith.muli %scan3A_200, %mul3A_301 : i32
          %add3A_303 = arith.constant 128 : i32
          %add3A_304 = arith.addi %mul3A_302, %add3A_303 : i32
          %swap3A_305 = arith.index_cast %add3A_304 : i32 to index
          %swap3A_306 = tpu.vector_load %arg14[%swap3A_305] {strides = array<i32>} : memref<16384xf32, #tpu.memory_space<vmem>>, vector<16xf32>,
          tpu.vector_store %arg14[%swap3A_305], %get3A_300 {strides = array<i32>} : memref<16384xf32, #tpu.memory_space<vmem>>, vector<16xf32>,
          %mul3A_307 = arith.constant 512 : i32
          %mul3A_308 = arith.muli %scan3A_200, %mul3A_307 : i32
          %add3A_309 = arith.constant 144 : i32
          %add3A_310 = arith.addi %mul3A_308, %add3A_309 : i32
          %get3A_311 = arith.index_cast %add3A_310 : i32 to index
          %get3A_312 = tpu.vector_load %arg10[%get3A_311] {strides = array<i32>} : memref<8192xf32, #tpu.memory_space<vmem>>, vector<16xf32>,
          %mul3A_313 = arith.constant 1024 : i32
          %mul3A_314 = arith.muli %scan3A_200, %mul3A_313 : i32
          %add3A_315 = arith.constant 144 : i32
          %add3A_316 = arith.addi %mul3A_314, %add3A_315 : i32
          %swap3A_317 = arith.index_cast %add3A_316 : i32 to index
          %swap3A_318 = tpu.vector_load %arg14[%swap3A_317] {strides = array<i32>} : memref<16384xf32, #tpu.memory_space<vmem>>, vector<16xf32>,
          tpu.vector_store %arg14[%swap3A_317], %get3A_312 {strides = array<i32>} : memref<16384xf32, #tpu.memory_space<vmem>>, vector<16xf32>,
          %mul3A_319 = arith.constant 512 : i32
          %mul3A_320 = arith.muli %scan3A_200, %mul3A_319 : i32
          %add3A_321 = arith.constant 160 : i32
          %add3A_322 = arith.addi %mul3A_320, %add3A_321 : i32
          %get3A_323 = arith.index_cast %add3A_322 : i32 to index
          %get3A_324 = tpu.vector_load %arg10[%get3A_323] {strides = array<i32>} : memref<8192xf32, #tpu.memory_space<vmem>>, vector<16xf32>,
          %mul3A_325 = arith.constant 1024 : i32
          %mul3A_326 = arith.muli %scan3A_200, %mul3A_325 : i32
          %add3A_327 = arith.constant 160 : i32
          %add3A_328 = arith.addi %mul3A_326, %add3A_327 : i32
          %swap3A_329 = arith.index_cast %add3A_328 : i32 to index
          %swap3A_330 = tpu.vector_load %arg14[%swap3A_329] {strides = array<i32>} : memref<16384xf32, #tpu.memory_space<vmem>>, vector<16xf32>,
          tpu.vector_store %arg14[%swap3A_329], %get3A_324 {strides = array<i32>} : memref<16384xf32, #tpu.memory_space<vmem>>, vector<16xf32>,
          %mul3A_331 = arith.constant 512 : i32
          %mul3A_332 = arith.muli %scan3A_200, %mul3A_331 : i32
          %add3A_333 = arith.constant 176 : i32
          %add3A_334 = arith.addi %mul3A_332, %add3A_333 : i32
          %get3A_335 = arith.index_cast %add3A_334 : i32 to index
          %get3A_336 = tpu.vector_load %arg10[%get3A_335] {strides = array<i32>} : memref<8192xf32, #tpu.memory_space<vmem>>, vector<16xf32>,
          %mul3A_337 = arith.constant 1024 : i32
          %mul3A_338 = arith.muli %scan3A_200, %mul3A_337 : i32
          %add3A_339 = arith.constant 176 : i32
          %add3A_340 = arith.addi %mul3A_338, %add3A_339 : i32
          %swap3A_341 = arith.index_cast %add3A_340 : i32 to index
          %swap3A_342 = tpu.vector_load %arg14[%swap3A_341] {strides = array<i32>} : memref<16384xf32, #tpu.memory_space<vmem>>, vector<16xf32>,
          tpu.vector_store %arg14[%swap3A_341], %get3A_336 {strides = array<i32>} : memref<16384xf32, #tpu.memory_space<vmem>>, vector<16xf32>,
          %mul3A_343 = arith.constant 512 : i32
          %mul3A_344 = arith.muli %scan3A_200, %mul3A_343 : i32
          %add3A_345 = arith.constant 192 : i32
          %add3A_346 = arith.addi %mul3A_344, %add3A_345 : i32
          %get3A_347 = arith.index_cast %add3A_346 : i32 to index
          %get3A_348 = tpu.vector_load %arg10[%get3A_347] {strides = array<i32>} : memref<8192xf32, #tpu.memory_space<vmem>>, vector<16xf32>,
          %mul3A_349 = arith.constant 1024 : i32
          %mul3A_350 = arith.muli %scan3A_200, %mul3A_349 : i32
          %add3A_351 = arith.constant 192 : i32
          %add3A_352 = arith.addi %mul3A_350, %add3A_351 : i32
          %swap3A_353 = arith.index_cast %add3A_352 : i32 to index
          %swap3A_354 = tpu.vector_load %arg14[%swap3A_353] {strides = array<i32>} : memref<16384xf32, #tpu.memory_space<vmem>>, vector<16xf32>,
          tpu.vector_store %arg14[%swap3A_353], %get3A_348 {strides = array<i32>} : memref<16384xf32, #tpu.memory_space<vmem>>, vector<16xf32>,
          %mul3A_355 = arith.constant 512 : i32
          %mul3A_356 = arith.muli %scan3A_200, %mul3A_355 : i32
          %add3A_357 = arith.constant 208 : i32
          %add3A_358 = arith.addi %mul3A_356, %add3A_357 : i32
          %get3A_359 = arith.index_cast %add3A_358 : i32 to index
          %get3A_360 = tpu.vector_load %arg10[%get3A_359] {strides = array<i32>} : memref<8192xf32, #tpu.memory_space<vmem>>, vector<16xf32>,
          %mul3A_361 = arith.constant 1024 : i32
          %mul3A_362 = arith.muli %scan3A_200, %mul3A_361 : i32
          %add3A_363 = arith.constant 208 : i32
          %add3A_364 = arith.addi %mul3A_362, %add3A_363 : i32
          %swap3A_365 = arith.index_cast %add3A_364 : i32 to index
          %swap3A_366 = tpu.vector_load %arg14[%swap3A_365] {strides = array<i32>} : memref<16384xf32, #tpu.memory_space<vmem>>, vector<16xf32>,
          tpu.vector_store %arg14[%swap3A_365], %get3A_360 {strides = array<i32>} : memref<16384xf32, #tpu.memory_space<vmem>>, vector<16xf32>,
          %mul3A_367 = arith.constant 512 : i32
          %mul3A_368 = arith.muli %scan3A_200, %mul3A_367 : i32
          %add3A_369 = arith.constant 224 : i32
          %add3A_370 = arith.addi %mul3A_368, %add3A_369 : i32
          %get3A_371 = arith.index_cast %add3A_370 : i32 to index
          %get3A_372 = tpu.vector_load %arg10[%get3A_371] {strides = array<i32>} : memref<8192xf32, #tpu.memory_space<vmem>>, vector<16xf32>,
          %mul3A_373 = arith.constant 1024 : i32
          %mul3A_374 = arith.muli %scan3A_200, %mul3A_373 : i32
          %add3A_375 = arith.constant 224 : i32
          %add3A_376 = arith.addi %mul3A_374, %add3A_375 : i32
          %swap3A_377 = arith.index_cast %add3A_376 : i32 to index
          %swap3A_378 = tpu.vector_load %arg14[%swap3A_377] {strides = array<i32>} : memref<16384xf32, #tpu.memory_space<vmem>>, vector<16xf32>,
          tpu.vector_store %arg14[%swap3A_377], %get3A_372 {strides = array<i32>} : memref<16384xf32, #tpu.memory_space<vmem>>, vector<16xf32>,
          %mul3A_379 = arith.constant 512 : i32
          %mul3A_380 = arith.muli %scan3A_200, %mul3A_379 : i32
          %add3A_381 = arith.constant 240 : i32
          %add3A_382 = arith.addi %mul3A_380, %add3A_381 : i32
          %get3A_383 = arith.index_cast %add3A_382 : i32 to index
          %get3A_384 = tpu.vector_load %arg10[%get3A_383] {strides = array<i32>} : memref<8192xf32, #tpu.memory_space<vmem>>, vector<16xf32>,
          %mul3A_385 = arith.constant 1024 : i32
          %mul3A_386 = arith.muli %scan3A_200, %mul3A_385 : i32
          %add3A_387 = arith.constant 240 : i32
          %add3A_388 = arith.addi %mul3A_386, %add3A_387 : i32
          %swap3A_389 = arith.index_cast %add3A_388 : i32 to index
          %swap3A_390 = tpu.vector_load %arg14[%swap3A_389] {strides = array<i32>} : memref<16384xf32, #tpu.memory_space<vmem>>, vector<16xf32>,
          tpu.vector_store %arg14[%swap3A_389], %get3A_384 {strides = array<i32>} : memref<16384xf32, #tpu.memory_space<vmem>>, vector<16xf32>,
          %mul3A_391 = arith.constant 512 : i32
          %mul3A_392 = arith.muli %scan3A_200, %mul3A_391 : i32
          %add3A_393 = arith.constant 256 : i32
          %add3A_394 = arith.addi %mul3A_392, %add3A_393 : i32
          %get3A_395 = arith.index_cast %add3A_394 : i32 to index
          %get3A_396 = tpu.vector_load %arg10[%get3A_395] {strides = array<i32>} : memref<8192xf32, #tpu.memory_space<vmem>>, vector<16xf32>,
          %mul3A_397 = arith.constant 1024 : i32
          %mul3A_398 = arith.muli %scan3A_200, %mul3A_397 : i32
          %add3A_399 = arith.constant 256 : i32
          %add3A_400 = arith.addi %mul3A_398, %add3A_399 : i32
          %swap3A_401 = arith.index_cast %add3A_400 : i32 to index
          %swap3A_402 = tpu.vector_load %arg14[%swap3A_401] {strides = array<i32>} : memref<16384xf32, #tpu.memory_space<vmem>>, vector<16xf32>,
          tpu.vector_store %arg14[%swap3A_401], %get3A_396 {strides = array<i32>} : memref<16384xf32, #tpu.memory_space<vmem>>, vector<16xf32>,
          %mul3A_403 = arith.constant 512 : i32
          %mul3A_404 = arith.muli %scan3A_200, %mul3A_403 : i32
          %add3A_405 = arith.constant 272 : i32
          %add3A_406 = arith.addi %mul3A_404, %add3A_405 : i32
          %get3A_407 = arith.index_cast %add3A_406 : i32 to index
          %get3A_408 = tpu.vector_load %arg10[%get3A_407] {strides = array<i32>} : memref<8192xf32, #tpu.memory_space<vmem>>, vector<16xf32>,
          %mul3A_409 = arith.constant 1024 : i32
          %mul3A_410 = arith.muli %scan3A_200, %mul3A_409 : i32
          %add3A_411 = arith.constant 272 : i32
          %add3A_412 = arith.addi %mul3A_410, %add3A_411 : i32
          %swap3A_413 = arith.index_cast %add3A_412 : i32 to index
          %swap3A_414 = tpu.vector_load %arg14[%swap3A_413] {strides = array<i32>} : memref<16384xf32, #tpu.memory_space<vmem>>, vector<16xf32>,
          tpu.vector_store %arg14[%swap3A_413], %get3A_408 {strides = array<i32>} : memref<16384xf32, #tpu.memory_space<vmem>>, vector<16xf32>,
          %mul3A_415 = arith.constant 512 : i32
          %mul3A_416 = arith.muli %scan3A_200, %mul3A_415 : i32
          %add3A_417 = arith.constant 288 : i32
          %add3A_418 = arith.addi %mul3A_416, %add3A_417 : i32
          %get3A_419 = arith.index_cast %add3A_418 : i32 to index
          %get3A_420 = tpu.vector_load %arg10[%get3A_419] {strides = array<i32>} : memref<8192xf32, #tpu.memory_space<vmem>>, vector<16xf32>,
          %mul3A_421 = arith.constant 1024 : i32
          %mul3A_422 = arith.muli %scan3A_200, %mul3A_421 : i32
          %add3A_423 = arith.constant 288 : i32
          %add3A_424 = arith.addi %mul3A_422, %add3A_423 : i32
          %swap3A_425 = arith.index_cast %add3A_424 : i32 to index
          %swap3A_426 = tpu.vector_load %arg14[%swap3A_425] {strides = array<i32>} : memref<16384xf32, #tpu.memory_space<vmem>>, vector<16xf32>,
          tpu.vector_store %arg14[%swap3A_425], %get3A_420 {strides = array<i32>} : memref<16384xf32, #tpu.memory_space<vmem>>, vector<16xf32>,
          %mul3A_427 = arith.constant 512 : i32
          %mul3A_428 = arith.muli %scan3A_200, %mul3A_427 : i32
          %add3A_429 = arith.constant 304 : i32
          %add3A_430 = arith.addi %mul3A_428, %add3A_429 : i32
          %get3A_431 = arith.index_cast %add3A_430 : i32 to index
          %get3A_432 = tpu.vector_load %arg10[%get3A_431] {strides = array<i32>} : memref<8192xf32, #tpu.memory_space<vmem>>, vector<16xf32>,
          %mul3A_433 = arith.constant 1024 : i32
          %mul3A_434 = arith.muli %scan3A_200, %mul3A_433 : i32
          %add3A_435 = arith.constant 304 : i32
          %add3A_436 = arith.addi %mul3A_434, %add3A_435 : i32
          %swap3A_437 = arith.index_cast %add3A_436 : i32 to index
          %swap3A_438 = tpu.vector_load %arg14[%swap3A_437] {strides = array<i32>} : memref<16384xf32, #tpu.memory_space<vmem>>, vector<16xf32>,
          tpu.vector_store %arg14[%swap3A_437], %get3A_432 {strides = array<i32>} : memref<16384xf32, #tpu.memory_space<vmem>>, vector<16xf32>,
          %mul3A_439 = arith.constant 512 : i32
          %mul3A_440 = arith.muli %scan3A_200, %mul3A_439 : i32
          %add3A_441 = arith.constant 320 : i32
          %add3A_442 = arith.addi %mul3A_440, %add3A_441 : i32
          %get3A_443 = arith.index_cast %add3A_442 : i32 to index
          %get3A_444 = tpu.vector_load %arg10[%get3A_443] {strides = array<i32>} : memref<8192xf32, #tpu.memory_space<vmem>>, vector<16xf32>,
          %mul3A_445 = arith.constant 1024 : i32
          %mul3A_446 = arith.muli %scan3A_200, %mul3A_445 : i32
          %add3A_447 = arith.constant 320 : i32
          %add3A_448 = arith.addi %mul3A_446, %add3A_447 : i32
          %swap3A_449 = arith.index_cast %add3A_448 : i32 to index
          %swap3A_450 = tpu.vector_load %arg14[%swap3A_449] {strides = array<i32>} : memref<16384xf32, #tpu.memory_space<vmem>>, vector<16xf32>,
          tpu.vector_store %arg14[%swap3A_449], %get3A_444 {strides = array<i32>} : memref<16384xf32, #tpu.memory_space<vmem>>, vector<16xf32>,
          %mul3A_451 = arith.constant 512 : i32
          %mul3A_452 = arith.muli %scan3A_200, %mul3A_451 : i32
          %add3A_453 = arith.constant 336 : i32
          %add3A_454 = arith.addi %mul3A_452, %add3A_453 : i32
          %get3A_455 = arith.index_cast %add3A_454 : i32 to index
          %get3A_456 = tpu.vector_load %arg10[%get3A_455] {strides = array<i32>} : memref<8192xf32, #tpu.memory_space<vmem>>, vector<16xf32>,
          %mul3A_457 = arith.constant 1024 : i32
          %mul3A_458 = arith.muli %scan3A_200, %mul3A_457 : i32
          %add3A_459 = arith.constant 336 : i32
          %add3A_460 = arith.addi %mul3A_458, %add3A_459 : i32
          %swap3A_461 = arith.index_cast %add3A_460 : i32 to index
          %swap3A_462 = tpu.vector_load %arg14[%swap3A_461] {strides = array<i32>} : memref<16384xf32, #tpu.memory_space<vmem>>, vector<16xf32>,
          tpu.vector_store %arg14[%swap3A_461], %get3A_456 {strides = array<i32>} : memref<16384xf32, #tpu.memory_space<vmem>>, vector<16xf32>,
          %mul3A_463 = arith.constant 512 : i32
          %mul3A_464 = arith.muli %scan3A_200, %mul3A_463 : i32
          %add3A_465 = arith.constant 352 : i32
          %add3A_466 = arith.addi %mul3A_464, %add3A_465 : i32
          %get3A_467 = arith.index_cast %add3A_466 : i32 to index
          %get3A_468 = tpu.vector_load %arg10[%get3A_467] {strides = array<i32>} : memref<8192xf32, #tpu.memory_space<vmem>>, vector<16xf32>,
          %mul3A_469 = arith.constant 1024 : i32
          %mul3A_470 = arith.muli %scan3A_200, %mul3A_469 : i32
          %add3A_471 = arith.constant 352 : i32
          %add3A_472 = arith.addi %mul3A_470, %add3A_471 : i32
          %swap3A_473 = arith.index_cast %add3A_472 : i32 to index
          %swap3A_474 = tpu.vector_load %arg14[%swap3A_473] {strides = array<i32>} : memref<16384xf32, #tpu.memory_space<vmem>>, vector<16xf32>,
          tpu.vector_store %arg14[%swap3A_473], %get3A_468 {strides = array<i32>} : memref<16384xf32, #tpu.memory_space<vmem>>, vector<16xf32>,
          %mul3A_475 = arith.constant 512 : i32
          %mul3A_476 = arith.muli %scan3A_200, %mul3A_475 : i32
          %add3A_477 = arith.constant 368 : i32
          %add3A_478 = arith.addi %mul3A_476, %add3A_477 : i32
          %get3A_479 = arith.index_cast %add3A_478 : i32 to index
          %get3A_480 = tpu.vector_load %arg10[%get3A_479] {strides = array<i32>} : memref<8192xf32, #tpu.memory_space<vmem>>, vector<16xf32>,
          %mul3A_481 = arith.constant 1024 : i32
          %mul3A_482 = arith.muli %scan3A_200, %mul3A_481 : i32
          %add3A_483 = arith.constant 368 : i32
          %add3A_484 = arith.addi %mul3A_482, %add3A_483 : i32
          %swap3A_485 = arith.index_cast %add3A_484 : i32 to index
          %swap3A_486 = tpu.vector_load %arg14[%swap3A_485] {strides = array<i32>} : memref<16384xf32, #tpu.memory_space<vmem>>, vector<16xf32>,
          tpu.vector_store %arg14[%swap3A_485], %get3A_480 {strides = array<i32>} : memref<16384xf32, #tpu.memory_space<vmem>>, vector<16xf32>,
          %mul3A_487 = arith.constant 512 : i32
          %mul3A_488 = arith.muli %scan3A_200, %mul3A_487 : i32
          %add3A_489 = arith.constant 384 : i32
          %add3A_490 = arith.addi %mul3A_488, %add3A_489 : i32
          %get3A_491 = arith.index_cast %add3A_490 : i32 to index
          %get3A_492 = tpu.vector_load %arg10[%get3A_491] {strides = array<i32>} : memref<8192xf32, #tpu.memory_space<vmem>>, vector<16xf32>,
          %mul3A_493 = arith.constant 1024 : i32
          %mul3A_494 = arith.muli %scan3A_200, %mul3A_493 : i32
          %add3A_495 = arith.constant 384 : i32
          %add3A_496 = arith.addi %mul3A_494, %add3A_495 : i32
          %swap3A_497 = arith.index_cast %add3A_496 : i32 to index
          %swap3A_498 = tpu.vector_load %arg14[%swap3A_497] {strides = array<i32>} : memref<16384xf32, #tpu.memory_space<vmem>>, vector<16xf32>,
          tpu.vector_store %arg14[%swap3A_497], %get3A_492 {strides = array<i32>} : memref<16384xf32, #tpu.memory_space<vmem>>, vector<16xf32>,
          %mul3A_499 = arith.constant 512 : i32
          %mul3A_500 = arith.muli %scan3A_200, %mul3A_499 : i32
          %add3A_501 = arith.constant 400 : i32
          %add3A_502 = arith.addi %mul3A_500, %add3A_501 : i32
          %get3A_503 = arith.index_cast %add3A_502 : i32 to index
          %get3A_504 = tpu.vector_load %arg10[%get3A_503] {strides = array<i32>} : memref<8192xf32, #tpu.memory_space<vmem>>, vector<16xf32>,
          %mul3A_505 = arith.constant 1024 : i32
          %mul3A_506 = arith.muli %scan3A_200, %mul3A_505 : i32
          %add3A_507 = arith.constant 400 : i32
          %add3A_508 = arith.addi %mul3A_506, %add3A_507 : i32
          %swap3A_509 = arith.index_cast %add3A_508 : i32 to index
          %swap3A_510 = tpu.vector_load %arg14[%swap3A_509] {strides = array<i32>} : memref<16384xf32, #tpu.memory_space<vmem>>, vector<16xf32>,
          tpu.vector_store %arg14[%swap3A_509], %get3A_504 {strides = array<i32>} : memref<16384xf32, #tpu.memory_space<vmem>>, vector<16xf32>,
          %mul3A_511 = arith.constant 512 : i32
          %mul3A_512 = arith.muli %scan3A_200, %mul3A_511 : i32
          %add3A_513 = arith.constant 416 : i32
          %add3A_514 = arith.addi %mul3A_512, %add3A_513 : i32
          %get3A_515 = arith.index_cast %add3A_514 : i32 to index
          %get3A_516 = tpu.vector_load %arg10[%get3A_515] {strides = array<i32>} : memref<8192xf32, #tpu.memory_space<vmem>>, vector<16xf32>,
          %mul3A_517 = arith.constant 1024 : i32
          %mul3A_518 = arith.muli %scan3A_200, %mul3A_517 : i32
          %add3A_519 = arith.constant 416 : i32
          %add3A_520 = arith.addi %mul3A_518, %add3A_519 : i32
          %swap3A_521 = arith.index_cast %add3A_520 : i32 to index
          %swap3A_522 = tpu.vector_load %arg14[%swap3A_521] {strides = array<i32>} : memref<16384xf32, #tpu.memory_space<vmem>>, vector<16xf32>,
          tpu.vector_store %arg14[%swap3A_521], %get3A_516 {strides = array<i32>} : memref<16384xf32, #tpu.memory_space<vmem>>, vector<16xf32>,
          %mul3A_523 = arith.constant 512 : i32
          %mul3A_524 = arith.muli %scan3A_200, %mul3A_523 : i32
          %add3A_525 = arith.constant 432 : i32
          %add3A_526 = arith.addi %mul3A_524, %add3A_525 : i32
          %get3A_527 = arith.index_cast %add3A_526 : i32 to index
          %get3A_528 = tpu.vector_load %arg10[%get3A_527] {strides = array<i32>} : memref<8192xf32, #tpu.memory_space<vmem>>, vector<16xf32>,
          %mul3A_529 = arith.constant 1024 : i32
          %mul3A_530 = arith.muli %scan3A_200, %mul3A_529 : i32
          %add3A_531 = arith.constant 432 : i32
          %add3A_532 = arith.addi %mul3A_530, %add3A_531 : i32
          %swap3A_533 = arith.index_cast %add3A_532 : i32 to index
          %swap3A_534 = tpu.vector_load %arg14[%swap3A_533] {strides = array<i32>} : memref<16384xf32, #tpu.memory_space<vmem>>, vector<16xf32>,
          tpu.vector_store %arg14[%swap3A_533], %get3A_528 {strides = array<i32>} : memref<16384xf32, #tpu.memory_space<vmem>>, vector<16xf32>,
          %mul3A_535 = arith.constant 512 : i32
          %mul3A_536 = arith.muli %scan3A_200, %mul3A_535 : i32
          %add3A_537 = arith.constant 448 : i32
          %add3A_538 = arith.addi %mul3A_536, %add3A_537 : i32
          %get3A_539 = arith.index_cast %add3A_538 : i32 to index
          %get3A_540 = tpu.vector_load %arg10[%get3A_539] {strides = array<i32>} : memref<8192xf32, #tpu.memory_space<vmem>>, vector<16xf32>,
          %mul3A_541 = arith.constant 1024 : i32
          %mul3A_542 = arith.muli %scan3A_200, %mul3A_541 : i32
          %add3A_543 = arith.constant 448 : i32
          %add3A_544 = arith.addi %mul3A_542, %add3A_543 : i32
          %swap3A_545 = arith.index_cast %add3A_544 : i32 to index
          %swap3A_546 = tpu.vector_load %arg14[%swap3A_545] {strides = array<i32>} : memref<16384xf32, #tpu.memory_space<vmem>>, vector<16xf32>,
          tpu.vector_store %arg14[%swap3A_545], %get3A_540 {strides = array<i32>} : memref<16384xf32, #tpu.memory_space<vmem>>, vector<16xf32>,
          %mul3A_547 = arith.constant 512 : i32
          %mul3A_548 = arith.muli %scan3A_200, %mul3A_547 : i32
          %add3A_549 = arith.constant 464 : i32
          %add3A_550 = arith.addi %mul3A_548, %add3A_549 : i32
          %get3A_551 = arith.index_cast %add3A_550 : i32 to index
          %get3A_552 = tpu.vector_load %arg10[%get3A_551] {strides = array<i32>} : memref<8192xf32, #tpu.memory_space<vmem>>, vector<16xf32>,
          %mul3A_553 = arith.constant 1024 : i32
          %mul3A_554 = arith.muli %scan3A_200, %mul3A_553 : i32
          %add3A_555 = arith.constant 464 : i32
          %add3A_556 = arith.addi %mul3A_554, %add3A_555 : i32
          %swap3A_557 = arith.index_cast %add3A_556 : i32 to index
          %swap3A_558 = tpu.vector_load %arg14[%swap3A_557] {strides = array<i32>} : memref<16384xf32, #tpu.memory_space<vmem>>, vector<16xf32>,
          tpu.vector_store %arg14[%swap3A_557], %get3A_552 {strides = array<i32>} : memref<16384xf32, #tpu.memory_space<vmem>>, vector<16xf32>,
          %mul3A_559 = arith.constant 512 : i32
          %mul3A_560 = arith.muli %scan3A_200, %mul3A_559 : i32
          %add3A_561 = arith.constant 480 : i32
          %add3A_562 = arith.addi %mul3A_560, %add3A_561 : i32
          %get3A_563 = arith.index_cast %add3A_562 : i32 to index
          %get3A_564 = tpu.vector_load %arg10[%get3A_563] {strides = array<i32>} : memref<8192xf32, #tpu.memory_space<vmem>>, vector<16xf32>,
          %mul3A_565 = arith.constant 1024 : i32
          %mul3A_566 = arith.muli %scan3A_200, %mul3A_565 : i32
          %add3A_567 = arith.constant 480 : i32
          %add3A_568 = arith.addi %mul3A_566, %add3A_567 : i32
          %swap3A_569 = arith.index_cast %add3A_568 : i32 to index
          %swap3A_570 = tpu.vector_load %arg14[%swap3A_569] {strides = array<i32>} : memref<16384xf32, #tpu.memory_space<vmem>>, vector<16xf32>,
          tpu.vector_store %arg14[%swap3A_569], %get3A_564 {strides = array<i32>} : memref<16384xf32, #tpu.memory_space<vmem>>, vector<16xf32>,
          %mul3A_571 = arith.constant 512 : i32
          %mul3A_572 = arith.muli %scan3A_200, %mul3A_571 : i32
          %add3A_573 = arith.constant 496 : i32
          %add3A_574 = arith.addi %mul3A_572, %add3A_573 : i32
          %get3A_575 = arith.index_cast %add3A_574 : i32 to index
          %get3A_576 = tpu.vector_load %arg10[%get3A_575] {strides = array<i32>} : memref<8192xf32, #tpu.memory_space<vmem>>, vector<16xf32>,
          %mul3A_577 = arith.constant 1024 : i32
          %mul3A_578 = arith.muli %scan3A_200, %mul3A_577 : i32
          %add3A_579 = arith.constant 496 : i32
          %add3A_580 = arith.addi %mul3A_578, %add3A_579 : i32
          %swap3A_581 = arith.index_cast %add3A_580 : i32 to index
          %swap3A_582 = tpu.vector_load %arg14[%swap3A_581] {strides = array<i32>} : memref<16384xf32, #tpu.memory_space<vmem>>, vector<16xf32>,
          tpu.vector_store %arg14[%swap3A_581], %get3A_576 {strides = array<i32>} : memref<16384xf32, #tpu.memory_space<vmem>>, vector<16xf32>,
        }
        %scan3A_179 = arith.constant 16 : i32
        %mul3A_180 = arith.constant 16 : i32
        %mul3A_181 = arith.muli %add3A_150, %mul3A_180 : i32
        %mul3A_182 = arith.constant 1024 : i32
        %mul3A_183 = arith.muli %mul3A_181, %mul3A_182 : i32
        %mul3A_184 = arith.constant 16 : i32
        %mul3A_185 = arith.muli %add3A_150, %mul3A_184 : i32
        %mul3A_186 = arith.constant 1024 : i32
        %mul3A_187 = arith.muli %mul3A_185, %mul3A_186 : i32
        %add3A_188 = arith.constant 51200000 : i32
        %add3A_189 = arith.addi %add3A_188, %mul3A_187 : i32
        %dma_start3A_190 = tpu.memref_slice %arg5[%mul3A_183] : memref<102400000xf32, #tpu.memory_space<hbm>> -> memref<16384xf32, #tpu.memory_space<hbm>>
        %dma_start3A_191 = tpu.memref_slice %arg5[%mul3A_183] : memref<102400000xf32, #tpu.memory_space<hbm>> -> memref<16384xf32, #tpu.memory_space<hbm>>
        tpu.enqueue_dma source(%arg12 : memref<16384xf32, #tpu.memory_space<vmem>>) target(%dma_start3A_191 : memref<16384xf32, #tpu.memory_space<hbm>>) target_semaphore(%arg20 : memref<!tpu.dma_semaphore, #tpu.memory_space<semaphore_mem>>)
        %dma_start3A_192 = tpu.memref_slice %arg5[%add3A_189] : memref<102400000xf32, #tpu.memory_space<hbm>> -> memref<16384xf32, #tpu.memory_space<hbm>>
        %dma_start3A_193 = tpu.memref_slice %arg5[%add3A_189] : memref<102400000xf32, #tpu.memory_space<hbm>> -> memref<16384xf32, #tpu.memory_space<hbm>>
        tpu.enqueue_dma source(%arg14 : memref<16384xf32, #tpu.memory_space<vmem>>) target(%dma_start3A_193 : memref<16384xf32, #tpu.memory_space<hbm>>) target_semaphore(%arg20 : memref<!tpu.dma_semaphore, #tpu.memory_space<semaphore_mem>>)
        %add3A_194 = arith.constant 2 : i32
        %add3A_195 = arith.addi %add3A_147, %add3A_194 : i32
        %lt3A_196 = arith.cmpi slt, %add3A_195, %select_n3A : i32
        %convert_element_type3A_197 = arith.extui %lt3A_196 : i1 to i32
        %cond3A_198 = arith.constant 0 : i32
        %cond3A_199 = arith.cmpi ne, %convert_element_type3A_197, %cond3A_198 : i32
        scf.if %cond3A_199 {
          %add3A_200 = arith.constant 64 : i32
          %add3A_201 = arith.addi %add3A_150, %add3A_200 : i32
          %mul3A_202 = arith.constant 2048 : i32
          %mul3A_203 = arith.muli %add3A_201, %mul3A_202 : i32
          %mul3A_204 = arith.constant 16 : i32
          %mul3A_205 = arith.muli %add3A_201, %mul3A_204 : i32
          %mul3A_206 = arith.constant 512 : i32
          %mul3A_207 = arith.muli %mul3A_205, %mul3A_206 : i32
          %dma_start3A_208 = tpu.memref_slice %arg2[%mul3A_203] : memref<6400000xi32, #tpu.memory_space<hbm>> -> memref<2048xi32, #tpu.memory_space<hbm>>
          %dma_start3A_209 = tpu.memref_slice %arg2[%mul3A_203] : memref<6400000xi32, #tpu.memory_space<hbm>> -> memref<2048xi32, #tpu.memory_space<hbm>>
          tpu.enqueue_dma source(%dma_start3A_209 : memref<2048xi32, #tpu.memory_space<hbm>>) target(%arg8 : memref<2048xi32, #tpu.memory_space<vmem>>) target_semaphore(%arg16 : memref<!tpu.dma_semaphore, #tpu.memory_space<semaphore_mem>>)
          %dma_start3A_210 = tpu.memref_slice %arg3[%mul3A_207] : memref<25600000xf32, #tpu.memory_space<hbm>> -> memref<8192xf32, #tpu.memory_space<hbm>>
          %dma_start3A_211 = tpu.memref_slice %arg3[%mul3A_207] : memref<25600000xf32, #tpu.memory_space<hbm>> -> memref<8192xf32, #tpu.memory_space<hbm>>
          tpu.enqueue_dma source(%dma_start3A_211 : memref<8192xf32, #tpu.memory_space<hbm>>) target(%arg10 : memref<8192xf32, #tpu.memory_space<vmem>>) target_semaphore(%arg18 : memref<!tpu.dma_semaphore, #tpu.memory_space<semaphore_mem>>)
        } else {
        }
      } else {
      }
    }
    %while3A_78 = arith.constant 1 : i32
    scf.for %while3A_134 = %while3A_76 to %while3A_72 step %while3A_78  : i32 {
      %mul3A_135 = arith.constant 2 : i32
      %mul3A_136 = arith.muli %mul3A_135, %while3A_134 : i32
      %add3A_137 = arith.constant 0 : i32
      %add3A_138 = arith.addi %mul3A_136, %add3A_137 : i32
      %mul3A_139 = arith.constant 32 : i32
      %mul3A_140 = arith.muli %add3A_138, %mul3A_139 : i32
      %add3A_141 = arith.addi %add3A, %mul3A_140 : i32
      %lt3A_142 = arith.cmpi slt, %add3A_138, %select_n3A : i32
      %convert_element_type3A = arith.extui %lt3A_142 : i1 to i32
      %cond3A = arith.constant 0 : i32
      %cond3A_143 = arith.cmpi ne, %convert_element_type3A, %cond3A : i32
      scf.if %cond3A_143 {
        %mul3A_155 = arith.constant 2048 : i32
        %mul3A_156 = arith.muli %add3A_141, %mul3A_155 : i32
        %mul3A_157 = arith.constant 16 : i32
        %mul3A_158 = arith.muli %add3A_141, %mul3A_157 : i32
        %mul3A_159 = arith.constant 512 : i32
        %mul3A_160 = arith.muli %mul3A_158, %mul3A_159 : i32
        %dma_wait3A_161 = tpu.memref_slice %arg2[%mul3A_156] : memref<6400000xi32, #tpu.memory_space<hbm>> -> memref<2048xi32, #tpu.memory_space<hbm>>
        %dma_wait3A_162 = tpu.memref_slice %arg2[%mul3A_156] : memref<6400000xi32, #tpu.memory_space<hbm>> -> memref<2048xi32, #tpu.memory_space<hbm>>
        tpu.wait_dma2 semaphore(%arg15 : memref<!tpu.dma_semaphore, #tpu.memory_space<semaphore_mem>>) src(%dma_wait3A_162 : memref<2048xi32, #tpu.memory_space<hbm>>) dst(%arg7 : memref<2048xi32, #tpu.memory_space<vmem>>)
        %ge3A = arith.constant 2 : i32
        %ge3A_163 = arith.cmpi sge, %add3A_138, %ge3A : i32
        %convert_element_type3A_164 = arith.extui %ge3A_163 : i1 to i32
        %cond3A_165 = arith.constant 0 : i32
        %cond3A_166 = arith.cmpi ne, %convert_element_type3A_164, %cond3A_165 : i32
        scf.if %cond3A_166 {
          %sub3A_200 = arith.constant 64 : i32
          %sub3A_201 = arith.subi %add3A_141, %sub3A_200 : i32
          %mul3A_202 = arith.constant 16 : i32
          %mul3A_203 = arith.muli %sub3A_201, %mul3A_202 : i32
          %mul3A_204 = arith.constant 1024 : i32
          %mul3A_205 = arith.muli %mul3A_203, %mul3A_204 : i32
          %mul3A_206 = arith.constant 16 : i32
          %mul3A_207 = arith.muli %sub3A_201, %mul3A_206 : i32
          %mul3A_208 = arith.constant 1024 : i32
          %mul3A_209 = arith.muli %mul3A_207, %mul3A_208 : i32
          %add3A_210 = arith.constant 51200000 : i32
          %add3A_211 = arith.addi %add3A_210, %mul3A_209 : i32
          %dma_wait3A_212 = tpu.memref_slice %arg5[%mul3A_205] : memref<102400000xf32, #tpu.memory_space<hbm>> -> memref<16384xf32, #tpu.memory_space<hbm>>
          %dma_wait3A_213 = tpu.memref_slice %arg5[%mul3A_205] : memref<102400000xf32, #tpu.memory_space<hbm>> -> memref<16384xf32, #tpu.memory_space<hbm>>
          tpu.wait_dma2 semaphore(%arg19 : memref<!tpu.dma_semaphore, #tpu.memory_space<semaphore_mem>>) src(%arg11 : memref<16384xf32, #tpu.memory_space<vmem>>) dst(%dma_wait3A_213 : memref<16384xf32, #tpu.memory_space<hbm>>)
          %dma_wait3A_214 = tpu.memref_slice %arg5[%add3A_211] : memref<102400000xf32, #tpu.memory_space<hbm>> -> memref<16384xf32, #tpu.memory_space<hbm>>
          %dma_wait3A_215 = tpu.memref_slice %arg5[%add3A_211] : memref<102400000xf32, #tpu.memory_space<hbm>> -> memref<16384xf32, #tpu.memory_space<hbm>>
          tpu.wait_dma2 semaphore(%arg19 : memref<!tpu.dma_semaphore, #tpu.memory_space<semaphore_mem>>) src(%arg13 : memref<16384xf32, #tpu.memory_space<vmem>>) dst(%dma_wait3A_215 : memref<16384xf32, #tpu.memory_space<hbm>>)
        } else {
        }
        %scan3A = arith.constant 0 : i32
        %scan3A_167 = arith.constant 0 : i32
        %scan3A_168 = arith.constant 16 : i32
        %scan3A_169 = arith.addi %scan3A_167, %scan3A_168 : i32
        %scan3A_170 = arith.constant 1 : i32
        scf.for %scan3A_200 = %scan3A_167 to %scan3A_169 step %scan3A_170  : i32 {
          %mul3A_201 = arith.constant 1024 : i32
          %mul3A_202 = arith.muli %scan3A_200, %mul3A_201 : i32
          %mul3A_203 = arith.constant 128 : i32
          %mul3A_204 = arith.muli %scan3A_200, %mul3A_203 : i32
          %add3A_205 = arith.constant 0 : i32
          %add3A_206 = arith.addi %mul3A_204, %add3A_205 : i32
          %get3A = arith.index_cast %add3A_206 : i32 to index
          %get3A_207 = tpu.vector_load %arg7[%get3A] {strides = array<i32>} : memref<2048xi32, #tpu.memory_space<vmem>>, vector<16xi32>,
          %add3A_208 = arith.constant 16 : i32
          %add3A_209 = arith.addi %mul3A_204, %add3A_208 : i32
          %get3A_210 = arith.index_cast %add3A_209 : i32 to index
          %get3A_211 = tpu.vector_load %arg7[%get3A_210] {strides = array<i32>} : memref<2048xi32, #tpu.memory_space<vmem>>, vector<16xi32>,
          %add3A_212 = arith.constant 32 : i32
          %add3A_213 = arith.addi %mul3A_204, %add3A_212 : i32
          %get3A_214 = arith.index_cast %add3A_213 : i32 to index
          %get3A_215 = tpu.vector_load %arg7[%get3A_214] {strides = array<i32>} : memref<2048xi32, #tpu.memory_space<vmem>>, vector<16xi32>,
          %add3A_216 = arith.constant 48 : i32
          %add3A_217 = arith.addi %mul3A_204, %add3A_216 : i32
          %get3A_218 = arith.index_cast %add3A_217 : i32 to index
          %get3A_219 = tpu.vector_load %arg7[%get3A_218] {strides = array<i32>} : memref<2048xi32, #tpu.memory_space<vmem>>, vector<16xi32>,
          %add3A_220 = arith.constant 64 : i32
          %add3A_221 = arith.addi %mul3A_204, %add3A_220 : i32
          %get3A_222 = arith.index_cast %add3A_221 : i32 to index
          %get3A_223 = tpu.vector_load %arg7[%get3A_222] {strides = array<i32>} : memref<2048xi32, #tpu.memory_space<vmem>>, vector<16xi32>,
          %add3A_224 = arith.constant 80 : i32
          %add3A_225 = arith.addi %mul3A_204, %add3A_224 : i32
          %get3A_226 = arith.index_cast %add3A_225 : i32 to index
          %get3A_227 = tpu.vector_load %arg7[%get3A_226] {strides = array<i32>} : memref<2048xi32, #tpu.memory_space<vmem>>, vector<16xi32>,
          %add3A_228 = arith.constant 96 : i32
          %add3A_229 = arith.addi %mul3A_204, %add3A_228 : i32
          %get3A_230 = arith.index_cast %add3A_229 : i32 to index
          %get3A_231 = tpu.vector_load %arg7[%get3A_230] {strides = array<i32>} : memref<2048xi32, #tpu.memory_space<vmem>>, vector<16xi32>,
          %add3A_232 = arith.constant 112 : i32
          %add3A_233 = arith.addi %mul3A_204, %add3A_232 : i32
          %get3A_234 = arith.index_cast %add3A_233 : i32 to index
          %get3A_235 = tpu.vector_load %arg7[%get3A_234] {strides = array<i32>} : memref<2048xi32, #tpu.memory_space<vmem>>, vector<16xi32>,
          %gather3A = arith.constant 0 : i32
          %gather3A_236 = tpu.memref_slice %arg6[%gather3A] : memref<128xf32, #tpu.memory_space<vmem>> -> memref<16xf32, #tpu.memory_space<vmem>>
          %gather3A_237 = tpu.vector_load_idx %gather3A_236[%get3A_207] : memref<16xf32, #tpu.memory_space<vmem>>[vector<16xi32>], vector<16xf32>,
          %add3A_238 = arith.constant 0 : i32
          %add3A_239 = arith.addi %mul3A_202, %add3A_238 : i32
          %add3A_240 = arith.constant 0 : i32
          %add3A_241 = arith.addi %add3A_239, %add3A_240 : i32
          %swap3A = arith.index_cast %add3A_241 : i32 to index
          %swap3A_242 = tpu.vector_load %arg11[%swap3A] {strides = array<i32>} : memref<16384xf32, #tpu.memory_space<vmem>>, vector<16xf32>,
          tpu.vector_store %arg11[%swap3A], %gather3A_237 {strides = array<i32>} : memref<16384xf32, #tpu.memory_space<vmem>>, vector<16xf32>,
          %gather3A_243 = arith.constant 0 : i32
          %gather3A_244 = tpu.memref_slice %arg6[%gather3A_243] : memref<128xf32, #tpu.memory_space<vmem>> -> memref<16xf32, #tpu.memory_space<vmem>>
          %gather3A_245 = tpu.vector_load_idx %gather3A_244[%get3A_211] : memref<16xf32, #tpu.memory_space<vmem>>[vector<16xi32>], vector<16xf32>,
          %add3A_246 = arith.constant 0 : i32
          %add3A_247 = arith.addi %mul3A_202, %add3A_246 : i32
          %add3A_248 = arith.constant 16 : i32
          %add3A_249 = arith.addi %add3A_247, %add3A_248 : i32
          %swap3A_250 = arith.index_cast %add3A_249 : i32 to index
          %swap3A_251 = tpu.vector_load %arg11[%swap3A_250] {strides = array<i32>} : memref<16384xf32, #tpu.memory_space<vmem>>, vector<16xf32>,
          tpu.vector_store %arg11[%swap3A_250], %gather3A_245 {strides = array<i32>} : memref<16384xf32, #tpu.memory_space<vmem>>, vector<16xf32>,
          %gather3A_252 = arith.constant 0 : i32
          %gather3A_253 = tpu.memref_slice %arg6[%gather3A_252] : memref<128xf32, #tpu.memory_space<vmem>> -> memref<16xf32, #tpu.memory_space<vmem>>
          %gather3A_254 = tpu.vector_load_idx %gather3A_253[%get3A_215] : memref<16xf32, #tpu.memory_space<vmem>>[vector<16xi32>], vector<16xf32>,
          %add3A_255 = arith.constant 0 : i32
          %add3A_256 = arith.addi %mul3A_202, %add3A_255 : i32
          %add3A_257 = arith.constant 32 : i32
          %add3A_258 = arith.addi %add3A_256, %add3A_257 : i32
          %swap3A_259 = arith.index_cast %add3A_258 : i32 to index
          %swap3A_260 = tpu.vector_load %arg11[%swap3A_259] {strides = array<i32>} : memref<16384xf32, #tpu.memory_space<vmem>>, vector<16xf32>,
          tpu.vector_store %arg11[%swap3A_259], %gather3A_254 {strides = array<i32>} : memref<16384xf32, #tpu.memory_space<vmem>>, vector<16xf32>,
          %gather3A_261 = arith.constant 0 : i32
          %gather3A_262 = tpu.memref_slice %arg6[%gather3A_261] : memref<128xf32, #tpu.memory_space<vmem>> -> memref<16xf32, #tpu.memory_space<vmem>>
          %gather3A_263 = tpu.vector_load_idx %gather3A_262[%get3A_219] : memref<16xf32, #tpu.memory_space<vmem>>[vector<16xi32>], vector<16xf32>,
          %add3A_264 = arith.constant 0 : i32
          %add3A_265 = arith.addi %mul3A_202, %add3A_264 : i32
          %add3A_266 = arith.constant 48 : i32
          %add3A_267 = arith.addi %add3A_265, %add3A_266 : i32
          %swap3A_268 = arith.index_cast %add3A_267 : i32 to index
          %swap3A_269 = tpu.vector_load %arg11[%swap3A_268] {strides = array<i32>} : memref<16384xf32, #tpu.memory_space<vmem>>, vector<16xf32>,
          tpu.vector_store %arg11[%swap3A_268], %gather3A_263 {strides = array<i32>} : memref<16384xf32, #tpu.memory_space<vmem>>, vector<16xf32>,
          %gather3A_270 = arith.constant 0 : i32
          %gather3A_271 = tpu.memref_slice %arg6[%gather3A_270] : memref<128xf32, #tpu.memory_space<vmem>> -> memref<16xf32, #tpu.memory_space<vmem>>
          %gather3A_272 = tpu.vector_load_idx %gather3A_271[%get3A_223] : memref<16xf32, #tpu.memory_space<vmem>>[vector<16xi32>], vector<16xf32>,
          %add3A_273 = arith.constant 0 : i32
          %add3A_274 = arith.addi %mul3A_202, %add3A_273 : i32
          %add3A_275 = arith.constant 64 : i32
          %add3A_276 = arith.addi %add3A_274, %add3A_275 : i32
          %swap3A_277 = arith.index_cast %add3A_276 : i32 to index
          %swap3A_278 = tpu.vector_load %arg11[%swap3A_277] {strides = array<i32>} : memref<16384xf32, #tpu.memory_space<vmem>>, vector<16xf32>,
          tpu.vector_store %arg11[%swap3A_277], %gather3A_272 {strides = array<i32>} : memref<16384xf32, #tpu.memory_space<vmem>>, vector<16xf32>,
          %gather3A_279 = arith.constant 0 : i32
          %gather3A_280 = tpu.memref_slice %arg6[%gather3A_279] : memref<128xf32, #tpu.memory_space<vmem>> -> memref<16xf32, #tpu.memory_space<vmem>>
          %gather3A_281 = tpu.vector_load_idx %gather3A_280[%get3A_227] : memref<16xf32, #tpu.memory_space<vmem>>[vector<16xi32>], vector<16xf32>,
          %add3A_282 = arith.constant 0 : i32
          %add3A_283 = arith.addi %mul3A_202, %add3A_282 : i32
          %add3A_284 = arith.constant 80 : i32
          %add3A_285 = arith.addi %add3A_283, %add3A_284 : i32
          %swap3A_286 = arith.index_cast %add3A_285 : i32 to index
          %swap3A_287 = tpu.vector_load %arg11[%swap3A_286] {strides = array<i32>} : memref<16384xf32, #tpu.memory_space<vmem>>, vector<16xf32>,
          tpu.vector_store %arg11[%swap3A_286], %gather3A_281 {strides = array<i32>} : memref<16384xf32, #tpu.memory_space<vmem>>, vector<16xf32>,
          %gather3A_288 = arith.constant 0 : i32
          %gather3A_289 = tpu.memref_slice %arg6[%gather3A_288] : memref<128xf32, #tpu.memory_space<vmem>> -> memref<16xf32, #tpu.memory_space<vmem>>
          %gather3A_290 = tpu.vector_load_idx %gather3A_289[%get3A_231] : memref<16xf32, #tpu.memory_space<vmem>>[vector<16xi32>], vector<16xf32>,
          %add3A_291 = arith.constant 0 : i32
          %add3A_292 = arith.addi %mul3A_202, %add3A_291 : i32
          %add3A_293 = arith.constant 96 : i32
          %add3A_294 = arith.addi %add3A_292, %add3A_293 : i32
          %swap3A_295 = arith.index_cast %add3A_294 : i32 to index
          %swap3A_296 = tpu.vector_load %arg11[%swap3A_295] {strides = array<i32>} : memref<16384xf32, #tpu.memory_space<vmem>>, vector<16xf32>,
          tpu.vector_store %arg11[%swap3A_295], %gather3A_290 {strides = array<i32>} : memref<16384xf32, #tpu.memory_space<vmem>>, vector<16xf32>,
          %gather3A_297 = arith.constant 0 : i32
          %gather3A_298 = tpu.memref_slice %arg6[%gather3A_297] : memref<128xf32, #tpu.memory_space<vmem>> -> memref<16xf32, #tpu.memory_space<vmem>>
          %gather3A_299 = tpu.vector_load_idx %gather3A_298[%get3A_235] : memref<16xf32, #tpu.memory_space<vmem>>[vector<16xi32>], vector<16xf32>,
          %add3A_300 = arith.constant 0 : i32
          %add3A_301 = arith.addi %mul3A_202, %add3A_300 : i32
          %add3A_302 = arith.constant 112 : i32
          %add3A_303 = arith.addi %add3A_301, %add3A_302 : i32
          %swap3A_304 = arith.index_cast %add3A_303 : i32 to index
          %swap3A_305 = tpu.vector_load %arg11[%swap3A_304] {strides = array<i32>} : memref<16384xf32, #tpu.memory_space<vmem>>, vector<16xf32>,
          tpu.vector_store %arg11[%swap3A_304], %gather3A_299 {strides = array<i32>} : memref<16384xf32, #tpu.memory_space<vmem>>, vector<16xf32>,
          %gather3A_306 = arith.constant 16 : i32
          %gather3A_307 = tpu.memref_slice %arg6[%gather3A_306] : memref<128xf32, #tpu.memory_space<vmem>> -> memref<16xf32, #tpu.memory_space<vmem>>
          %gather3A_308 = tpu.vector_load_idx %gather3A_307[%get3A_207] : memref<16xf32, #tpu.memory_space<vmem>>[vector<16xi32>], vector<16xf32>,
          %add3A_309 = arith.constant 128 : i32
          %add3A_310 = arith.addi %mul3A_202, %add3A_309 : i32
          %add3A_311 = arith.constant 0 : i32
          %add3A_312 = arith.addi %add3A_310, %add3A_311 : i32
          %swap3A_313 = arith.index_cast %add3A_312 : i32 to index
          %swap3A_314 = tpu.vector_load %arg11[%swap3A_313] {strides = array<i32>} : memref<16384xf32, #tpu.memory_space<vmem>>, vector<16xf32>,
          tpu.vector_store %arg11[%swap3A_313], %gather3A_308 {strides = array<i32>} : memref<16384xf32, #tpu.memory_space<vmem>>, vector<16xf32>,
          %gather3A_315 = arith.constant 16 : i32
          %gather3A_316 = tpu.memref_slice %arg6[%gather3A_315] : memref<128xf32, #tpu.memory_space<vmem>> -> memref<16xf32, #tpu.memory_space<vmem>>
          %gather3A_317 = tpu.vector_load_idx %gather3A_316[%get3A_211] : memref<16xf32, #tpu.memory_space<vmem>>[vector<16xi32>], vector<16xf32>,
          %add3A_318 = arith.constant 128 : i32
          %add3A_319 = arith.addi %mul3A_202, %add3A_318 : i32
          %add3A_320 = arith.constant 16 : i32
          %add3A_321 = arith.addi %add3A_319, %add3A_320 : i32
          %swap3A_322 = arith.index_cast %add3A_321 : i32 to index
          %swap3A_323 = tpu.vector_load %arg11[%swap3A_322] {strides = array<i32>} : memref<16384xf32, #tpu.memory_space<vmem>>, vector<16xf32>,
          tpu.vector_store %arg11[%swap3A_322], %gather3A_317 {strides = array<i32>} : memref<16384xf32, #tpu.memory_space<vmem>>, vector<16xf32>,
          %gather3A_324 = arith.constant 16 : i32
          %gather3A_325 = tpu.memref_slice %arg6[%gather3A_324] : memref<128xf32, #tpu.memory_space<vmem>> -> memref<16xf32, #tpu.memory_space<vmem>>
          %gather3A_326 = tpu.vector_load_idx %gather3A_325[%get3A_215] : memref<16xf32, #tpu.memory_space<vmem>>[vector<16xi32>], vector<16xf32>,
          %add3A_327 = arith.constant 128 : i32
          %add3A_328 = arith.addi %mul3A_202, %add3A_327 : i32
          %add3A_329 = arith.constant 32 : i32
          %add3A_330 = arith.addi %add3A_328, %add3A_329 : i32
          %swap3A_331 = arith.index_cast %add3A_330 : i32 to index
          %swap3A_332 = tpu.vector_load %arg11[%swap3A_331] {strides = array<i32>} : memref<16384xf32, #tpu.memory_space<vmem>>, vector<16xf32>,
          tpu.vector_store %arg11[%swap3A_331], %gather3A_326 {strides = array<i32>} : memref<16384xf32, #tpu.memory_space<vmem>>, vector<16xf32>,
          %gather3A_333 = arith.constant 16 : i32
          %gather3A_334 = tpu.memref_slice %arg6[%gather3A_333] : memref<128xf32, #tpu.memory_space<vmem>> -> memref<16xf32, #tpu.memory_space<vmem>>
          %gather3A_335 = tpu.vector_load_idx %gather3A_334[%get3A_219] : memref<16xf32, #tpu.memory_space<vmem>>[vector<16xi32>], vector<16xf32>,
          %add3A_336 = arith.constant 128 : i32
          %add3A_337 = arith.addi %mul3A_202, %add3A_336 : i32
          %add3A_338 = arith.constant 48 : i32
          %add3A_339 = arith.addi %add3A_337, %add3A_338 : i32
          %swap3A_340 = arith.index_cast %add3A_339 : i32 to index
          %swap3A_341 = tpu.vector_load %arg11[%swap3A_340] {strides = array<i32>} : memref<16384xf32, #tpu.memory_space<vmem>>, vector<16xf32>,
          tpu.vector_store %arg11[%swap3A_340], %gather3A_335 {strides = array<i32>} : memref<16384xf32, #tpu.memory_space<vmem>>, vector<16xf32>,
          %gather3A_342 = arith.constant 16 : i32
          %gather3A_343 = tpu.memref_slice %arg6[%gather3A_342] : memref<128xf32, #tpu.memory_space<vmem>> -> memref<16xf32, #tpu.memory_space<vmem>>
          %gather3A_344 = tpu.vector_load_idx %gather3A_343[%get3A_223] : memref<16xf32, #tpu.memory_space<vmem>>[vector<16xi32>], vector<16xf32>,
          %add3A_345 = arith.constant 128 : i32
          %add3A_346 = arith.addi %mul3A_202, %add3A_345 : i32
          %add3A_347 = arith.constant 64 : i32
          %add3A_348 = arith.addi %add3A_346, %add3A_347 : i32
          %swap3A_349 = arith.index_cast %add3A_348 : i32 to index
          %swap3A_350 = tpu.vector_load %arg11[%swap3A_349] {strides = array<i32>} : memref<16384xf32, #tpu.memory_space<vmem>>, vector<16xf32>,
          tpu.vector_store %arg11[%swap3A_349], %gather3A_344 {strides = array<i32>} : memref<16384xf32, #tpu.memory_space<vmem>>, vector<16xf32>,
          %gather3A_351 = arith.constant 16 : i32
          %gather3A_352 = tpu.memref_slice %arg6[%gather3A_351] : memref<128xf32, #tpu.memory_space<vmem>> -> memref<16xf32, #tpu.memory_space<vmem>>
          %gather3A_353 = tpu.vector_load_idx %gather3A_352[%get3A_227] : memref<16xf32, #tpu.memory_space<vmem>>[vector<16xi32>], vector<16xf32>,
          %add3A_354 = arith.constant 128 : i32
          %add3A_355 = arith.addi %mul3A_202, %add3A_354 : i32
          %add3A_356 = arith.constant 80 : i32
          %add3A_357 = arith.addi %add3A_355, %add3A_356 : i32
          %swap3A_358 = arith.index_cast %add3A_357 : i32 to index
          %swap3A_359 = tpu.vector_load %arg11[%swap3A_358] {strides = array<i32>} : memref<16384xf32, #tpu.memory_space<vmem>>, vector<16xf32>,
          tpu.vector_store %arg11[%swap3A_358], %gather3A_353 {strides = array<i32>} : memref<16384xf32, #tpu.memory_space<vmem>>, vector<16xf32>,
          %gather3A_360 = arith.constant 16 : i32
          %gather3A_361 = tpu.memref_slice %arg6[%gather3A_360] : memref<128xf32, #tpu.memory_space<vmem>> -> memref<16xf32, #tpu.memory_space<vmem>>
          %gather3A_362 = tpu.vector_load_idx %gather3A_361[%get3A_231] : memref<16xf32, #tpu.memory_space<vmem>>[vector<16xi32>], vector<16xf32>,
          %add3A_363 = arith.constant 128 : i32
          %add3A_364 = arith.addi %mul3A_202, %add3A_363 : i32
          %add3A_365 = arith.constant 96 : i32
          %add3A_366 = arith.addi %add3A_364, %add3A_365 : i32
          %swap3A_367 = arith.index_cast %add3A_366 : i32 to index
          %swap3A_368 = tpu.vector_load %arg11[%swap3A_367] {strides = array<i32>} : memref<16384xf32, #tpu.memory_space<vmem>>, vector<16xf32>,
          tpu.vector_store %arg11[%swap3A_367], %gather3A_362 {strides = array<i32>} : memref<16384xf32, #tpu.memory_space<vmem>>, vector<16xf32>,
          %gather3A_369 = arith.constant 16 : i32
          %gather3A_370 = tpu.memref_slice %arg6[%gather3A_369] : memref<128xf32, #tpu.memory_space<vmem>> -> memref<16xf32, #tpu.memory_space<vmem>>
          %gather3A_371 = tpu.vector_load_idx %gather3A_370[%get3A_235] : memref<16xf32, #tpu.memory_space<vmem>>[vector<16xi32>], vector<16xf32>,
          %add3A_372 = arith.constant 128 : i32
          %add3A_373 = arith.addi %mul3A_202, %add3A_372 : i32
          %add3A_374 = arith.constant 112 : i32
          %add3A_375 = arith.addi %add3A_373, %add3A_374 : i32
          %swap3A_376 = arith.index_cast %add3A_375 : i32 to index
          %swap3A_377 = tpu.vector_load %arg11[%swap3A_376] {strides = array<i32>} : memref<16384xf32, #tpu.memory_space<vmem>>, vector<16xf32>,
          tpu.vector_store %arg11[%swap3A_376], %gather3A_371 {strides = array<i32>} : memref<16384xf32, #tpu.memory_space<vmem>>, vector<16xf32>,
          %gather3A_378 = arith.constant 32 : i32
          %gather3A_379 = tpu.memref_slice %arg6[%gather3A_378] : memref<128xf32, #tpu.memory_space<vmem>> -> memref<16xf32, #tpu.memory_space<vmem>>
          %gather3A_380 = tpu.vector_load_idx %gather3A_379[%get3A_207] : memref<16xf32, #tpu.memory_space<vmem>>[vector<16xi32>], vector<16xf32>,
          %add3A_381 = arith.constant 256 : i32
          %add3A_382 = arith.addi %mul3A_202, %add3A_381 : i32
          %add3A_383 = arith.constant 0 : i32
          %add3A_384 = arith.addi %add3A_382, %add3A_383 : i32
          %swap3A_385 = arith.index_cast %add3A_384 : i32 to index
          %swap3A_386 = tpu.vector_load %arg11[%swap3A_385] {strides = array<i32>} : memref<16384xf32, #tpu.memory_space<vmem>>, vector<16xf32>,
          tpu.vector_store %arg11[%swap3A_385], %gather3A_380 {strides = array<i32>} : memref<16384xf32, #tpu.memory_space<vmem>>, vector<16xf32>,
          %gather3A_387 = arith.constant 32 : i32
          %gather3A_388 = tpu.memref_slice %arg6[%gather3A_387] : memref<128xf32, #tpu.memory_space<vmem>> -> memref<16xf32, #tpu.memory_space<vmem>>
          %gather3A_389 = tpu.vector_load_idx %gather3A_388[%get3A_211] : memref<16xf32, #tpu.memory_space<vmem>>[vector<16xi32>], vector<16xf32>,
          %add3A_390 = arith.constant 256 : i32
          %add3A_391 = arith.addi %mul3A_202, %add3A_390 : i32
          %add3A_392 = arith.constant 16 : i32
          %add3A_393 = arith.addi %add3A_391, %add3A_392 : i32
          %swap3A_394 = arith.index_cast %add3A_393 : i32 to index
          %swap3A_395 = tpu.vector_load %arg11[%swap3A_394] {strides = array<i32>} : memref<16384xf32, #tpu.memory_space<vmem>>, vector<16xf32>,
          tpu.vector_store %arg11[%swap3A_394], %gather3A_389 {strides = array<i32>} : memref<16384xf32, #tpu.memory_space<vmem>>, vector<16xf32>,
          %gather3A_396 = arith.constant 32 : i32
          %gather3A_397 = tpu.memref_slice %arg6[%gather3A_396] : memref<128xf32, #tpu.memory_space<vmem>> -> memref<16xf32, #tpu.memory_space<vmem>>
          %gather3A_398 = tpu.vector_load_idx %gather3A_397[%get3A_215] : memref<16xf32, #tpu.memory_space<vmem>>[vector<16xi32>], vector<16xf32>,
          %add3A_399 = arith.constant 256 : i32
          %add3A_400 = arith.addi %mul3A_202, %add3A_399 : i32
          %add3A_401 = arith.constant 32 : i32
          %add3A_402 = arith.addi %add3A_400, %add3A_401 : i32
          %swap3A_403 = arith.index_cast %add3A_402 : i32 to index
          %swap3A_404 = tpu.vector_load %arg11[%swap3A_403] {strides = array<i32>} : memref<16384xf32, #tpu.memory_space<vmem>>, vector<16xf32>,
          tpu.vector_store %arg11[%swap3A_403], %gather3A_398 {strides = array<i32>} : memref<16384xf32, #tpu.memory_space<vmem>>, vector<16xf32>,
          %gather3A_405 = arith.constant 32 : i32
          %gather3A_406 = tpu.memref_slice %arg6[%gather3A_405] : memref<128xf32, #tpu.memory_space<vmem>> -> memref<16xf32, #tpu.memory_space<vmem>>
          %gather3A_407 = tpu.vector_load_idx %gather3A_406[%get3A_219] : memref<16xf32, #tpu.memory_space<vmem>>[vector<16xi32>], vector<16xf32>,
          %add3A_408 = arith.constant 256 : i32
          %add3A_409 = arith.addi %mul3A_202, %add3A_408 : i32
          %add3A_410 = arith.constant 48 : i32
          %add3A_411 = arith.addi %add3A_409, %add3A_410 : i32
          %swap3A_412 = arith.index_cast %add3A_411 : i32 to index
          %swap3A_413 = tpu.vector_load %arg11[%swap3A_412] {strides = array<i32>} : memref<16384xf32, #tpu.memory_space<vmem>>, vector<16xf32>,
          tpu.vector_store %arg11[%swap3A_412], %gather3A_407 {strides = array<i32>} : memref<16384xf32, #tpu.memory_space<vmem>>, vector<16xf32>,
          %gather3A_414 = arith.constant 32 : i32
          %gather3A_415 = tpu.memref_slice %arg6[%gather3A_414] : memref<128xf32, #tpu.memory_space<vmem>> -> memref<16xf32, #tpu.memory_space<vmem>>
          %gather3A_416 = tpu.vector_load_idx %gather3A_415[%get3A_223] : memref<16xf32, #tpu.memory_space<vmem>>[vector<16xi32>], vector<16xf32>,
          %add3A_417 = arith.constant 256 : i32
          %add3A_418 = arith.addi %mul3A_202, %add3A_417 : i32
          %add3A_419 = arith.constant 64 : i32
          %add3A_420 = arith.addi %add3A_418, %add3A_419 : i32
          %swap3A_421 = arith.index_cast %add3A_420 : i32 to index
          %swap3A_422 = tpu.vector_load %arg11[%swap3A_421] {strides = array<i32>} : memref<16384xf32, #tpu.memory_space<vmem>>, vector<16xf32>,
          tpu.vector_store %arg11[%swap3A_421], %gather3A_416 {strides = array<i32>} : memref<16384xf32, #tpu.memory_space<vmem>>, vector<16xf32>,
          %gather3A_423 = arith.constant 32 : i32
          %gather3A_424 = tpu.memref_slice %arg6[%gather3A_423] : memref<128xf32, #tpu.memory_space<vmem>> -> memref<16xf32, #tpu.memory_space<vmem>>
          %gather3A_425 = tpu.vector_load_idx %gather3A_424[%get3A_227] : memref<16xf32, #tpu.memory_space<vmem>>[vector<16xi32>], vector<16xf32>,
          %add3A_426 = arith.constant 256 : i32
          %add3A_427 = arith.addi %mul3A_202, %add3A_426 : i32
          %add3A_428 = arith.constant 80 : i32
          %add3A_429 = arith.addi %add3A_427, %add3A_428 : i32
          %swap3A_430 = arith.index_cast %add3A_429 : i32 to index
          %swap3A_431 = tpu.vector_load %arg11[%swap3A_430] {strides = array<i32>} : memref<16384xf32, #tpu.memory_space<vmem>>, vector<16xf32>,
          tpu.vector_store %arg11[%swap3A_430], %gather3A_425 {strides = array<i32>} : memref<16384xf32, #tpu.memory_space<vmem>>, vector<16xf32>,
          %gather3A_432 = arith.constant 32 : i32
          %gather3A_433 = tpu.memref_slice %arg6[%gather3A_432] : memref<128xf32, #tpu.memory_space<vmem>> -> memref<16xf32, #tpu.memory_space<vmem>>
          %gather3A_434 = tpu.vector_load_idx %gather3A_433[%get3A_231] : memref<16xf32, #tpu.memory_space<vmem>>[vector<16xi32>], vector<16xf32>,
          %add3A_435 = arith.constant 256 : i32
          %add3A_436 = arith.addi %mul3A_202, %add3A_435 : i32
          %add3A_437 = arith.constant 96 : i32
          %add3A_438 = arith.addi %add3A_436, %add3A_437 : i32
          %swap3A_439 = arith.index_cast %add3A_438 : i32 to index
          %swap3A_440 = tpu.vector_load %arg11[%swap3A_439] {strides = array<i32>} : memref<16384xf32, #tpu.memory_space<vmem>>, vector<16xf32>,
          tpu.vector_store %arg11[%swap3A_439], %gather3A_434 {strides = array<i32>} : memref<16384xf32, #tpu.memory_space<vmem>>, vector<16xf32>,
          %gather3A_441 = arith.constant 32 : i32
          %gather3A_442 = tpu.memref_slice %arg6[%gather3A_441] : memref<128xf32, #tpu.memory_space<vmem>> -> memref<16xf32, #tpu.memory_space<vmem>>
          %gather3A_443 = tpu.vector_load_idx %gather3A_442[%get3A_235] : memref<16xf32, #tpu.memory_space<vmem>>[vector<16xi32>], vector<16xf32>,
          %add3A_444 = arith.constant 256 : i32
          %add3A_445 = arith.addi %mul3A_202, %add3A_444 : i32
          %add3A_446 = arith.constant 112 : i32
          %add3A_447 = arith.addi %add3A_445, %add3A_446 : i32
          %swap3A_448 = arith.index_cast %add3A_447 : i32 to index
          %swap3A_449 = tpu.vector_load %arg11[%swap3A_448] {strides = array<i32>} : memref<16384xf32, #tpu.memory_space<vmem>>, vector<16xf32>,
          tpu.vector_store %arg11[%swap3A_448], %gather3A_443 {strides = array<i32>} : memref<16384xf32, #tpu.memory_space<vmem>>, vector<16xf32>,
          %gather3A_450 = arith.constant 48 : i32
          %gather3A_451 = tpu.memref_slice %arg6[%gather3A_450] : memref<128xf32, #tpu.memory_space<vmem>> -> memref<16xf32, #tpu.memory_space<vmem>>
          %gather3A_452 = tpu.vector_load_idx %gather3A_451[%get3A_207] : memref<16xf32, #tpu.memory_space<vmem>>[vector<16xi32>], vector<16xf32>,
          %add3A_453 = arith.constant 384 : i32
          %add3A_454 = arith.addi %mul3A_202, %add3A_453 : i32
          %add3A_455 = arith.constant 0 : i32
          %add3A_456 = arith.addi %add3A_454, %add3A_455 : i32
          %swap3A_457 = arith.index_cast %add3A_456 : i32 to index
          %swap3A_458 = tpu.vector_load %arg11[%swap3A_457] {strides = array<i32>} : memref<16384xf32, #tpu.memory_space<vmem>>, vector<16xf32>,
          tpu.vector_store %arg11[%swap3A_457], %gather3A_452 {strides = array<i32>} : memref<16384xf32, #tpu.memory_space<vmem>>, vector<16xf32>,
          %gather3A_459 = arith.constant 48 : i32
          %gather3A_460 = tpu.memref_slice %arg6[%gather3A_459] : memref<128xf32, #tpu.memory_space<vmem>> -> memref<16xf32, #tpu.memory_space<vmem>>
          %gather3A_461 = tpu.vector_load_idx %gather3A_460[%get3A_211] : memref<16xf32, #tpu.memory_space<vmem>>[vector<16xi32>], vector<16xf32>,
          %add3A_462 = arith.constant 384 : i32
          %add3A_463 = arith.addi %mul3A_202, %add3A_462 : i32
          %add3A_464 = arith.constant 16 : i32
          %add3A_465 = arith.addi %add3A_463, %add3A_464 : i32
          %swap3A_466 = arith.index_cast %add3A_465 : i32 to index
          %swap3A_467 = tpu.vector_load %arg11[%swap3A_466] {strides = array<i32>} : memref<16384xf32, #tpu.memory_space<vmem>>, vector<16xf32>,
          tpu.vector_store %arg11[%swap3A_466], %gather3A_461 {strides = array<i32>} : memref<16384xf32, #tpu.memory_space<vmem>>, vector<16xf32>,
          %gather3A_468 = arith.constant 48 : i32
          %gather3A_469 = tpu.memref_slice %arg6[%gather3A_468] : memref<128xf32, #tpu.memory_space<vmem>> -> memref<16xf32, #tpu.memory_space<vmem>>
          %gather3A_470 = tpu.vector_load_idx %gather3A_469[%get3A_215] : memref<16xf32, #tpu.memory_space<vmem>>[vector<16xi32>], vector<16xf32>,
          %add3A_471 = arith.constant 384 : i32
          %add3A_472 = arith.addi %mul3A_202, %add3A_471 : i32
          %add3A_473 = arith.constant 32 : i32
          %add3A_474 = arith.addi %add3A_472, %add3A_473 : i32
          %swap3A_475 = arith.index_cast %add3A_474 : i32 to index
          %swap3A_476 = tpu.vector_load %arg11[%swap3A_475] {strides = array<i32>} : memref<16384xf32, #tpu.memory_space<vmem>>, vector<16xf32>,
          tpu.vector_store %arg11[%swap3A_475], %gather3A_470 {strides = array<i32>} : memref<16384xf32, #tpu.memory_space<vmem>>, vector<16xf32>,
          %gather3A_477 = arith.constant 48 : i32
          %gather3A_478 = tpu.memref_slice %arg6[%gather3A_477] : memref<128xf32, #tpu.memory_space<vmem>> -> memref<16xf32, #tpu.memory_space<vmem>>
          %gather3A_479 = tpu.vector_load_idx %gather3A_478[%get3A_219] : memref<16xf32, #tpu.memory_space<vmem>>[vector<16xi32>], vector<16xf32>,
          %add3A_480 = arith.constant 384 : i32
          %add3A_481 = arith.addi %mul3A_202, %add3A_480 : i32
          %add3A_482 = arith.constant 48 : i32
          %add3A_483 = arith.addi %add3A_481, %add3A_482 : i32
          %swap3A_484 = arith.index_cast %add3A_483 : i32 to index
          %swap3A_485 = tpu.vector_load %arg11[%swap3A_484] {strides = array<i32>} : memref<16384xf32, #tpu.memory_space<vmem>>, vector<16xf32>,
          tpu.vector_store %arg11[%swap3A_484], %gather3A_479 {strides = array<i32>} : memref<16384xf32, #tpu.memory_space<vmem>>, vector<16xf32>,
          %gather3A_486 = arith.constant 48 : i32
          %gather3A_487 = tpu.memref_slice %arg6[%gather3A_486] : memref<128xf32, #tpu.memory_space<vmem>> -> memref<16xf32, #tpu.memory_space<vmem>>
          %gather3A_488 = tpu.vector_load_idx %gather3A_487[%get3A_223] : memref<16xf32, #tpu.memory_space<vmem>>[vector<16xi32>], vector<16xf32>,
          %add3A_489 = arith.constant 384 : i32
          %add3A_490 = arith.addi %mul3A_202, %add3A_489 : i32
          %add3A_491 = arith.constant 64 : i32
          %add3A_492 = arith.addi %add3A_490, %add3A_491 : i32
          %swap3A_493 = arith.index_cast %add3A_492 : i32 to index
          %swap3A_494 = tpu.vector_load %arg11[%swap3A_493] {strides = array<i32>} : memref<16384xf32, #tpu.memory_space<vmem>>, vector<16xf32>,
          tpu.vector_store %arg11[%swap3A_493], %gather3A_488 {strides = array<i32>} : memref<16384xf32, #tpu.memory_space<vmem>>, vector<16xf32>,
          %gather3A_495 = arith.constant 48 : i32
          %gather3A_496 = tpu.memref_slice %arg6[%gather3A_495] : memref<128xf32, #tpu.memory_space<vmem>> -> memref<16xf32, #tpu.memory_space<vmem>>
          %gather3A_497 = tpu.vector_load_idx %gather3A_496[%get3A_227] : memref<16xf32, #tpu.memory_space<vmem>>[vector<16xi32>], vector<16xf32>,
          %add3A_498 = arith.constant 384 : i32
          %add3A_499 = arith.addi %mul3A_202, %add3A_498 : i32
          %add3A_500 = arith.constant 80 : i32
          %add3A_501 = arith.addi %add3A_499, %add3A_500 : i32
          %swap3A_502 = arith.index_cast %add3A_501 : i32 to index
          %swap3A_503 = tpu.vector_load %arg11[%swap3A_502] {strides = array<i32>} : memref<16384xf32, #tpu.memory_space<vmem>>, vector<16xf32>,
          tpu.vector_store %arg11[%swap3A_502], %gather3A_497 {strides = array<i32>} : memref<16384xf32, #tpu.memory_space<vmem>>, vector<16xf32>,
          %gather3A_504 = arith.constant 48 : i32
          %gather3A_505 = tpu.memref_slice %arg6[%gather3A_504] : memref<128xf32, #tpu.memory_space<vmem>> -> memref<16xf32, #tpu.memory_space<vmem>>
          %gather3A_506 = tpu.vector_load_idx %gather3A_505[%get3A_231] : memref<16xf32, #tpu.memory_space<vmem>>[vector<16xi32>], vector<16xf32>,
          %add3A_507 = arith.constant 384 : i32
          %add3A_508 = arith.addi %mul3A_202, %add3A_507 : i32
          %add3A_509 = arith.constant 96 : i32
          %add3A_510 = arith.addi %add3A_508, %add3A_509 : i32
          %swap3A_511 = arith.index_cast %add3A_510 : i32 to index
          %swap3A_512 = tpu.vector_load %arg11[%swap3A_511] {strides = array<i32>} : memref<16384xf32, #tpu.memory_space<vmem>>, vector<16xf32>,
          tpu.vector_store %arg11[%swap3A_511], %gather3A_506 {strides = array<i32>} : memref<16384xf32, #tpu.memory_space<vmem>>, vector<16xf32>,
          %gather3A_513 = arith.constant 48 : i32
          %gather3A_514 = tpu.memref_slice %arg6[%gather3A_513] : memref<128xf32, #tpu.memory_space<vmem>> -> memref<16xf32, #tpu.memory_space<vmem>>
          %gather3A_515 = tpu.vector_load_idx %gather3A_514[%get3A_235] : memref<16xf32, #tpu.memory_space<vmem>>[vector<16xi32>], vector<16xf32>,
          %add3A_516 = arith.constant 384 : i32
          %add3A_517 = arith.addi %mul3A_202, %add3A_516 : i32
          %add3A_518 = arith.constant 112 : i32
          %add3A_519 = arith.addi %add3A_517, %add3A_518 : i32
          %swap3A_520 = arith.index_cast %add3A_519 : i32 to index
          %swap3A_521 = tpu.vector_load %arg11[%swap3A_520] {strides = array<i32>} : memref<16384xf32, #tpu.memory_space<vmem>>, vector<16xf32>,
          tpu.vector_store %arg11[%swap3A_520], %gather3A_515 {strides = array<i32>} : memref<16384xf32, #tpu.memory_space<vmem>>, vector<16xf32>,
          %gather3A_522 = arith.constant 64 : i32
          %gather3A_523 = tpu.memref_slice %arg6[%gather3A_522] : memref<128xf32, #tpu.memory_space<vmem>> -> memref<16xf32, #tpu.memory_space<vmem>>
          %gather3A_524 = tpu.vector_load_idx %gather3A_523[%get3A_207] : memref<16xf32, #tpu.memory_space<vmem>>[vector<16xi32>], vector<16xf32>,
          %add3A_525 = arith.constant 512 : i32
          %add3A_526 = arith.addi %mul3A_202, %add3A_525 : i32
          %add3A_527 = arith.constant 0 : i32
          %add3A_528 = arith.addi %add3A_526, %add3A_527 : i32
          %swap3A_529 = arith.index_cast %add3A_528 : i32 to index
          %swap3A_530 = tpu.vector_load %arg11[%swap3A_529] {strides = array<i32>} : memref<16384xf32, #tpu.memory_space<vmem>>, vector<16xf32>,
          tpu.vector_store %arg11[%swap3A_529], %gather3A_524 {strides = array<i32>} : memref<16384xf32, #tpu.memory_space<vmem>>, vector<16xf32>,
          %gather3A_531 = arith.constant 64 : i32
          %gather3A_532 = tpu.memref_slice %arg6[%gather3A_531] : memref<128xf32, #tpu.memory_space<vmem>> -> memref<16xf32, #tpu.memory_space<vmem>>
          %gather3A_533 = tpu.vector_load_idx %gather3A_532[%get3A_211] : memref<16xf32, #tpu.memory_space<vmem>>[vector<16xi32>], vector<16xf32>,
          %add3A_534 = arith.constant 512 : i32
          %add3A_535 = arith.addi %mul3A_202, %add3A_534 : i32
          %add3A_536 = arith.constant 16 : i32
          %add3A_537 = arith.addi %add3A_535, %add3A_536 : i32
          %swap3A_538 = arith.index_cast %add3A_537 : i32 to index
          %swap3A_539 = tpu.vector_load %arg11[%swap3A_538] {strides = array<i32>} : memref<16384xf32, #tpu.memory_space<vmem>>, vector<16xf32>,
          tpu.vector_store %arg11[%swap3A_538], %gather3A_533 {strides = array<i32>} : memref<16384xf32, #tpu.memory_space<vmem>>, vector<16xf32>,
          %gather3A_540 = arith.constant 64 : i32
          %gather3A_541 = tpu.memref_slice %arg6[%gather3A_540] : memref<128xf32, #tpu.memory_space<vmem>> -> memref<16xf32, #tpu.memory_space<vmem>>
          %gather3A_542 = tpu.vector_load_idx %gather3A_541[%get3A_215] : memref<16xf32, #tpu.memory_space<vmem>>[vector<16xi32>], vector<16xf32>,
          %add3A_543 = arith.constant 512 : i32
          %add3A_544 = arith.addi %mul3A_202, %add3A_543 : i32
          %add3A_545 = arith.constant 32 : i32
          %add3A_546 = arith.addi %add3A_544, %add3A_545 : i32
          %swap3A_547 = arith.index_cast %add3A_546 : i32 to index
          %swap3A_548 = tpu.vector_load %arg11[%swap3A_547] {strides = array<i32>} : memref<16384xf32, #tpu.memory_space<vmem>>, vector<16xf32>,
          tpu.vector_store %arg11[%swap3A_547], %gather3A_542 {strides = array<i32>} : memref<16384xf32, #tpu.memory_space<vmem>>, vector<16xf32>,
          %gather3A_549 = arith.constant 64 : i32
          %gather3A_550 = tpu.memref_slice %arg6[%gather3A_549] : memref<128xf32, #tpu.memory_space<vmem>> -> memref<16xf32, #tpu.memory_space<vmem>>
          %gather3A_551 = tpu.vector_load_idx %gather3A_550[%get3A_219] : memref<16xf32, #tpu.memory_space<vmem>>[vector<16xi32>], vector<16xf32>,
          %add3A_552 = arith.constant 512 : i32
          %add3A_553 = arith.addi %mul3A_202, %add3A_552 : i32
          %add3A_554 = arith.constant 48 : i32
          %add3A_555 = arith.addi %add3A_553, %add3A_554 : i32
          %swap3A_556 = arith.index_cast %add3A_555 : i32 to index
          %swap3A_557 = tpu.vector_load %arg11[%swap3A_556] {strides = array<i32>} : memref<16384xf32, #tpu.memory_space<vmem>>, vector<16xf32>,
          tpu.vector_store %arg11[%swap3A_556], %gather3A_551 {strides = array<i32>} : memref<16384xf32, #tpu.memory_space<vmem>>, vector<16xf32>,
          %gather3A_558 = arith.constant 64 : i32
          %gather3A_559 = tpu.memref_slice %arg6[%gather3A_558] : memref<128xf32, #tpu.memory_space<vmem>> -> memref<16xf32, #tpu.memory_space<vmem>>
          %gather3A_560 = tpu.vector_load_idx %gather3A_559[%get3A_223] : memref<16xf32, #tpu.memory_space<vmem>>[vector<16xi32>], vector<16xf32>,
          %add3A_561 = arith.constant 512 : i32
          %add3A_562 = arith.addi %mul3A_202, %add3A_561 : i32
          %add3A_563 = arith.constant 64 : i32
          %add3A_564 = arith.addi %add3A_562, %add3A_563 : i32
          %swap3A_565 = arith.index_cast %add3A_564 : i32 to index
          %swap3A_566 = tpu.vector_load %arg11[%swap3A_565] {strides = array<i32>} : memref<16384xf32, #tpu.memory_space<vmem>>, vector<16xf32>,
          tpu.vector_store %arg11[%swap3A_565], %gather3A_560 {strides = array<i32>} : memref<16384xf32, #tpu.memory_space<vmem>>, vector<16xf32>,
          %gather3A_567 = arith.constant 64 : i32
          %gather3A_568 = tpu.memref_slice %arg6[%gather3A_567] : memref<128xf32, #tpu.memory_space<vmem>> -> memref<16xf32, #tpu.memory_space<vmem>>
          %gather3A_569 = tpu.vector_load_idx %gather3A_568[%get3A_227] : memref<16xf32, #tpu.memory_space<vmem>>[vector<16xi32>], vector<16xf32>,
          %add3A_570 = arith.constant 512 : i32
          %add3A_571 = arith.addi %mul3A_202, %add3A_570 : i32
          %add3A_572 = arith.constant 80 : i32
          %add3A_573 = arith.addi %add3A_571, %add3A_572 : i32
          %swap3A_574 = arith.index_cast %add3A_573 : i32 to index
          %swap3A_575 = tpu.vector_load %arg11[%swap3A_574] {strides = array<i32>} : memref<16384xf32, #tpu.memory_space<vmem>>, vector<16xf32>,
          tpu.vector_store %arg11[%swap3A_574], %gather3A_569 {strides = array<i32>} : memref<16384xf32, #tpu.memory_space<vmem>>, vector<16xf32>,
          %gather3A_576 = arith.constant 64 : i32
          %gather3A_577 = tpu.memref_slice %arg6[%gather3A_576] : memref<128xf32, #tpu.memory_space<vmem>> -> memref<16xf32, #tpu.memory_space<vmem>>
          %gather3A_578 = tpu.vector_load_idx %gather3A_577[%get3A_231] : memref<16xf32, #tpu.memory_space<vmem>>[vector<16xi32>], vector<16xf32>,
          %add3A_579 = arith.constant 512 : i32
          %add3A_580 = arith.addi %mul3A_202, %add3A_579 : i32
          %add3A_581 = arith.constant 96 : i32
          %add3A_582 = arith.addi %add3A_580, %add3A_581 : i32
          %swap3A_583 = arith.index_cast %add3A_582 : i32 to index
          %swap3A_584 = tpu.vector_load %arg11[%swap3A_583] {strides = array<i32>} : memref<16384xf32, #tpu.memory_space<vmem>>, vector<16xf32>,
          tpu.vector_store %arg11[%swap3A_583], %gather3A_578 {strides = array<i32>} : memref<16384xf32, #tpu.memory_space<vmem>>, vector<16xf32>,
          %gather3A_585 = arith.constant 64 : i32
          %gather3A_586 = tpu.memref_slice %arg6[%gather3A_585] : memref<128xf32, #tpu.memory_space<vmem>> -> memref<16xf32, #tpu.memory_space<vmem>>
          %gather3A_587 = tpu.vector_load_idx %gather3A_586[%get3A_235] : memref<16xf32, #tpu.memory_space<vmem>>[vector<16xi32>], vector<16xf32>,
          %add3A_588 = arith.constant 512 : i32
          %add3A_589 = arith.addi %mul3A_202, %add3A_588 : i32
          %add3A_590 = arith.constant 112 : i32
          %add3A_591 = arith.addi %add3A_589, %add3A_590 : i32
          %swap3A_592 = arith.index_cast %add3A_591 : i32 to index
          %swap3A_593 = tpu.vector_load %arg11[%swap3A_592] {strides = array<i32>} : memref<16384xf32, #tpu.memory_space<vmem>>, vector<16xf32>,
          tpu.vector_store %arg11[%swap3A_592], %gather3A_587 {strides = array<i32>} : memref<16384xf32, #tpu.memory_space<vmem>>, vector<16xf32>,
          %gather3A_594 = arith.constant 80 : i32
          %gather3A_595 = tpu.memref_slice %arg6[%gather3A_594] : memref<128xf32, #tpu.memory_space<vmem>> -> memref<16xf32, #tpu.memory_space<vmem>>
          %gather3A_596 = tpu.vector_load_idx %gather3A_595[%get3A_207] : memref<16xf32, #tpu.memory_space<vmem>>[vector<16xi32>], vector<16xf32>,
          %add3A_597 = arith.constant 640 : i32
          %add3A_598 = arith.addi %mul3A_202, %add3A_597 : i32
          %add3A_599 = arith.constant 0 : i32
          %add3A_600 = arith.addi %add3A_598, %add3A_599 : i32
          %swap3A_601 = arith.index_cast %add3A_600 : i32 to index
          %swap3A_602 = tpu.vector_load %arg11[%swap3A_601] {strides = array<i32>} : memref<16384xf32, #tpu.memory_space<vmem>>, vector<16xf32>,
          tpu.vector_store %arg11[%swap3A_601], %gather3A_596 {strides = array<i32>} : memref<16384xf32, #tpu.memory_space<vmem>>, vector<16xf32>,
          %gather3A_603 = arith.constant 80 : i32
          %gather3A_604 = tpu.memref_slice %arg6[%gather3A_603] : memref<128xf32, #tpu.memory_space<vmem>> -> memref<16xf32, #tpu.memory_space<vmem>>
          %gather3A_605 = tpu.vector_load_idx %gather3A_604[%get3A_211] : memref<16xf32, #tpu.memory_space<vmem>>[vector<16xi32>], vector<16xf32>,
          %add3A_606 = arith.constant 640 : i32
          %add3A_607 = arith.addi %mul3A_202, %add3A_606 : i32
          %add3A_608 = arith.constant 16 : i32
          %add3A_609 = arith.addi %add3A_607, %add3A_608 : i32
          %swap3A_610 = arith.index_cast %add3A_609 : i32 to index
          %swap3A_611 = tpu.vector_load %arg11[%swap3A_610] {strides = array<i32>} : memref<16384xf32, #tpu.memory_space<vmem>>, vector<16xf32>,
          tpu.vector_store %arg11[%swap3A_610], %gather3A_605 {strides = array<i32>} : memref<16384xf32, #tpu.memory_space<vmem>>, vector<16xf32>,
          %gather3A_612 = arith.constant 80 : i32
          %gather3A_613 = tpu.memref_slice %arg6[%gather3A_612] : memref<128xf32, #tpu.memory_space<vmem>> -> memref<16xf32, #tpu.memory_space<vmem>>
          %gather3A_614 = tpu.vector_load_idx %gather3A_613[%get3A_215] : memref<16xf32, #tpu.memory_space<vmem>>[vector<16xi32>], vector<16xf32>,
          %add3A_615 = arith.constant 640 : i32
          %add3A_616 = arith.addi %mul3A_202, %add3A_615 : i32
          %add3A_617 = arith.constant 32 : i32
          %add3A_618 = arith.addi %add3A_616, %add3A_617 : i32
          %swap3A_619 = arith.index_cast %add3A_618 : i32 to index
          %swap3A_620 = tpu.vector_load %arg11[%swap3A_619] {strides = array<i32>} : memref<16384xf32, #tpu.memory_space<vmem>>, vector<16xf32>,
          tpu.vector_store %arg11[%swap3A_619], %gather3A_614 {strides = array<i32>} : memref<16384xf32, #tpu.memory_space<vmem>>, vector<16xf32>,
          %gather3A_621 = arith.constant 80 : i32
          %gather3A_622 = tpu.memref_slice %arg6[%gather3A_621] : memref<128xf32, #tpu.memory_space<vmem>> -> memref<16xf32, #tpu.memory_space<vmem>>
          %gather3A_623 = tpu.vector_load_idx %gather3A_622[%get3A_219] : memref<16xf32, #tpu.memory_space<vmem>>[vector<16xi32>], vector<16xf32>,
          %add3A_624 = arith.constant 640 : i32
          %add3A_625 = arith.addi %mul3A_202, %add3A_624 : i32
          %add3A_626 = arith.constant 48 : i32
          %add3A_627 = arith.addi %add3A_625, %add3A_626 : i32
          %swap3A_628 = arith.index_cast %add3A_627 : i32 to index
          %swap3A_629 = tpu.vector_load %arg11[%swap3A_628] {strides = array<i32>} : memref<16384xf32, #tpu.memory_space<vmem>>, vector<16xf32>,
          tpu.vector_store %arg11[%swap3A_628], %gather3A_623 {strides = array<i32>} : memref<16384xf32, #tpu.memory_space<vmem>>, vector<16xf32>,
          %gather3A_630 = arith.constant 80 : i32
          %gather3A_631 = tpu.memref_slice %arg6[%gather3A_630] : memref<128xf32, #tpu.memory_space<vmem>> -> memref<16xf32, #tpu.memory_space<vmem>>
          %gather3A_632 = tpu.vector_load_idx %gather3A_631[%get3A_223] : memref<16xf32, #tpu.memory_space<vmem>>[vector<16xi32>], vector<16xf32>,
          %add3A_633 = arith.constant 640 : i32
          %add3A_634 = arith.addi %mul3A_202, %add3A_633 : i32
          %add3A_635 = arith.constant 64 : i32
          %add3A_636 = arith.addi %add3A_634, %add3A_635 : i32
          %swap3A_637 = arith.index_cast %add3A_636 : i32 to index
          %swap3A_638 = tpu.vector_load %arg11[%swap3A_637] {strides = array<i32>} : memref<16384xf32, #tpu.memory_space<vmem>>, vector<16xf32>,
          tpu.vector_store %arg11[%swap3A_637], %gather3A_632 {strides = array<i32>} : memref<16384xf32, #tpu.memory_space<vmem>>, vector<16xf32>,
          %gather3A_639 = arith.constant 80 : i32
          %gather3A_640 = tpu.memref_slice %arg6[%gather3A_639] : memref<128xf32, #tpu.memory_space<vmem>> -> memref<16xf32, #tpu.memory_space<vmem>>
          %gather3A_641 = tpu.vector_load_idx %gather3A_640[%get3A_227] : memref<16xf32, #tpu.memory_space<vmem>>[vector<16xi32>], vector<16xf32>,
          %add3A_642 = arith.constant 640 : i32
          %add3A_643 = arith.addi %mul3A_202, %add3A_642 : i32
          %add3A_644 = arith.constant 80 : i32
          %add3A_645 = arith.addi %add3A_643, %add3A_644 : i32
          %swap3A_646 = arith.index_cast %add3A_645 : i32 to index
          %swap3A_647 = tpu.vector_load %arg11[%swap3A_646] {strides = array<i32>} : memref<16384xf32, #tpu.memory_space<vmem>>, vector<16xf32>,
          tpu.vector_store %arg11[%swap3A_646], %gather3A_641 {strides = array<i32>} : memref<16384xf32, #tpu.memory_space<vmem>>, vector<16xf32>,
          %gather3A_648 = arith.constant 80 : i32
          %gather3A_649 = tpu.memref_slice %arg6[%gather3A_648] : memref<128xf32, #tpu.memory_space<vmem>> -> memref<16xf32, #tpu.memory_space<vmem>>
          %gather3A_650 = tpu.vector_load_idx %gather3A_649[%get3A_231] : memref<16xf32, #tpu.memory_space<vmem>>[vector<16xi32>], vector<16xf32>,
          %add3A_651 = arith.constant 640 : i32
          %add3A_652 = arith.addi %mul3A_202, %add3A_651 : i32
          %add3A_653 = arith.constant 96 : i32
          %add3A_654 = arith.addi %add3A_652, %add3A_653 : i32
          %swap3A_655 = arith.index_cast %add3A_654 : i32 to index
          %swap3A_656 = tpu.vector_load %arg11[%swap3A_655] {strides = array<i32>} : memref<16384xf32, #tpu.memory_space<vmem>>, vector<16xf32>,
          tpu.vector_store %arg11[%swap3A_655], %gather3A_650 {strides = array<i32>} : memref<16384xf32, #tpu.memory_space<vmem>>, vector<16xf32>,
          %gather3A_657 = arith.constant 80 : i32
          %gather3A_658 = tpu.memref_slice %arg6[%gather3A_657] : memref<128xf32, #tpu.memory_space<vmem>> -> memref<16xf32, #tpu.memory_space<vmem>>
          %gather3A_659 = tpu.vector_load_idx %gather3A_658[%get3A_235] : memref<16xf32, #tpu.memory_space<vmem>>[vector<16xi32>], vector<16xf32>,
          %add3A_660 = arith.constant 640 : i32
          %add3A_661 = arith.addi %mul3A_202, %add3A_660 : i32
          %add3A_662 = arith.constant 112 : i32
          %add3A_663 = arith.addi %add3A_661, %add3A_662 : i32
          %swap3A_664 = arith.index_cast %add3A_663 : i32 to index
          %swap3A_665 = tpu.vector_load %arg11[%swap3A_664] {strides = array<i32>} : memref<16384xf32, #tpu.memory_space<vmem>>, vector<16xf32>,
          tpu.vector_store %arg11[%swap3A_664], %gather3A_659 {strides = array<i32>} : memref<16384xf32, #tpu.memory_space<vmem>>, vector<16xf32>,
          %gather3A_666 = arith.constant 96 : i32
          %gather3A_667 = tpu.memref_slice %arg6[%gather3A_666] : memref<128xf32, #tpu.memory_space<vmem>> -> memref<16xf32, #tpu.memory_space<vmem>>
          %gather3A_668 = tpu.vector_load_idx %gather3A_667[%get3A_207] : memref<16xf32, #tpu.memory_space<vmem>>[vector<16xi32>], vector<16xf32>,
          %add3A_669 = arith.constant 768 : i32
          %add3A_670 = arith.addi %mul3A_202, %add3A_669 : i32
          %add3A_671 = arith.constant 0 : i32
          %add3A_672 = arith.addi %add3A_670, %add3A_671 : i32
          %swap3A_673 = arith.index_cast %add3A_672 : i32 to index
          %swap3A_674 = tpu.vector_load %arg11[%swap3A_673] {strides = array<i32>} : memref<16384xf32, #tpu.memory_space<vmem>>, vector<16xf32>,
          tpu.vector_store %arg11[%swap3A_673], %gather3A_668 {strides = array<i32>} : memref<16384xf32, #tpu.memory_space<vmem>>, vector<16xf32>,
          %gather3A_675 = arith.constant 96 : i32
          %gather3A_676 = tpu.memref_slice %arg6[%gather3A_675] : memref<128xf32, #tpu.memory_space<vmem>> -> memref<16xf32, #tpu.memory_space<vmem>>
          %gather3A_677 = tpu.vector_load_idx %gather3A_676[%get3A_211] : memref<16xf32, #tpu.memory_space<vmem>>[vector<16xi32>], vector<16xf32>,
          %add3A_678 = arith.constant 768 : i32
          %add3A_679 = arith.addi %mul3A_202, %add3A_678 : i32
          %add3A_680 = arith.constant 16 : i32
          %add3A_681 = arith.addi %add3A_679, %add3A_680 : i32
          %swap3A_682 = arith.index_cast %add3A_681 : i32 to index
          %swap3A_683 = tpu.vector_load %arg11[%swap3A_682] {strides = array<i32>} : memref<16384xf32, #tpu.memory_space<vmem>>, vector<16xf32>,
          tpu.vector_store %arg11[%swap3A_682], %gather3A_677 {strides = array<i32>} : memref<16384xf32, #tpu.memory_space<vmem>>, vector<16xf32>,
          %gather3A_684 = arith.constant 96 : i32
          %gather3A_685 = tpu.memref_slice %arg6[%gather3A_684] : memref<128xf32, #tpu.memory_space<vmem>> -> memref<16xf32, #tpu.memory_space<vmem>>
          %gather3A_686 = tpu.vector_load_idx %gather3A_685[%get3A_215] : memref<16xf32, #tpu.memory_space<vmem>>[vector<16xi32>], vector<16xf32>,
          %add3A_687 = arith.constant 768 : i32
          %add3A_688 = arith.addi %mul3A_202, %add3A_687 : i32
          %add3A_689 = arith.constant 32 : i32
          %add3A_690 = arith.addi %add3A_688, %add3A_689 : i32
          %swap3A_691 = arith.index_cast %add3A_690 : i32 to index
          %swap3A_692 = tpu.vector_load %arg11[%swap3A_691] {strides = array<i32>} : memref<16384xf32, #tpu.memory_space<vmem>>, vector<16xf32>,
          tpu.vector_store %arg11[%swap3A_691], %gather3A_686 {strides = array<i32>} : memref<16384xf32, #tpu.memory_space<vmem>>, vector<16xf32>,
          %gather3A_693 = arith.constant 96 : i32
          %gather3A_694 = tpu.memref_slice %arg6[%gather3A_693] : memref<128xf32, #tpu.memory_space<vmem>> -> memref<16xf32, #tpu.memory_space<vmem>>
          %gather3A_695 = tpu.vector_load_idx %gather3A_694[%get3A_219] : memref<16xf32, #tpu.memory_space<vmem>>[vector<16xi32>], vector<16xf32>,
          %add3A_696 = arith.constant 768 : i32
          %add3A_697 = arith.addi %mul3A_202, %add3A_696 : i32
          %add3A_698 = arith.constant 48 : i32
          %add3A_699 = arith.addi %add3A_697, %add3A_698 : i32
          %swap3A_700 = arith.index_cast %add3A_699 : i32 to index
          %swap3A_701 = tpu.vector_load %arg11[%swap3A_700] {strides = array<i32>} : memref<16384xf32, #tpu.memory_space<vmem>>, vector<16xf32>,
          tpu.vector_store %arg11[%swap3A_700], %gather3A_695 {strides = array<i32>} : memref<16384xf32, #tpu.memory_space<vmem>>, vector<16xf32>,
          %gather3A_702 = arith.constant 96 : i32
          %gather3A_703 = tpu.memref_slice %arg6[%gather3A_702] : memref<128xf32, #tpu.memory_space<vmem>> -> memref<16xf32, #tpu.memory_space<vmem>>
          %gather3A_704 = tpu.vector_load_idx %gather3A_703[%get3A_223] : memref<16xf32, #tpu.memory_space<vmem>>[vector<16xi32>], vector<16xf32>,
          %add3A_705 = arith.constant 768 : i32
          %add3A_706 = arith.addi %mul3A_202, %add3A_705 : i32
          %add3A_707 = arith.constant 64 : i32
          %add3A_708 = arith.addi %add3A_706, %add3A_707 : i32
          %swap3A_709 = arith.index_cast %add3A_708 : i32 to index
          %swap3A_710 = tpu.vector_load %arg11[%swap3A_709] {strides = array<i32>} : memref<16384xf32, #tpu.memory_space<vmem>>, vector<16xf32>,
          tpu.vector_store %arg11[%swap3A_709], %gather3A_704 {strides = array<i32>} : memref<16384xf32, #tpu.memory_space<vmem>>, vector<16xf32>,
          %gather3A_711 = arith.constant 96 : i32
          %gather3A_712 = tpu.memref_slice %arg6[%gather3A_711] : memref<128xf32, #tpu.memory_space<vmem>> -> memref<16xf32, #tpu.memory_space<vmem>>
          %gather3A_713 = tpu.vector_load_idx %gather3A_712[%get3A_227] : memref<16xf32, #tpu.memory_space<vmem>>[vector<16xi32>], vector<16xf32>,
          %add3A_714 = arith.constant 768 : i32
          %add3A_715 = arith.addi %mul3A_202, %add3A_714 : i32
          %add3A_716 = arith.constant 80 : i32
          %add3A_717 = arith.addi %add3A_715, %add3A_716 : i32
          %swap3A_718 = arith.index_cast %add3A_717 : i32 to index
          %swap3A_719 = tpu.vector_load %arg11[%swap3A_718] {strides = array<i32>} : memref<16384xf32, #tpu.memory_space<vmem>>, vector<16xf32>,
          tpu.vector_store %arg11[%swap3A_718], %gather3A_713 {strides = array<i32>} : memref<16384xf32, #tpu.memory_space<vmem>>, vector<16xf32>,
          %gather3A_720 = arith.constant 96 : i32
          %gather3A_721 = tpu.memref_slice %arg6[%gather3A_720] : memref<128xf32, #tpu.memory_space<vmem>> -> memref<16xf32, #tpu.memory_space<vmem>>
          %gather3A_722 = tpu.vector_load_idx %gather3A_721[%get3A_231] : memref<16xf32, #tpu.memory_space<vmem>>[vector<16xi32>], vector<16xf32>,
          %add3A_723 = arith.constant 768 : i32
          %add3A_724 = arith.addi %mul3A_202, %add3A_723 : i32
          %add3A_725 = arith.constant 96 : i32
          %add3A_726 = arith.addi %add3A_724, %add3A_725 : i32
          %swap3A_727 = arith.index_cast %add3A_726 : i32 to index
          %swap3A_728 = tpu.vector_load %arg11[%swap3A_727] {strides = array<i32>} : memref<16384xf32, #tpu.memory_space<vmem>>, vector<16xf32>,
          tpu.vector_store %arg11[%swap3A_727], %gather3A_722 {strides = array<i32>} : memref<16384xf32, #tpu.memory_space<vmem>>, vector<16xf32>,
          %gather3A_729 = arith.constant 96 : i32
          %gather3A_730 = tpu.memref_slice %arg6[%gather3A_729] : memref<128xf32, #tpu.memory_space<vmem>> -> memref<16xf32, #tpu.memory_space<vmem>>
          %gather3A_731 = tpu.vector_load_idx %gather3A_730[%get3A_235] : memref<16xf32, #tpu.memory_space<vmem>>[vector<16xi32>], vector<16xf32>,
          %add3A_732 = arith.constant 768 : i32
          %add3A_733 = arith.addi %mul3A_202, %add3A_732 : i32
          %add3A_734 = arith.constant 112 : i32
          %add3A_735 = arith.addi %add3A_733, %add3A_734 : i32
          %swap3A_736 = arith.index_cast %add3A_735 : i32 to index
          %swap3A_737 = tpu.vector_load %arg11[%swap3A_736] {strides = array<i32>} : memref<16384xf32, #tpu.memory_space<vmem>>, vector<16xf32>,
          tpu.vector_store %arg11[%swap3A_736], %gather3A_731 {strides = array<i32>} : memref<16384xf32, #tpu.memory_space<vmem>>, vector<16xf32>,
          %gather3A_738 = arith.constant 112 : i32
          %gather3A_739 = tpu.memref_slice %arg6[%gather3A_738] : memref<128xf32, #tpu.memory_space<vmem>> -> memref<16xf32, #tpu.memory_space<vmem>>
          %gather3A_740 = tpu.vector_load_idx %gather3A_739[%get3A_207] : memref<16xf32, #tpu.memory_space<vmem>>[vector<16xi32>], vector<16xf32>,
          %add3A_741 = arith.constant 896 : i32
          %add3A_742 = arith.addi %mul3A_202, %add3A_741 : i32
          %add3A_743 = arith.constant 0 : i32
          %add3A_744 = arith.addi %add3A_742, %add3A_743 : i32
          %swap3A_745 = arith.index_cast %add3A_744 : i32 to index
          %swap3A_746 = tpu.vector_load %arg11[%swap3A_745] {strides = array<i32>} : memref<16384xf32, #tpu.memory_space<vmem>>, vector<16xf32>,
          tpu.vector_store %arg11[%swap3A_745], %gather3A_740 {strides = array<i32>} : memref<16384xf32, #tpu.memory_space<vmem>>, vector<16xf32>,
          %gather3A_747 = arith.constant 112 : i32
          %gather3A_748 = tpu.memref_slice %arg6[%gather3A_747] : memref<128xf32, #tpu.memory_space<vmem>> -> memref<16xf32, #tpu.memory_space<vmem>>
          %gather3A_749 = tpu.vector_load_idx %gather3A_748[%get3A_211] : memref<16xf32, #tpu.memory_space<vmem>>[vector<16xi32>], vector<16xf32>,
          %add3A_750 = arith.constant 896 : i32
          %add3A_751 = arith.addi %mul3A_202, %add3A_750 : i32
          %add3A_752 = arith.constant 16 : i32
          %add3A_753 = arith.addi %add3A_751, %add3A_752 : i32
          %swap3A_754 = arith.index_cast %add3A_753 : i32 to index
          %swap3A_755 = tpu.vector_load %arg11[%swap3A_754] {strides = array<i32>} : memref<16384xf32, #tpu.memory_space<vmem>>, vector<16xf32>,
          tpu.vector_store %arg11[%swap3A_754], %gather3A_749 {strides = array<i32>} : memref<16384xf32, #tpu.memory_space<vmem>>, vector<16xf32>,
          %gather3A_756 = arith.constant 112 : i32
          %gather3A_757 = tpu.memref_slice %arg6[%gather3A_756] : memref<128xf32, #tpu.memory_space<vmem>> -> memref<16xf32, #tpu.memory_space<vmem>>
          %gather3A_758 = tpu.vector_load_idx %gather3A_757[%get3A_215] : memref<16xf32, #tpu.memory_space<vmem>>[vector<16xi32>], vector<16xf32>,
          %add3A_759 = arith.constant 896 : i32
          %add3A_760 = arith.addi %mul3A_202, %add3A_759 : i32
          %add3A_761 = arith.constant 32 : i32
          %add3A_762 = arith.addi %add3A_760, %add3A_761 : i32
          %swap3A_763 = arith.index_cast %add3A_762 : i32 to index
          %swap3A_764 = tpu.vector_load %arg11[%swap3A_763] {strides = array<i32>} : memref<16384xf32, #tpu.memory_space<vmem>>, vector<16xf32>,
          tpu.vector_store %arg11[%swap3A_763], %gather3A_758 {strides = array<i32>} : memref<16384xf32, #tpu.memory_space<vmem>>, vector<16xf32>,
          %gather3A_765 = arith.constant 112 : i32
          %gather3A_766 = tpu.memref_slice %arg6[%gather3A_765] : memref<128xf32, #tpu.memory_space<vmem>> -> memref<16xf32, #tpu.memory_space<vmem>>
          %gather3A_767 = tpu.vector_load_idx %gather3A_766[%get3A_219] : memref<16xf32, #tpu.memory_space<vmem>>[vector<16xi32>], vector<16xf32>,
          %add3A_768 = arith.constant 896 : i32
          %add3A_769 = arith.addi %mul3A_202, %add3A_768 : i32
          %add3A_770 = arith.constant 48 : i32
          %add3A_771 = arith.addi %add3A_769, %add3A_770 : i32
          %swap3A_772 = arith.index_cast %add3A_771 : i32 to index
          %swap3A_773 = tpu.vector_load %arg11[%swap3A_772] {strides = array<i32>} : memref<16384xf32, #tpu.memory_space<vmem>>, vector<16xf32>,
          tpu.vector_store %arg11[%swap3A_772], %gather3A_767 {strides = array<i32>} : memref<16384xf32, #tpu.memory_space<vmem>>, vector<16xf32>,
          %gather3A_774 = arith.constant 112 : i32
          %gather3A_775 = tpu.memref_slice %arg6[%gather3A_774] : memref<128xf32, #tpu.memory_space<vmem>> -> memref<16xf32, #tpu.memory_space<vmem>>
          %gather3A_776 = tpu.vector_load_idx %gather3A_775[%get3A_223] : memref<16xf32, #tpu.memory_space<vmem>>[vector<16xi32>], vector<16xf32>,
          %add3A_777 = arith.constant 896 : i32
          %add3A_778 = arith.addi %mul3A_202, %add3A_777 : i32
          %add3A_779 = arith.constant 64 : i32
          %add3A_780 = arith.addi %add3A_778, %add3A_779 : i32
          %swap3A_781 = arith.index_cast %add3A_780 : i32 to index
          %swap3A_782 = tpu.vector_load %arg11[%swap3A_781] {strides = array<i32>} : memref<16384xf32, #tpu.memory_space<vmem>>, vector<16xf32>,
          tpu.vector_store %arg11[%swap3A_781], %gather3A_776 {strides = array<i32>} : memref<16384xf32, #tpu.memory_space<vmem>>, vector<16xf32>,
          %gather3A_783 = arith.constant 112 : i32
          %gather3A_784 = tpu.memref_slice %arg6[%gather3A_783] : memref<128xf32, #tpu.memory_space<vmem>> -> memref<16xf32, #tpu.memory_space<vmem>>
          %gather3A_785 = tpu.vector_load_idx %gather3A_784[%get3A_227] : memref<16xf32, #tpu.memory_space<vmem>>[vector<16xi32>], vector<16xf32>,
          %add3A_786 = arith.constant 896 : i32
          %add3A_787 = arith.addi %mul3A_202, %add3A_786 : i32
          %add3A_788 = arith.constant 80 : i32
          %add3A_789 = arith.addi %add3A_787, %add3A_788 : i32
          %swap3A_790 = arith.index_cast %add3A_789 : i32 to index
          %swap3A_791 = tpu.vector_load %arg11[%swap3A_790] {strides = array<i32>} : memref<16384xf32, #tpu.memory_space<vmem>>, vector<16xf32>,
          tpu.vector_store %arg11[%swap3A_790], %gather3A_785 {strides = array<i32>} : memref<16384xf32, #tpu.memory_space<vmem>>, vector<16xf32>,
          %gather3A_792 = arith.constant 112 : i32
          %gather3A_793 = tpu.memref_slice %arg6[%gather3A_792] : memref<128xf32, #tpu.memory_space<vmem>> -> memref<16xf32, #tpu.memory_space<vmem>>
          %gather3A_794 = tpu.vector_load_idx %gather3A_793[%get3A_231] : memref<16xf32, #tpu.memory_space<vmem>>[vector<16xi32>], vector<16xf32>,
          %add3A_795 = arith.constant 896 : i32
          %add3A_796 = arith.addi %mul3A_202, %add3A_795 : i32
          %add3A_797 = arith.constant 96 : i32
          %add3A_798 = arith.addi %add3A_796, %add3A_797 : i32
          %swap3A_799 = arith.index_cast %add3A_798 : i32 to index
          %swap3A_800 = tpu.vector_load %arg11[%swap3A_799] {strides = array<i32>} : memref<16384xf32, #tpu.memory_space<vmem>>, vector<16xf32>,
          tpu.vector_store %arg11[%swap3A_799], %gather3A_794 {strides = array<i32>} : memref<16384xf32, #tpu.memory_space<vmem>>, vector<16xf32>,
          %gather3A_801 = arith.constant 112 : i32
          %gather3A_802 = tpu.memref_slice %arg6[%gather3A_801] : memref<128xf32, #tpu.memory_space<vmem>> -> memref<16xf32, #tpu.memory_space<vmem>>
          %gather3A_803 = tpu.vector_load_idx %gather3A_802[%get3A_235] : memref<16xf32, #tpu.memory_space<vmem>>[vector<16xi32>], vector<16xf32>,
          %add3A_804 = arith.constant 896 : i32
          %add3A_805 = arith.addi %mul3A_202, %add3A_804 : i32
          %add3A_806 = arith.constant 112 : i32
          %add3A_807 = arith.addi %add3A_805, %add3A_806 : i32
          %swap3A_808 = arith.index_cast %add3A_807 : i32 to index
          %swap3A_809 = tpu.vector_load %arg11[%swap3A_808] {strides = array<i32>} : memref<16384xf32, #tpu.memory_space<vmem>>, vector<16xf32>,
          tpu.vector_store %arg11[%swap3A_808], %gather3A_803 {strides = array<i32>} : memref<16384xf32, #tpu.memory_space<vmem>>, vector<16xf32>,
        }
        %scan3A_171 = arith.constant 16 : i32
        %dma_wait3A_172 = tpu.memref_slice %arg3[%mul3A_160] : memref<25600000xf32, #tpu.memory_space<hbm>> -> memref<8192xf32, #tpu.memory_space<hbm>>
        %dma_wait3A_173 = tpu.memref_slice %arg3[%mul3A_160] : memref<25600000xf32, #tpu.memory_space<hbm>> -> memref<8192xf32, #tpu.memory_space<hbm>>
        tpu.wait_dma2 semaphore(%arg17 : memref<!tpu.dma_semaphore, #tpu.memory_space<semaphore_mem>>) src(%dma_wait3A_173 : memref<8192xf32, #tpu.memory_space<hbm>>) dst(%arg9 : memref<8192xf32, #tpu.memory_space<vmem>>)
        %scan3A_174 = arith.constant 0 : i32
        %scan3A_175 = arith.constant 0 : i32
        %scan3A_176 = arith.constant 16 : i32
        %scan3A_177 = arith.addi %scan3A_175, %scan3A_176 : i32
        %scan3A_178 = arith.constant 1 : i32
        scf.for %scan3A_200 = %scan3A_175 to %scan3A_177 step %scan3A_178  : i32 {
          %mul3A_201 = arith.constant 512 : i32
          %mul3A_202 = arith.muli %scan3A_200, %mul3A_201 : i32
          %add3A_203 = arith.constant 0 : i32
          %add3A_204 = arith.addi %mul3A_202, %add3A_203 : i32
          %get3A = arith.index_cast %add3A_204 : i32 to index
          %get3A_205 = tpu.vector_load %arg9[%get3A] {strides = array<i32>} : memref<8192xf32, #tpu.memory_space<vmem>>, vector<16xf32>,
          %mul3A_206 = arith.constant 1024 : i32
          %mul3A_207 = arith.muli %scan3A_200, %mul3A_206 : i32
          %add3A_208 = arith.constant 0 : i32
          %add3A_209 = arith.addi %mul3A_207, %add3A_208 : i32
          %swap3A = arith.index_cast %add3A_209 : i32 to index
          %swap3A_210 = tpu.vector_load %arg13[%swap3A] {strides = array<i32>} : memref<16384xf32, #tpu.memory_space<vmem>>, vector<16xf32>,
          tpu.vector_store %arg13[%swap3A], %get3A_205 {strides = array<i32>} : memref<16384xf32, #tpu.memory_space<vmem>>, vector<16xf32>,
          %mul3A_211 = arith.constant 512 : i32
          %mul3A_212 = arith.muli %scan3A_200, %mul3A_211 : i32
          %add3A_213 = arith.constant 16 : i32
          %add3A_214 = arith.addi %mul3A_212, %add3A_213 : i32
          %get3A_215 = arith.index_cast %add3A_214 : i32 to index
          %get3A_216 = tpu.vector_load %arg9[%get3A_215] {strides = array<i32>} : memref<8192xf32, #tpu.memory_space<vmem>>, vector<16xf32>,
          %mul3A_217 = arith.constant 1024 : i32
          %mul3A_218 = arith.muli %scan3A_200, %mul3A_217 : i32
          %add3A_219 = arith.constant 16 : i32
          %add3A_220 = arith.addi %mul3A_218, %add3A_219 : i32
          %swap3A_221 = arith.index_cast %add3A_220 : i32 to index
          %swap3A_222 = tpu.vector_load %arg13[%swap3A_221] {strides = array<i32>} : memref<16384xf32, #tpu.memory_space<vmem>>, vector<16xf32>,
          tpu.vector_store %arg13[%swap3A_221], %get3A_216 {strides = array<i32>} : memref<16384xf32, #tpu.memory_space<vmem>>, vector<16xf32>,
          %mul3A_223 = arith.constant 512 : i32
          %mul3A_224 = arith.muli %scan3A_200, %mul3A_223 : i32
          %add3A_225 = arith.constant 32 : i32
          %add3A_226 = arith.addi %mul3A_224, %add3A_225 : i32
          %get3A_227 = arith.index_cast %add3A_226 : i32 to index
          %get3A_228 = tpu.vector_load %arg9[%get3A_227] {strides = array<i32>} : memref<8192xf32, #tpu.memory_space<vmem>>, vector<16xf32>,
          %mul3A_229 = arith.constant 1024 : i32
          %mul3A_230 = arith.muli %scan3A_200, %mul3A_229 : i32
          %add3A_231 = arith.constant 32 : i32
          %add3A_232 = arith.addi %mul3A_230, %add3A_231 : i32
          %swap3A_233 = arith.index_cast %add3A_232 : i32 to index
          %swap3A_234 = tpu.vector_load %arg13[%swap3A_233] {strides = array<i32>} : memref<16384xf32, #tpu.memory_space<vmem>>, vector<16xf32>,
          tpu.vector_store %arg13[%swap3A_233], %get3A_228 {strides = array<i32>} : memref<16384xf32, #tpu.memory_space<vmem>>, vector<16xf32>,
          %mul3A_235 = arith.constant 512 : i32
          %mul3A_236 = arith.muli %scan3A_200, %mul3A_235 : i32
          %add3A_237 = arith.constant 48 : i32
          %add3A_238 = arith.addi %mul3A_236, %add3A_237 : i32
          %get3A_239 = arith.index_cast %add3A_238 : i32 to index
          %get3A_240 = tpu.vector_load %arg9[%get3A_239] {strides = array<i32>} : memref<8192xf32, #tpu.memory_space<vmem>>, vector<16xf32>,
          %mul3A_241 = arith.constant 1024 : i32
          %mul3A_242 = arith.muli %scan3A_200, %mul3A_241 : i32
          %add3A_243 = arith.constant 48 : i32
          %add3A_244 = arith.addi %mul3A_242, %add3A_243 : i32
          %swap3A_245 = arith.index_cast %add3A_244 : i32 to index
          %swap3A_246 = tpu.vector_load %arg13[%swap3A_245] {strides = array<i32>} : memref<16384xf32, #tpu.memory_space<vmem>>, vector<16xf32>,
          tpu.vector_store %arg13[%swap3A_245], %get3A_240 {strides = array<i32>} : memref<16384xf32, #tpu.memory_space<vmem>>, vector<16xf32>,
          %mul3A_247 = arith.constant 512 : i32
          %mul3A_248 = arith.muli %scan3A_200, %mul3A_247 : i32
          %add3A_249 = arith.constant 64 : i32
          %add3A_250 = arith.addi %mul3A_248, %add3A_249 : i32
          %get3A_251 = arith.index_cast %add3A_250 : i32 to index
          %get3A_252 = tpu.vector_load %arg9[%get3A_251] {strides = array<i32>} : memref<8192xf32, #tpu.memory_space<vmem>>, vector<16xf32>,
          %mul3A_253 = arith.constant 1024 : i32
          %mul3A_254 = arith.muli %scan3A_200, %mul3A_253 : i32
          %add3A_255 = arith.constant 64 : i32
          %add3A_256 = arith.addi %mul3A_254, %add3A_255 : i32
          %swap3A_257 = arith.index_cast %add3A_256 : i32 to index
          %swap3A_258 = tpu.vector_load %arg13[%swap3A_257] {strides = array<i32>} : memref<16384xf32, #tpu.memory_space<vmem>>, vector<16xf32>,
          tpu.vector_store %arg13[%swap3A_257], %get3A_252 {strides = array<i32>} : memref<16384xf32, #tpu.memory_space<vmem>>, vector<16xf32>,
          %mul3A_259 = arith.constant 512 : i32
          %mul3A_260 = arith.muli %scan3A_200, %mul3A_259 : i32
          %add3A_261 = arith.constant 80 : i32
          %add3A_262 = arith.addi %mul3A_260, %add3A_261 : i32
          %get3A_263 = arith.index_cast %add3A_262 : i32 to index
          %get3A_264 = tpu.vector_load %arg9[%get3A_263] {strides = array<i32>} : memref<8192xf32, #tpu.memory_space<vmem>>, vector<16xf32>,
          %mul3A_265 = arith.constant 1024 : i32
          %mul3A_266 = arith.muli %scan3A_200, %mul3A_265 : i32
          %add3A_267 = arith.constant 80 : i32
          %add3A_268 = arith.addi %mul3A_266, %add3A_267 : i32
          %swap3A_269 = arith.index_cast %add3A_268 : i32 to index
          %swap3A_270 = tpu.vector_load %arg13[%swap3A_269] {strides = array<i32>} : memref<16384xf32, #tpu.memory_space<vmem>>, vector<16xf32>,
          tpu.vector_store %arg13[%swap3A_269], %get3A_264 {strides = array<i32>} : memref<16384xf32, #tpu.memory_space<vmem>>, vector<16xf32>,
          %mul3A_271 = arith.constant 512 : i32
          %mul3A_272 = arith.muli %scan3A_200, %mul3A_271 : i32
          %add3A_273 = arith.constant 96 : i32
          %add3A_274 = arith.addi %mul3A_272, %add3A_273 : i32
          %get3A_275 = arith.index_cast %add3A_274 : i32 to index
          %get3A_276 = tpu.vector_load %arg9[%get3A_275] {strides = array<i32>} : memref<8192xf32, #tpu.memory_space<vmem>>, vector<16xf32>,
          %mul3A_277 = arith.constant 1024 : i32
          %mul3A_278 = arith.muli %scan3A_200, %mul3A_277 : i32
          %add3A_279 = arith.constant 96 : i32
          %add3A_280 = arith.addi %mul3A_278, %add3A_279 : i32
          %swap3A_281 = arith.index_cast %add3A_280 : i32 to index
          %swap3A_282 = tpu.vector_load %arg13[%swap3A_281] {strides = array<i32>} : memref<16384xf32, #tpu.memory_space<vmem>>, vector<16xf32>,
          tpu.vector_store %arg13[%swap3A_281], %get3A_276 {strides = array<i32>} : memref<16384xf32, #tpu.memory_space<vmem>>, vector<16xf32>,
          %mul3A_283 = arith.constant 512 : i32
          %mul3A_284 = arith.muli %scan3A_200, %mul3A_283 : i32
          %add3A_285 = arith.constant 112 : i32
          %add3A_286 = arith.addi %mul3A_284, %add3A_285 : i32
          %get3A_287 = arith.index_cast %add3A_286 : i32 to index
          %get3A_288 = tpu.vector_load %arg9[%get3A_287] {strides = array<i32>} : memref<8192xf32, #tpu.memory_space<vmem>>, vector<16xf32>,
          %mul3A_289 = arith.constant 1024 : i32
          %mul3A_290 = arith.muli %scan3A_200, %mul3A_289 : i32
          %add3A_291 = arith.constant 112 : i32
          %add3A_292 = arith.addi %mul3A_290, %add3A_291 : i32
          %swap3A_293 = arith.index_cast %add3A_292 : i32 to index
          %swap3A_294 = tpu.vector_load %arg13[%swap3A_293] {strides = array<i32>} : memref<16384xf32, #tpu.memory_space<vmem>>, vector<16xf32>,
          tpu.vector_store %arg13[%swap3A_293], %get3A_288 {strides = array<i32>} : memref<16384xf32, #tpu.memory_space<vmem>>, vector<16xf32>,
          %mul3A_295 = arith.constant 512 : i32
          %mul3A_296 = arith.muli %scan3A_200, %mul3A_295 : i32
          %add3A_297 = arith.constant 128 : i32
          %add3A_298 = arith.addi %mul3A_296, %add3A_297 : i32
          %get3A_299 = arith.index_cast %add3A_298 : i32 to index
          %get3A_300 = tpu.vector_load %arg9[%get3A_299] {strides = array<i32>} : memref<8192xf32, #tpu.memory_space<vmem>>, vector<16xf32>,
          %mul3A_301 = arith.constant 1024 : i32
          %mul3A_302 = arith.muli %scan3A_200, %mul3A_301 : i32
          %add3A_303 = arith.constant 128 : i32
          %add3A_304 = arith.addi %mul3A_302, %add3A_303 : i32
          %swap3A_305 = arith.index_cast %add3A_304 : i32 to index
          %swap3A_306 = tpu.vector_load %arg13[%swap3A_305] {strides = array<i32>} : memref<16384xf32, #tpu.memory_space<vmem>>, vector<16xf32>,
          tpu.vector_store %arg13[%swap3A_305], %get3A_300 {strides = array<i32>} : memref<16384xf32, #tpu.memory_space<vmem>>, vector<16xf32>,
          %mul3A_307 = arith.constant 512 : i32
          %mul3A_308 = arith.muli %scan3A_200, %mul3A_307 : i32
          %add3A_309 = arith.constant 144 : i32
          %add3A_310 = arith.addi %mul3A_308, %add3A_309 : i32
          %get3A_311 = arith.index_cast %add3A_310 : i32 to index
          %get3A_312 = tpu.vector_load %arg9[%get3A_311] {strides = array<i32>} : memref<8192xf32, #tpu.memory_space<vmem>>, vector<16xf32>,
          %mul3A_313 = arith.constant 1024 : i32
          %mul3A_314 = arith.muli %scan3A_200, %mul3A_313 : i32
          %add3A_315 = arith.constant 144 : i32
          %add3A_316 = arith.addi %mul3A_314, %add3A_315 : i32
          %swap3A_317 = arith.index_cast %add3A_316 : i32 to index
          %swap3A_318 = tpu.vector_load %arg13[%swap3A_317] {strides = array<i32>} : memref<16384xf32, #tpu.memory_space<vmem>>, vector<16xf32>,
          tpu.vector_store %arg13[%swap3A_317], %get3A_312 {strides = array<i32>} : memref<16384xf32, #tpu.memory_space<vmem>>, vector<16xf32>,
          %mul3A_319 = arith.constant 512 : i32
          %mul3A_320 = arith.muli %scan3A_200, %mul3A_319 : i32
          %add3A_321 = arith.constant 160 : i32
          %add3A_322 = arith.addi %mul3A_320, %add3A_321 : i32
          %get3A_323 = arith.index_cast %add3A_322 : i32 to index
          %get3A_324 = tpu.vector_load %arg9[%get3A_323] {strides = array<i32>} : memref<8192xf32, #tpu.memory_space<vmem>>, vector<16xf32>,
          %mul3A_325 = arith.constant 1024 : i32
          %mul3A_326 = arith.muli %scan3A_200, %mul3A_325 : i32
          %add3A_327 = arith.constant 160 : i32
          %add3A_328 = arith.addi %mul3A_326, %add3A_327 : i32
          %swap3A_329 = arith.index_cast %add3A_328 : i32 to index
          %swap3A_330 = tpu.vector_load %arg13[%swap3A_329] {strides = array<i32>} : memref<16384xf32, #tpu.memory_space<vmem>>, vector<16xf32>,
          tpu.vector_store %arg13[%swap3A_329], %get3A_324 {strides = array<i32>} : memref<16384xf32, #tpu.memory_space<vmem>>, vector<16xf32>,
          %mul3A_331 = arith.constant 512 : i32
          %mul3A_332 = arith.muli %scan3A_200, %mul3A_331 : i32
          %add3A_333 = arith.constant 176 : i32
          %add3A_334 = arith.addi %mul3A_332, %add3A_333 : i32
          %get3A_335 = arith.index_cast %add3A_334 : i32 to index
          %get3A_336 = tpu.vector_load %arg9[%get3A_335] {strides = array<i32>} : memref<8192xf32, #tpu.memory_space<vmem>>, vector<16xf32>,
          %mul3A_337 = arith.constant 1024 : i32
          %mul3A_338 = arith.muli %scan3A_200, %mul3A_337 : i32
          %add3A_339 = arith.constant 176 : i32
          %add3A_340 = arith.addi %mul3A_338, %add3A_339 : i32
          %swap3A_341 = arith.index_cast %add3A_340 : i32 to index
          %swap3A_342 = tpu.vector_load %arg13[%swap3A_341] {strides = array<i32>} : memref<16384xf32, #tpu.memory_space<vmem>>, vector<16xf32>,
          tpu.vector_store %arg13[%swap3A_341], %get3A_336 {strides = array<i32>} : memref<16384xf32, #tpu.memory_space<vmem>>, vector<16xf32>,
          %mul3A_343 = arith.constant 512 : i32
          %mul3A_344 = arith.muli %scan3A_200, %mul3A_343 : i32
          %add3A_345 = arith.constant 192 : i32
          %add3A_346 = arith.addi %mul3A_344, %add3A_345 : i32
          %get3A_347 = arith.index_cast %add3A_346 : i32 to index
          %get3A_348 = tpu.vector_load %arg9[%get3A_347] {strides = array<i32>} : memref<8192xf32, #tpu.memory_space<vmem>>, vector<16xf32>,
          %mul3A_349 = arith.constant 1024 : i32
          %mul3A_350 = arith.muli %scan3A_200, %mul3A_349 : i32
          %add3A_351 = arith.constant 192 : i32
          %add3A_352 = arith.addi %mul3A_350, %add3A_351 : i32
          %swap3A_353 = arith.index_cast %add3A_352 : i32 to index
          %swap3A_354 = tpu.vector_load %arg13[%swap3A_353] {strides = array<i32>} : memref<16384xf32, #tpu.memory_space<vmem>>, vector<16xf32>,
          tpu.vector_store %arg13[%swap3A_353], %get3A_348 {strides = array<i32>} : memref<16384xf32, #tpu.memory_space<vmem>>, vector<16xf32>,
          %mul3A_355 = arith.constant 512 : i32
          %mul3A_356 = arith.muli %scan3A_200, %mul3A_355 : i32
          %add3A_357 = arith.constant 208 : i32
          %add3A_358 = arith.addi %mul3A_356, %add3A_357 : i32
          %get3A_359 = arith.index_cast %add3A_358 : i32 to index
          %get3A_360 = tpu.vector_load %arg9[%get3A_359] {strides = array<i32>} : memref<8192xf32, #tpu.memory_space<vmem>>, vector<16xf32>,
          %mul3A_361 = arith.constant 1024 : i32
          %mul3A_362 = arith.muli %scan3A_200, %mul3A_361 : i32
          %add3A_363 = arith.constant 208 : i32
          %add3A_364 = arith.addi %mul3A_362, %add3A_363 : i32
          %swap3A_365 = arith.index_cast %add3A_364 : i32 to index
          %swap3A_366 = tpu.vector_load %arg13[%swap3A_365] {strides = array<i32>} : memref<16384xf32, #tpu.memory_space<vmem>>, vector<16xf32>,
          tpu.vector_store %arg13[%swap3A_365], %get3A_360 {strides = array<i32>} : memref<16384xf32, #tpu.memory_space<vmem>>, vector<16xf32>,
          %mul3A_367 = arith.constant 512 : i32
          %mul3A_368 = arith.muli %scan3A_200, %mul3A_367 : i32
          %add3A_369 = arith.constant 224 : i32
          %add3A_370 = arith.addi %mul3A_368, %add3A_369 : i32
          %get3A_371 = arith.index_cast %add3A_370 : i32 to index
          %get3A_372 = tpu.vector_load %arg9[%get3A_371] {strides = array<i32>} : memref<8192xf32, #tpu.memory_space<vmem>>, vector<16xf32>,
          %mul3A_373 = arith.constant 1024 : i32
          %mul3A_374 = arith.muli %scan3A_200, %mul3A_373 : i32
          %add3A_375 = arith.constant 224 : i32
          %add3A_376 = arith.addi %mul3A_374, %add3A_375 : i32
          %swap3A_377 = arith.index_cast %add3A_376 : i32 to index
          %swap3A_378 = tpu.vector_load %arg13[%swap3A_377] {strides = array<i32>} : memref<16384xf32, #tpu.memory_space<vmem>>, vector<16xf32>,
          tpu.vector_store %arg13[%swap3A_377], %get3A_372 {strides = array<i32>} : memref<16384xf32, #tpu.memory_space<vmem>>, vector<16xf32>,
          %mul3A_379 = arith.constant 512 : i32
          %mul3A_380 = arith.muli %scan3A_200, %mul3A_379 : i32
          %add3A_381 = arith.constant 240 : i32
          %add3A_382 = arith.addi %mul3A_380, %add3A_381 : i32
          %get3A_383 = arith.index_cast %add3A_382 : i32 to index
          %get3A_384 = tpu.vector_load %arg9[%get3A_383] {strides = array<i32>} : memref<8192xf32, #tpu.memory_space<vmem>>, vector<16xf32>,
          %mul3A_385 = arith.constant 1024 : i32
          %mul3A_386 = arith.muli %scan3A_200, %mul3A_385 : i32
          %add3A_387 = arith.constant 240 : i32
          %add3A_388 = arith.addi %mul3A_386, %add3A_387 : i32
          %swap3A_389 = arith.index_cast %add3A_388 : i32 to index
          %swap3A_390 = tpu.vector_load %arg13[%swap3A_389] {strides = array<i32>} : memref<16384xf32, #tpu.memory_space<vmem>>, vector<16xf32>,
          tpu.vector_store %arg13[%swap3A_389], %get3A_384 {strides = array<i32>} : memref<16384xf32, #tpu.memory_space<vmem>>, vector<16xf32>,
          %mul3A_391 = arith.constant 512 : i32
          %mul3A_392 = arith.muli %scan3A_200, %mul3A_391 : i32
          %add3A_393 = arith.constant 256 : i32
          %add3A_394 = arith.addi %mul3A_392, %add3A_393 : i32
          %get3A_395 = arith.index_cast %add3A_394 : i32 to index
          %get3A_396 = tpu.vector_load %arg9[%get3A_395] {strides = array<i32>} : memref<8192xf32, #tpu.memory_space<vmem>>, vector<16xf32>,
          %mul3A_397 = arith.constant 1024 : i32
          %mul3A_398 = arith.muli %scan3A_200, %mul3A_397 : i32
          %add3A_399 = arith.constant 256 : i32
          %add3A_400 = arith.addi %mul3A_398, %add3A_399 : i32
          %swap3A_401 = arith.index_cast %add3A_400 : i32 to index
          %swap3A_402 = tpu.vector_load %arg13[%swap3A_401] {strides = array<i32>} : memref<16384xf32, #tpu.memory_space<vmem>>, vector<16xf32>,
          tpu.vector_store %arg13[%swap3A_401], %get3A_396 {strides = array<i32>} : memref<16384xf32, #tpu.memory_space<vmem>>, vector<16xf32>,
          %mul3A_403 = arith.constant 512 : i32
          %mul3A_404 = arith.muli %scan3A_200, %mul3A_403 : i32
          %add3A_405 = arith.constant 272 : i32
          %add3A_406 = arith.addi %mul3A_404, %add3A_405 : i32
          %get3A_407 = arith.index_cast %add3A_406 : i32 to index
          %get3A_408 = tpu.vector_load %arg9[%get3A_407] {strides = array<i32>} : memref<8192xf32, #tpu.memory_space<vmem>>, vector<16xf32>,
          %mul3A_409 = arith.constant 1024 : i32
          %mul3A_410 = arith.muli %scan3A_200, %mul3A_409 : i32
          %add3A_411 = arith.constant 272 : i32
          %add3A_412 = arith.addi %mul3A_410, %add3A_411 : i32
          %swap3A_413 = arith.index_cast %add3A_412 : i32 to index
          %swap3A_414 = tpu.vector_load %arg13[%swap3A_413] {strides = array<i32>} : memref<16384xf32, #tpu.memory_space<vmem>>, vector<16xf32>,
          tpu.vector_store %arg13[%swap3A_413], %get3A_408 {strides = array<i32>} : memref<16384xf32, #tpu.memory_space<vmem>>, vector<16xf32>,
          %mul3A_415 = arith.constant 512 : i32
          %mul3A_416 = arith.muli %scan3A_200, %mul3A_415 : i32
          %add3A_417 = arith.constant 288 : i32
          %add3A_418 = arith.addi %mul3A_416, %add3A_417 : i32
          %get3A_419 = arith.index_cast %add3A_418 : i32 to index
          %get3A_420 = tpu.vector_load %arg9[%get3A_419] {strides = array<i32>} : memref<8192xf32, #tpu.memory_space<vmem>>, vector<16xf32>,
          %mul3A_421 = arith.constant 1024 : i32
          %mul3A_422 = arith.muli %scan3A_200, %mul3A_421 : i32
          %add3A_423 = arith.constant 288 : i32
          %add3A_424 = arith.addi %mul3A_422, %add3A_423 : i32
          %swap3A_425 = arith.index_cast %add3A_424 : i32 to index
          %swap3A_426 = tpu.vector_load %arg13[%swap3A_425] {strides = array<i32>} : memref<16384xf32, #tpu.memory_space<vmem>>, vector<16xf32>,
          tpu.vector_store %arg13[%swap3A_425], %get3A_420 {strides = array<i32>} : memref<16384xf32, #tpu.memory_space<vmem>>, vector<16xf32>,
          %mul3A_427 = arith.constant 512 : i32
          %mul3A_428 = arith.muli %scan3A_200, %mul3A_427 : i32
          %add3A_429 = arith.constant 304 : i32
          %add3A_430 = arith.addi %mul3A_428, %add3A_429 : i32
          %get3A_431 = arith.index_cast %add3A_430 : i32 to index
          %get3A_432 = tpu.vector_load %arg9[%get3A_431] {strides = array<i32>} : memref<8192xf32, #tpu.memory_space<vmem>>, vector<16xf32>,
          %mul3A_433 = arith.constant 1024 : i32
          %mul3A_434 = arith.muli %scan3A_200, %mul3A_433 : i32
          %add3A_435 = arith.constant 304 : i32
          %add3A_436 = arith.addi %mul3A_434, %add3A_435 : i32
          %swap3A_437 = arith.index_cast %add3A_436 : i32 to index
          %swap3A_438 = tpu.vector_load %arg13[%swap3A_437] {strides = array<i32>} : memref<16384xf32, #tpu.memory_space<vmem>>, vector<16xf32>,
          tpu.vector_store %arg13[%swap3A_437], %get3A_432 {strides = array<i32>} : memref<16384xf32, #tpu.memory_space<vmem>>, vector<16xf32>,
          %mul3A_439 = arith.constant 512 : i32
          %mul3A_440 = arith.muli %scan3A_200, %mul3A_439 : i32
          %add3A_441 = arith.constant 320 : i32
          %add3A_442 = arith.addi %mul3A_440, %add3A_441 : i32
          %get3A_443 = arith.index_cast %add3A_442 : i32 to index
          %get3A_444 = tpu.vector_load %arg9[%get3A_443] {strides = array<i32>} : memref<8192xf32, #tpu.memory_space<vmem>>, vector<16xf32>,
          %mul3A_445 = arith.constant 1024 : i32
          %mul3A_446 = arith.muli %scan3A_200, %mul3A_445 : i32
          %add3A_447 = arith.constant 320 : i32
          %add3A_448 = arith.addi %mul3A_446, %add3A_447 : i32
          %swap3A_449 = arith.index_cast %add3A_448 : i32 to index
          %swap3A_450 = tpu.vector_load %arg13[%swap3A_449] {strides = array<i32>} : memref<16384xf32, #tpu.memory_space<vmem>>, vector<16xf32>,
          tpu.vector_store %arg13[%swap3A_449], %get3A_444 {strides = array<i32>} : memref<16384xf32, #tpu.memory_space<vmem>>, vector<16xf32>,
          %mul3A_451 = arith.constant 512 : i32
          %mul3A_452 = arith.muli %scan3A_200, %mul3A_451 : i32
          %add3A_453 = arith.constant 336 : i32
          %add3A_454 = arith.addi %mul3A_452, %add3A_453 : i32
          %get3A_455 = arith.index_cast %add3A_454 : i32 to index
          %get3A_456 = tpu.vector_load %arg9[%get3A_455] {strides = array<i32>} : memref<8192xf32, #tpu.memory_space<vmem>>, vector<16xf32>,
          %mul3A_457 = arith.constant 1024 : i32
          %mul3A_458 = arith.muli %scan3A_200, %mul3A_457 : i32
          %add3A_459 = arith.constant 336 : i32
          %add3A_460 = arith.addi %mul3A_458, %add3A_459 : i32
          %swap3A_461 = arith.index_cast %add3A_460 : i32 to index
          %swap3A_462 = tpu.vector_load %arg13[%swap3A_461] {strides = array<i32>} : memref<16384xf32, #tpu.memory_space<vmem>>, vector<16xf32>,
          tpu.vector_store %arg13[%swap3A_461], %get3A_456 {strides = array<i32>} : memref<16384xf32, #tpu.memory_space<vmem>>, vector<16xf32>,
          %mul3A_463 = arith.constant 512 : i32
          %mul3A_464 = arith.muli %scan3A_200, %mul3A_463 : i32
          %add3A_465 = arith.constant 352 : i32
          %add3A_466 = arith.addi %mul3A_464, %add3A_465 : i32
          %get3A_467 = arith.index_cast %add3A_466 : i32 to index
          %get3A_468 = tpu.vector_load %arg9[%get3A_467] {strides = array<i32>} : memref<8192xf32, #tpu.memory_space<vmem>>, vector<16xf32>,
          %mul3A_469 = arith.constant 1024 : i32
          %mul3A_470 = arith.muli %scan3A_200, %mul3A_469 : i32
          %add3A_471 = arith.constant 352 : i32
          %add3A_472 = arith.addi %mul3A_470, %add3A_471 : i32
          %swap3A_473 = arith.index_cast %add3A_472 : i32 to index
          %swap3A_474 = tpu.vector_load %arg13[%swap3A_473] {strides = array<i32>} : memref<16384xf32, #tpu.memory_space<vmem>>, vector<16xf32>,
          tpu.vector_store %arg13[%swap3A_473], %get3A_468 {strides = array<i32>} : memref<16384xf32, #tpu.memory_space<vmem>>, vector<16xf32>,
          %mul3A_475 = arith.constant 512 : i32
          %mul3A_476 = arith.muli %scan3A_200, %mul3A_475 : i32
          %add3A_477 = arith.constant 368 : i32
          %add3A_478 = arith.addi %mul3A_476, %add3A_477 : i32
          %get3A_479 = arith.index_cast %add3A_478 : i32 to index
          %get3A_480 = tpu.vector_load %arg9[%get3A_479] {strides = array<i32>} : memref<8192xf32, #tpu.memory_space<vmem>>, vector<16xf32>,
          %mul3A_481 = arith.constant 1024 : i32
          %mul3A_482 = arith.muli %scan3A_200, %mul3A_481 : i32
          %add3A_483 = arith.constant 368 : i32
          %add3A_484 = arith.addi %mul3A_482, %add3A_483 : i32
          %swap3A_485 = arith.index_cast %add3A_484 : i32 to index
          %swap3A_486 = tpu.vector_load %arg13[%swap3A_485] {strides = array<i32>} : memref<16384xf32, #tpu.memory_space<vmem>>, vector<16xf32>,
          tpu.vector_store %arg13[%swap3A_485], %get3A_480 {strides = array<i32>} : memref<16384xf32, #tpu.memory_space<vmem>>, vector<16xf32>,
          %mul3A_487 = arith.constant 512 : i32
          %mul3A_488 = arith.muli %scan3A_200, %mul3A_487 : i32
          %add3A_489 = arith.constant 384 : i32
          %add3A_490 = arith.addi %mul3A_488, %add3A_489 : i32
          %get3A_491 = arith.index_cast %add3A_490 : i32 to index
          %get3A_492 = tpu.vector_load %arg9[%get3A_491] {strides = array<i32>} : memref<8192xf32, #tpu.memory_space<vmem>>, vector<16xf32>,
          %mul3A_493 = arith.constant 1024 : i32
          %mul3A_494 = arith.muli %scan3A_200, %mul3A_493 : i32
          %add3A_495 = arith.constant 384 : i32
          %add3A_496 = arith.addi %mul3A_494, %add3A_495 : i32
          %swap3A_497 = arith.index_cast %add3A_496 : i32 to index
          %swap3A_498 = tpu.vector_load %arg13[%swap3A_497] {strides = array<i32>} : memref<16384xf32, #tpu.memory_space<vmem>>, vector<16xf32>,
          tpu.vector_store %arg13[%swap3A_497], %get3A_492 {strides = array<i32>} : memref<16384xf32, #tpu.memory_space<vmem>>, vector<16xf32>,
          %mul3A_499 = arith.constant 512 : i32
          %mul3A_500 = arith.muli %scan3A_200, %mul3A_499 : i32
          %add3A_501 = arith.constant 400 : i32
          %add3A_502 = arith.addi %mul3A_500, %add3A_501 : i32
          %get3A_503 = arith.index_cast %add3A_502 : i32 to index
          %get3A_504 = tpu.vector_load %arg9[%get3A_503] {strides = array<i32>} : memref<8192xf32, #tpu.memory_space<vmem>>, vector<16xf32>,
          %mul3A_505 = arith.constant 1024 : i32
          %mul3A_506 = arith.muli %scan3A_200, %mul3A_505 : i32
          %add3A_507 = arith.constant 400 : i32
          %add3A_508 = arith.addi %mul3A_506, %add3A_507 : i32
          %swap3A_509 = arith.index_cast %add3A_508 : i32 to index
          %swap3A_510 = tpu.vector_load %arg13[%swap3A_509] {strides = array<i32>} : memref<16384xf32, #tpu.memory_space<vmem>>, vector<16xf32>,
          tpu.vector_store %arg13[%swap3A_509], %get3A_504 {strides = array<i32>} : memref<16384xf32, #tpu.memory_space<vmem>>, vector<16xf32>,
          %mul3A_511 = arith.constant 512 : i32
          %mul3A_512 = arith.muli %scan3A_200, %mul3A_511 : i32
          %add3A_513 = arith.constant 416 : i32
          %add3A_514 = arith.addi %mul3A_512, %add3A_513 : i32
          %get3A_515 = arith.index_cast %add3A_514 : i32 to index
          %get3A_516 = tpu.vector_load %arg9[%get3A_515] {strides = array<i32>} : memref<8192xf32, #tpu.memory_space<vmem>>, vector<16xf32>,
          %mul3A_517 = arith.constant 1024 : i32
          %mul3A_518 = arith.muli %scan3A_200, %mul3A_517 : i32
          %add3A_519 = arith.constant 416 : i32
          %add3A_520 = arith.addi %mul3A_518, %add3A_519 : i32
          %swap3A_521 = arith.index_cast %add3A_520 : i32 to index
          %swap3A_522 = tpu.vector_load %arg13[%swap3A_521] {strides = array<i32>} : memref<16384xf32, #tpu.memory_space<vmem>>, vector<16xf32>,
          tpu.vector_store %arg13[%swap3A_521], %get3A_516 {strides = array<i32>} : memref<16384xf32, #tpu.memory_space<vmem>>, vector<16xf32>,
          %mul3A_523 = arith.constant 512 : i32
          %mul3A_524 = arith.muli %scan3A_200, %mul3A_523 : i32
          %add3A_525 = arith.constant 432 : i32
          %add3A_526 = arith.addi %mul3A_524, %add3A_525 : i32
          %get3A_527 = arith.index_cast %add3A_526 : i32 to index
          %get3A_528 = tpu.vector_load %arg9[%get3A_527] {strides = array<i32>} : memref<8192xf32, #tpu.memory_space<vmem>>, vector<16xf32>,
          %mul3A_529 = arith.constant 1024 : i32
          %mul3A_530 = arith.muli %scan3A_200, %mul3A_529 : i32
          %add3A_531 = arith.constant 432 : i32
          %add3A_532 = arith.addi %mul3A_530, %add3A_531 : i32
          %swap3A_533 = arith.index_cast %add3A_532 : i32 to index
          %swap3A_534 = tpu.vector_load %arg13[%swap3A_533] {strides = array<i32>} : memref<16384xf32, #tpu.memory_space<vmem>>, vector<16xf32>,
          tpu.vector_store %arg13[%swap3A_533], %get3A_528 {strides = array<i32>} : memref<16384xf32, #tpu.memory_space<vmem>>, vector<16xf32>,
          %mul3A_535 = arith.constant 512 : i32
          %mul3A_536 = arith.muli %scan3A_200, %mul3A_535 : i32
          %add3A_537 = arith.constant 448 : i32
          %add3A_538 = arith.addi %mul3A_536, %add3A_537 : i32
          %get3A_539 = arith.index_cast %add3A_538 : i32 to index
          %get3A_540 = tpu.vector_load %arg9[%get3A_539] {strides = array<i32>} : memref<8192xf32, #tpu.memory_space<vmem>>, vector<16xf32>,
          %mul3A_541 = arith.constant 1024 : i32
          %mul3A_542 = arith.muli %scan3A_200, %mul3A_541 : i32
          %add3A_543 = arith.constant 448 : i32
          %add3A_544 = arith.addi %mul3A_542, %add3A_543 : i32
          %swap3A_545 = arith.index_cast %add3A_544 : i32 to index
          %swap3A_546 = tpu.vector_load %arg13[%swap3A_545] {strides = array<i32>} : memref<16384xf32, #tpu.memory_space<vmem>>, vector<16xf32>,
          tpu.vector_store %arg13[%swap3A_545], %get3A_540 {strides = array<i32>} : memref<16384xf32, #tpu.memory_space<vmem>>, vector<16xf32>,
          %mul3A_547 = arith.constant 512 : i32
          %mul3A_548 = arith.muli %scan3A_200, %mul3A_547 : i32
          %add3A_549 = arith.constant 464 : i32
          %add3A_550 = arith.addi %mul3A_548, %add3A_549 : i32
          %get3A_551 = arith.index_cast %add3A_550 : i32 to index
          %get3A_552 = tpu.vector_load %arg9[%get3A_551] {strides = array<i32>} : memref<8192xf32, #tpu.memory_space<vmem>>, vector<16xf32>,
          %mul3A_553 = arith.constant 1024 : i32
          %mul3A_554 = arith.muli %scan3A_200, %mul3A_553 : i32
          %add3A_555 = arith.constant 464 : i32
          %add3A_556 = arith.addi %mul3A_554, %add3A_555 : i32
          %swap3A_557 = arith.index_cast %add3A_556 : i32 to index
          %swap3A_558 = tpu.vector_load %arg13[%swap3A_557] {strides = array<i32>} : memref<16384xf32, #tpu.memory_space<vmem>>, vector<16xf32>,
          tpu.vector_store %arg13[%swap3A_557], %get3A_552 {strides = array<i32>} : memref<16384xf32, #tpu.memory_space<vmem>>, vector<16xf32>,
          %mul3A_559 = arith.constant 512 : i32
          %mul3A_560 = arith.muli %scan3A_200, %mul3A_559 : i32
          %add3A_561 = arith.constant 480 : i32
          %add3A_562 = arith.addi %mul3A_560, %add3A_561 : i32
          %get3A_563 = arith.index_cast %add3A_562 : i32 to index
          %get3A_564 = tpu.vector_load %arg9[%get3A_563] {strides = array<i32>} : memref<8192xf32, #tpu.memory_space<vmem>>, vector<16xf32>,
          %mul3A_565 = arith.constant 1024 : i32
          %mul3A_566 = arith.muli %scan3A_200, %mul3A_565 : i32
          %add3A_567 = arith.constant 480 : i32
          %add3A_568 = arith.addi %mul3A_566, %add3A_567 : i32
          %swap3A_569 = arith.index_cast %add3A_568 : i32 to index
          %swap3A_570 = tpu.vector_load %arg13[%swap3A_569] {strides = array<i32>} : memref<16384xf32, #tpu.memory_space<vmem>>, vector<16xf32>,
          tpu.vector_store %arg13[%swap3A_569], %get3A_564 {strides = array<i32>} : memref<16384xf32, #tpu.memory_space<vmem>>, vector<16xf32>,
          %mul3A_571 = arith.constant 512 : i32
          %mul3A_572 = arith.muli %scan3A_200, %mul3A_571 : i32
          %add3A_573 = arith.constant 496 : i32
          %add3A_574 = arith.addi %mul3A_572, %add3A_573 : i32
          %get3A_575 = arith.index_cast %add3A_574 : i32 to index
          %get3A_576 = tpu.vector_load %arg9[%get3A_575] {strides = array<i32>} : memref<8192xf32, #tpu.memory_space<vmem>>, vector<16xf32>,
          %mul3A_577 = arith.constant 1024 : i32
          %mul3A_578 = arith.muli %scan3A_200, %mul3A_577 : i32
          %add3A_579 = arith.constant 496 : i32
          %add3A_580 = arith.addi %mul3A_578, %add3A_579 : i32
          %swap3A_581 = arith.index_cast %add3A_580 : i32 to index
          %swap3A_582 = tpu.vector_load %arg13[%swap3A_581] {strides = array<i32>} : memref<16384xf32, #tpu.memory_space<vmem>>, vector<16xf32>,
          tpu.vector_store %arg13[%swap3A_581], %get3A_576 {strides = array<i32>} : memref<16384xf32, #tpu.memory_space<vmem>>, vector<16xf32>,
        }
        %scan3A_179 = arith.constant 16 : i32
        %mul3A_180 = arith.constant 16 : i32
        %mul3A_181 = arith.muli %add3A_141, %mul3A_180 : i32
        %mul3A_182 = arith.constant 1024 : i32
        %mul3A_183 = arith.muli %mul3A_181, %mul3A_182 : i32
        %mul3A_184 = arith.constant 16 : i32
        %mul3A_185 = arith.muli %add3A_141, %mul3A_184 : i32
        %mul3A_186 = arith.constant 1024 : i32
        %mul3A_187 = arith.muli %mul3A_185, %mul3A_186 : i32
        %add3A_188 = arith.constant 51200000 : i32
        %add3A_189 = arith.addi %add3A_188, %mul3A_187 : i32
        %dma_start3A_190 = tpu.memref_slice %arg5[%mul3A_183] : memref<102400000xf32, #tpu.memory_space<hbm>> -> memref<16384xf32, #tpu.memory_space<hbm>>
        %dma_start3A_191 = tpu.memref_slice %arg5[%mul3A_183] : memref<102400000xf32, #tpu.memory_space<hbm>> -> memref<16384xf32, #tpu.memory_space<hbm>>
        tpu.enqueue_dma source(%arg11 : memref<16384xf32, #tpu.memory_space<vmem>>) target(%dma_start3A_191 : memref<16384xf32, #tpu.memory_space<hbm>>) target_semaphore(%arg19 : memref<!tpu.dma_semaphore, #tpu.memory_space<semaphore_mem>>)
        %dma_start3A_192 = tpu.memref_slice %arg5[%add3A_189] : memref<102400000xf32, #tpu.memory_space<hbm>> -> memref<16384xf32, #tpu.memory_space<hbm>>
        %dma_start3A_193 = tpu.memref_slice %arg5[%add3A_189] : memref<102400000xf32, #tpu.memory_space<hbm>> -> memref<16384xf32, #tpu.memory_space<hbm>>
        tpu.enqueue_dma source(%arg13 : memref<16384xf32, #tpu.memory_space<vmem>>) target(%dma_start3A_193 : memref<16384xf32, #tpu.memory_space<hbm>>) target_semaphore(%arg19 : memref<!tpu.dma_semaphore, #tpu.memory_space<semaphore_mem>>)
        %add3A_194 = arith.constant 2 : i32
        %add3A_195 = arith.addi %add3A_138, %add3A_194 : i32
        %lt3A_196 = arith.cmpi slt, %add3A_195, %select_n3A : i32
        %convert_element_type3A_197 = arith.extui %lt3A_196 : i1 to i32
        %cond3A_198 = arith.constant 0 : i32
        %cond3A_199 = arith.cmpi ne, %convert_element_type3A_197, %cond3A_198 : i32
        scf.if %cond3A_199 {
          %add3A_200 = arith.constant 64 : i32
          %add3A_201 = arith.addi %add3A_141, %add3A_200 : i32
          %mul3A_202 = arith.constant 2048 : i32
          %mul3A_203 = arith.muli %add3A_201, %mul3A_202 : i32
          %mul3A_204 = arith.constant 16 : i32
          %mul3A_205 = arith.muli %add3A_201, %mul3A_204 : i32
          %mul3A_206 = arith.constant 512 : i32
          %mul3A_207 = arith.muli %mul3A_205, %mul3A_206 : i32
          %dma_start3A_208 = tpu.memref_slice %arg2[%mul3A_203] : memref<6400000xi32, #tpu.memory_space<hbm>> -> memref<2048xi32, #tpu.memory_space<hbm>>
          %dma_start3A_209 = tpu.memref_slice %arg2[%mul3A_203] : memref<6400000xi32, #tpu.memory_space<hbm>> -> memref<2048xi32, #tpu.memory_space<hbm>>
          tpu.enqueue_dma source(%dma_start3A_209 : memref<2048xi32, #tpu.memory_space<hbm>>) target(%arg7 : memref<2048xi32, #tpu.memory_space<vmem>>) target_semaphore(%arg15 : memref<!tpu.dma_semaphore, #tpu.memory_space<semaphore_mem>>)
          %dma_start3A_210 = tpu.memref_slice %arg3[%mul3A_207] : memref<25600000xf32, #tpu.memory_space<hbm>> -> memref<8192xf32, #tpu.memory_space<hbm>>
          %dma_start3A_211 = tpu.memref_slice %arg3[%mul3A_207] : memref<25600000xf32, #tpu.memory_space<hbm>> -> memref<8192xf32, #tpu.memory_space<hbm>>
          tpu.enqueue_dma source(%dma_start3A_211 : memref<8192xf32, #tpu.memory_space<hbm>>) target(%arg9 : memref<8192xf32, #tpu.memory_space<vmem>>) target_semaphore(%arg17 : memref<!tpu.dma_semaphore, #tpu.memory_space<semaphore_mem>>)
        } else {
        }
      } else {
      }
      %mul3A_144 = arith.constant 2 : i32
      %mul3A_145 = arith.muli %mul3A_144, %while3A_134 : i32
      %add3A_146 = arith.constant 1 : i32
      %add3A_147 = arith.addi %mul3A_145, %add3A_146 : i32
      %mul3A_148 = arith.constant 32 : i32
      %mul3A_149 = arith.muli %add3A_147, %mul3A_148 : i32
      %add3A_150 = arith.addi %add3A, %mul3A_149 : i32
      %lt3A_151 = arith.cmpi slt, %add3A_147, %select_n3A : i32
      %convert_element_type3A_152 = arith.extui %lt3A_151 : i1 to i32
      %cond3A_153 = arith.constant 0 : i32
      %cond3A_154 = arith.cmpi ne, %convert_element_type3A_152, %cond3A_153 : i32
      scf.if %cond3A_154 {
        %mul3A_155 = arith.constant 2048 : i32
        %mul3A_156 = arith.muli %add3A_150, %mul3A_155 : i32
        %mul3A_157 = arith.constant 16 : i32
        %mul3A_158 = arith.muli %add3A_150, %mul3A_157 : i32
        %mul3A_159 = arith.constant 512 : i32
        %mul3A_160 = arith.muli %mul3A_158, %mul3A_159 : i32
        %dma_wait3A_161 = tpu.memref_slice %arg2[%mul3A_156] : memref<6400000xi32, #tpu.memory_space<hbm>> -> memref<2048xi32, #tpu.memory_space<hbm>>
        %dma_wait3A_162 = tpu.memref_slice %arg2[%mul3A_156] : memref<6400000xi32, #tpu.memory_space<hbm>> -> memref<2048xi32, #tpu.memory_space<hbm>>
        tpu.wait_dma2 semaphore(%arg16 : memref<!tpu.dma_semaphore, #tpu.memory_space<semaphore_mem>>) src(%dma_wait3A_162 : memref<2048xi32, #tpu.memory_space<hbm>>) dst(%arg8 : memref<2048xi32, #tpu.memory_space<vmem>>)
        %ge3A = arith.constant 2 : i32
        %ge3A_163 = arith.cmpi sge, %add3A_147, %ge3A : i32
        %convert_element_type3A_164 = arith.extui %ge3A_163 : i1 to i32
        %cond3A_165 = arith.constant 0 : i32
        %cond3A_166 = arith.cmpi ne, %convert_element_type3A_164, %cond3A_165 : i32
        scf.if %cond3A_166 {
          %sub3A_200 = arith.constant 64 : i32
          %sub3A_201 = arith.subi %add3A_150, %sub3A_200 : i32
          %mul3A_202 = arith.constant 16 : i32
          %mul3A_203 = arith.muli %sub3A_201, %mul3A_202 : i32
          %mul3A_204 = arith.constant 1024 : i32
          %mul3A_205 = arith.muli %mul3A_203, %mul3A_204 : i32
          %mul3A_206 = arith.constant 16 : i32
          %mul3A_207 = arith.muli %sub3A_201, %mul3A_206 : i32
          %mul3A_208 = arith.constant 1024 : i32
          %mul3A_209 = arith.muli %mul3A_207, %mul3A_208 : i32
          %add3A_210 = arith.constant 51200000 : i32
          %add3A_211 = arith.addi %add3A_210, %mul3A_209 : i32
          %dma_wait3A_212 = tpu.memref_slice %arg5[%mul3A_205] : memref<102400000xf32, #tpu.memory_space<hbm>> -> memref<16384xf32, #tpu.memory_space<hbm>>
          %dma_wait3A_213 = tpu.memref_slice %arg5[%mul3A_205] : memref<102400000xf32, #tpu.memory_space<hbm>> -> memref<16384xf32, #tpu.memory_space<hbm>>
          tpu.wait_dma2 semaphore(%arg20 : memref<!tpu.dma_semaphore, #tpu.memory_space<semaphore_mem>>) src(%arg12 : memref<16384xf32, #tpu.memory_space<vmem>>) dst(%dma_wait3A_213 : memref<16384xf32, #tpu.memory_space<hbm>>)
          %dma_wait3A_214 = tpu.memref_slice %arg5[%add3A_211] : memref<102400000xf32, #tpu.memory_space<hbm>> -> memref<16384xf32, #tpu.memory_space<hbm>>
          %dma_wait3A_215 = tpu.memref_slice %arg5[%add3A_211] : memref<102400000xf32, #tpu.memory_space<hbm>> -> memref<16384xf32, #tpu.memory_space<hbm>>
          tpu.wait_dma2 semaphore(%arg20 : memref<!tpu.dma_semaphore, #tpu.memory_space<semaphore_mem>>) src(%arg14 : memref<16384xf32, #tpu.memory_space<vmem>>) dst(%dma_wait3A_215 : memref<16384xf32, #tpu.memory_space<hbm>>)
        } else {
        }
        %scan3A = arith.constant 0 : i32
        %scan3A_167 = arith.constant 0 : i32
        %scan3A_168 = arith.constant 16 : i32
        %scan3A_169 = arith.addi %scan3A_167, %scan3A_168 : i32
        %scan3A_170 = arith.constant 1 : i32
        scf.for %scan3A_200 = %scan3A_167 to %scan3A_169 step %scan3A_170  : i32 {
          %mul3A_201 = arith.constant 1024 : i32
          %mul3A_202 = arith.muli %scan3A_200, %mul3A_201 : i32
          %mul3A_203 = arith.constant 128 : i32
          %mul3A_204 = arith.muli %scan3A_200, %mul3A_203 : i32
          %add3A_205 = arith.constant 0 : i32
          %add3A_206 = arith.addi %mul3A_204, %add3A_205 : i32
          %get3A = arith.index_cast %add3A_206 : i32 to index
          %get3A_207 = tpu.vector_load %arg8[%get3A] {strides = array<i32>} : memref<2048xi32, #tpu.memory_space<vmem>>, vector<16xi32>,
          %add3A_208 = arith.constant 16 : i32
          %add3A_209 = arith.addi %mul3A_204, %add3A_208 : i32
          %get3A_210 = arith.index_cast %add3A_209 : i32 to index
          %get3A_211 = tpu.vector_load %arg8[%get3A_210] {strides = array<i32>} : memref<2048xi32, #tpu.memory_space<vmem>>, vector<16xi32>,
          %add3A_212 = arith.constant 32 : i32
          %add3A_213 = arith.addi %mul3A_204, %add3A_212 : i32
          %get3A_214 = arith.index_cast %add3A_213 : i32 to index
          %get3A_215 = tpu.vector_load %arg8[%get3A_214] {strides = array<i32>} : memref<2048xi32, #tpu.memory_space<vmem>>, vector<16xi32>,
          %add3A_216 = arith.constant 48 : i32
          %add3A_217 = arith.addi %mul3A_204, %add3A_216 : i32
          %get3A_218 = arith.index_cast %add3A_217 : i32 to index
          %get3A_219 = tpu.vector_load %arg8[%get3A_218] {strides = array<i32>} : memref<2048xi32, #tpu.memory_space<vmem>>, vector<16xi32>,
          %add3A_220 = arith.constant 64 : i32
          %add3A_221 = arith.addi %mul3A_204, %add3A_220 : i32
          %get3A_222 = arith.index_cast %add3A_221 : i32 to index
          %get3A_223 = tpu.vector_load %arg8[%get3A_222] {strides = array<i32>} : memref<2048xi32, #tpu.memory_space<vmem>>, vector<16xi32>,
          %add3A_224 = arith.constant 80 : i32
          %add3A_225 = arith.addi %mul3A_204, %add3A_224 : i32
          %get3A_226 = arith.index_cast %add3A_225 : i32 to index
          %get3A_227 = tpu.vector_load %arg8[%get3A_226] {strides = array<i32>} : memref<2048xi32, #tpu.memory_space<vmem>>, vector<16xi32>,
          %add3A_228 = arith.constant 96 : i32
          %add3A_229 = arith.addi %mul3A_204, %add3A_228 : i32
          %get3A_230 = arith.index_cast %add3A_229 : i32 to index
          %get3A_231 = tpu.vector_load %arg8[%get3A_230] {strides = array<i32>} : memref<2048xi32, #tpu.memory_space<vmem>>, vector<16xi32>,
          %add3A_232 = arith.constant 112 : i32
          %add3A_233 = arith.addi %mul3A_204, %add3A_232 : i32
          %get3A_234 = arith.index_cast %add3A_233 : i32 to index
          %get3A_235 = tpu.vector_load %arg8[%get3A_234] {strides = array<i32>} : memref<2048xi32, #tpu.memory_space<vmem>>, vector<16xi32>,
          %gather3A = arith.constant 0 : i32
          %gather3A_236 = tpu.memref_slice %arg6[%gather3A] : memref<128xf32, #tpu.memory_space<vmem>> -> memref<16xf32, #tpu.memory_space<vmem>>
          %gather3A_237 = tpu.vector_load_idx %gather3A_236[%get3A_207] : memref<16xf32, #tpu.memory_space<vmem>>[vector<16xi32>], vector<16xf32>,
          %add3A_238 = arith.constant 0 : i32
          %add3A_239 = arith.addi %mul3A_202, %add3A_238 : i32
          %add3A_240 = arith.constant 0 : i32
          %add3A_241 = arith.addi %add3A_239, %add3A_240 : i32
          %swap3A = arith.index_cast %add3A_241 : i32 to index
          %swap3A_242 = tpu.vector_load %arg12[%swap3A] {strides = array<i32>} : memref<16384xf32, #tpu.memory_space<vmem>>, vector<16xf32>,
          tpu.vector_store %arg12[%swap3A], %gather3A_237 {strides = array<i32>} : memref<16384xf32, #tpu.memory_space<vmem>>, vector<16xf32>,
          %gather3A_243 = arith.constant 0 : i32
          %gather3A_244 = tpu.memref_slice %arg6[%gather3A_243] : memref<128xf32, #tpu.memory_space<vmem>> -> memref<16xf32, #tpu.memory_space<vmem>>
          %gather3A_245 = tpu.vector_load_idx %gather3A_244[%get3A_211] : memref<16xf32, #tpu.memory_space<vmem>>[vector<16xi32>], vector<16xf32>,
          %add3A_246 = arith.constant 0 : i32
          %add3A_247 = arith.addi %mul3A_202, %add3A_246 : i32
          %add3A_248 = arith.constant 16 : i32
          %add3A_249 = arith.addi %add3A_247, %add3A_248 : i32
          %swap3A_250 = arith.index_cast %add3A_249 : i32 to index
          %swap3A_251 = tpu.vector_load %arg12[%swap3A_250] {strides = array<i32>} : memref<16384xf32, #tpu.memory_space<vmem>>, vector<16xf32>,
          tpu.vector_store %arg12[%swap3A_250], %gather3A_245 {strides = array<i32>} : memref<16384xf32, #tpu.memory_space<vmem>>, vector<16xf32>,
          %gather3A_252 = arith.constant 0 : i32
          %gather3A_253 = tpu.memref_slice %arg6[%gather3A_252] : memref<128xf32, #tpu.memory_space<vmem>> -> memref<16xf32, #tpu.memory_space<vmem>>
          %gather3A_254 = tpu.vector_load_idx %gather3A_253[%get3A_215] : memref<16xf32, #tpu.memory_space<vmem>>[vector<16xi32>], vector<16xf32>,
          %add3A_255 = arith.constant 0 : i32
          %add3A_256 = arith.addi %mul3A_202, %add3A_255 : i32
          %add3A_257 = arith.constant 32 : i32
          %add3A_258 = arith.addi %add3A_256, %add3A_257 : i32
          %swap3A_259 = arith.index_cast %add3A_258 : i32 to index
          %swap3A_260 = tpu.vector_load %arg12[%swap3A_259] {strides = array<i32>} : memref<16384xf32, #tpu.memory_space<vmem>>, vector<16xf32>,
          tpu.vector_store %arg12[%swap3A_259], %gather3A_254 {strides = array<i32>} : memref<16384xf32, #tpu.memory_space<vmem>>, vector<16xf32>,
          %gather3A_261 = arith.constant 0 : i32
          %gather3A_262 = tpu.memref_slice %arg6[%gather3A_261] : memref<128xf32, #tpu.memory_space<vmem>> -> memref<16xf32, #tpu.memory_space<vmem>>
          %gather3A_263 = tpu.vector_load_idx %gather3A_262[%get3A_219] : memref<16xf32, #tpu.memory_space<vmem>>[vector<16xi32>], vector<16xf32>,
          %add3A_264 = arith.constant 0 : i32
          %add3A_265 = arith.addi %mul3A_202, %add3A_264 : i32
          %add3A_266 = arith.constant 48 : i32
          %add3A_267 = arith.addi %add3A_265, %add3A_266 : i32
          %swap3A_268 = arith.index_cast %add3A_267 : i32 to index
          %swap3A_269 = tpu.vector_load %arg12[%swap3A_268] {strides = array<i32>} : memref<16384xf32, #tpu.memory_space<vmem>>, vector<16xf32>,
          tpu.vector_store %arg12[%swap3A_268], %gather3A_263 {strides = array<i32>} : memref<16384xf32, #tpu.memory_space<vmem>>, vector<16xf32>,
          %gather3A_270 = arith.constant 0 : i32
          %gather3A_271 = tpu.memref_slice %arg6[%gather3A_270] : memref<128xf32, #tpu.memory_space<vmem>> -> memref<16xf32, #tpu.memory_space<vmem>>
          %gather3A_272 = tpu.vector_load_idx %gather3A_271[%get3A_223] : memref<16xf32, #tpu.memory_space<vmem>>[vector<16xi32>], vector<16xf32>,
          %add3A_273 = arith.constant 0 : i32
          %add3A_274 = arith.addi %mul3A_202, %add3A_273 : i32
          %add3A_275 = arith.constant 64 : i32
          %add3A_276 = arith.addi %add3A_274, %add3A_275 : i32
          %swap3A_277 = arith.index_cast %add3A_276 : i32 to index
          %swap3A_278 = tpu.vector_load %arg12[%swap3A_277] {strides = array<i32>} : memref<16384xf32, #tpu.memory_space<vmem>>, vector<16xf32>,
          tpu.vector_store %arg12[%swap3A_277], %gather3A_272 {strides = array<i32>} : memref<16384xf32, #tpu.memory_space<vmem>>, vector<16xf32>,
          %gather3A_279 = arith.constant 0 : i32
          %gather3A_280 = tpu.memref_slice %arg6[%gather3A_279] : memref<128xf32, #tpu.memory_space<vmem>> -> memref<16xf32, #tpu.memory_space<vmem>>
          %gather3A_281 = tpu.vector_load_idx %gather3A_280[%get3A_227] : memref<16xf32, #tpu.memory_space<vmem>>[vector<16xi32>], vector<16xf32>,
          %add3A_282 = arith.constant 0 : i32
          %add3A_283 = arith.addi %mul3A_202, %add3A_282 : i32
          %add3A_284 = arith.constant 80 : i32
          %add3A_285 = arith.addi %add3A_283, %add3A_284 : i32
          %swap3A_286 = arith.index_cast %add3A_285 : i32 to index
          %swap3A_287 = tpu.vector_load %arg12[%swap3A_286] {strides = array<i32>} : memref<16384xf32, #tpu.memory_space<vmem>>, vector<16xf32>,
          tpu.vector_store %arg12[%swap3A_286], %gather3A_281 {strides = array<i32>} : memref<16384xf32, #tpu.memory_space<vmem>>, vector<16xf32>,
          %gather3A_288 = arith.constant 0 : i32
          %gather3A_289 = tpu.memref_slice %arg6[%gather3A_288] : memref<128xf32, #tpu.memory_space<vmem>> -> memref<16xf32, #tpu.memory_space<vmem>>
          %gather3A_290 = tpu.vector_load_idx %gather3A_289[%get3A_231] : memref<16xf32, #tpu.memory_space<vmem>>[vector<16xi32>], vector<16xf32>,
          %add3A_291 = arith.constant 0 : i32
          %add3A_292 = arith.addi %mul3A_202, %add3A_291 : i32
          %add3A_293 = arith.constant 96 : i32
          %add3A_294 = arith.addi %add3A_292, %add3A_293 : i32
          %swap3A_295 = arith.index_cast %add3A_294 : i32 to index
          %swap3A_296 = tpu.vector_load %arg12[%swap3A_295] {strides = array<i32>} : memref<16384xf32, #tpu.memory_space<vmem>>, vector<16xf32>,
          tpu.vector_store %arg12[%swap3A_295], %gather3A_290 {strides = array<i32>} : memref<16384xf32, #tpu.memory_space<vmem>>, vector<16xf32>,
          %gather3A_297 = arith.constant 0 : i32
          %gather3A_298 = tpu.memref_slice %arg6[%gather3A_297] : memref<128xf32, #tpu.memory_space<vmem>> -> memref<16xf32, #tpu.memory_space<vmem>>
          %gather3A_299 = tpu.vector_load_idx %gather3A_298[%get3A_235] : memref<16xf32, #tpu.memory_space<vmem>>[vector<16xi32>], vector<16xf32>,
          %add3A_300 = arith.constant 0 : i32
          %add3A_301 = arith.addi %mul3A_202, %add3A_300 : i32
          %add3A_302 = arith.constant 112 : i32
          %add3A_303 = arith.addi %add3A_301, %add3A_302 : i32
          %swap3A_304 = arith.index_cast %add3A_303 : i32 to index
          %swap3A_305 = tpu.vector_load %arg12[%swap3A_304] {strides = array<i32>} : memref<16384xf32, #tpu.memory_space<vmem>>, vector<16xf32>,
          tpu.vector_store %arg12[%swap3A_304], %gather3A_299 {strides = array<i32>} : memref<16384xf32, #tpu.memory_space<vmem>>, vector<16xf32>,
          %gather3A_306 = arith.constant 16 : i32
          %gather3A_307 = tpu.memref_slice %arg6[%gather3A_306] : memref<128xf32, #tpu.memory_space<vmem>> -> memref<16xf32, #tpu.memory_space<vmem>>
          %gather3A_308 = tpu.vector_load_idx %gather3A_307[%get3A_207] : memref<16xf32, #tpu.memory_space<vmem>>[vector<16xi32>], vector<16xf32>,
          %add3A_309 = arith.constant 128 : i32
          %add3A_310 = arith.addi %mul3A_202, %add3A_309 : i32
          %add3A_311 = arith.constant 0 : i32
          %add3A_312 = arith.addi %add3A_310, %add3A_311 : i32
          %swap3A_313 = arith.index_cast %add3A_312 : i32 to index
          %swap3A_314 = tpu.vector_load %arg12[%swap3A_313] {strides = array<i32>} : memref<16384xf32, #tpu.memory_space<vmem>>, vector<16xf32>,
          tpu.vector_store %arg12[%swap3A_313], %gather3A_308 {strides = array<i32>} : memref<16384xf32, #tpu.memory_space<vmem>>, vector<16xf32>,
          %gather3A_315 = arith.constant 16 : i32
          %gather3A_316 = tpu.memref_slice %arg6[%gather3A_315] : memref<128xf32, #tpu.memory_space<vmem>> -> memref<16xf32, #tpu.memory_space<vmem>>
          %gather3A_317 = tpu.vector_load_idx %gather3A_316[%get3A_211] : memref<16xf32, #tpu.memory_space<vmem>>[vector<16xi32>], vector<16xf32>,
          %add3A_318 = arith.constant 128 : i32
          %add3A_319 = arith.addi %mul3A_202, %add3A_318 : i32
          %add3A_320 = arith.constant 16 : i32
          %add3A_321 = arith.addi %add3A_319, %add3A_320 : i32
          %swap3A_322 = arith.index_cast %add3A_321 : i32 to index
          %swap3A_323 = tpu.vector_load %arg12[%swap3A_322] {strides = array<i32>} : memref<16384xf32, #tpu.memory_space<vmem>>, vector<16xf32>,
          tpu.vector_store %arg12[%swap3A_322], %gather3A_317 {strides = array<i32>} : memref<16384xf32, #tpu.memory_space<vmem>>, vector<16xf32>,
          %gather3A_324 = arith.constant 16 : i32
          %gather3A_325 = tpu.memref_slice %arg6[%gather3A_324] : memref<128xf32, #tpu.memory_space<vmem>> -> memref<16xf32, #tpu.memory_space<vmem>>
          %gather3A_326 = tpu.vector_load_idx %gather3A_325[%get3A_215] : memref<16xf32, #tpu.memory_space<vmem>>[vector<16xi32>], vector<16xf32>,
          %add3A_327 = arith.constant 128 : i32
          %add3A_328 = arith.addi %mul3A_202, %add3A_327 : i32
          %add3A_329 = arith.constant 32 : i32
          %add3A_330 = arith.addi %add3A_328, %add3A_329 : i32
          %swap3A_331 = arith.index_cast %add3A_330 : i32 to index
          %swap3A_332 = tpu.vector_load %arg12[%swap3A_331] {strides = array<i32>} : memref<16384xf32, #tpu.memory_space<vmem>>, vector<16xf32>,
          tpu.vector_store %arg12[%swap3A_331], %gather3A_326 {strides = array<i32>} : memref<16384xf32, #tpu.memory_space<vmem>>, vector<16xf32>,
          %gather3A_333 = arith.constant 16 : i32
          %gather3A_334 = tpu.memref_slice %arg6[%gather3A_333] : memref<128xf32, #tpu.memory_space<vmem>> -> memref<16xf32, #tpu.memory_space<vmem>>
          %gather3A_335 = tpu.vector_load_idx %gather3A_334[%get3A_219] : memref<16xf32, #tpu.memory_space<vmem>>[vector<16xi32>], vector<16xf32>,
          %add3A_336 = arith.constant 128 : i32
          %add3A_337 = arith.addi %mul3A_202, %add3A_336 : i32
          %add3A_338 = arith.constant 48 : i32
          %add3A_339 = arith.addi %add3A_337, %add3A_338 : i32
          %swap3A_340 = arith.index_cast %add3A_339 : i32 to index
          %swap3A_341 = tpu.vector_load %arg12[%swap3A_340] {strides = array<i32>} : memref<16384xf32, #tpu.memory_space<vmem>>, vector<16xf32>,
          tpu.vector_store %arg12[%swap3A_340], %gather3A_335 {strides = array<i32>} : memref<16384xf32, #tpu.memory_space<vmem>>, vector<16xf32>,
          %gather3A_342 = arith.constant 16 : i32
          %gather3A_343 = tpu.memref_slice %arg6[%gather3A_342] : memref<128xf32, #tpu.memory_space<vmem>> -> memref<16xf32, #tpu.memory_space<vmem>>
          %gather3A_344 = tpu.vector_load_idx %gather3A_343[%get3A_223] : memref<16xf32, #tpu.memory_space<vmem>>[vector<16xi32>], vector<16xf32>,
          %add3A_345 = arith.constant 128 : i32
          %add3A_346 = arith.addi %mul3A_202, %add3A_345 : i32
          %add3A_347 = arith.constant 64 : i32
          %add3A_348 = arith.addi %add3A_346, %add3A_347 : i32
          %swap3A_349 = arith.index_cast %add3A_348 : i32 to index
          %swap3A_350 = tpu.vector_load %arg12[%swap3A_349] {strides = array<i32>} : memref<16384xf32, #tpu.memory_space<vmem>>, vector<16xf32>,
          tpu.vector_store %arg12[%swap3A_349], %gather3A_344 {strides = array<i32>} : memref<16384xf32, #tpu.memory_space<vmem>>, vector<16xf32>,
          %gather3A_351 = arith.constant 16 : i32
          %gather3A_352 = tpu.memref_slice %arg6[%gather3A_351] : memref<128xf32, #tpu.memory_space<vmem>> -> memref<16xf32, #tpu.memory_space<vmem>>
          %gather3A_353 = tpu.vector_load_idx %gather3A_352[%get3A_227] : memref<16xf32, #tpu.memory_space<vmem>>[vector<16xi32>], vector<16xf32>,
          %add3A_354 = arith.constant 128 : i32
          %add3A_355 = arith.addi %mul3A_202, %add3A_354 : i32
          %add3A_356 = arith.constant 80 : i32
          %add3A_357 = arith.addi %add3A_355, %add3A_356 : i32
          %swap3A_358 = arith.index_cast %add3A_357 : i32 to index
          %swap3A_359 = tpu.vector_load %arg12[%swap3A_358] {strides = array<i32>} : memref<16384xf32, #tpu.memory_space<vmem>>, vector<16xf32>,
          tpu.vector_store %arg12[%swap3A_358], %gather3A_353 {strides = array<i32>} : memref<16384xf32, #tpu.memory_space<vmem>>, vector<16xf32>,
          %gather3A_360 = arith.constant 16 : i32
          %gather3A_361 = tpu.memref_slice %arg6[%gather3A_360] : memref<128xf32, #tpu.memory_space<vmem>> -> memref<16xf32, #tpu.memory_space<vmem>>
          %gather3A_362 = tpu.vector_load_idx %gather3A_361[%get3A_231] : memref<16xf32, #tpu.memory_space<vmem>>[vector<16xi32>], vector<16xf32>,
          %add3A_363 = arith.constant 128 : i32
          %add3A_364 = arith.addi %mul3A_202, %add3A_363 : i32
          %add3A_365 = arith.constant 96 : i32
          %add3A_366 = arith.addi %add3A_364, %add3A_365 : i32
          %swap3A_367 = arith.index_cast %add3A_366 : i32 to index
          %swap3A_368 = tpu.vector_load %arg12[%swap3A_367] {strides = array<i32>} : memref<16384xf32, #tpu.memory_space<vmem>>, vector<16xf32>,
          tpu.vector_store %arg12[%swap3A_367], %gather3A_362 {strides = array<i32>} : memref<16384xf32, #tpu.memory_space<vmem>>, vector<16xf32>,
          %gather3A_369 = arith.constant 16 : i32
          %gather3A_370 = tpu.memref_slice %arg6[%gather3A_369] : memref<128xf32, #tpu.memory_space<vmem>> -> memref<16xf32, #tpu.memory_space<vmem>>
          %gather3A_371 = tpu.vector_load_idx %gather3A_370[%get3A_235] : memref<16xf32, #tpu.memory_space<vmem>>[vector<16xi32>], vector<16xf32>,
          %add3A_372 = arith.constant 128 : i32
          %add3A_373 = arith.addi %mul3A_202, %add3A_372 : i32
          %add3A_374 = arith.constant 112 : i32
          %add3A_375 = arith.addi %add3A_373, %add3A_374 : i32
          %swap3A_376 = arith.index_cast %add3A_375 : i32 to index
          %swap3A_377 = tpu.vector_load %arg12[%swap3A_376] {strides = array<i32>} : memref<16384xf32, #tpu.memory_space<vmem>>, vector<16xf32>,
          tpu.vector_store %arg12[%swap3A_376], %gather3A_371 {strides = array<i32>} : memref<16384xf32, #tpu.memory_space<vmem>>, vector<16xf32>,
          %gather3A_378 = arith.constant 32 : i32
          %gather3A_379 = tpu.memref_slice %arg6[%gather3A_378] : memref<128xf32, #tpu.memory_space<vmem>> -> memref<16xf32, #tpu.memory_space<vmem>>
          %gather3A_380 = tpu.vector_load_idx %gather3A_379[%get3A_207] : memref<16xf32, #tpu.memory_space<vmem>>[vector<16xi32>], vector<16xf32>,
          %add3A_381 = arith.constant 256 : i32
          %add3A_382 = arith.addi %mul3A_202, %add3A_381 : i32
          %add3A_383 = arith.constant 0 : i32
          %add3A_384 = arith.addi %add3A_382, %add3A_383 : i32
          %swap3A_385 = arith.index_cast %add3A_384 : i32 to index
          %swap3A_386 = tpu.vector_load %arg12[%swap3A_385] {strides = array<i32>} : memref<16384xf32, #tpu.memory_space<vmem>>, vector<16xf32>,
          tpu.vector_store %arg12[%swap3A_385], %gather3A_380 {strides = array<i32>} : memref<16384xf32, #tpu.memory_space<vmem>>, vector<16xf32>,
          %gather3A_387 = arith.constant 32 : i32
          %gather3A_388 = tpu.memref_slice %arg6[%gather3A_387] : memref<128xf32, #tpu.memory_space<vmem>> -> memref<16xf32, #tpu.memory_space<vmem>>
          %gather3A_389 = tpu.vector_load_idx %gather3A_388[%get3A_211] : memref<16xf32, #tpu.memory_space<vmem>>[vector<16xi32>], vector<16xf32>,
          %add3A_390 = arith.constant 256 : i32
          %add3A_391 = arith.addi %mul3A_202, %add3A_390 : i32
          %add3A_392 = arith.constant 16 : i32
          %add3A_393 = arith.addi %add3A_391, %add3A_392 : i32
          %swap3A_394 = arith.index_cast %add3A_393 : i32 to index
          %swap3A_395 = tpu.vector_load %arg12[%swap3A_394] {strides = array<i32>} : memref<16384xf32, #tpu.memory_space<vmem>>, vector<16xf32>,
          tpu.vector_store %arg12[%swap3A_394], %gather3A_389 {strides = array<i32>} : memref<16384xf32, #tpu.memory_space<vmem>>, vector<16xf32>,
          %gather3A_396 = arith.constant 32 : i32
          %gather3A_397 = tpu.memref_slice %arg6[%gather3A_396] : memref<128xf32, #tpu.memory_space<vmem>> -> memref<16xf32, #tpu.memory_space<vmem>>
          %gather3A_398 = tpu.vector_load_idx %gather3A_397[%get3A_215] : memref<16xf32, #tpu.memory_space<vmem>>[vector<16xi32>], vector<16xf32>,
          %add3A_399 = arith.constant 256 : i32
          %add3A_400 = arith.addi %mul3A_202, %add3A_399 : i32
          %add3A_401 = arith.constant 32 : i32
          %add3A_402 = arith.addi %add3A_400, %add3A_401 : i32
          %swap3A_403 = arith.index_cast %add3A_402 : i32 to index
          %swap3A_404 = tpu.vector_load %arg12[%swap3A_403] {strides = array<i32>} : memref<16384xf32, #tpu.memory_space<vmem>>, vector<16xf32>,
          tpu.vector_store %arg12[%swap3A_403], %gather3A_398 {strides = array<i32>} : memref<16384xf32, #tpu.memory_space<vmem>>, vector<16xf32>,
          %gather3A_405 = arith.constant 32 : i32
          %gather3A_406 = tpu.memref_slice %arg6[%gather3A_405] : memref<128xf32, #tpu.memory_space<vmem>> -> memref<16xf32, #tpu.memory_space<vmem>>
          %gather3A_407 = tpu.vector_load_idx %gather3A_406[%get3A_219] : memref<16xf32, #tpu.memory_space<vmem>>[vector<16xi32>], vector<16xf32>,
          %add3A_408 = arith.constant 256 : i32
          %add3A_409 = arith.addi %mul3A_202, %add3A_408 : i32
          %add3A_410 = arith.constant 48 : i32
          %add3A_411 = arith.addi %add3A_409, %add3A_410 : i32
          %swap3A_412 = arith.index_cast %add3A_411 : i32 to index
          %swap3A_413 = tpu.vector_load %arg12[%swap3A_412] {strides = array<i32>} : memref<16384xf32, #tpu.memory_space<vmem>>, vector<16xf32>,
          tpu.vector_store %arg12[%swap3A_412], %gather3A_407 {strides = array<i32>} : memref<16384xf32, #tpu.memory_space<vmem>>, vector<16xf32>,
          %gather3A_414 = arith.constant 32 : i32
          %gather3A_415 = tpu.memref_slice %arg6[%gather3A_414] : memref<128xf32, #tpu.memory_space<vmem>> -> memref<16xf32, #tpu.memory_space<vmem>>
          %gather3A_416 = tpu.vector_load_idx %gather3A_415[%get3A_223] : memref<16xf32, #tpu.memory_space<vmem>>[vector<16xi32>], vector<16xf32>,
          %add3A_417 = arith.constant 256 : i32
          %add3A_418 = arith.addi %mul3A_202, %add3A_417 : i32
          %add3A_419 = arith.constant 64 : i32
          %add3A_420 = arith.addi %add3A_418, %add3A_419 : i32
          %swap3A_421 = arith.index_cast %add3A_420 : i32 to index
          %swap3A_422 = tpu.vector_load %arg12[%swap3A_421] {strides = array<i32>} : memref<16384xf32, #tpu.memory_space<vmem>>, vector<16xf32>,
          tpu.vector_store %arg12[%swap3A_421], %gather3A_416 {strides = array<i32>} : memref<16384xf32, #tpu.memory_space<vmem>>, vector<16xf32>,
          %gather3A_423 = arith.constant 32 : i32
          %gather3A_424 = tpu.memref_slice %arg6[%gather3A_423] : memref<128xf32, #tpu.memory_space<vmem>> -> memref<16xf32, #tpu.memory_space<vmem>>
          %gather3A_425 = tpu.vector_load_idx %gather3A_424[%get3A_227] : memref<16xf32, #tpu.memory_space<vmem>>[vector<16xi32>], vector<16xf32>,
          %add3A_426 = arith.constant 256 : i32
          %add3A_427 = arith.addi %mul3A_202, %add3A_426 : i32
          %add3A_428 = arith.constant 80 : i32
          %add3A_429 = arith.addi %add3A_427, %add3A_428 : i32
          %swap3A_430 = arith.index_cast %add3A_429 : i32 to index
          %swap3A_431 = tpu.vector_load %arg12[%swap3A_430] {strides = array<i32>} : memref<16384xf32, #tpu.memory_space<vmem>>, vector<16xf32>,
          tpu.vector_store %arg12[%swap3A_430], %gather3A_425 {strides = array<i32>} : memref<16384xf32, #tpu.memory_space<vmem>>, vector<16xf32>,
          %gather3A_432 = arith.constant 32 : i32
          %gather3A_433 = tpu.memref_slice %arg6[%gather3A_432] : memref<128xf32, #tpu.memory_space<vmem>> -> memref<16xf32, #tpu.memory_space<vmem>>
          %gather3A_434 = tpu.vector_load_idx %gather3A_433[%get3A_231] : memref<16xf32, #tpu.memory_space<vmem>>[vector<16xi32>], vector<16xf32>,
          %add3A_435 = arith.constant 256 : i32
          %add3A_436 = arith.addi %mul3A_202, %add3A_435 : i32
          %add3A_437 = arith.constant 96 : i32
          %add3A_438 = arith.addi %add3A_436, %add3A_437 : i32
          %swap3A_439 = arith.index_cast %add3A_438 : i32 to index
          %swap3A_440 = tpu.vector_load %arg12[%swap3A_439] {strides = array<i32>} : memref<16384xf32, #tpu.memory_space<vmem>>, vector<16xf32>,
          tpu.vector_store %arg12[%swap3A_439], %gather3A_434 {strides = array<i32>} : memref<16384xf32, #tpu.memory_space<vmem>>, vector<16xf32>,
          %gather3A_441 = arith.constant 32 : i32
          %gather3A_442 = tpu.memref_slice %arg6[%gather3A_441] : memref<128xf32, #tpu.memory_space<vmem>> -> memref<16xf32, #tpu.memory_space<vmem>>
          %gather3A_443 = tpu.vector_load_idx %gather3A_442[%get3A_235] : memref<16xf32, #tpu.memory_space<vmem>>[vector<16xi32>], vector<16xf32>,
          %add3A_444 = arith.constant 256 : i32
          %add3A_445 = arith.addi %mul3A_202, %add3A_444 : i32
          %add3A_446 = arith.constant 112 : i32
          %add3A_447 = arith.addi %add3A_445, %add3A_446 : i32
          %swap3A_448 = arith.index_cast %add3A_447 : i32 to index
          %swap3A_449 = tpu.vector_load %arg12[%swap3A_448] {strides = array<i32>} : memref<16384xf32, #tpu.memory_space<vmem>>, vector<16xf32>,
          tpu.vector_store %arg12[%swap3A_448], %gather3A_443 {strides = array<i32>} : memref<16384xf32, #tpu.memory_space<vmem>>, vector<16xf32>,
          %gather3A_450 = arith.constant 48 : i32
          %gather3A_451 = tpu.memref_slice %arg6[%gather3A_450] : memref<128xf32, #tpu.memory_space<vmem>> -> memref<16xf32, #tpu.memory_space<vmem>>
          %gather3A_452 = tpu.vector_load_idx %gather3A_451[%get3A_207] : memref<16xf32, #tpu.memory_space<vmem>>[vector<16xi32>], vector<16xf32>,
          %add3A_453 = arith.constant 384 : i32
          %add3A_454 = arith.addi %mul3A_202, %add3A_453 : i32
          %add3A_455 = arith.constant 0 : i32
          %add3A_456 = arith.addi %add3A_454, %add3A_455 : i32
          %swap3A_457 = arith.index_cast %add3A_456 : i32 to index
          %swap3A_458 = tpu.vector_load %arg12[%swap3A_457] {strides = array<i32>} : memref<16384xf32, #tpu.memory_space<vmem>>, vector<16xf32>,
          tpu.vector_store %arg12[%swap3A_457], %gather3A_452 {strides = array<i32>} : memref<16384xf32, #tpu.memory_space<vmem>>, vector<16xf32>,
          %gather3A_459 = arith.constant 48 : i32
          %gather3A_460 = tpu.memref_slice %arg6[%gather3A_459] : memref<128xf32, #tpu.memory_space<vmem>> -> memref<16xf32, #tpu.memory_space<vmem>>
          %gather3A_461 = tpu.vector_load_idx %gather3A_460[%get3A_211] : memref<16xf32, #tpu.memory_space<vmem>>[vector<16xi32>], vector<16xf32>,
          %add3A_462 = arith.constant 384 : i32
          %add3A_463 = arith.addi %mul3A_202, %add3A_462 : i32
          %add3A_464 = arith.constant 16 : i32
          %add3A_465 = arith.addi %add3A_463, %add3A_464 : i32
          %swap3A_466 = arith.index_cast %add3A_465 : i32 to index
          %swap3A_467 = tpu.vector_load %arg12[%swap3A_466] {strides = array<i32>} : memref<16384xf32, #tpu.memory_space<vmem>>, vector<16xf32>,
          tpu.vector_store %arg12[%swap3A_466], %gather3A_461 {strides = array<i32>} : memref<16384xf32, #tpu.memory_space<vmem>>, vector<16xf32>,
          %gather3A_468 = arith.constant 48 : i32
          %gather3A_469 = tpu.memref_slice %arg6[%gather3A_468] : memref<128xf32, #tpu.memory_space<vmem>> -> memref<16xf32, #tpu.memory_space<vmem>>
          %gather3A_470 = tpu.vector_load_idx %gather3A_469[%get3A_215] : memref<16xf32, #tpu.memory_space<vmem>>[vector<16xi32>], vector<16xf32>,
          %add3A_471 = arith.constant 384 : i32
          %add3A_472 = arith.addi %mul3A_202, %add3A_471 : i32
          %add3A_473 = arith.constant 32 : i32
          %add3A_474 = arith.addi %add3A_472, %add3A_473 : i32
          %swap3A_475 = arith.index_cast %add3A_474 : i32 to index
          %swap3A_476 = tpu.vector_load %arg12[%swap3A_475] {strides = array<i32>} : memref<16384xf32, #tpu.memory_space<vmem>>, vector<16xf32>,
          tpu.vector_store %arg12[%swap3A_475], %gather3A_470 {strides = array<i32>} : memref<16384xf32, #tpu.memory_space<vmem>>, vector<16xf32>,
          %gather3A_477 = arith.constant 48 : i32
          %gather3A_478 = tpu.memref_slice %arg6[%gather3A_477] : memref<128xf32, #tpu.memory_space<vmem>> -> memref<16xf32, #tpu.memory_space<vmem>>
          %gather3A_479 = tpu.vector_load_idx %gather3A_478[%get3A_219] : memref<16xf32, #tpu.memory_space<vmem>>[vector<16xi32>], vector<16xf32>,
          %add3A_480 = arith.constant 384 : i32
          %add3A_481 = arith.addi %mul3A_202, %add3A_480 : i32
          %add3A_482 = arith.constant 48 : i32
          %add3A_483 = arith.addi %add3A_481, %add3A_482 : i32
          %swap3A_484 = arith.index_cast %add3A_483 : i32 to index
          %swap3A_485 = tpu.vector_load %arg12[%swap3A_484] {strides = array<i32>} : memref<16384xf32, #tpu.memory_space<vmem>>, vector<16xf32>,
          tpu.vector_store %arg12[%swap3A_484], %gather3A_479 {strides = array<i32>} : memref<16384xf32, #tpu.memory_space<vmem>>, vector<16xf32>,
          %gather3A_486 = arith.constant 48 : i32
          %gather3A_487 = tpu.memref_slice %arg6[%gather3A_486] : memref<128xf32, #tpu.memory_space<vmem>> -> memref<16xf32, #tpu.memory_space<vmem>>
          %gather3A_488 = tpu.vector_load_idx %gather3A_487[%get3A_223] : memref<16xf32, #tpu.memory_space<vmem>>[vector<16xi32>], vector<16xf32>,
          %add3A_489 = arith.constant 384 : i32
          %add3A_490 = arith.addi %mul3A_202, %add3A_489 : i32
          %add3A_491 = arith.constant 64 : i32
          %add3A_492 = arith.addi %add3A_490, %add3A_491 : i32
          %swap3A_493 = arith.index_cast %add3A_492 : i32 to index
          %swap3A_494 = tpu.vector_load %arg12[%swap3A_493] {strides = array<i32>} : memref<16384xf32, #tpu.memory_space<vmem>>, vector<16xf32>,
          tpu.vector_store %arg12[%swap3A_493], %gather3A_488 {strides = array<i32>} : memref<16384xf32, #tpu.memory_space<vmem>>, vector<16xf32>,
          %gather3A_495 = arith.constant 48 : i32
          %gather3A_496 = tpu.memref_slice %arg6[%gather3A_495] : memref<128xf32, #tpu.memory_space<vmem>> -> memref<16xf32, #tpu.memory_space<vmem>>
          %gather3A_497 = tpu.vector_load_idx %gather3A_496[%get3A_227] : memref<16xf32, #tpu.memory_space<vmem>>[vector<16xi32>], vector<16xf32>,
          %add3A_498 = arith.constant 384 : i32
          %add3A_499 = arith.addi %mul3A_202, %add3A_498 : i32
          %add3A_500 = arith.constant 80 : i32
          %add3A_501 = arith.addi %add3A_499, %add3A_500 : i32
          %swap3A_502 = arith.index_cast %add3A_501 : i32 to index
          %swap3A_503 = tpu.vector_load %arg12[%swap3A_502] {strides = array<i32>} : memref<16384xf32, #tpu.memory_space<vmem>>, vector<16xf32>,
          tpu.vector_store %arg12[%swap3A_502], %gather3A_497 {strides = array<i32>} : memref<16384xf32, #tpu.memory_space<vmem>>, vector<16xf32>,
          %gather3A_504 = arith.constant 48 : i32
          %gather3A_505 = tpu.memref_slice %arg6[%gather3A_504] : memref<128xf32, #tpu.memory_space<vmem>> -> memref<16xf32, #tpu.memory_space<vmem>>
          %gather3A_506 = tpu.vector_load_idx %gather3A_505[%get3A_231] : memref<16xf32, #tpu.memory_space<vmem>>[vector<16xi32>], vector<16xf32>,
          %add3A_507 = arith.constant 384 : i32
          %add3A_508 = arith.addi %mul3A_202, %add3A_507 : i32
          %add3A_509 = arith.constant 96 : i32
          %add3A_510 = arith.addi %add3A_508, %add3A_509 : i32
          %swap3A_511 = arith.index_cast %add3A_510 : i32 to index
          %swap3A_512 = tpu.vector_load %arg12[%swap3A_511] {strides = array<i32>} : memref<16384xf32, #tpu.memory_space<vmem>>, vector<16xf32>,
          tpu.vector_store %arg12[%swap3A_511], %gather3A_506 {strides = array<i32>} : memref<16384xf32, #tpu.memory_space<vmem>>, vector<16xf32>,
          %gather3A_513 = arith.constant 48 : i32
          %gather3A_514 = tpu.memref_slice %arg6[%gather3A_513] : memref<128xf32, #tpu.memory_space<vmem>> -> memref<16xf32, #tpu.memory_space<vmem>>
          %gather3A_515 = tpu.vector_load_idx %gather3A_514[%get3A_235] : memref<16xf32, #tpu.memory_space<vmem>>[vector<16xi32>], vector<16xf32>,
          %add3A_516 = arith.constant 384 : i32
          %add3A_517 = arith.addi %mul3A_202, %add3A_516 : i32
          %add3A_518 = arith.constant 112 : i32
          %add3A_519 = arith.addi %add3A_517, %add3A_518 : i32
          %swap3A_520 = arith.index_cast %add3A_519 : i32 to index
          %swap3A_521 = tpu.vector_load %arg12[%swap3A_520] {strides = array<i32>} : memref<16384xf32, #tpu.memory_space<vmem>>, vector<16xf32>,
          tpu.vector_store %arg12[%swap3A_520], %gather3A_515 {strides = array<i32>} : memref<16384xf32, #tpu.memory_space<vmem>>, vector<16xf32>,
          %gather3A_522 = arith.constant 64 : i32
          %gather3A_523 = tpu.memref_slice %arg6[%gather3A_522] : memref<128xf32, #tpu.memory_space<vmem>> -> memref<16xf32, #tpu.memory_space<vmem>>
          %gather3A_524 = tpu.vector_load_idx %gather3A_523[%get3A_207] : memref<16xf32, #tpu.memory_space<vmem>>[vector<16xi32>], vector<16xf32>,
          %add3A_525 = arith.constant 512 : i32
          %add3A_526 = arith.addi %mul3A_202, %add3A_525 : i32
          %add3A_527 = arith.constant 0 : i32
          %add3A_528 = arith.addi %add3A_526, %add3A_527 : i32
          %swap3A_529 = arith.index_cast %add3A_528 : i32 to index
          %swap3A_530 = tpu.vector_load %arg12[%swap3A_529] {strides = array<i32>} : memref<16384xf32, #tpu.memory_space<vmem>>, vector<16xf32>,
          tpu.vector_store %arg12[%swap3A_529], %gather3A_524 {strides = array<i32>} : memref<16384xf32, #tpu.memory_space<vmem>>, vector<16xf32>,
          %gather3A_531 = arith.constant 64 : i32
          %gather3A_532 = tpu.memref_slice %arg6[%gather3A_531] : memref<128xf32, #tpu.memory_space<vmem>> -> memref<16xf32, #tpu.memory_space<vmem>>
          %gather3A_533 = tpu.vector_load_idx %gather3A_532[%get3A_211] : memref<16xf32, #tpu.memory_space<vmem>>[vector<16xi32>], vector<16xf32>,
          %add3A_534 = arith.constant 512 : i32
          %add3A_535 = arith.addi %mul3A_202, %add3A_534 : i32
          %add3A_536 = arith.constant 16 : i32
          %add3A_537 = arith.addi %add3A_535, %add3A_536 : i32
          %swap3A_538 = arith.index_cast %add3A_537 : i32 to index
          %swap3A_539 = tpu.vector_load %arg12[%swap3A_538] {strides = array<i32>} : memref<16384xf32, #tpu.memory_space<vmem>>, vector<16xf32>,
          tpu.vector_store %arg12[%swap3A_538], %gather3A_533 {strides = array<i32>} : memref<16384xf32, #tpu.memory_space<vmem>>, vector<16xf32>,
          %gather3A_540 = arith.constant 64 : i32
          %gather3A_541 = tpu.memref_slice %arg6[%gather3A_540] : memref<128xf32, #tpu.memory_space<vmem>> -> memref<16xf32, #tpu.memory_space<vmem>>
          %gather3A_542 = tpu.vector_load_idx %gather3A_541[%get3A_215] : memref<16xf32, #tpu.memory_space<vmem>>[vector<16xi32>], vector<16xf32>,
          %add3A_543 = arith.constant 512 : i32
          %add3A_544 = arith.addi %mul3A_202, %add3A_543 : i32
          %add3A_545 = arith.constant 32 : i32
          %add3A_546 = arith.addi %add3A_544, %add3A_545 : i32
          %swap3A_547 = arith.index_cast %add3A_546 : i32 to index
          %swap3A_548 = tpu.vector_load %arg12[%swap3A_547] {strides = array<i32>} : memref<16384xf32, #tpu.memory_space<vmem>>, vector<16xf32>,
          tpu.vector_store %arg12[%swap3A_547], %gather3A_542 {strides = array<i32>} : memref<16384xf32, #tpu.memory_space<vmem>>, vector<16xf32>,
          %gather3A_549 = arith.constant 64 : i32
          %gather3A_550 = tpu.memref_slice %arg6[%gather3A_549] : memref<128xf32, #tpu.memory_space<vmem>> -> memref<16xf32, #tpu.memory_space<vmem>>
          %gather3A_551 = tpu.vector_load_idx %gather3A_550[%get3A_219] : memref<16xf32, #tpu.memory_space<vmem>>[vector<16xi32>], vector<16xf32>,
          %add3A_552 = arith.constant 512 : i32
          %add3A_553 = arith.addi %mul3A_202, %add3A_552 : i32
          %add3A_554 = arith.constant 48 : i32
          %add3A_555 = arith.addi %add3A_553, %add3A_554 : i32
          %swap3A_556 = arith.index_cast %add3A_555 : i32 to index
          %swap3A_557 = tpu.vector_load %arg12[%swap3A_556] {strides = array<i32>} : memref<16384xf32, #tpu.memory_space<vmem>>, vector<16xf32>,
          tpu.vector_store %arg12[%swap3A_556], %gather3A_551 {strides = array<i32>} : memref<16384xf32, #tpu.memory_space<vmem>>, vector<16xf32>,
          %gather3A_558 = arith.constant 64 : i32
          %gather3A_559 = tpu.memref_slice %arg6[%gather3A_558] : memref<128xf32, #tpu.memory_space<vmem>> -> memref<16xf32, #tpu.memory_space<vmem>>
          %gather3A_560 = tpu.vector_load_idx %gather3A_559[%get3A_223] : memref<16xf32, #tpu.memory_space<vmem>>[vector<16xi32>], vector<16xf32>,
          %add3A_561 = arith.constant 512 : i32
          %add3A_562 = arith.addi %mul3A_202, %add3A_561 : i32
          %add3A_563 = arith.constant 64 : i32
          %add3A_564 = arith.addi %add3A_562, %add3A_563 : i32
          %swap3A_565 = arith.index_cast %add3A_564 : i32 to index
          %swap3A_566 = tpu.vector_load %arg12[%swap3A_565] {strides = array<i32>} : memref<16384xf32, #tpu.memory_space<vmem>>, vector<16xf32>,
          tpu.vector_store %arg12[%swap3A_565], %gather3A_560 {strides = array<i32>} : memref<16384xf32, #tpu.memory_space<vmem>>, vector<16xf32>,
          %gather3A_567 = arith.constant 64 : i32
          %gather3A_568 = tpu.memref_slice %arg6[%gather3A_567] : memref<128xf32, #tpu.memory_space<vmem>> -> memref<16xf32, #tpu.memory_space<vmem>>
          %gather3A_569 = tpu.vector_load_idx %gather3A_568[%get3A_227] : memref<16xf32, #tpu.memory_space<vmem>>[vector<16xi32>], vector<16xf32>,
          %add3A_570 = arith.constant 512 : i32
          %add3A_571 = arith.addi %mul3A_202, %add3A_570 : i32
          %add3A_572 = arith.constant 80 : i32
          %add3A_573 = arith.addi %add3A_571, %add3A_572 : i32
          %swap3A_574 = arith.index_cast %add3A_573 : i32 to index
          %swap3A_575 = tpu.vector_load %arg12[%swap3A_574] {strides = array<i32>} : memref<16384xf32, #tpu.memory_space<vmem>>, vector<16xf32>,
          tpu.vector_store %arg12[%swap3A_574], %gather3A_569 {strides = array<i32>} : memref<16384xf32, #tpu.memory_space<vmem>>, vector<16xf32>,
          %gather3A_576 = arith.constant 64 : i32
          %gather3A_577 = tpu.memref_slice %arg6[%gather3A_576] : memref<128xf32, #tpu.memory_space<vmem>> -> memref<16xf32, #tpu.memory_space<vmem>>
          %gather3A_578 = tpu.vector_load_idx %gather3A_577[%get3A_231] : memref<16xf32, #tpu.memory_space<vmem>>[vector<16xi32>], vector<16xf32>,
          %add3A_579 = arith.constant 512 : i32
          %add3A_580 = arith.addi %mul3A_202, %add3A_579 : i32
          %add3A_581 = arith.constant 96 : i32
          %add3A_582 = arith.addi %add3A_580, %add3A_581 : i32
          %swap3A_583 = arith.index_cast %add3A_582 : i32 to index
          %swap3A_584 = tpu.vector_load %arg12[%swap3A_583] {strides = array<i32>} : memref<16384xf32, #tpu.memory_space<vmem>>, vector<16xf32>,
          tpu.vector_store %arg12[%swap3A_583], %gather3A_578 {strides = array<i32>} : memref<16384xf32, #tpu.memory_space<vmem>>, vector<16xf32>,
          %gather3A_585 = arith.constant 64 : i32
          %gather3A_586 = tpu.memref_slice %arg6[%gather3A_585] : memref<128xf32, #tpu.memory_space<vmem>> -> memref<16xf32, #tpu.memory_space<vmem>>
          %gather3A_587 = tpu.vector_load_idx %gather3A_586[%get3A_235] : memref<16xf32, #tpu.memory_space<vmem>>[vector<16xi32>], vector<16xf32>,
          %add3A_588 = arith.constant 512 : i32
          %add3A_589 = arith.addi %mul3A_202, %add3A_588 : i32
          %add3A_590 = arith.constant 112 : i32
          %add3A_591 = arith.addi %add3A_589, %add3A_590 : i32
          %swap3A_592 = arith.index_cast %add3A_591 : i32 to index
          %swap3A_593 = tpu.vector_load %arg12[%swap3A_592] {strides = array<i32>} : memref<16384xf32, #tpu.memory_space<vmem>>, vector<16xf32>,
          tpu.vector_store %arg12[%swap3A_592], %gather3A_587 {strides = array<i32>} : memref<16384xf32, #tpu.memory_space<vmem>>, vector<16xf32>,
          %gather3A_594 = arith.constant 80 : i32
          %gather3A_595 = tpu.memref_slice %arg6[%gather3A_594] : memref<128xf32, #tpu.memory_space<vmem>> -> memref<16xf32, #tpu.memory_space<vmem>>
          %gather3A_596 = tpu.vector_load_idx %gather3A_595[%get3A_207] : memref<16xf32, #tpu.memory_space<vmem>>[vector<16xi32>], vector<16xf32>,
          %add3A_597 = arith.constant 640 : i32
          %add3A_598 = arith.addi %mul3A_202, %add3A_597 : i32
          %add3A_599 = arith.constant 0 : i32
          %add3A_600 = arith.addi %add3A_598, %add3A_599 : i32
          %swap3A_601 = arith.index_cast %add3A_600 : i32 to index
          %swap3A_602 = tpu.vector_load %arg12[%swap3A_601] {strides = array<i32>} : memref<16384xf32, #tpu.memory_space<vmem>>, vector<16xf32>,
          tpu.vector_store %arg12[%swap3A_601], %gather3A_596 {strides = array<i32>} : memref<16384xf32, #tpu.memory_space<vmem>>, vector<16xf32>,
          %gather3A_603 = arith.constant 80 : i32
          %gather3A_604 = tpu.memref_slice %arg6[%gather3A_603] : memref<128xf32, #tpu.memory_space<vmem>> -> memref<16xf32, #tpu.memory_space<vmem>>
          %gather3A_605 = tpu.vector_load_idx %gather3A_604[%get3A_211] : memref<16xf32, #tpu.memory_space<vmem>>[vector<16xi32>], vector<16xf32>,
          %add3A_606 = arith.constant 640 : i32
          %add3A_607 = arith.addi %mul3A_202, %add3A_606 : i32
          %add3A_608 = arith.constant 16 : i32
          %add3A_609 = arith.addi %add3A_607, %add3A_608 : i32
          %swap3A_610 = arith.index_cast %add3A_609 : i32 to index
          %swap3A_611 = tpu.vector_load %arg12[%swap3A_610] {strides = array<i32>} : memref<16384xf32, #tpu.memory_space<vmem>>, vector<16xf32>,
          tpu.vector_store %arg12[%swap3A_610], %gather3A_605 {strides = array<i32>} : memref<16384xf32, #tpu.memory_space<vmem>>, vector<16xf32>,
          %gather3A_612 = arith.constant 80 : i32
          %gather3A_613 = tpu.memref_slice %arg6[%gather3A_612] : memref<128xf32, #tpu.memory_space<vmem>> -> memref<16xf32, #tpu.memory_space<vmem>>
          %gather3A_614 = tpu.vector_load_idx %gather3A_613[%get3A_215] : memref<16xf32, #tpu.memory_space<vmem>>[vector<16xi32>], vector<16xf32>,
          %add3A_615 = arith.constant 640 : i32
          %add3A_616 = arith.addi %mul3A_202, %add3A_615 : i32
          %add3A_617 = arith.constant 32 : i32
          %add3A_618 = arith.addi %add3A_616, %add3A_617 : i32
          %swap3A_619 = arith.index_cast %add3A_618 : i32 to index
          %swap3A_620 = tpu.vector_load %arg12[%swap3A_619] {strides = array<i32>} : memref<16384xf32, #tpu.memory_space<vmem>>, vector<16xf32>,
          tpu.vector_store %arg12[%swap3A_619], %gather3A_614 {strides = array<i32>} : memref<16384xf32, #tpu.memory_space<vmem>>, vector<16xf32>,
          %gather3A_621 = arith.constant 80 : i32
          %gather3A_622 = tpu.memref_slice %arg6[%gather3A_621] : memref<128xf32, #tpu.memory_space<vmem>> -> memref<16xf32, #tpu.memory_space<vmem>>
          %gather3A_623 = tpu.vector_load_idx %gather3A_622[%get3A_219] : memref<16xf32, #tpu.memory_space<vmem>>[vector<16xi32>], vector<16xf32>,
          %add3A_624 = arith.constant 640 : i32
          %add3A_625 = arith.addi %mul3A_202, %add3A_624 : i32
          %add3A_626 = arith.constant 48 : i32
          %add3A_627 = arith.addi %add3A_625, %add3A_626 : i32
          %swap3A_628 = arith.index_cast %add3A_627 : i32 to index
          %swap3A_629 = tpu.vector_load %arg12[%swap3A_628] {strides = array<i32>} : memref<16384xf32, #tpu.memory_space<vmem>>, vector<16xf32>,
          tpu.vector_store %arg12[%swap3A_628], %gather3A_623 {strides = array<i32>} : memref<16384xf32, #tpu.memory_space<vmem>>, vector<16xf32>,
          %gather3A_630 = arith.constant 80 : i32
          %gather3A_631 = tpu.memref_slice %arg6[%gather3A_630] : memref<128xf32, #tpu.memory_space<vmem>> -> memref<16xf32, #tpu.memory_space<vmem>>
          %gather3A_632 = tpu.vector_load_idx %gather3A_631[%get3A_223] : memref<16xf32, #tpu.memory_space<vmem>>[vector<16xi32>], vector<16xf32>,
          %add3A_633 = arith.constant 640 : i32
          %add3A_634 = arith.addi %mul3A_202, %add3A_633 : i32
          %add3A_635 = arith.constant 64 : i32
          %add3A_636 = arith.addi %add3A_634, %add3A_635 : i32
          %swap3A_637 = arith.index_cast %add3A_636 : i32 to index
          %swap3A_638 = tpu.vector_load %arg12[%swap3A_637] {strides = array<i32>} : memref<16384xf32, #tpu.memory_space<vmem>>, vector<16xf32>,
          tpu.vector_store %arg12[%swap3A_637], %gather3A_632 {strides = array<i32>} : memref<16384xf32, #tpu.memory_space<vmem>>, vector<16xf32>,
          %gather3A_639 = arith.constant 80 : i32
          %gather3A_640 = tpu.memref_slice %arg6[%gather3A_639] : memref<128xf32, #tpu.memory_space<vmem>> -> memref<16xf32, #tpu.memory_space<vmem>>
          %gather3A_641 = tpu.vector_load_idx %gather3A_640[%get3A_227] : memref<16xf32, #tpu.memory_space<vmem>>[vector<16xi32>], vector<16xf32>,
          %add3A_642 = arith.constant 640 : i32
          %add3A_643 = arith.addi %mul3A_202, %add3A_642 : i32
          %add3A_644 = arith.constant 80 : i32
          %add3A_645 = arith.addi %add3A_643, %add3A_644 : i32
          %swap3A_646 = arith.index_cast %add3A_645 : i32 to index
          %swap3A_647 = tpu.vector_load %arg12[%swap3A_646] {strides = array<i32>} : memref<16384xf32, #tpu.memory_space<vmem>>, vector<16xf32>,
          tpu.vector_store %arg12[%swap3A_646], %gather3A_641 {strides = array<i32>} : memref<16384xf32, #tpu.memory_space<vmem>>, vector<16xf32>,
          %gather3A_648 = arith.constant 80 : i32
          %gather3A_649 = tpu.memref_slice %arg6[%gather3A_648] : memref<128xf32, #tpu.memory_space<vmem>> -> memref<16xf32, #tpu.memory_space<vmem>>
          %gather3A_650 = tpu.vector_load_idx %gather3A_649[%get3A_231] : memref<16xf32, #tpu.memory_space<vmem>>[vector<16xi32>], vector<16xf32>,
          %add3A_651 = arith.constant 640 : i32
          %add3A_652 = arith.addi %mul3A_202, %add3A_651 : i32
          %add3A_653 = arith.constant 96 : i32
          %add3A_654 = arith.addi %add3A_652, %add3A_653 : i32
          %swap3A_655 = arith.index_cast %add3A_654 : i32 to index
          %swap3A_656 = tpu.vector_load %arg12[%swap3A_655] {strides = array<i32>} : memref<16384xf32, #tpu.memory_space<vmem>>, vector<16xf32>,
          tpu.vector_store %arg12[%swap3A_655], %gather3A_650 {strides = array<i32>} : memref<16384xf32, #tpu.memory_space<vmem>>, vector<16xf32>,
          %gather3A_657 = arith.constant 80 : i32
          %gather3A_658 = tpu.memref_slice %arg6[%gather3A_657] : memref<128xf32, #tpu.memory_space<vmem>> -> memref<16xf32, #tpu.memory_space<vmem>>
          %gather3A_659 = tpu.vector_load_idx %gather3A_658[%get3A_235] : memref<16xf32, #tpu.memory_space<vmem>>[vector<16xi32>], vector<16xf32>,
          %add3A_660 = arith.constant 640 : i32
          %add3A_661 = arith.addi %mul3A_202, %add3A_660 : i32
          %add3A_662 = arith.constant 112 : i32
          %add3A_663 = arith.addi %add3A_661, %add3A_662 : i32
          %swap3A_664 = arith.index_cast %add3A_663 : i32 to index
          %swap3A_665 = tpu.vector_load %arg12[%swap3A_664] {strides = array<i32>} : memref<16384xf32, #tpu.memory_space<vmem>>, vector<16xf32>,
          tpu.vector_store %arg12[%swap3A_664], %gather3A_659 {strides = array<i32>} : memref<16384xf32, #tpu.memory_space<vmem>>, vector<16xf32>,
          %gather3A_666 = arith.constant 96 : i32
          %gather3A_667 = tpu.memref_slice %arg6[%gather3A_666] : memref<128xf32, #tpu.memory_space<vmem>> -> memref<16xf32, #tpu.memory_space<vmem>>
          %gather3A_668 = tpu.vector_load_idx %gather3A_667[%get3A_207] : memref<16xf32, #tpu.memory_space<vmem>>[vector<16xi32>], vector<16xf32>,
          %add3A_669 = arith.constant 768 : i32
          %add3A_670 = arith.addi %mul3A_202, %add3A_669 : i32
          %add3A_671 = arith.constant 0 : i32
          %add3A_672 = arith.addi %add3A_670, %add3A_671 : i32
          %swap3A_673 = arith.index_cast %add3A_672 : i32 to index
          %swap3A_674 = tpu.vector_load %arg12[%swap3A_673] {strides = array<i32>} : memref<16384xf32, #tpu.memory_space<vmem>>, vector<16xf32>,
          tpu.vector_store %arg12[%swap3A_673], %gather3A_668 {strides = array<i32>} : memref<16384xf32, #tpu.memory_space<vmem>>, vector<16xf32>,
          %gather3A_675 = arith.constant 96 : i32
          %gather3A_676 = tpu.memref_slice %arg6[%gather3A_675] : memref<128xf32, #tpu.memory_space<vmem>> -> memref<16xf32, #tpu.memory_space<vmem>>
          %gather3A_677 = tpu.vector_load_idx %gather3A_676[%get3A_211] : memref<16xf32, #tpu.memory_space<vmem>>[vector<16xi32>], vector<16xf32>,
          %add3A_678 = arith.constant 768 : i32
          %add3A_679 = arith.addi %mul3A_202, %add3A_678 : i32
          %add3A_680 = arith.constant 16 : i32
          %add3A_681 = arith.addi %add3A_679, %add3A_680 : i32
          %swap3A_682 = arith.index_cast %add3A_681 : i32 to index
          %swap3A_683 = tpu.vector_load %arg12[%swap3A_682] {strides = array<i32>} : memref<16384xf32, #tpu.memory_space<vmem>>, vector<16xf32>,
          tpu.vector_store %arg12[%swap3A_682], %gather3A_677 {strides = array<i32>} : memref<16384xf32, #tpu.memory_space<vmem>>, vector<16xf32>,
          %gather3A_684 = arith.constant 96 : i32
          %gather3A_685 = tpu.memref_slice %arg6[%gather3A_684] : memref<128xf32, #tpu.memory_space<vmem>> -> memref<16xf32, #tpu.memory_space<vmem>>
          %gather3A_686 = tpu.vector_load_idx %gather3A_685[%get3A_215] : memref<16xf32, #tpu.memory_space<vmem>>[vector<16xi32>], vector<16xf32>,
          %add3A_687 = arith.constant 768 : i32
          %add3A_688 = arith.addi %mul3A_202, %add3A_687 : i32
          %add3A_689 = arith.constant 32 : i32
          %add3A_690 = arith.addi %add3A_688, %add3A_689 : i32
          %swap3A_691 = arith.index_cast %add3A_690 : i32 to index
          %swap3A_692 = tpu.vector_load %arg12[%swap3A_691] {strides = array<i32>} : memref<16384xf32, #tpu.memory_space<vmem>>, vector<16xf32>,
          tpu.vector_store %arg12[%swap3A_691], %gather3A_686 {strides = array<i32>} : memref<16384xf32, #tpu.memory_space<vmem>>, vector<16xf32>,
          %gather3A_693 = arith.constant 96 : i32
          %gather3A_694 = tpu.memref_slice %arg6[%gather3A_693] : memref<128xf32, #tpu.memory_space<vmem>> -> memref<16xf32, #tpu.memory_space<vmem>>
          %gather3A_695 = tpu.vector_load_idx %gather3A_694[%get3A_219] : memref<16xf32, #tpu.memory_space<vmem>>[vector<16xi32>], vector<16xf32>,
          %add3A_696 = arith.constant 768 : i32
          %add3A_697 = arith.addi %mul3A_202, %add3A_696 : i32
          %add3A_698 = arith.constant 48 : i32
          %add3A_699 = arith.addi %add3A_697, %add3A_698 : i32
          %swap3A_700 = arith.index_cast %add3A_699 : i32 to index
          %swap3A_701 = tpu.vector_load %arg12[%swap3A_700] {strides = array<i32>} : memref<16384xf32, #tpu.memory_space<vmem>>, vector<16xf32>,
          tpu.vector_store %arg12[%swap3A_700], %gather3A_695 {strides = array<i32>} : memref<16384xf32, #tpu.memory_space<vmem>>, vector<16xf32>,
          %gather3A_702 = arith.constant 96 : i32
          %gather3A_703 = tpu.memref_slice %arg6[%gather3A_702] : memref<128xf32, #tpu.memory_space<vmem>> -> memref<16xf32, #tpu.memory_space<vmem>>
          %gather3A_704 = tpu.vector_load_idx %gather3A_703[%get3A_223] : memref<16xf32, #tpu.memory_space<vmem>>[vector<16xi32>], vector<16xf32>,
          %add3A_705 = arith.constant 768 : i32
          %add3A_706 = arith.addi %mul3A_202, %add3A_705 : i32
          %add3A_707 = arith.constant 64 : i32
          %add3A_708 = arith.addi %add3A_706, %add3A_707 : i32
          %swap3A_709 = arith.index_cast %add3A_708 : i32 to index
          %swap3A_710 = tpu.vector_load %arg12[%swap3A_709] {strides = array<i32>} : memref<16384xf32, #tpu.memory_space<vmem>>, vector<16xf32>,
          tpu.vector_store %arg12[%swap3A_709], %gather3A_704 {strides = array<i32>} : memref<16384xf32, #tpu.memory_space<vmem>>, vector<16xf32>,
          %gather3A_711 = arith.constant 96 : i32
          %gather3A_712 = tpu.memref_slice %arg6[%gather3A_711] : memref<128xf32, #tpu.memory_space<vmem>> -> memref<16xf32, #tpu.memory_space<vmem>>
          %gather3A_713 = tpu.vector_load_idx %gather3A_712[%get3A_227] : memref<16xf32, #tpu.memory_space<vmem>>[vector<16xi32>], vector<16xf32>,
          %add3A_714 = arith.constant 768 : i32
          %add3A_715 = arith.addi %mul3A_202, %add3A_714 : i32
          %add3A_716 = arith.constant 80 : i32
          %add3A_717 = arith.addi %add3A_715, %add3A_716 : i32
          %swap3A_718 = arith.index_cast %add3A_717 : i32 to index
          %swap3A_719 = tpu.vector_load %arg12[%swap3A_718] {strides = array<i32>} : memref<16384xf32, #tpu.memory_space<vmem>>, vector<16xf32>,
          tpu.vector_store %arg12[%swap3A_718], %gather3A_713 {strides = array<i32>} : memref<16384xf32, #tpu.memory_space<vmem>>, vector<16xf32>,
          %gather3A_720 = arith.constant 96 : i32
          %gather3A_721 = tpu.memref_slice %arg6[%gather3A_720] : memref<128xf32, #tpu.memory_space<vmem>> -> memref<16xf32, #tpu.memory_space<vmem>>
          %gather3A_722 = tpu.vector_load_idx %gather3A_721[%get3A_231] : memref<16xf32, #tpu.memory_space<vmem>>[vector<16xi32>], vector<16xf32>,
          %add3A_723 = arith.constant 768 : i32
          %add3A_724 = arith.addi %mul3A_202, %add3A_723 : i32
          %add3A_725 = arith.constant 96 : i32
          %add3A_726 = arith.addi %add3A_724, %add3A_725 : i32
          %swap3A_727 = arith.index_cast %add3A_726 : i32 to index
          %swap3A_728 = tpu.vector_load %arg12[%swap3A_727] {strides = array<i32>} : memref<16384xf32, #tpu.memory_space<vmem>>, vector<16xf32>,
          tpu.vector_store %arg12[%swap3A_727], %gather3A_722 {strides = array<i32>} : memref<16384xf32, #tpu.memory_space<vmem>>, vector<16xf32>,
          %gather3A_729 = arith.constant 96 : i32
          %gather3A_730 = tpu.memref_slice %arg6[%gather3A_729] : memref<128xf32, #tpu.memory_space<vmem>> -> memref<16xf32, #tpu.memory_space<vmem>>
          %gather3A_731 = tpu.vector_load_idx %gather3A_730[%get3A_235] : memref<16xf32, #tpu.memory_space<vmem>>[vector<16xi32>], vector<16xf32>,
          %add3A_732 = arith.constant 768 : i32
          %add3A_733 = arith.addi %mul3A_202, %add3A_732 : i32
          %add3A_734 = arith.constant 112 : i32
          %add3A_735 = arith.addi %add3A_733, %add3A_734 : i32
          %swap3A_736 = arith.index_cast %add3A_735 : i32 to index
          %swap3A_737 = tpu.vector_load %arg12[%swap3A_736] {strides = array<i32>} : memref<16384xf32, #tpu.memory_space<vmem>>, vector<16xf32>,
          tpu.vector_store %arg12[%swap3A_736], %gather3A_731 {strides = array<i32>} : memref<16384xf32, #tpu.memory_space<vmem>>, vector<16xf32>,
          %gather3A_738 = arith.constant 112 : i32
          %gather3A_739 = tpu.memref_slice %arg6[%gather3A_738] : memref<128xf32, #tpu.memory_space<vmem>> -> memref<16xf32, #tpu.memory_space<vmem>>
          %gather3A_740 = tpu.vector_load_idx %gather3A_739[%get3A_207] : memref<16xf32, #tpu.memory_space<vmem>>[vector<16xi32>], vector<16xf32>,
          %add3A_741 = arith.constant 896 : i32
          %add3A_742 = arith.addi %mul3A_202, %add3A_741 : i32
          %add3A_743 = arith.constant 0 : i32
          %add3A_744 = arith.addi %add3A_742, %add3A_743 : i32
          %swap3A_745 = arith.index_cast %add3A_744 : i32 to index
          %swap3A_746 = tpu.vector_load %arg12[%swap3A_745] {strides = array<i32>} : memref<16384xf32, #tpu.memory_space<vmem>>, vector<16xf32>,
          tpu.vector_store %arg12[%swap3A_745], %gather3A_740 {strides = array<i32>} : memref<16384xf32, #tpu.memory_space<vmem>>, vector<16xf32>,
          %gather3A_747 = arith.constant 112 : i32
          %gather3A_748 = tpu.memref_slice %arg6[%gather3A_747] : memref<128xf32, #tpu.memory_space<vmem>> -> memref<16xf32, #tpu.memory_space<vmem>>
          %gather3A_749 = tpu.vector_load_idx %gather3A_748[%get3A_211] : memref<16xf32, #tpu.memory_space<vmem>>[vector<16xi32>], vector<16xf32>,
          %add3A_750 = arith.constant 896 : i32
          %add3A_751 = arith.addi %mul3A_202, %add3A_750 : i32
          %add3A_752 = arith.constant 16 : i32
          %add3A_753 = arith.addi %add3A_751, %add3A_752 : i32
          %swap3A_754 = arith.index_cast %add3A_753 : i32 to index
          %swap3A_755 = tpu.vector_load %arg12[%swap3A_754] {strides = array<i32>} : memref<16384xf32, #tpu.memory_space<vmem>>, vector<16xf32>,
          tpu.vector_store %arg12[%swap3A_754], %gather3A_749 {strides = array<i32>} : memref<16384xf32, #tpu.memory_space<vmem>>, vector<16xf32>,
          %gather3A_756 = arith.constant 112 : i32
          %gather3A_757 = tpu.memref_slice %arg6[%gather3A_756] : memref<128xf32, #tpu.memory_space<vmem>> -> memref<16xf32, #tpu.memory_space<vmem>>
          %gather3A_758 = tpu.vector_load_idx %gather3A_757[%get3A_215] : memref<16xf32, #tpu.memory_space<vmem>>[vector<16xi32>], vector<16xf32>,
          %add3A_759 = arith.constant 896 : i32
          %add3A_760 = arith.addi %mul3A_202, %add3A_759 : i32
          %add3A_761 = arith.constant 32 : i32
          %add3A_762 = arith.addi %add3A_760, %add3A_761 : i32
          %swap3A_763 = arith.index_cast %add3A_762 : i32 to index
          %swap3A_764 = tpu.vector_load %arg12[%swap3A_763] {strides = array<i32>} : memref<16384xf32, #tpu.memory_space<vmem>>, vector<16xf32>,
          tpu.vector_store %arg12[%swap3A_763], %gather3A_758 {strides = array<i32>} : memref<16384xf32, #tpu.memory_space<vmem>>, vector<16xf32>,
          %gather3A_765 = arith.constant 112 : i32
          %gather3A_766 = tpu.memref_slice %arg6[%gather3A_765] : memref<128xf32, #tpu.memory_space<vmem>> -> memref<16xf32, #tpu.memory_space<vmem>>
          %gather3A_767 = tpu.vector_load_idx %gather3A_766[%get3A_219] : memref<16xf32, #tpu.memory_space<vmem>>[vector<16xi32>], vector<16xf32>,
          %add3A_768 = arith.constant 896 : i32
          %add3A_769 = arith.addi %mul3A_202, %add3A_768 : i32
          %add3A_770 = arith.constant 48 : i32
          %add3A_771 = arith.addi %add3A_769, %add3A_770 : i32
          %swap3A_772 = arith.index_cast %add3A_771 : i32 to index
          %swap3A_773 = tpu.vector_load %arg12[%swap3A_772] {strides = array<i32>} : memref<16384xf32, #tpu.memory_space<vmem>>, vector<16xf32>,
          tpu.vector_store %arg12[%swap3A_772], %gather3A_767 {strides = array<i32>} : memref<16384xf32, #tpu.memory_space<vmem>>, vector<16xf32>,
          %gather3A_774 = arith.constant 112 : i32
          %gather3A_775 = tpu.memref_slice %arg6[%gather3A_774] : memref<128xf32, #tpu.memory_space<vmem>> -> memref<16xf32, #tpu.memory_space<vmem>>
          %gather3A_776 = tpu.vector_load_idx %gather3A_775[%get3A_223] : memref<16xf32, #tpu.memory_space<vmem>>[vector<16xi32>], vector<16xf32>,
          %add3A_777 = arith.constant 896 : i32
          %add3A_778 = arith.addi %mul3A_202, %add3A_777 : i32
          %add3A_779 = arith.constant 64 : i32
          %add3A_780 = arith.addi %add3A_778, %add3A_779 : i32
          %swap3A_781 = arith.index_cast %add3A_780 : i32 to index
          %swap3A_782 = tpu.vector_load %arg12[%swap3A_781] {strides = array<i32>} : memref<16384xf32, #tpu.memory_space<vmem>>, vector<16xf32>,
          tpu.vector_store %arg12[%swap3A_781], %gather3A_776 {strides = array<i32>} : memref<16384xf32, #tpu.memory_space<vmem>>, vector<16xf32>,
          %gather3A_783 = arith.constant 112 : i32
          %gather3A_784 = tpu.memref_slice %arg6[%gather3A_783] : memref<128xf32, #tpu.memory_space<vmem>> -> memref<16xf32, #tpu.memory_space<vmem>>
          %gather3A_785 = tpu.vector_load_idx %gather3A_784[%get3A_227] : memref<16xf32, #tpu.memory_space<vmem>>[vector<16xi32>], vector<16xf32>,
          %add3A_786 = arith.constant 896 : i32
          %add3A_787 = arith.addi %mul3A_202, %add3A_786 : i32
          %add3A_788 = arith.constant 80 : i32
          %add3A_789 = arith.addi %add3A_787, %add3A_788 : i32
          %swap3A_790 = arith.index_cast %add3A_789 : i32 to index
          %swap3A_791 = tpu.vector_load %arg12[%swap3A_790] {strides = array<i32>} : memref<16384xf32, #tpu.memory_space<vmem>>, vector<16xf32>,
          tpu.vector_store %arg12[%swap3A_790], %gather3A_785 {strides = array<i32>} : memref<16384xf32, #tpu.memory_space<vmem>>, vector<16xf32>,
          %gather3A_792 = arith.constant 112 : i32
          %gather3A_793 = tpu.memref_slice %arg6[%gather3A_792] : memref<128xf32, #tpu.memory_space<vmem>> -> memref<16xf32, #tpu.memory_space<vmem>>
          %gather3A_794 = tpu.vector_load_idx %gather3A_793[%get3A_231] : memref<16xf32, #tpu.memory_space<vmem>>[vector<16xi32>], vector<16xf32>,
          %add3A_795 = arith.constant 896 : i32
          %add3A_796 = arith.addi %mul3A_202, %add3A_795 : i32
          %add3A_797 = arith.constant 96 : i32
          %add3A_798 = arith.addi %add3A_796, %add3A_797 : i32
          %swap3A_799 = arith.index_cast %add3A_798 : i32 to index
          %swap3A_800 = tpu.vector_load %arg12[%swap3A_799] {strides = array<i32>} : memref<16384xf32, #tpu.memory_space<vmem>>, vector<16xf32>,
          tpu.vector_store %arg12[%swap3A_799], %gather3A_794 {strides = array<i32>} : memref<16384xf32, #tpu.memory_space<vmem>>, vector<16xf32>,
          %gather3A_801 = arith.constant 112 : i32
          %gather3A_802 = tpu.memref_slice %arg6[%gather3A_801] : memref<128xf32, #tpu.memory_space<vmem>> -> memref<16xf32, #tpu.memory_space<vmem>>
          %gather3A_803 = tpu.vector_load_idx %gather3A_802[%get3A_235] : memref<16xf32, #tpu.memory_space<vmem>>[vector<16xi32>], vector<16xf32>,
          %add3A_804 = arith.constant 896 : i32
          %add3A_805 = arith.addi %mul3A_202, %add3A_804 : i32
          %add3A_806 = arith.constant 112 : i32
          %add3A_807 = arith.addi %add3A_805, %add3A_806 : i32
          %swap3A_808 = arith.index_cast %add3A_807 : i32 to index
          %swap3A_809 = tpu.vector_load %arg12[%swap3A_808] {strides = array<i32>} : memref<16384xf32, #tpu.memory_space<vmem>>, vector<16xf32>,
          tpu.vector_store %arg12[%swap3A_808], %gather3A_803 {strides = array<i32>} : memref<16384xf32, #tpu.memory_space<vmem>>, vector<16xf32>,
        }
        %scan3A_171 = arith.constant 16 : i32
        %dma_wait3A_172 = tpu.memref_slice %arg3[%mul3A_160] : memref<25600000xf32, #tpu.memory_space<hbm>> -> memref<8192xf32, #tpu.memory_space<hbm>>
        %dma_wait3A_173 = tpu.memref_slice %arg3[%mul3A_160] : memref<25600000xf32, #tpu.memory_space<hbm>> -> memref<8192xf32, #tpu.memory_space<hbm>>
        tpu.wait_dma2 semaphore(%arg18 : memref<!tpu.dma_semaphore, #tpu.memory_space<semaphore_mem>>) src(%dma_wait3A_173 : memref<8192xf32, #tpu.memory_space<hbm>>) dst(%arg10 : memref<8192xf32, #tpu.memory_space<vmem>>)
        %scan3A_174 = arith.constant 0 : i32
        %scan3A_175 = arith.constant 0 : i32
        %scan3A_176 = arith.constant 16 : i32
        %scan3A_177 = arith.addi %scan3A_175, %scan3A_176 : i32
        %scan3A_178 = arith.constant 1 : i32
        scf.for %scan3A_200 = %scan3A_175 to %scan3A_177 step %scan3A_178  : i32 {
          %mul3A_201 = arith.constant 512 : i32
          %mul3A_202 = arith.muli %scan3A_200, %mul3A_201 : i32
          %add3A_203 = arith.constant 0 : i32
          %add3A_204 = arith.addi %mul3A_202, %add3A_203 : i32
          %get3A = arith.index_cast %add3A_204 : i32 to index
          %get3A_205 = tpu.vector_load %arg10[%get3A] {strides = array<i32>} : memref<8192xf32, #tpu.memory_space<vmem>>, vector<16xf32>,
          %mul3A_206 = arith.constant 1024 : i32
          %mul3A_207 = arith.muli %scan3A_200, %mul3A_206 : i32
          %add3A_208 = arith.constant 0 : i32
          %add3A_209 = arith.addi %mul3A_207, %add3A_208 : i32
          %swap3A = arith.index_cast %add3A_209 : i32 to index
          %swap3A_210 = tpu.vector_load %arg14[%swap3A] {strides = array<i32>} : memref<16384xf32, #tpu.memory_space<vmem>>, vector<16xf32>,
          tpu.vector_store %arg14[%swap3A], %get3A_205 {strides = array<i32>} : memref<16384xf32, #tpu.memory_space<vmem>>, vector<16xf32>,
          %mul3A_211 = arith.constant 512 : i32
          %mul3A_212 = arith.muli %scan3A_200, %mul3A_211 : i32
          %add3A_213 = arith.constant 16 : i32
          %add3A_214 = arith.addi %mul3A_212, %add3A_213 : i32
          %get3A_215 = arith.index_cast %add3A_214 : i32 to index
          %get3A_216 = tpu.vector_load %arg10[%get3A_215] {strides = array<i32>} : memref<8192xf32, #tpu.memory_space<vmem>>, vector<16xf32>,
          %mul3A_217 = arith.constant 1024 : i32
          %mul3A_218 = arith.muli %scan3A_200, %mul3A_217 : i32
          %add3A_219 = arith.constant 16 : i32
          %add3A_220 = arith.addi %mul3A_218, %add3A_219 : i32
          %swap3A_221 = arith.index_cast %add3A_220 : i32 to index
          %swap3A_222 = tpu.vector_load %arg14[%swap3A_221] {strides = array<i32>} : memref<16384xf32, #tpu.memory_space<vmem>>, vector<16xf32>,
          tpu.vector_store %arg14[%swap3A_221], %get3A_216 {strides = array<i32>} : memref<16384xf32, #tpu.memory_space<vmem>>, vector<16xf32>,
          %mul3A_223 = arith.constant 512 : i32
          %mul3A_224 = arith.muli %scan3A_200, %mul3A_223 : i32
          %add3A_225 = arith.constant 32 : i32
          %add3A_226 = arith.addi %mul3A_224, %add3A_225 : i32
          %get3A_227 = arith.index_cast %add3A_226 : i32 to index
          %get3A_228 = tpu.vector_load %arg10[%get3A_227] {strides = array<i32>} : memref<8192xf32, #tpu.memory_space<vmem>>, vector<16xf32>,
          %mul3A_229 = arith.constant 1024 : i32
          %mul3A_230 = arith.muli %scan3A_200, %mul3A_229 : i32
          %add3A_231 = arith.constant 32 : i32
          %add3A_232 = arith.addi %mul3A_230, %add3A_231 : i32
          %swap3A_233 = arith.index_cast %add3A_232 : i32 to index
          %swap3A_234 = tpu.vector_load %arg14[%swap3A_233] {strides = array<i32>} : memref<16384xf32, #tpu.memory_space<vmem>>, vector<16xf32>,
          tpu.vector_store %arg14[%swap3A_233], %get3A_228 {strides = array<i32>} : memref<16384xf32, #tpu.memory_space<vmem>>, vector<16xf32>,
          %mul3A_235 = arith.constant 512 : i32
          %mul3A_236 = arith.muli %scan3A_200, %mul3A_235 : i32
          %add3A_237 = arith.constant 48 : i32
          %add3A_238 = arith.addi %mul3A_236, %add3A_237 : i32
          %get3A_239 = arith.index_cast %add3A_238 : i32 to index
          %get3A_240 = tpu.vector_load %arg10[%get3A_239] {strides = array<i32>} : memref<8192xf32, #tpu.memory_space<vmem>>, vector<16xf32>,
          %mul3A_241 = arith.constant 1024 : i32
          %mul3A_242 = arith.muli %scan3A_200, %mul3A_241 : i32
          %add3A_243 = arith.constant 48 : i32
          %add3A_244 = arith.addi %mul3A_242, %add3A_243 : i32
          %swap3A_245 = arith.index_cast %add3A_244 : i32 to index
          %swap3A_246 = tpu.vector_load %arg14[%swap3A_245] {strides = array<i32>} : memref<16384xf32, #tpu.memory_space<vmem>>, vector<16xf32>,
          tpu.vector_store %arg14[%swap3A_245], %get3A_240 {strides = array<i32>} : memref<16384xf32, #tpu.memory_space<vmem>>, vector<16xf32>,
          %mul3A_247 = arith.constant 512 : i32
          %mul3A_248 = arith.muli %scan3A_200, %mul3A_247 : i32
          %add3A_249 = arith.constant 64 : i32
          %add3A_250 = arith.addi %mul3A_248, %add3A_249 : i32
          %get3A_251 = arith.index_cast %add3A_250 : i32 to index
          %get3A_252 = tpu.vector_load %arg10[%get3A_251] {strides = array<i32>} : memref<8192xf32, #tpu.memory_space<vmem>>, vector<16xf32>,
          %mul3A_253 = arith.constant 1024 : i32
          %mul3A_254 = arith.muli %scan3A_200, %mul3A_253 : i32
          %add3A_255 = arith.constant 64 : i32
          %add3A_256 = arith.addi %mul3A_254, %add3A_255 : i32
          %swap3A_257 = arith.index_cast %add3A_256 : i32 to index
          %swap3A_258 = tpu.vector_load %arg14[%swap3A_257] {strides = array<i32>} : memref<16384xf32, #tpu.memory_space<vmem>>, vector<16xf32>,
          tpu.vector_store %arg14[%swap3A_257], %get3A_252 {strides = array<i32>} : memref<16384xf32, #tpu.memory_space<vmem>>, vector<16xf32>,
          %mul3A_259 = arith.constant 512 : i32
          %mul3A_260 = arith.muli %scan3A_200, %mul3A_259 : i32
          %add3A_261 = arith.constant 80 : i32
          %add3A_262 = arith.addi %mul3A_260, %add3A_261 : i32
          %get3A_263 = arith.index_cast %add3A_262 : i32 to index
          %get3A_264 = tpu.vector_load %arg10[%get3A_263] {strides = array<i32>} : memref<8192xf32, #tpu.memory_space<vmem>>, vector<16xf32>,
          %mul3A_265 = arith.constant 1024 : i32
          %mul3A_266 = arith.muli %scan3A_200, %mul3A_265 : i32
          %add3A_267 = arith.constant 80 : i32
          %add3A_268 = arith.addi %mul3A_266, %add3A_267 : i32
          %swap3A_269 = arith.index_cast %add3A_268 : i32 to index
          %swap3A_270 = tpu.vector_load %arg14[%swap3A_269] {strides = array<i32>} : memref<16384xf32, #tpu.memory_space<vmem>>, vector<16xf32>,
          tpu.vector_store %arg14[%swap3A_269], %get3A_264 {strides = array<i32>} : memref<16384xf32, #tpu.memory_space<vmem>>, vector<16xf32>,
          %mul3A_271 = arith.constant 512 : i32
          %mul3A_272 = arith.muli %scan3A_200, %mul3A_271 : i32
          %add3A_273 = arith.constant 96 : i32
          %add3A_274 = arith.addi %mul3A_272, %add3A_273 : i32
          %get3A_275 = arith.index_cast %add3A_274 : i32 to index
          %get3A_276 = tpu.vector_load %arg10[%get3A_275] {strides = array<i32>} : memref<8192xf32, #tpu.memory_space<vmem>>, vector<16xf32>,
          %mul3A_277 = arith.constant 1024 : i32
          %mul3A_278 = arith.muli %scan3A_200, %mul3A_277 : i32
          %add3A_279 = arith.constant 96 : i32
          %add3A_280 = arith.addi %mul3A_278, %add3A_279 : i32
          %swap3A_281 = arith.index_cast %add3A_280 : i32 to index
          %swap3A_282 = tpu.vector_load %arg14[%swap3A_281] {strides = array<i32>} : memref<16384xf32, #tpu.memory_space<vmem>>, vector<16xf32>,
          tpu.vector_store %arg14[%swap3A_281], %get3A_276 {strides = array<i32>} : memref<16384xf32, #tpu.memory_space<vmem>>, vector<16xf32>,
          %mul3A_283 = arith.constant 512 : i32
          %mul3A_284 = arith.muli %scan3A_200, %mul3A_283 : i32
          %add3A_285 = arith.constant 112 : i32
          %add3A_286 = arith.addi %mul3A_284, %add3A_285 : i32
          %get3A_287 = arith.index_cast %add3A_286 : i32 to index
          %get3A_288 = tpu.vector_load %arg10[%get3A_287] {strides = array<i32>} : memref<8192xf32, #tpu.memory_space<vmem>>, vector<16xf32>,
          %mul3A_289 = arith.constant 1024 : i32
          %mul3A_290 = arith.muli %scan3A_200, %mul3A_289 : i32
          %add3A_291 = arith.constant 112 : i32
          %add3A_292 = arith.addi %mul3A_290, %add3A_291 : i32
          %swap3A_293 = arith.index_cast %add3A_292 : i32 to index
          %swap3A_294 = tpu.vector_load %arg14[%swap3A_293] {strides = array<i32>} : memref<16384xf32, #tpu.memory_space<vmem>>, vector<16xf32>,
          tpu.vector_store %arg14[%swap3A_293], %get3A_288 {strides = array<i32>} : memref<16384xf32, #tpu.memory_space<vmem>>, vector<16xf32>,
          %mul3A_295 = arith.constant 512 : i32
          %mul3A_296 = arith.muli %scan3A_200, %mul3A_295 : i32
          %add3A_297 = arith.constant 128 : i32
          %add3A_298 = arith.addi %mul3A_296, %add3A_297 : i32
          %get3A_299 = arith.index_cast %add3A_298 : i32 to index
          %get3A_300 = tpu.vector_load %arg10[%get3A_299] {strides = array<i32>} : memref<8192xf32, #tpu.memory_space<vmem>>, vector<16xf32>,
          %mul3A_301 = arith.constant 1024 : i32
          %mul3A_302 = arith.muli %scan3A_200, %mul3A_301 : i32
          %add3A_303 = arith.constant 128 : i32
          %add3A_304 = arith.addi %mul3A_302, %add3A_303 : i32
          %swap3A_305 = arith.index_cast %add3A_304 : i32 to index
          %swap3A_306 = tpu.vector_load %arg14[%swap3A_305] {strides = array<i32>} : memref<16384xf32, #tpu.memory_space<vmem>>, vector<16xf32>,
          tpu.vector_store %arg14[%swap3A_305], %get3A_300 {strides = array<i32>} : memref<16384xf32, #tpu.memory_space<vmem>>, vector<16xf32>,
          %mul3A_307 = arith.constant 512 : i32
          %mul3A_308 = arith.muli %scan3A_200, %mul3A_307 : i32
          %add3A_309 = arith.constant 144 : i32
          %add3A_310 = arith.addi %mul3A_308, %add3A_309 : i32
          %get3A_311 = arith.index_cast %add3A_310 : i32 to index
          %get3A_312 = tpu.vector_load %arg10[%get3A_311] {strides = array<i32>} : memref<8192xf32, #tpu.memory_space<vmem>>, vector<16xf32>,
          %mul3A_313 = arith.constant 1024 : i32
          %mul3A_314 = arith.muli %scan3A_200, %mul3A_313 : i32
          %add3A_315 = arith.constant 144 : i32
          %add3A_316 = arith.addi %mul3A_314, %add3A_315 : i32
          %swap3A_317 = arith.index_cast %add3A_316 : i32 to index
          %swap3A_318 = tpu.vector_load %arg14[%swap3A_317] {strides = array<i32>} : memref<16384xf32, #tpu.memory_space<vmem>>, vector<16xf32>,
          tpu.vector_store %arg14[%swap3A_317], %get3A_312 {strides = array<i32>} : memref<16384xf32, #tpu.memory_space<vmem>>, vector<16xf32>,
          %mul3A_319 = arith.constant 512 : i32
          %mul3A_320 = arith.muli %scan3A_200, %mul3A_319 : i32
          %add3A_321 = arith.constant 160 : i32
          %add3A_322 = arith.addi %mul3A_320, %add3A_321 : i32
          %get3A_323 = arith.index_cast %add3A_322 : i32 to index
          %get3A_324 = tpu.vector_load %arg10[%get3A_323] {strides = array<i32>} : memref<8192xf32, #tpu.memory_space<vmem>>, vector<16xf32>,
          %mul3A_325 = arith.constant 1024 : i32
          %mul3A_326 = arith.muli %scan3A_200, %mul3A_325 : i32
          %add3A_327 = arith.constant 160 : i32
          %add3A_328 = arith.addi %mul3A_326, %add3A_327 : i32
          %swap3A_329 = arith.index_cast %add3A_328 : i32 to index
          %swap3A_330 = tpu.vector_load %arg14[%swap3A_329] {strides = array<i32>} : memref<16384xf32, #tpu.memory_space<vmem>>, vector<16xf32>,
          tpu.vector_store %arg14[%swap3A_329], %get3A_324 {strides = array<i32>} : memref<16384xf32, #tpu.memory_space<vmem>>, vector<16xf32>,
          %mul3A_331 = arith.constant 512 : i32
          %mul3A_332 = arith.muli %scan3A_200, %mul3A_331 : i32
          %add3A_333 = arith.constant 176 : i32
          %add3A_334 = arith.addi %mul3A_332, %add3A_333 : i32
          %get3A_335 = arith.index_cast %add3A_334 : i32 to index
          %get3A_336 = tpu.vector_load %arg10[%get3A_335] {strides = array<i32>} : memref<8192xf32, #tpu.memory_space<vmem>>, vector<16xf32>,
          %mul3A_337 = arith.constant 1024 : i32
          %mul3A_338 = arith.muli %scan3A_200, %mul3A_337 : i32
          %add3A_339 = arith.constant 176 : i32
          %add3A_340 = arith.addi %mul3A_338, %add3A_339 : i32
          %swap3A_341 = arith.index_cast %add3A_340 : i32 to index
          %swap3A_342 = tpu.vector_load %arg14[%swap3A_341] {strides = array<i32>} : memref<16384xf32, #tpu.memory_space<vmem>>, vector<16xf32>,
          tpu.vector_store %arg14[%swap3A_341], %get3A_336 {strides = array<i32>} : memref<16384xf32, #tpu.memory_space<vmem>>, vector<16xf32>,
          %mul3A_343 = arith.constant 512 : i32
          %mul3A_344 = arith.muli %scan3A_200, %mul3A_343 : i32
          %add3A_345 = arith.constant 192 : i32
          %add3A_346 = arith.addi %mul3A_344, %add3A_345 : i32
          %get3A_347 = arith.index_cast %add3A_346 : i32 to index
          %get3A_348 = tpu.vector_load %arg10[%get3A_347] {strides = array<i32>} : memref<8192xf32, #tpu.memory_space<vmem>>, vector<16xf32>,
          %mul3A_349 = arith.constant 1024 : i32
          %mul3A_350 = arith.muli %scan3A_200, %mul3A_349 : i32
          %add3A_351 = arith.constant 192 : i32
          %add3A_352 = arith.addi %mul3A_350, %add3A_351 : i32
          %swap3A_353 = arith.index_cast %add3A_352 : i32 to index
          %swap3A_354 = tpu.vector_load %arg14[%swap3A_353] {strides = array<i32>} : memref<16384xf32, #tpu.memory_space<vmem>>, vector<16xf32>,
          tpu.vector_store %arg14[%swap3A_353], %get3A_348 {strides = array<i32>} : memref<16384xf32, #tpu.memory_space<vmem>>, vector<16xf32>,
          %mul3A_355 = arith.constant 512 : i32
          %mul3A_356 = arith.muli %scan3A_200, %mul3A_355 : i32
          %add3A_357 = arith.constant 208 : i32
          %add3A_358 = arith.addi %mul3A_356, %add3A_357 : i32
          %get3A_359 = arith.index_cast %add3A_358 : i32 to index
          %get3A_360 = tpu.vector_load %arg10[%get3A_359] {strides = array<i32>} : memref<8192xf32, #tpu.memory_space<vmem>>, vector<16xf32>,
          %mul3A_361 = arith.constant 1024 : i32
          %mul3A_362 = arith.muli %scan3A_200, %mul3A_361 : i32
          %add3A_363 = arith.constant 208 : i32
          %add3A_364 = arith.addi %mul3A_362, %add3A_363 : i32
          %swap3A_365 = arith.index_cast %add3A_364 : i32 to index
          %swap3A_366 = tpu.vector_load %arg14[%swap3A_365] {strides = array<i32>} : memref<16384xf32, #tpu.memory_space<vmem>>, vector<16xf32>,
          tpu.vector_store %arg14[%swap3A_365], %get3A_360 {strides = array<i32>} : memref<16384xf32, #tpu.memory_space<vmem>>, vector<16xf32>,
          %mul3A_367 = arith.constant 512 : i32
          %mul3A_368 = arith.muli %scan3A_200, %mul3A_367 : i32
          %add3A_369 = arith.constant 224 : i32
          %add3A_370 = arith.addi %mul3A_368, %add3A_369 : i32
          %get3A_371 = arith.index_cast %add3A_370 : i32 to index
          %get3A_372 = tpu.vector_load %arg10[%get3A_371] {strides = array<i32>} : memref<8192xf32, #tpu.memory_space<vmem>>, vector<16xf32>,
          %mul3A_373 = arith.constant 1024 : i32
          %mul3A_374 = arith.muli %scan3A_200, %mul3A_373 : i32
          %add3A_375 = arith.constant 224 : i32
          %add3A_376 = arith.addi %mul3A_374, %add3A_375 : i32
          %swap3A_377 = arith.index_cast %add3A_376 : i32 to index
          %swap3A_378 = tpu.vector_load %arg14[%swap3A_377] {strides = array<i32>} : memref<16384xf32, #tpu.memory_space<vmem>>, vector<16xf32>,
          tpu.vector_store %arg14[%swap3A_377], %get3A_372 {strides = array<i32>} : memref<16384xf32, #tpu.memory_space<vmem>>, vector<16xf32>,
          %mul3A_379 = arith.constant 512 : i32
          %mul3A_380 = arith.muli %scan3A_200, %mul3A_379 : i32
          %add3A_381 = arith.constant 240 : i32
          %add3A_382 = arith.addi %mul3A_380, %add3A_381 : i32
          %get3A_383 = arith.index_cast %add3A_382 : i32 to index
          %get3A_384 = tpu.vector_load %arg10[%get3A_383] {strides = array<i32>} : memref<8192xf32, #tpu.memory_space<vmem>>, vector<16xf32>,
          %mul3A_385 = arith.constant 1024 : i32
          %mul3A_386 = arith.muli %scan3A_200, %mul3A_385 : i32
          %add3A_387 = arith.constant 240 : i32
          %add3A_388 = arith.addi %mul3A_386, %add3A_387 : i32
          %swap3A_389 = arith.index_cast %add3A_388 : i32 to index
          %swap3A_390 = tpu.vector_load %arg14[%swap3A_389] {strides = array<i32>} : memref<16384xf32, #tpu.memory_space<vmem>>, vector<16xf32>,
          tpu.vector_store %arg14[%swap3A_389], %get3A_384 {strides = array<i32>} : memref<16384xf32, #tpu.memory_space<vmem>>, vector<16xf32>,
          %mul3A_391 = arith.constant 512 : i32
          %mul3A_392 = arith.muli %scan3A_200, %mul3A_391 : i32
          %add3A_393 = arith.constant 256 : i32
          %add3A_394 = arith.addi %mul3A_392, %add3A_393 : i32
          %get3A_395 = arith.index_cast %add3A_394 : i32 to index
          %get3A_396 = tpu.vector_load %arg10[%get3A_395] {strides = array<i32>} : memref<8192xf32, #tpu.memory_space<vmem>>, vector<16xf32>,
          %mul3A_397 = arith.constant 1024 : i32
          %mul3A_398 = arith.muli %scan3A_200, %mul3A_397 : i32
          %add3A_399 = arith.constant 256 : i32
          %add3A_400 = arith.addi %mul3A_398, %add3A_399 : i32
          %swap3A_401 = arith.index_cast %add3A_400 : i32 to index
          %swap3A_402 = tpu.vector_load %arg14[%swap3A_401] {strides = array<i32>} : memref<16384xf32, #tpu.memory_space<vmem>>, vector<16xf32>,
          tpu.vector_store %arg14[%swap3A_401], %get3A_396 {strides = array<i32>} : memref<16384xf32, #tpu.memory_space<vmem>>, vector<16xf32>,
          %mul3A_403 = arith.constant 512 : i32
          %mul3A_404 = arith.muli %scan3A_200, %mul3A_403 : i32
          %add3A_405 = arith.constant 272 : i32
          %add3A_406 = arith.addi %mul3A_404, %add3A_405 : i32
          %get3A_407 = arith.index_cast %add3A_406 : i32 to index
          %get3A_408 = tpu.vector_load %arg10[%get3A_407] {strides = array<i32>} : memref<8192xf32, #tpu.memory_space<vmem>>, vector<16xf32>,
          %mul3A_409 = arith.constant 1024 : i32
          %mul3A_410 = arith.muli %scan3A_200, %mul3A_409 : i32
          %add3A_411 = arith.constant 272 : i32
          %add3A_412 = arith.addi %mul3A_410, %add3A_411 : i32
          %swap3A_413 = arith.index_cast %add3A_412 : i32 to index
          %swap3A_414 = tpu.vector_load %arg14[%swap3A_413] {strides = array<i32>} : memref<16384xf32, #tpu.memory_space<vmem>>, vector<16xf32>,
          tpu.vector_store %arg14[%swap3A_413], %get3A_408 {strides = array<i32>} : memref<16384xf32, #tpu.memory_space<vmem>>, vector<16xf32>,
          %mul3A_415 = arith.constant 512 : i32
          %mul3A_416 = arith.muli %scan3A_200, %mul3A_415 : i32
          %add3A_417 = arith.constant 288 : i32
          %add3A_418 = arith.addi %mul3A_416, %add3A_417 : i32
          %get3A_419 = arith.index_cast %add3A_418 : i32 to index
          %get3A_420 = tpu.vector_load %arg10[%get3A_419] {strides = array<i32>} : memref<8192xf32, #tpu.memory_space<vmem>>, vector<16xf32>,
          %mul3A_421 = arith.constant 1024 : i32
          %mul3A_422 = arith.muli %scan3A_200, %mul3A_421 : i32
          %add3A_423 = arith.constant 288 : i32
          %add3A_424 = arith.addi %mul3A_422, %add3A_423 : i32
          %swap3A_425 = arith.index_cast %add3A_424 : i32 to index
          %swap3A_426 = tpu.vector_load %arg14[%swap3A_425] {strides = array<i32>} : memref<16384xf32, #tpu.memory_space<vmem>>, vector<16xf32>,
          tpu.vector_store %arg14[%swap3A_425], %get3A_420 {strides = array<i32>} : memref<16384xf32, #tpu.memory_space<vmem>>, vector<16xf32>,
          %mul3A_427 = arith.constant 512 : i32
          %mul3A_428 = arith.muli %scan3A_200, %mul3A_427 : i32
          %add3A_429 = arith.constant 304 : i32
          %add3A_430 = arith.addi %mul3A_428, %add3A_429 : i32
          %get3A_431 = arith.index_cast %add3A_430 : i32 to index
          %get3A_432 = tpu.vector_load %arg10[%get3A_431] {strides = array<i32>} : memref<8192xf32, #tpu.memory_space<vmem>>, vector<16xf32>,
          %mul3A_433 = arith.constant 1024 : i32
          %mul3A_434 = arith.muli %scan3A_200, %mul3A_433 : i32
          %add3A_435 = arith.constant 304 : i32
          %add3A_436 = arith.addi %mul3A_434, %add3A_435 : i32
          %swap3A_437 = arith.index_cast %add3A_436 : i32 to index
          %swap3A_438 = tpu.vector_load %arg14[%swap3A_437] {strides = array<i32>} : memref<16384xf32, #tpu.memory_space<vmem>>, vector<16xf32>,
          tpu.vector_store %arg14[%swap3A_437], %get3A_432 {strides = array<i32>} : memref<16384xf32, #tpu.memory_space<vmem>>, vector<16xf32>,
          %mul3A_439 = arith.constant 512 : i32
          %mul3A_440 = arith.muli %scan3A_200, %mul3A_439 : i32
          %add3A_441 = arith.constant 320 : i32
          %add3A_442 = arith.addi %mul3A_440, %add3A_441 : i32
          %get3A_443 = arith.index_cast %add3A_442 : i32 to index
          %get3A_444 = tpu.vector_load %arg10[%get3A_443] {strides = array<i32>} : memref<8192xf32, #tpu.memory_space<vmem>>, vector<16xf32>,
          %mul3A_445 = arith.constant 1024 : i32
          %mul3A_446 = arith.muli %scan3A_200, %mul3A_445 : i32
          %add3A_447 = arith.constant 320 : i32
          %add3A_448 = arith.addi %mul3A_446, %add3A_447 : i32
          %swap3A_449 = arith.index_cast %add3A_448 : i32 to index
          %swap3A_450 = tpu.vector_load %arg14[%swap3A_449] {strides = array<i32>} : memref<16384xf32, #tpu.memory_space<vmem>>, vector<16xf32>,
          tpu.vector_store %arg14[%swap3A_449], %get3A_444 {strides = array<i32>} : memref<16384xf32, #tpu.memory_space<vmem>>, vector<16xf32>,
          %mul3A_451 = arith.constant 512 : i32
          %mul3A_452 = arith.muli %scan3A_200, %mul3A_451 : i32
          %add3A_453 = arith.constant 336 : i32
          %add3A_454 = arith.addi %mul3A_452, %add3A_453 : i32
          %get3A_455 = arith.index_cast %add3A_454 : i32 to index
          %get3A_456 = tpu.vector_load %arg10[%get3A_455] {strides = array<i32>} : memref<8192xf32, #tpu.memory_space<vmem>>, vector<16xf32>,
          %mul3A_457 = arith.constant 1024 : i32
          %mul3A_458 = arith.muli %scan3A_200, %mul3A_457 : i32
          %add3A_459 = arith.constant 336 : i32
          %add3A_460 = arith.addi %mul3A_458, %add3A_459 : i32
          %swap3A_461 = arith.index_cast %add3A_460 : i32 to index
          %swap3A_462 = tpu.vector_load %arg14[%swap3A_461] {strides = array<i32>} : memref<16384xf32, #tpu.memory_space<vmem>>, vector<16xf32>,
          tpu.vector_store %arg14[%swap3A_461], %get3A_456 {strides = array<i32>} : memref<16384xf32, #tpu.memory_space<vmem>>, vector<16xf32>,
          %mul3A_463 = arith.constant 512 : i32
          %mul3A_464 = arith.muli %scan3A_200, %mul3A_463 : i32
          %add3A_465 = arith.constant 352 : i32
          %add3A_466 = arith.addi %mul3A_464, %add3A_465 : i32
          %get3A_467 = arith.index_cast %add3A_466 : i32 to index
          %get3A_468 = tpu.vector_load %arg10[%get3A_467] {strides = array<i32>} : memref<8192xf32, #tpu.memory_space<vmem>>, vector<16xf32>,
          %mul3A_469 = arith.constant 1024 : i32
          %mul3A_470 = arith.muli %scan3A_200, %mul3A_469 : i32
          %add3A_471 = arith.constant 352 : i32
          %add3A_472 = arith.addi %mul3A_470, %add3A_471 : i32
          %swap3A_473 = arith.index_cast %add3A_472 : i32 to index
          %swap3A_474 = tpu.vector_load %arg14[%swap3A_473] {strides = array<i32>} : memref<16384xf32, #tpu.memory_space<vmem>>, vector<16xf32>,
          tpu.vector_store %arg14[%swap3A_473], %get3A_468 {strides = array<i32>} : memref<16384xf32, #tpu.memory_space<vmem>>, vector<16xf32>,
          %mul3A_475 = arith.constant 512 : i32
          %mul3A_476 = arith.muli %scan3A_200, %mul3A_475 : i32
          %add3A_477 = arith.constant 368 : i32
          %add3A_478 = arith.addi %mul3A_476, %add3A_477 : i32
          %get3A_479 = arith.index_cast %add3A_478 : i32 to index
          %get3A_480 = tpu.vector_load %arg10[%get3A_479] {strides = array<i32>} : memref<8192xf32, #tpu.memory_space<vmem>>, vector<16xf32>,
          %mul3A_481 = arith.constant 1024 : i32
          %mul3A_482 = arith.muli %scan3A_200, %mul3A_481 : i32
          %add3A_483 = arith.constant 368 : i32
          %add3A_484 = arith.addi %mul3A_482, %add3A_483 : i32
          %swap3A_485 = arith.index_cast %add3A_484 : i32 to index
          %swap3A_486 = tpu.vector_load %arg14[%swap3A_485] {strides = array<i32>} : memref<16384xf32, #tpu.memory_space<vmem>>, vector<16xf32>,
          tpu.vector_store %arg14[%swap3A_485], %get3A_480 {strides = array<i32>} : memref<16384xf32, #tpu.memory_space<vmem>>, vector<16xf32>,
          %mul3A_487 = arith.constant 512 : i32
          %mul3A_488 = arith.muli %scan3A_200, %mul3A_487 : i32
          %add3A_489 = arith.constant 384 : i32
          %add3A_490 = arith.addi %mul3A_488, %add3A_489 : i32
          %get3A_491 = arith.index_cast %add3A_490 : i32 to index
          %get3A_492 = tpu.vector_load %arg10[%get3A_491] {strides = array<i32>} : memref<8192xf32, #tpu.memory_space<vmem>>, vector<16xf32>,
          %mul3A_493 = arith.constant 1024 : i32
          %mul3A_494 = arith.muli %scan3A_200, %mul3A_493 : i32
          %add3A_495 = arith.constant 384 : i32
          %add3A_496 = arith.addi %mul3A_494, %add3A_495 : i32
          %swap3A_497 = arith.index_cast %add3A_496 : i32 to index
          %swap3A_498 = tpu.vector_load %arg14[%swap3A_497] {strides = array<i32>} : memref<16384xf32, #tpu.memory_space<vmem>>, vector<16xf32>,
          tpu.vector_store %arg14[%swap3A_497], %get3A_492 {strides = array<i32>} : memref<16384xf32, #tpu.memory_space<vmem>>, vector<16xf32>,
          %mul3A_499 = arith.constant 512 : i32
          %mul3A_500 = arith.muli %scan3A_200, %mul3A_499 : i32
          %add3A_501 = arith.constant 400 : i32
          %add3A_502 = arith.addi %mul3A_500, %add3A_501 : i32
          %get3A_503 = arith.index_cast %add3A_502 : i32 to index
          %get3A_504 = tpu.vector_load %arg10[%get3A_503] {strides = array<i32>} : memref<8192xf32, #tpu.memory_space<vmem>>, vector<16xf32>,
          %mul3A_505 = arith.constant 1024 : i32
          %mul3A_506 = arith.muli %scan3A_200, %mul3A_505 : i32
          %add3A_507 = arith.constant 400 : i32
          %add3A_508 = arith.addi %mul3A_506, %add3A_507 : i32
          %swap3A_509 = arith.index_cast %add3A_508 : i32 to index
          %swap3A_510 = tpu.vector_load %arg14[%swap3A_509] {strides = array<i32>} : memref<16384xf32, #tpu.memory_space<vmem>>, vector<16xf32>,
          tpu.vector_store %arg14[%swap3A_509], %get3A_504 {strides = array<i32>} : memref<16384xf32, #tpu.memory_space<vmem>>, vector<16xf32>,
          %mul3A_511 = arith.constant 512 : i32
          %mul3A_512 = arith.muli %scan3A_200, %mul3A_511 : i32
          %add3A_513 = arith.constant 416 : i32
          %add3A_514 = arith.addi %mul3A_512, %add3A_513 : i32
          %get3A_515 = arith.index_cast %add3A_514 : i32 to index
          %get3A_516 = tpu.vector_load %arg10[%get3A_515] {strides = array<i32>} : memref<8192xf32, #tpu.memory_space<vmem>>, vector<16xf32>,
          %mul3A_517 = arith.constant 1024 : i32
          %mul3A_518 = arith.muli %scan3A_200, %mul3A_517 : i32
          %add3A_519 = arith.constant 416 : i32
          %add3A_520 = arith.addi %mul3A_518, %add3A_519 : i32
          %swap3A_521 = arith.index_cast %add3A_520 : i32 to index
          %swap3A_522 = tpu.vector_load %arg14[%swap3A_521] {strides = array<i32>} : memref<16384xf32, #tpu.memory_space<vmem>>, vector<16xf32>,
          tpu.vector_store %arg14[%swap3A_521], %get3A_516 {strides = array<i32>} : memref<16384xf32, #tpu.memory_space<vmem>>, vector<16xf32>,
          %mul3A_523 = arith.constant 512 : i32
          %mul3A_524 = arith.muli %scan3A_200, %mul3A_523 : i32
          %add3A_525 = arith.constant 432 : i32
          %add3A_526 = arith.addi %mul3A_524, %add3A_525 : i32
          %get3A_527 = arith.index_cast %add3A_526 : i32 to index
          %get3A_528 = tpu.vector_load %arg10[%get3A_527] {strides = array<i32>} : memref<8192xf32, #tpu.memory_space<vmem>>, vector<16xf32>,
          %mul3A_529 = arith.constant 1024 : i32
          %mul3A_530 = arith.muli %scan3A_200, %mul3A_529 : i32
          %add3A_531 = arith.constant 432 : i32
          %add3A_532 = arith.addi %mul3A_530, %add3A_531 : i32
          %swap3A_533 = arith.index_cast %add3A_532 : i32 to index
          %swap3A_534 = tpu.vector_load %arg14[%swap3A_533] {strides = array<i32>} : memref<16384xf32, #tpu.memory_space<vmem>>, vector<16xf32>,
          tpu.vector_store %arg14[%swap3A_533], %get3A_528 {strides = array<i32>} : memref<16384xf32, #tpu.memory_space<vmem>>, vector<16xf32>,
          %mul3A_535 = arith.constant 512 : i32
          %mul3A_536 = arith.muli %scan3A_200, %mul3A_535 : i32
          %add3A_537 = arith.constant 448 : i32
          %add3A_538 = arith.addi %mul3A_536, %add3A_537 : i32
          %get3A_539 = arith.index_cast %add3A_538 : i32 to index
          %get3A_540 = tpu.vector_load %arg10[%get3A_539] {strides = array<i32>} : memref<8192xf32, #tpu.memory_space<vmem>>, vector<16xf32>,
          %mul3A_541 = arith.constant 1024 : i32
          %mul3A_542 = arith.muli %scan3A_200, %mul3A_541 : i32
          %add3A_543 = arith.constant 448 : i32
          %add3A_544 = arith.addi %mul3A_542, %add3A_543 : i32
          %swap3A_545 = arith.index_cast %add3A_544 : i32 to index
          %swap3A_546 = tpu.vector_load %arg14[%swap3A_545] {strides = array<i32>} : memref<16384xf32, #tpu.memory_space<vmem>>, vector<16xf32>,
          tpu.vector_store %arg14[%swap3A_545], %get3A_540 {strides = array<i32>} : memref<16384xf32, #tpu.memory_space<vmem>>, vector<16xf32>,
          %mul3A_547 = arith.constant 512 : i32
          %mul3A_548 = arith.muli %scan3A_200, %mul3A_547 : i32
          %add3A_549 = arith.constant 464 : i32
          %add3A_550 = arith.addi %mul3A_548, %add3A_549 : i32
          %get3A_551 = arith.index_cast %add3A_550 : i32 to index
          %get3A_552 = tpu.vector_load %arg10[%get3A_551] {strides = array<i32>} : memref<8192xf32, #tpu.memory_space<vmem>>, vector<16xf32>,
          %mul3A_553 = arith.constant 1024 : i32
          %mul3A_554 = arith.muli %scan3A_200, %mul3A_553 : i32
          %add3A_555 = arith.constant 464 : i32
          %add3A_556 = arith.addi %mul3A_554, %add3A_555 : i32
          %swap3A_557 = arith.index_cast %add3A_556 : i32 to index
          %swap3A_558 = tpu.vector_load %arg14[%swap3A_557] {strides = array<i32>} : memref<16384xf32, #tpu.memory_space<vmem>>, vector<16xf32>,
          tpu.vector_store %arg14[%swap3A_557], %get3A_552 {strides = array<i32>} : memref<16384xf32, #tpu.memory_space<vmem>>, vector<16xf32>,
          %mul3A_559 = arith.constant 512 : i32
          %mul3A_560 = arith.muli %scan3A_200, %mul3A_559 : i32
          %add3A_561 = arith.constant 480 : i32
          %add3A_562 = arith.addi %mul3A_560, %add3A_561 : i32
          %get3A_563 = arith.index_cast %add3A_562 : i32 to index
          %get3A_564 = tpu.vector_load %arg10[%get3A_563] {strides = array<i32>} : memref<8192xf32, #tpu.memory_space<vmem>>, vector<16xf32>,
          %mul3A_565 = arith.constant 1024 : i32
          %mul3A_566 = arith.muli %scan3A_200, %mul3A_565 : i32
          %add3A_567 = arith.constant 480 : i32
          %add3A_568 = arith.addi %mul3A_566, %add3A_567 : i32
          %swap3A_569 = arith.index_cast %add3A_568 : i32 to index
          %swap3A_570 = tpu.vector_load %arg14[%swap3A_569] {strides = array<i32>} : memref<16384xf32, #tpu.memory_space<vmem>>, vector<16xf32>,
          tpu.vector_store %arg14[%swap3A_569], %get3A_564 {strides = array<i32>} : memref<16384xf32, #tpu.memory_space<vmem>>, vector<16xf32>,
          %mul3A_571 = arith.constant 512 : i32
          %mul3A_572 = arith.muli %scan3A_200, %mul3A_571 : i32
          %add3A_573 = arith.constant 496 : i32
          %add3A_574 = arith.addi %mul3A_572, %add3A_573 : i32
          %get3A_575 = arith.index_cast %add3A_574 : i32 to index
          %get3A_576 = tpu.vector_load %arg10[%get3A_575] {strides = array<i32>} : memref<8192xf32, #tpu.memory_space<vmem>>, vector<16xf32>,
          %mul3A_577 = arith.constant 1024 : i32
          %mul3A_578 = arith.muli %scan3A_200, %mul3A_577 : i32
          %add3A_579 = arith.constant 496 : i32
          %add3A_580 = arith.addi %mul3A_578, %add3A_579 : i32
          %swap3A_581 = arith.index_cast %add3A_580 : i32 to index
          %swap3A_582 = tpu.vector_load %arg14[%swap3A_581] {strides = array<i32>} : memref<16384xf32, #tpu.memory_space<vmem>>, vector<16xf32>,
          tpu.vector_store %arg14[%swap3A_581], %get3A_576 {strides = array<i32>} : memref<16384xf32, #tpu.memory_space<vmem>>, vector<16xf32>,
        }
        %scan3A_179 = arith.constant 16 : i32
        %mul3A_180 = arith.constant 16 : i32
        %mul3A_181 = arith.muli %add3A_150, %mul3A_180 : i32
        %mul3A_182 = arith.constant 1024 : i32
        %mul3A_183 = arith.muli %mul3A_181, %mul3A_182 : i32
        %mul3A_184 = arith.constant 16 : i32
        %mul3A_185 = arith.muli %add3A_150, %mul3A_184 : i32
        %mul3A_186 = arith.constant 1024 : i32
        %mul3A_187 = arith.muli %mul3A_185, %mul3A_186 : i32
        %add3A_188 = arith.constant 51200000 : i32
        %add3A_189 = arith.addi %add3A_188, %mul3A_187 : i32
        %dma_start3A_190 = tpu.memref_slice %arg5[%mul3A_183] : memref<102400000xf32, #tpu.memory_space<hbm>> -> memref<16384xf32, #tpu.memory_space<hbm>>
        %dma_start3A_191 = tpu.memref_slice %arg5[%mul3A_183] : memref<102400000xf32, #tpu.memory_space<hbm>> -> memref<16384xf32, #tpu.memory_space<hbm>>
        tpu.enqueue_dma source(%arg12 : memref<16384xf32, #tpu.memory_space<vmem>>) target(%dma_start3A_191 : memref<16384xf32, #tpu.memory_space<hbm>>) target_semaphore(%arg20 : memref<!tpu.dma_semaphore, #tpu.memory_space<semaphore_mem>>)
        %dma_start3A_192 = tpu.memref_slice %arg5[%add3A_189] : memref<102400000xf32, #tpu.memory_space<hbm>> -> memref<16384xf32, #tpu.memory_space<hbm>>
        %dma_start3A_193 = tpu.memref_slice %arg5[%add3A_189] : memref<102400000xf32, #tpu.memory_space<hbm>> -> memref<16384xf32, #tpu.memory_space<hbm>>
        tpu.enqueue_dma source(%arg14 : memref<16384xf32, #tpu.memory_space<vmem>>) target(%dma_start3A_193 : memref<16384xf32, #tpu.memory_space<hbm>>) target_semaphore(%arg20 : memref<!tpu.dma_semaphore, #tpu.memory_space<semaphore_mem>>)
        %add3A_194 = arith.constant 2 : i32
        %add3A_195 = arith.addi %add3A_147, %add3A_194 : i32
        %lt3A_196 = arith.cmpi slt, %add3A_195, %select_n3A : i32
        %convert_element_type3A_197 = arith.extui %lt3A_196 : i1 to i32
        %cond3A_198 = arith.constant 0 : i32
        %cond3A_199 = arith.cmpi ne, %convert_element_type3A_197, %cond3A_198 : i32
        scf.if %cond3A_199 {
          %add3A_200 = arith.constant 64 : i32
          %add3A_201 = arith.addi %add3A_150, %add3A_200 : i32
          %mul3A_202 = arith.constant 2048 : i32
          %mul3A_203 = arith.muli %add3A_201, %mul3A_202 : i32
          %mul3A_204 = arith.constant 16 : i32
          %mul3A_205 = arith.muli %add3A_201, %mul3A_204 : i32
          %mul3A_206 = arith.constant 512 : i32
          %mul3A_207 = arith.muli %mul3A_205, %mul3A_206 : i32
          %dma_start3A_208 = tpu.memref_slice %arg2[%mul3A_203] : memref<6400000xi32, #tpu.memory_space<hbm>> -> memref<2048xi32, #tpu.memory_space<hbm>>
          %dma_start3A_209 = tpu.memref_slice %arg2[%mul3A_203] : memref<6400000xi32, #tpu.memory_space<hbm>> -> memref<2048xi32, #tpu.memory_space<hbm>>
          tpu.enqueue_dma source(%dma_start3A_209 : memref<2048xi32, #tpu.memory_space<hbm>>) target(%arg8 : memref<2048xi32, #tpu.memory_space<vmem>>) target_semaphore(%arg16 : memref<!tpu.dma_semaphore, #tpu.memory_space<semaphore_mem>>)
          %dma_start3A_210 = tpu.memref_slice %arg3[%mul3A_207] : memref<25600000xf32, #tpu.memory_space<hbm>> -> memref<8192xf32, #tpu.memory_space<hbm>>
          %dma_start3A_211 = tpu.memref_slice %arg3[%mul3A_207] : memref<25600000xf32, #tpu.memory_space<hbm>> -> memref<8192xf32, #tpu.memory_space<hbm>>
          tpu.enqueue_dma source(%dma_start3A_211 : memref<8192xf32, #tpu.memory_space<hbm>>) target(%arg10 : memref<8192xf32, #tpu.memory_space<vmem>>) target_semaphore(%arg18 : memref<!tpu.dma_semaphore, #tpu.memory_space<semaphore_mem>>)
        } else {
        }
      } else {
      }
    }
    %sub3A_79 = arith.constant 1 : i32
    %sub3A_80 = arith.subi %select_n3A, %sub3A_79 : i32
    %jit3A_81 = arith.constant 2 : i32
    %eq3A = arith.constant 0 : i32
    %eq3A_82 = arith.cmpi eq, %jit3A_81, %eq3A : i32
    %jit3A_83 = arith.constant 1 : i32
    %select_n3A_84 = arith.select %eq3A_82, %jit3A_83, %jit3A_81 : i32
    %rem3A_85 = arith.remsi %sub3A_80, %select_n3A_84 : i32
    %ne3A_86 = arith.constant 0 : i32
    %ne3A_87 = arith.cmpi ne, %rem3A_85, %ne3A_86 : i32
    %lt3A = arith.constant 0 : i32
    %lt3A_88 = arith.cmpi slt, %rem3A_85, %lt3A : i32
    %lt3A_89 = arith.constant 0 : i32
    %lt3A_90 = arith.cmpi slt, %select_n3A_84, %lt3A_89 : i32
    %ne3A_91 = arith.xori %lt3A_88, %lt3A_90 : i1
    %and3A_92 = arith.andi %ne3A_91, %ne3A_87 : i1
    %add3A_93 = arith.addi %rem3A_85, %select_n3A_84 : i32
    %select_n3A_94 = arith.select %and3A_92, %add3A_93, %rem3A_85 : i32
    %sub3A_95 = arith.constant 1 : i32
    %sub3A_96 = arith.subi %select_n3A, %sub3A_95 : i32
    %sub3A_97 = arith.subi %sub3A_96, %select_n3A_94 : i32
    %sub3A_98 = arith.constant 2 : i32
    %sub3A_99 = arith.subi %select_n3A, %sub3A_98 : i32
    %add3A_100 = arith.addi %sub3A_99, %select_n3A_94 : i32
    %mul3A_101 = arith.constant 32 : i32
    %mul3A_102 = arith.muli %sub3A_97, %mul3A_101 : i32
    %add3A_103 = arith.addi %add3A, %mul3A_102 : i32
    %mul3A_104 = arith.constant 16 : i32
    %mul3A_105 = arith.muli %add3A_103, %mul3A_104 : i32
    %mul3A_106 = arith.constant 1024 : i32
    %mul3A_107 = arith.muli %mul3A_105, %mul3A_106 : i32
    %mul3A_108 = arith.constant 16 : i32
    %mul3A_109 = arith.muli %add3A_103, %mul3A_108 : i32
    %mul3A_110 = arith.constant 1024 : i32
    %mul3A_111 = arith.muli %mul3A_109, %mul3A_110 : i32
    %add3A_112 = arith.constant 51200000 : i32
    %add3A_113 = arith.addi %add3A_112, %mul3A_111 : i32
    %dma_wait3A = tpu.memref_slice %arg5[%mul3A_107] : memref<102400000xf32, #tpu.memory_space<hbm>> -> memref<16384xf32, #tpu.memory_space<hbm>>
    %dma_wait3A_114 = tpu.memref_slice %arg5[%mul3A_107] : memref<102400000xf32, #tpu.memory_space<hbm>> -> memref<16384xf32, #tpu.memory_space<hbm>>
    tpu.wait_dma2 semaphore(%arg19 : memref<!tpu.dma_semaphore, #tpu.memory_space<semaphore_mem>>) src(%arg11 : memref<16384xf32, #tpu.memory_space<vmem>>) dst(%dma_wait3A_114 : memref<16384xf32, #tpu.memory_space<hbm>>)
    %dma_wait3A_115 = tpu.memref_slice %arg5[%add3A_113] : memref<102400000xf32, #tpu.memory_space<hbm>> -> memref<16384xf32, #tpu.memory_space<hbm>>
    %dma_wait3A_116 = tpu.memref_slice %arg5[%add3A_113] : memref<102400000xf32, #tpu.memory_space<hbm>> -> memref<16384xf32, #tpu.memory_space<hbm>>
    tpu.wait_dma2 semaphore(%arg19 : memref<!tpu.dma_semaphore, #tpu.memory_space<semaphore_mem>>) src(%arg13 : memref<16384xf32, #tpu.memory_space<vmem>>) dst(%dma_wait3A_116 : memref<16384xf32, #tpu.memory_space<hbm>>)
    %mul3A_117 = arith.constant 32 : i32
    %mul3A_118 = arith.muli %add3A_100, %mul3A_117 : i32
    %add3A_119 = arith.addi %add3A, %mul3A_118 : i32
    %mul3A_120 = arith.constant 16 : i32
    %mul3A_121 = arith.muli %add3A_119, %mul3A_120 : i32
    %mul3A_122 = arith.constant 1024 : i32
    %mul3A_123 = arith.muli %mul3A_121, %mul3A_122 : i32
    %mul3A_124 = arith.constant 16 : i32
    %mul3A_125 = arith.muli %add3A_119, %mul3A_124 : i32
    %mul3A_126 = arith.constant 1024 : i32
    %mul3A_127 = arith.muli %mul3A_125, %mul3A_126 : i32
    %add3A_128 = arith.constant 51200000 : i32
    %add3A_129 = arith.addi %add3A_128, %mul3A_127 : i32
    %dma_wait3A_130 = tpu.memref_slice %arg5[%mul3A_123] : memref<102400000xf32, #tpu.memory_space<hbm>> -> memref<16384xf32, #tpu.memory_space<hbm>>
    %dma_wait3A_131 = tpu.memref_slice %arg5[%mul3A_123] : memref<102400000xf32, #tpu.memory_space<hbm>> -> memref<16384xf32, #tpu.memory_space<hbm>>
    tpu.wait_dma2 semaphore(%arg20 : memref<!tpu.dma_semaphore, #tpu.memory_space<semaphore_mem>>) src(%arg12 : memref<16384xf32, #tpu.memory_space<vmem>>) dst(%dma_wait3A_131 : memref<16384xf32, #tpu.memory_space<hbm>>)
    %dma_wait3A_132 = tpu.memref_slice %arg5[%add3A_129] : memref<102400000xf32, #tpu.memory_space<hbm>> -> memref<16384xf32, #tpu.memory_space<hbm>>
    %dma_wait3A_133 = tpu.memref_slice %arg5[%add3A_129] : memref<102400000xf32, #tpu.memory_space<hbm>> -> memref<16384xf32, #tpu.memory_space<hbm>>
    tpu.wait_dma2 semaphore(%arg20 : memref<!tpu.dma_semaphore, #tpu.memory_space<semaphore_mem>>) src(%arg14 : memref<16384xf32, #tpu.memory_space<vmem>>) dst(%dma_wait3A_133 : memref<16384xf32, #tpu.memory_space<hbm>>)
    return
  }
}

</mosaic_0001>

<sc_bundles>
// kernel: kernel.3.cloned.1.call-start
scs
__scs_entry_jumppad:
0x0: {  	(pc) =	sbr.rel $0x88, $3  }
0x1: {  	(tag) =	ssettag $0x0;
	lr =	simm.s32 $0x1  }
0x2: {  	[smem:$0x3F9E] =	sst lr;
	_ =	strace $0xD0000000  }
0x3: {  	_ = 	snop  }
0x4: {  	_ = 	snop  }
0x5: {  	_ = 	snop  }
0x6: {  	_ = 	snop  }
0x7: {  	_ = 	snop  }
__scs_overlays_trampoline_lowered:
0x8: {  	[smem:$0x3FAD] =	sst s0  }
0x9: {  	[smem:$0x3FAE] =	sst s1  }
0xa: {  	[smem:$0x3FAF] =	sst s2  }
0xb: {  	[smem:$0x3FB0] =	sst s3  }
0xc: {  	[smem:$0x3FB1] =	sst s4  }
0xd: {  	[smem:$0x3FB2] =	sst s5  }
0xe: {  	[smem:$0x3FB3] =	sst s6  }
0xf: {  	[smem:$0x3FB4] =	sst s7  }
0x10: {  	[smem:$0x3FB5] =	sst s8  }
0x11: {  	[smem:$0x3FB6] =	sst s9;
	s0 =	simm.s32 @!p0 $0x0  }
0x12: {  	s1 =	sld [smem:$0x3F9C];
	s0 =	simm.s32 @p0 $0x1  }
0x13: {  	[smem:$0x3FB7] =	sst s0;
	s0 =	simm.s32 @!p1 $0x0  }
0x14: {  	s2 =	sld [smem:$0x3F9B];
	s0 =	simm.s32 @p1 $0x1  }
0x15: {  	[smem:$0x3FB8] =	sst s0;
	s0 =	simm.s32 @!p2 $0x0  }
0x16: {  	s3 =	sld [smem:$0x3FDB];
	s0 =	simm.s32 @p2 $0x1  }
0x17: {  	s4 =	simm.s32 $0x1BF5;
	[smem:$0x3FBA] =	sst s0  }
0x18: {  	s0 =	sld [smem:$0x3F9D];
	_ =	swait.ge [sflag:s4], $0x0  }
0x19: {  	s7 =	sld [smem:$0x3F9E]  }
0x1a: {  	s8 =	sadd.s32 $0xFFFFE003, lr  }
0x1b: {  	s9 =	sadd.s32 $0xFFFFFEF7, lr;
	s5 =	simm.s32 $0xFFFFFFFF;
	p2 =	slt.u32 s8, $0xFFFFF086  }
0x1c: {  	p1 =	slt.u32 s9, $0xF7A;
	s5 =	simm.s32 @!p2 $0x0  }
0x1d: {  	s5 =	simm.s32 @p1 $0x1;
	p0 =	seq.s32 s7, s2  }
0x1e: {  	s7 =	smul.u32 @!p0 $0xF7A, s2;
	p2 =	seq.s32 @!p0 s5, $0x0  }
0x1f: {  	s9 =	smul.u32 $0xF7A, s1;
	s8 =	simm.s32 @!p0 $0x1BF5;
	p2 =	por !p2, p0  }
0x20: {  	[sflag:s8] =	ssyncset.s32 @!p0 $0xFFFFF086;
	s6 =	sadd.s32 @!p0 s3, s7;
	s7 =	simm.s32 @!p0 $0x108  }
0x21: {  	s3 =	sadd.s32 s3, s9;
	s6 =	sadd.s32 @!p0 $0x88, s6;
	s7 =	simm.s32 @p2 $0x1082  }
0x22: {  	[simem:s7], [sflag:s8] =	dma.local @!p0 [hbm:s6], $0xF7A  }
0x23: {  	s9 =	sor.u32 $0xD0000000, s2;
	s6 =	simm.s32 $0x108;
	_ =	swait.ge @!p0 [sflag:s8], $0x0  }
0x24: {  	s3 =	sadd.s32 $0x88, s3;
	s6 =	simm.s32 @!p1 $0x1082;
	[sflag:s4] =	ssyncset.s32 $0xFFFFF086  }
0x25: {  	[simem:s6], [sflag:s4] =	dma.local [hbm:s3], $0xF7A  }
0x26: {  	[smem:$0x3F9E] =	sst s1;
	(tag) =	ssettag s2;
	_ =	strace s9  }
0x27: {  	s1 =	sld [smem:$0x3FAE]  }
0x28: {  	s2 =	sld [smem:$0x3FAF]  }
0x29: {  	s4 =	sld [smem:$0x3FB1]  }
0x2a: {  	p0 =	seq.s32 s5, $0x0;
	s5 =	sld [smem:$0x3FB2]  }
0x2b: {  	s6 =	sld [smem:$0x3FB3]  }
0x2c: {  	s7 =	sld [smem:$0x3FB4]  }
0x2d: {  	s3 =	simm.s32 $0x108;
	s8 =	sld [smem:$0x3FB5]  }
0x2e: {  	s3 =	simm.s32 @!p0 $0x1082;
	s9 =	sld [smem:$0x3FB6]  }
0x2f: {  	lr =	sadd.s32 s0, s3;
	s0 =	sld [smem:$0x3FAD]  }
0x30: {  	s3 =	sld [smem:$0x3FB0]  }
0x31: {  	[smem:$0x3FB9] =	sst s10  }
0x32: {  	s10 =	sld [smem:$0x3FB7];
	_ =	sdelay $0x3  }
0x33: {  	p0 =	seq.s32 s10, $0x1;
	s10 =	sld [smem:$0x3FB9];
	_ =	sdelay $0x3  }
0x34: {  	[smem:$0x3FB9] =	sst s10  }
0x35: {  	s10 =	sld [smem:$0x3FB8];
	_ =	sdelay $0x3  }
0x36: {  	p1 =	seq.s32 s10, $0x1;
	s10 =	sld [smem:$0x3FB9];
	_ =	sdelay $0x3  }
0x37: {  	[smem:$0x3FB9] =	sst s10  }
0x38: {  	s10 =	sld [smem:$0x3FBA]  }
0x39: {  	_ = 	snop;
	(pc) =	sbr.ind lr, $3  }
0x3a: {  	_ = 	snop  }
0x3b: {  	_ = 	snop  }
0x3c: {  	p2 =	seq.s32 s10, $0x1;
	s10 =	sld [smem:$0x3FB9]  }
0x3d: {  	_ =	shalt  }
0x3e: {  	_ =	shalt  }
0x3f: {  	_ =	shalt  }
0x40: {  	_ =	shalt  }
0x41: {  	_ =	shalt  }
0x42: {  	_ =	shalt  }
0x43: {  	_ =	shalt  }
0x44: {  	_ =	shalt  }
0x45: {  	_ =	shalt  }
0x46: {  	_ =	shalt  }
0x47: {  	_ =	shalt  }
0x48: {  	_ =	shalt  }
0x49: {  	_ =	shalt  }
0x4a: {  	_ =	shalt  }
0x4b: {  	_ =	shalt  }
0x4c: {  	_ =	shalt  }
0x4d: {  	_ =	shalt  }
0x4e: {  	_ =	shalt  }
0x4f: {  	_ =	shalt  }
0x50: {  	_ =	shalt  }
0x51: {  	_ =	shalt  }
0x52: {  	_ =	shalt  }
0x53: {  	_ =	shalt  }
0x54: {  	_ =	shalt  }
0x55: {  	_ =	shalt  }
0x56: {  	_ =	shalt  }
0x57: {  	_ =	shalt  }
0x58: {  	_ =	shalt  }
0x59: {  	_ =	shalt  }
0x5a: {  	_ =	shalt  }
0x5b: {  	_ =	shalt  }
0x5c: {  	_ =	shalt  }
0x5d: {  	_ =	shalt  }
0x5e: {  	_ =	shalt  }
0x5f: {  	_ =	shalt  }
0x60: {  	_ =	shalt  }
0x61: {  	_ =	shalt  }
0x62: {  	_ =	shalt  }
0x63: {  	_ =	shalt  }
0x64: {  	_ =	shalt  }
0x65: {  	_ =	shalt  }
0x66: {  	_ =	shalt  }
0x67: {  	_ =	shalt  }
0x68: {  	_ =	shalt  }
0x69: {  	_ =	shalt  }
0x6a: {  	_ =	shalt  }
0x6b: {  	_ =	shalt  }
0x6c: {  	_ =	shalt  }
0x6d: {  	_ =	shalt  }
0x6e: {  	_ =	shalt  }
0x6f: {  	_ =	shalt  }
0x70: {  	_ =	shalt  }
0x71: {  	_ =	shalt  }
0x72: {  	_ =	shalt  }
0x73: {  	_ =	shalt  }
0x74: {  	_ =	shalt  }
0x75: {  	_ =	shalt  }
0x76: {  	_ =	shalt  }
0x77: {  	_ =	shalt  }
0x78: {  	_ =	shalt  }
0x79: {  	_ =	shalt  }
0x7a: {  	_ =	shalt  }
0x7b: {  	_ =	shalt  }
0x7c: {  	_ =	shalt  }
0x7d: {  	_ =	shalt  }
0x7e: {  	_ =	shalt  }
0x7f: {  	_ =	shalt  }
0x80: {  	_ =	shalt  }
0x81: {  	_ =	shalt  }
0x82: {  	_ =	shalt  }
0x83: {  	_ =	shalt  }
0x84: {  	_ =	shalt  }
0x85: {  	_ =	shalt  }
0x86: {  	_ =	shalt  }
0x87: {  	_ =	shalt  }
.Lfunc_end0:
.L_simem_size_0:
called_computation_lowered:
.L_overlay_start_0:
0x88: {  	s2 =	sld [smem:$0x3FD9]  }
0x89: {  	s3 =	sld [smem:$0x3FFE];
	_ =	sdelay $0x1  }
0x8a: {  	s1 =	srdreg.scid  }
0x8b: {  	s0 =	sand.u32 $0x1, s1  }
0x8c: {  	s17 =	sshll.u32 s0, $0xA;
	s2 =	sadd.s32 s3, s2  }
0x8d: {  	s2 =	sadd.s32 s2, s17  }
0x8e: {  	[smem:$0x3FC5] =	sst s2  }
0x8f: {  	_ = 	snop  }
0x90: {  	s2 =	sld [smem:$0x3FC9]  }
0x91: {  	s18 =	sld [smem:$0x3FC8]  }
0x92: {  	s4 =	sld [smem:$0x3FD0];
	(tm) =	ssettm $0x1  }
0x93: {  	s5 =	sld [smem:$0x3FFB];
	_ =	sdelay $0x3  }
0x94: {  	_ =	strace s5  }
0x95: {  	s5 =	sld [smem:$0x3FFC];
	_ =	sdelay $0x3  }
0x96: {  	_ =	strace s5  }
0x97: {  	s5 =	sld [smem:$0x3FFD];
	_ =	sdelay $0x3  }
0x98: {  	_ =	strace s5  }
0x99: {  	_ =	strace $0x8FFFFFFF  }
0x9a: {  	s19 =	sld [smem:$0x3FDB];
	_ =	sdelay $0x1  }
0x9b: {  	s6 =	simm.s32 $_scs_section_size  }
0x9c: {  	s7 =	simm.s32 $_size__tile_overlayer_lowered;
	s8 =	simm.s32 $_tile_overlayer_lowered  }
0x9d: {  	s22 =	simm.s32 $0x1BFF;
	s21 =	sshll.u32 s8, $0x1;
	s5 =	sadd.s32 s6, s19  }
0x9e: {  	s9 =	simm.s32 $0x0;
	s20 =	sshll.u32 s7, $0x1;
	s7 =	sadd.s32 s21, s5  }
0x9f: {  	[timem:s9], [sflag:s22] =	dma.local [hbm:s7], s20  }
0xa0: {  	_ =	swait.ge [sflag:s22], s20  }
0xa1: {  	s6 =	ssub.s32 $0x0, s20;
	[sflag:s22] =	ssyncset.done $0x0  }
0xa2: {  	[sflag:s22] =	ssyncadd.s32 s6;
	_ =	sdelay $0x1  }
0xa3: {  	s23 =	simm.s32 $0x1B8B  }
0xa4: {  	_ =	swait.ge [sflag:s23], $0x1  }
0xa5: {  	[sflag:s23] =	ssyncset.done $0x0  }
0xa6: {  	s25 =	simm.s32 $0x1B8E;
	s24 =	sld [smem:$0x3FFE];
	[sflag:s23] =	ssyncadd.s32 $0xFFFFFFFF  }
0xa7: {  	s26 =	simm.s32 $execute0_lowered;
	[smem:$0x3FD2] =	sst s25  }
0xa8: {  	s7 =	sshll.u32 s26, $0x1;
	_ =	strace $0x80000046;
	[dreg:$0x1] =	wrdreg $0xFFFFFFFF  }
0xa9: {  	s28 =	simm.s32 $_size_execute0_lowered;
	s5 =	sadd.s32 s5, s7;
	[dreg:$0x0] =	wrdreg $0x0  }
0xaa: {  	s7 =	sshll.u32 s28, $0x1;
	[dreg:$0x2] =	wrdreg s5  }
0xab: {  	[dreg:$0x3] =	wrdreg s7  }
0xac: {  	[dreg:$0x4] =	wrdreg $0xC0  }
0xad: {  	_ =	task [dreg:s9], $0x5FFFF  }
0xae: {  	[dreg:$0x1] =	wrdreg $0xFFFFFFFF  }
0xaf: {  	[dreg:$0x0] =	wrdreg $0x60  }
0xb0: {  	[dreg:$0x2] =	wrdreg s2  }
0xb1: {  	[dreg:$0x3] =	wrdreg s18  }
0xb2: {  	[dreg:$0x4] =	wrdreg s24  }
0xb3: {  	[dreg:$0x5] =	wrdreg s4  }
0xb4: {  	[dreg:$0x6] =	wrdreg $0x9  }
0xb5: {  	_ =	task.clear_ibuf [dreg:s9], $0x7FFFF;
	_ =	strace $0x90000046  }
0xb6: {  	s29 =	simm.s32 $0x9;
	_ =	strace $0x80000048  }
0xb7: {  	_ =	swait.ge [sflag:s29], $0x1  }
0xb8: {  	[sflag:s29] =	ssyncadd.s32 $0xFFFFFFFF  }
0xb9: {  	_ =	strace $0x90000048  }
0xba: {  	_ =	sfence  }
0xbb: {  	s30 =	sld [smem:$0x0];
	_ =	sdelay $0x2  }
0xbc: {  	s31 =	sshll.u32 s1, $0xD;
	s1 =	sshrl.u32 s1, $0x2  }
0xbd: {  	s3 =	sand.u32 $0x4000, s31;
	s1 =	sadd.s32 s1, s30  }
0xbe: {  	s0 =	sor.u32 s3, s0;
	s1 =	sshll.u32 s1, $0x11  }
0xbf: {  	s0 =	sor.u32 s1, s0  }
0xc0: {  	s0 =	sadd.s32 $0x8F2B, s0  }
0xc1: {  	[sflag:s0] =	ssyncadd.remote.s32 $0x1  }
0xc2: {  	_ =	sfence.sel $0xFFFF  }
0xc3: {  	[dreg:$0x0] =	wrdreg $0xFFFFFFFF;
	(pc) =	sbr.abs _section_cstart, $3  }
0xc4: {  	[dreg:$0x1] =	wrdreg $0xFFFFFFFF  }
0xc5: {  	_ =	task.clear_ibuf [dreg:s9], $0x2FFFF;
	_ =	strace $0x9FFFFFFF  }
0xc6: {  	(tm) =	ssettm $0x7FFFFFFF  }
0xc7: {  	_ =	shalt  }
tec
execute0_lowered:
.L_overlay_start_1:
0x0: {  	(tag) =	ssettag $0x1  }
0x1: {  	s1 =	rddreg [dreg:$0x0]  }
0x2: {  	s2 =	rddreg [dreg:$0x1]  }
0x3: {  	s0 =	rddreg [dreg:$0x2]  }
0x4: {  	s3 =	rddreg [dreg:$0x3];
	s5 =	simm.s32 $0x0;
	s4 =	srdreg.scid  }
0x5: {  	s7 =	stileid.u32;
	s28 =	simm.s32 $0x50;
	s29 =	simm.s32 $0x60  }
0x6: {  	s30 =	simm.s32 $0x70;
	s31 =	simm.s32 $0x3;
	s18 =	simm.s32 $0x2  }
0x7: {  	s19 =	simm.s32 $0x4;
	s20 =	simm.s32 $0x9080;
	s10 =	simm.s32 $0x0  }
0x8: {  	[smem:$0x7FF] =	sst s5;
	s4 =	sand.u32 $0x1, s4;
	s0 =	sadd.s32 $0x400, s0  }
0x9: {  	s7 =	sshll.u32 s7, $0x1;
	s15 =	sadd.s32 $0x61A800, s3;
	_ =	strace $0x80000047  }
0xa: {  	s6 =	ssub.s32 $0x2, s4;
	[dreg:$0x5] =	wrdreg s0;
	s7 =	sor.u32 s4, s7  }
0xb: {  	s21 =	sshrl.u32 s6, $0x1;
	s4 =	ssub.s32 $0xC54, s7;
	s22 =	sshll.u32 s7, $0x8  }
0xc: {  	s24 =	sor.u32 $0x20, s7;
	s25 =	sshll.u32 s7, $0xA;
	s0 =	ssub.s32 s6, s21  }
0xd: {  	s8 =	sshrl.u32 s4, $0x5;
	s23 =	sadd.s32 s1, s22;
	s9 =	sshll.u32 s24, $0x8  }
0xe: {  	s4 =	sshll.u32 s24, $0xA;
	s6 =	sadd.s32 s2, s25;
	s22 =	simm.s32 $0x1  }
0xf: {  	s24 =	simm.s32 $0x20;
	s25 =	simm.s32 $0x30;
	[dreg:$0x6] =	wrdreg s23  }
.Ltmp0:
0x10: {  	[dreg:$0x7] =	wrdreg s6;
	s26 =	sadd.s32 s1, s9;
	(pc) =	sbr.rel .LBB2_1-.Ltmp0, $4  }
0x11: {  	s21 =	simm.s32 $0x11080;
	s4 =	sadd.s32 s2, s4;
	[dreg:$0x8] =	wrdreg s26  }
0x12: {  	s13 =	sadd.s32 $0xFFFFFFFE, s8;
	s0 =	smax.u32 s0, $0x1;
	[dreg:$0x9] =	wrdreg s4  }
0x13: {  	s14 =	sadd.s32 $0xFFFFFFFD, s8;
	s23 =	simm.s32 $0x10;
	[dreg:$0xa] =	wrdreg s0  }
0x14: {  	s26 =	simm.s32 $0x40;
	s0 =	simm.s32 $0x5080;
	s4 =	simm.s32 $0xD080  }
.LBB2_13:
0x15: {  	s6 =	simm.s32 $0x5  }
0x16: {  	_ =	swait.ge [sflag:s6], $0x4000  }
0x17: {  	[sflag:s6] =	ssyncset.done $0x0  }
0x18: {  	[sflag:s6] =	ssyncadd.s32 $0xFFFFC000  }
0x19: {  	_ =	swait.ge [sflag:s6], $0x4000  }
0x1a: {  	[sflag:s6] =	ssyncset.done $0x0  }
0x1b: {  	s9 =	simm.s32 $0x6;
	[sflag:s6] =	ssyncadd.s32 $0xFFFFC000  }
0x1c: {  	_ =	swait.ge [sflag:s9], $0x4000  }
0x1d: {  	[sflag:s9] =	ssyncset.done $0x0  }
0x1e: {  	[sflag:s9] =	ssyncadd.s32 $0xFFFFC000  }
0x1f: {  	_ =	swait.ge [sflag:s9], $0x4000  }
0x20: {  	s10 =	sadd.s32 $0x1, s10;
	s17 =	rddreg [dreg:$0xa]  }
0x21: {  	p0 =	sne.s32 s10, s17  }
.Ltmp1:
0x22: {  	_ = 	snop;
	(pc) =	sbr.rel @!p0 .LBB2_14-.Ltmp1, $3  }
0x23: {  	_ =	sdelay $0x1  }
0x24: {  	[sflag:s9] =	ssyncset.done $0x0  }
0x25: {  	[sflag:s9] =	ssyncadd.s32 $0xFFFFC000  }
.LBB2_1:
0x26: {  	s6 =	rddreg [dreg:$0x5];
	s11 =	simm.s32 $0x7  }
0x27: {  	[tilespmem:s5], [sflag:$0x7] =	stream.linear.gather [hbm4b:s6+s5], $0x80, $0x38;
	[tilespmem:$0x15080] =	vst v63  }
0x28: {  	_ =	swait.ge [sflag:s11], $0x80  }
0x29: {  	[sflag:s11] =	ssyncset.done $0x0  }
0x2a: {  	s9 =	simm.s32 $0x80;
	s12 =	rddreg [dreg:$0x6];
	[sflag:s11] =	ssyncadd.s32 $0xFFFFFF80  }
0x2b: {  	[tilespmem:s9], [sflag:$0x1] =	stream.linear.gather [hbm4b:s12+s5], $0x800, $0x38;
	[tilespmem:$0x15080] =	vst v63  }
0x2c: {  	s17 =	simm.s32 $0x1080;
	s16 =	rddreg [dreg:$0x7]  }
0x2d: {  	[tilespmem:s17], [sflag:$0x3] =	stream.linear.gather [hbm4b:s16+s5], $0x2000, $0x38;
	[tilespmem:$0x15080] =	vst v63  }
.Ltmp2:
0x2e: {  	_ = 	snop;
	(pc) =	sbr.rel .LBB2_2-.Ltmp2, $4  }
0x2f: {  	s11 =	rddreg [dreg:$0x8];
	s12 =	simm.s32 $0x880  }
0x30: {  	[tilespmem:s12], [sflag:$0x2] =	stream.linear.gather [hbm4b:s11+s5], $0x800, $0x38;
	[tilespmem:$0x15080] =	vst v63  }
0x31: {  	s16 =	rddreg [dreg:$0x9];
	s17 =	simm.s32 $0x3080;
	s11 =	simm.s32 $0x0  }
0x32: {  	[tilespmem:s17], [sflag:$0x4] =	stream.linear.gather [hbm4b:s16+s5], $0x2000, $0x38;
	[tilespmem:$0x15080] =	vst v63  }
.LBB2_12:
0x33: {  	s11 =	sadd.s32 $0x1, s11  }
0x34: {  	p0 =	sne.s32 s11, $0x31  }
.Ltmp3:
0x35: {  	_ = 	snop;
	(pc) =	sbr.rel @!p0 .LBB2_13-.Ltmp3, $1  }
0x36: {  	_ =	sdelay $0x3  }
.LBB2_2:
0x37: {  	_ =	swait.ge [sflag:s22], $0x800  }
0x38: {  	p0 =	seq.s32 s11, $0x0;
	[sflag:s22] =	ssyncset.done $0x0  }
0x39: {  	s6 =	simm.s32 @!p0 $0x5;
	[sflag:s22] =	ssyncadd.s32 $0xFFFFF800  }
0x3a: {  	_ =	swait.ge @!p0 [sflag:s6], $0x4000  }
0x3b: {  	[sflag:s6] =	ssyncset.done @!p0 $0x0  }
0x3c: {  	[sflag:s6] =	ssyncadd.s32 @!p0 $0xFFFFC000  }
0x3d: {  	_ =	swait.ge @!p0 [sflag:s6], $0x4000  }
0x3e: {  	[sflag:s6] =	ssyncset.done @!p0 $0x0  }
0x3f: {  	s12 =	simm.s32 $0x0;
	[sflag:s6] =	ssyncadd.s32 @!p0 $0xFFFFC000  }
0x40: {  	v0 =	vld [tilespmem:s12+$0x80];
	_ =	sdelay $0x5  }
0x41: {  	v1 =	vld [tilespmem:s12+$0x90]  }
0x42: {  	v3 =	vld [tilespmem:s12+$0xA0]  }
0x43: {  	v2 =	vld.idx.msk [tilespmem:v0+s5+$0x0], $0xffff  }
0x44: {  	v4 =	vld [tilespmem:s12+$0xB0]  }
0x45: {  	v5 =	vld [tilespmem:s12+$0xC0]  }
0x46: {  	v6 =	vld [tilespmem:s12+$0xD0]  }
0x47: {  	s17 =	simm.s32 $0x5280;
	v7 =	vld [tilespmem:s12+$0xE0]  }
0x48: {  	v8 =	vld [tilespmem:s12+$0xF0];
	[tilespmem:s17+$0xFFFFFE00] =	vst v2  }
0x49: {  	v2 =	vld.idx.msk [tilespmem:v1+s5+$0x0], $0xffff;
	_ =	sdelay $0x4  }
0x4a: {  	[tilespmem:s17+$0xFFFFFE10] =	vst v2  }
0x4b: {  	v2 =	vld.idx.msk [tilespmem:v3+s5+$0x0], $0xffff;
	_ =	sdelay $0x4  }
0x4c: {  	[tilespmem:s17+$0xFFFFFE20] =	vst v2  }
0x4d: {  	v2 =	vld.idx.msk [tilespmem:v4+s5+$0x0], $0xffff;
	_ =	sdelay $0x4  }
0x4e: {  	[tilespmem:s17+$0xFFFFFE30] =	vst v2  }
0x4f: {  	v2 =	vld.idx.msk [tilespmem:v5+s5+$0x0], $0xffff;
	_ =	sdelay $0x4  }
0x50: {  	[tilespmem:s17+$0xFFFFFE40] =	vst v2  }
0x51: {  	v2 =	vld.idx.msk [tilespmem:v6+s5+$0x0], $0xffff;
	_ =	sdelay $0x4  }
0x52: {  	[tilespmem:s17+$0xFFFFFE50] =	vst v2  }
0x53: {  	v2 =	vld.idx.msk [tilespmem:v7+s5+$0x0], $0xffff;
	_ =	sdelay $0x4  }
0x54: {  	[tilespmem:s17+$0xFFFFFE60] =	vst v2  }
0x55: {  	v2 =	vld.idx.msk [tilespmem:v8+s5+$0x0], $0xffff;
	_ =	sdelay $0x4  }
0x56: {  	[tilespmem:s17+$0xFFFFFE70] =	vst v2  }
0x57: {  	v2 =	vld.idx.msk [tilespmem:v0+s23+$0x0], $0xffff;
	_ =	sdelay $0x4  }
0x58: {  	[tilespmem:s17+$0xFFFFFE80] =	vst v2  }
0x59: {  	v2 =	vld.idx.msk [tilespmem:v1+s23+$0x0], $0xffff;
	_ =	sdelay $0x4  }
0x5a: {  	[tilespmem:s17+$0xFFFFFE90] =	vst v2  }
0x5b: {  	v2 =	vld.idx.msk [tilespmem:v3+s23+$0x0], $0xffff;
	_ =	sdelay $0x4  }
0x5c: {  	[tilespmem:s17+$0xFFFFFEA0] =	vst v2  }
0x5d: {  	v2 =	vld.idx.msk [tilespmem:v4+s23+$0x0], $0xffff;
	_ =	sdelay $0x4  }
0x5e: {  	[tilespmem:s17+$0xFFFFFEB0] =	vst v2  }
0x5f: {  	v2 =	vld.idx.msk [tilespmem:v5+s23+$0x0], $0xffff;
	_ =	sdelay $0x4  }
0x60: {  	[tilespmem:s17+$0xFFFFFEC0] =	vst v2  }
0x61: {  	v2 =	vld.idx.msk [tilespmem:v6+s23+$0x0], $0xffff;
	_ =	sdelay $0x4  }
0x62: {  	[tilespmem:s17+$0xFFFFFED0] =	vst v2  }
0x63: {  	v2 =	vld.idx.msk [tilespmem:v7+s23+$0x0], $0xffff;
	_ =	sdelay $0x4  }
0x64: {  	[tilespmem:s17+$0xFFFFFEE0] =	vst v2  }
0x65: {  	v2 =	vld.idx.msk [tilespmem:v8+s23+$0x0], $0xffff;
	_ =	sdelay $0x4  }
0x66: {  	[tilespmem:s17+$0xFFFFFEF0] =	vst v2  }
0x67: {  	v2 =	vld.idx.msk [tilespmem:v0+s24+$0x0], $0xffff;
	_ =	sdelay $0x4  }
0x68: {  	[tilespmem:s17+$0xFFFFFF00] =	vst v2  }
0x69: {  	v2 =	vld.idx.msk [tilespmem:v1+s24+$0x0], $0xffff;
	_ =	sdelay $0x4  }
0x6a: {  	[tilespmem:s17+$0xFFFFFF10] =	vst v2  }
0x6b: {  	v2 =	vld.idx.msk [tilespmem:v3+s24+$0x0], $0xffff;
	_ =	sdelay $0x4  }
0x6c: {  	[tilespmem:s17+$0xFFFFFF20] =	vst v2  }
0x6d: {  	v2 =	vld.idx.msk [tilespmem:v4+s24+$0x0], $0xffff;
	_ =	sdelay $0x4  }
0x6e: {  	[tilespmem:s17+$0xFFFFFF30] =	vst v2  }
0x6f: {  	v2 =	vld.idx.msk [tilespmem:v5+s24+$0x0], $0xffff;
	_ =	sdelay $0x4  }
0x70: {  	[tilespmem:s17+$0xFFFFFF40] =	vst v2  }
0x71: {  	v2 =	vld.idx.msk [tilespmem:v6+s24+$0x0], $0xffff;
	_ =	sdelay $0x4  }
0x72: {  	[tilespmem:s17+$0xFFFFFF50] =	vst v2  }
0x73: {  	v2 =	vld.idx.msk [tilespmem:v7+s24+$0x0], $0xffff;
	_ =	sdelay $0x4  }
0x74: {  	[tilespmem:s17+$0xFFFFFF60] =	vst v2  }
0x75: {  	v2 =	vld.idx.msk [tilespmem:v8+s24+$0x0], $0xffff;
	_ =	sdelay $0x4  }
0x76: {  	[tilespmem:s17+$0xFFFFFF70] =	vst v2  }
0x77: {  	v2 =	vld.idx.msk [tilespmem:v0+s25+$0x0], $0xffff;
	_ =	sdelay $0x4  }
0x78: {  	[tilespmem:s17+$0xFFFFFF80] =	vst v2  }
0x79: {  	v2 =	vld.idx.msk [tilespmem:v1+s25+$0x0], $0xffff;
	_ =	sdelay $0x4  }
0x7a: {  	[tilespmem:s17+$0xFFFFFF90] =	vst v2  }
0x7b: {  	v2 =	vld.idx.msk [tilespmem:v3+s25+$0x0], $0xffff;
	_ =	sdelay $0x4  }
0x7c: {  	[tilespmem:s17+$0xFFFFFFA0] =	vst v2  }
0x7d: {  	v2 =	vld.idx.msk [tilespmem:v4+s25+$0x0], $0xffff;
	_ =	sdelay $0x4  }
0x7e: {  	[tilespmem:s17+$0xFFFFFFB0] =	vst v2  }
0x7f: {  	v2 =	vld.idx.msk [tilespmem:v5+s25+$0x0], $0xffff;
	_ =	sdelay $0x4  }
0x80: {  	[tilespmem:s17+$0xFFFFFFC0] =	vst v2  }
0x81: {  	v2 =	vld.idx.msk [tilespmem:v6+s25+$0x0], $0xffff;
	_ =	sdelay $0x4  }
0x82: {  	[tilespmem:s17+$0xFFFFFFD0] =	vst v2  }
0x83: {  	v2 =	vld.idx.msk [tilespmem:v7+s25+$0x0], $0xffff;
	_ =	sdelay $0x4  }
0x84: {  	[tilespmem:s17+$0xFFFFFFE0] =	vst v2  }
0x85: {  	v2 =	vld.idx.msk [tilespmem:v8+s25+$0x0], $0xffff;
	_ =	sdelay $0x4  }
0x86: {  	[tilespmem:s17+$0xFFFFFFF0] =	vst v2  }
0x87: {  	v2 =	vld.idx.msk [tilespmem:v0+s26+$0x0], $0xffff;
	_ =	sdelay $0x4  }
0x88: {  	[tilespmem:s17+$0x0] =	vst v2  }
0x89: {  	v2 =	vld.idx.msk [tilespmem:v1+s26+$0x0], $0xffff;
	_ =	sdelay $0x4  }
0x8a: {  	[tilespmem:s17+$0x10] =	vst v2  }
0x8b: {  	v2 =	vld.idx.msk [tilespmem:v3+s26+$0x0], $0xffff;
	_ =	sdelay $0x4  }
0x8c: {  	[tilespmem:s17+$0x20] =	vst v2  }
0x8d: {  	v2 =	vld.idx.msk [tilespmem:v4+s26+$0x0], $0xffff;
	_ =	sdelay $0x4  }
0x8e: {  	[tilespmem:s17+$0x30] =	vst v2  }
0x8f: {  	v2 =	vld.idx.msk [tilespmem:v5+s26+$0x0], $0xffff;
	_ =	sdelay $0x4  }
0x90: {  	[tilespmem:s17+$0x40] =	vst v2  }
0x91: {  	v2 =	vld.idx.msk [tilespmem:v6+s26+$0x0], $0xffff;
	_ =	sdelay $0x4  }
0x92: {  	[tilespmem:s17+$0x50] =	vst v2  }
0x93: {  	v2 =	vld.idx.msk [tilespmem:v7+s26+$0x0], $0xffff;
	_ =	sdelay $0x4  }
0x94: {  	[tilespmem:s17+$0x60] =	vst v2  }
0x95: {  	v2 =	vld.idx.msk [tilespmem:v8+s26+$0x0], $0xffff;
	_ =	sdelay $0x4  }
0x96: {  	[tilespmem:s17+$0x70] =	vst v2  }
0x97: {  	v2 =	vld.idx.msk [tilespmem:v0+s28+$0x0], $0xffff;
	_ =	sdelay $0x4  }
0x98: {  	[tilespmem:s17+$0x80] =	vst v2  }
0x99: {  	v2 =	vld.idx.msk [tilespmem:v1+s28+$0x0], $0xffff;
	_ =	sdelay $0x4  }
0x9a: {  	[tilespmem:s17+$0x90] =	vst v2  }
0x9b: {  	v2 =	vld.idx.msk [tilespmem:v3+s28+$0x0], $0xffff;
	_ =	sdelay $0x4  }
0x9c: {  	[tilespmem:s17+$0xA0] =	vst v2  }
0x9d: {  	v2 =	vld.idx.msk [tilespmem:v4+s28+$0x0], $0xffff;
	_ =	sdelay $0x4  }
0x9e: {  	[tilespmem:s17+$0xB0] =	vst v2  }
0x9f: {  	v2 =	vld.idx.msk [tilespmem:v5+s28+$0x0], $0xffff;
	_ =	sdelay $0x4  }
0xa0: {  	[tilespmem:s17+$0xC0] =	vst v2  }
0xa1: {  	v2 =	vld.idx.msk [tilespmem:v6+s28+$0x0], $0xffff;
	_ =	sdelay $0x4  }
0xa2: {  	[tilespmem:s17+$0xD0] =	vst v2  }
0xa3: {  	v2 =	vld.idx.msk [tilespmem:v7+s28+$0x0], $0xffff;
	_ =	sdelay $0x4  }
0xa4: {  	[tilespmem:s17+$0xE0] =	vst v2  }
0xa5: {  	v2 =	vld.idx.msk [tilespmem:v8+s28+$0x0], $0xffff;
	_ =	sdelay $0x4  }
0xa6: {  	[tilespmem:s17+$0xF0] =	vst v2  }
0xa7: {  	v2 =	vld.idx.msk [tilespmem:v0+s29+$0x0], $0xffff;
	_ =	sdelay $0x4  }
0xa8: {  	[tilespmem:s17+$0x100] =	vst v2  }
0xa9: {  	v2 =	vld.idx.msk [tilespmem:v1+s29+$0x0], $0xffff;
	_ =	sdelay $0x4  }
0xaa: {  	[tilespmem:s17+$0x110] =	vst v2  }
0xab: {  	v2 =	vld.idx.msk [tilespmem:v3+s29+$0x0], $0xffff;
	_ =	sdelay $0x4  }
0xac: {  	[tilespmem:s17+$0x120] =	vst v2  }
0xad: {  	v2 =	vld.idx.msk [tilespmem:v4+s29+$0x0], $0xffff;
	_ =	sdelay $0x4  }
0xae: {  	[tilespmem:s17+$0x130] =	vst v2  }
0xaf: {  	v2 =	vld.idx.msk [tilespmem:v5+s29+$0x0], $0xffff;
	_ =	sdelay $0x4  }
0xb0: {  	[tilespmem:s17+$0x140] =	vst v2  }
0xb1: {  	v2 =	vld.idx.msk [tilespmem:v6+s29+$0x0], $0xffff;
	_ =	sdelay $0x4  }
0xb2: {  	[tilespmem:s17+$0x150] =	vst v2  }
0xb3: {  	v2 =	vld.idx.msk [tilespmem:v7+s29+$0x0], $0xffff;
	_ =	sdelay $0x4  }
0xb4: {  	[tilespmem:s17+$0x160] =	vst v2  }
0xb5: {  	v2 =	vld.idx.msk [tilespmem:v8+s29+$0x0], $0xffff;
	_ =	sdelay $0x4  }
0xb6: {  	[tilespmem:s17+$0x170] =	vst v2  }
0xb7: {  	v0 =	vld.idx.msk [tilespmem:v0+s30+$0x0], $0xffff;
	_ =	sdelay $0x4  }
0xb8: {  	[tilespmem:s17+$0x180] =	vst v0  }
0xb9: {  	v0 =	vld.idx.msk [tilespmem:v1+s30+$0x0], $0xffff;
	_ =	sdelay $0x4  }
0xba: {  	[tilespmem:s17+$0x190] =	vst v0  }
0xbb: {  	v0 =	vld.idx.msk [tilespmem:v3+s30+$0x0], $0xffff;
	_ =	sdelay $0x4  }
0xbc: {  	[tilespmem:s17+$0x1A0] =	vst v0  }
0xbd: {  	v0 =	vld.idx.msk [tilespmem:v4+s30+$0x0], $0xffff;
	_ =	sdelay $0x4  }
0xbe: {  	[tilespmem:s17+$0x1B0] =	vst v0  }
0xbf: {  	v0 =	vld.idx.msk [tilespmem:v5+s30+$0x0], $0xffff;
	_ =	sdelay $0x4  }
0xc0: {  	[tilespmem:s17+$0x1C0] =	vst v0  }
0xc1: {  	v0 =	vld.idx.msk [tilespmem:v6+s30+$0x0], $0xffff;
	_ =	sdelay $0x4  }
0xc2: {  	[tilespmem:s17+$0x1D0] =	vst v0  }
0xc3: {  	v0 =	vld.idx.msk [tilespmem:v7+s30+$0x0], $0xffff;
	_ =	sdelay $0x4  }
0xc4: {  	[tilespmem:s17+$0x1E0] =	vst v0  }
0xc5: {  	v0 =	vld.idx.msk [tilespmem:v8+s30+$0x0], $0xffff;
	_ =	sdelay $0x3  }
0xc6: {  	s16 =	sshll.u32 s11, $0x6;
	s9 =	simm.s32 $0x80  }
0xc7: {  	s16 =	sor.u32 s7, s16;
	s6 =	simm.s32 $0x400;
	s12 =	sshll.u32 s11, $0x1;
	[tilespmem:s17+$0x1F0] =	vst v0  }
.LBB2_3:
0xc8: {  	p1 =	sne.s32 s6, $0x1E00;
	v7 =	vld [tilespmem:s9+$0x80];
	_ =	sdelay $0x6  }
0xc9: {  	v6 =	vld [tilespmem:s9+$0x90]  }
0xca: {  	v8 =	vld.idx.msk [tilespmem:v7+s5+$0x0], $0xffff  }
0xcb: {  	v5 =	vld [tilespmem:s9+$0xA0]  }
0xcc: {  	v4 =	vld [tilespmem:s9+$0xB0]  }
0xcd: {  	v3 =	vld [tilespmem:s9+$0xC0]  }
0xce: {  	v2 =	vld [tilespmem:s9+$0xD0]  }
0xcf: {  	s17 =	sadd.s32 $0x400, s17;
	v1 =	vld [tilespmem:s9+$0xE0]  }
0xd0: {  	v0 =	vld [tilespmem:s9+$0xF0];
	[tilespmem:s17+$0xFFFFFE00] =	vst v8  }
0xd1: {  	v8 =	vld.idx.msk [tilespmem:v6+s5+$0x0], $0xffff;
	_ =	sdelay $0x5  }
0xd2: {  	[tilespmem:s17+$0xFFFFFE10] =	vst v8  }
0xd3: {  	v8 =	vld.idx.msk [tilespmem:v5+s5+$0x0], $0xffff;
	_ =	sdelay $0x5  }
0xd4: {  	[tilespmem:s17+$0xFFFFFE20] =	vst v8  }
0xd5: {  	v8 =	vld.idx.msk [tilespmem:v4+s5+$0x0], $0xffff;
	_ =	sdelay $0x5  }
0xd6: {  	[tilespmem:s17+$0xFFFFFE30] =	vst v8  }
0xd7: {  	v8 =	vld.idx.msk [tilespmem:v3+s5+$0x0], $0xffff;
	_ =	sdelay $0x5  }
0xd8: {  	[tilespmem:s17+$0xFFFFFE40] =	vst v8  }
0xd9: {  	v8 =	vld.idx.msk [tilespmem:v2+s5+$0x0], $0xffff;
	_ =	sdelay $0x5  }
0xda: {  	[tilespmem:s17+$0xFFFFFE50] =	vst v8  }
0xdb: {  	v8 =	vld.idx.msk [tilespmem:v1+s5+$0x0], $0xffff;
	_ =	sdelay $0x5  }
0xdc: {  	[tilespmem:s17+$0xFFFFFE60] =	vst v8  }
0xdd: {  	v8 =	vld.idx.msk [tilespmem:v0+s5+$0x0], $0xffff;
	_ =	sdelay $0x5  }
0xde: {  	[tilespmem:s17+$0xFFFFFE70] =	vst v8  }
0xdf: {  	v8 =	vld.idx.msk [tilespmem:v7+s23+$0x0], $0xffff;
	_ =	sdelay $0x5  }
0xe0: {  	[tilespmem:s17+$0xFFFFFE80] =	vst v8  }
0xe1: {  	v8 =	vld.idx.msk [tilespmem:v6+s23+$0x0], $0xffff;
	_ =	sdelay $0x5  }
0xe2: {  	[tilespmem:s17+$0xFFFFFE90] =	vst v8  }
0xe3: {  	v8 =	vld.idx.msk [tilespmem:v5+s23+$0x0], $0xffff;
	_ =	sdelay $0x5  }
0xe4: {  	[tilespmem:s17+$0xFFFFFEA0] =	vst v8  }
0xe5: {  	v8 =	vld.idx.msk [tilespmem:v4+s23+$0x0], $0xffff;
	_ =	sdelay $0x5  }
0xe6: {  	[tilespmem:s17+$0xFFFFFEB0] =	vst v8  }
0xe7: {  	v8 =	vld.idx.msk [tilespmem:v3+s23+$0x0], $0xffff;
	_ =	sdelay $0x5  }
0xe8: {  	[tilespmem:s17+$0xFFFFFEC0] =	vst v8  }
0xe9: {  	v8 =	vld.idx.msk [tilespmem:v2+s23+$0x0], $0xffff;
	_ =	sdelay $0x5  }
0xea: {  	[tilespmem:s17+$0xFFFFFED0] =	vst v8  }
0xeb: {  	v8 =	vld.idx.msk [tilespmem:v1+s23+$0x0], $0xffff;
	_ =	sdelay $0x5  }
0xec: {  	[tilespmem:s17+$0xFFFFFEE0] =	vst v8  }
0xed: {  	v8 =	vld.idx.msk [tilespmem:v0+s23+$0x0], $0xffff;
	_ =	sdelay $0x5  }
0xee: {  	[tilespmem:s17+$0xFFFFFEF0] =	vst v8  }
0xef: {  	v8 =	vld.idx.msk [tilespmem:v7+s24+$0x0], $0xffff;
	_ =	sdelay $0x5  }
0xf0: {  	[tilespmem:s17+$0xFFFFFF00] =	vst v8  }
0xf1: {  	v8 =	vld.idx.msk [tilespmem:v6+s24+$0x0], $0xffff;
	_ =	sdelay $0x5  }
0xf2: {  	[tilespmem:s17+$0xFFFFFF10] =	vst v8  }
0xf3: {  	v8 =	vld.idx.msk [tilespmem:v5+s24+$0x0], $0xffff;
	_ =	sdelay $0x5  }
0xf4: {  	[tilespmem:s17+$0xFFFFFF20] =	vst v8  }
0xf5: {  	v8 =	vld.idx.msk [tilespmem:v4+s24+$0x0], $0xffff;
	_ =	sdelay $0x5  }
0xf6: {  	[tilespmem:s17+$0xFFFFFF30] =	vst v8  }
0xf7: {  	v8 =	vld.idx.msk [tilespmem:v3+s24+$0x0], $0xffff;
	_ =	sdelay $0x5  }
0xf8: {  	[tilespmem:s17+$0xFFFFFF40] =	vst v8  }
0xf9: {  	v8 =	vld.idx.msk [tilespmem:v2+s24+$0x0], $0xffff;
	_ =	sdelay $0x5  }
0xfa: {  	[tilespmem:s17+$0xFFFFFF50] =	vst v8  }
0xfb: {  	v8 =	vld.idx.msk [tilespmem:v1+s24+$0x0], $0xffff;
	_ =	sdelay $0x5  }
0xfc: {  	[tilespmem:s17+$0xFFFFFF60] =	vst v8  }
0xfd: {  	v8 =	vld.idx.msk [tilespmem:v0+s24+$0x0], $0xffff;
	_ =	sdelay $0x5  }
0xfe: {  	[tilespmem:s17+$0xFFFFFF70] =	vst v8  }
0xff: {  	v8 =	vld.idx.msk [tilespmem:v7+s25+$0x0], $0xffff;
	_ =	sdelay $0x5  }
0x100: {  	[tilespmem:s17+$0xFFFFFF80] =	vst v8  }
0x101: {  	v8 =	vld.idx.msk [tilespmem:v6+s25+$0x0], $0xffff;
	_ =	sdelay $0x5  }
0x102: {  	[tilespmem:s17+$0xFFFFFF90] =	vst v8  }
0x103: {  	v8 =	vld.idx.msk [tilespmem:v5+s25+$0x0], $0xffff;
	_ =	sdelay $0x5  }
0x104: {  	[tilespmem:s17+$0xFFFFFFA0] =	vst v8  }
0x105: {  	v8 =	vld.idx.msk [tilespmem:v4+s25+$0x0], $0xffff;
	_ =	sdelay $0x5  }
0x106: {  	[tilespmem:s17+$0xFFFFFFB0] =	vst v8  }
0x107: {  	v8 =	vld.idx.msk [tilespmem:v3+s25+$0x0], $0xffff;
	_ =	sdelay $0x5  }
0x108: {  	[tilespmem:s17+$0xFFFFFFC0] =	vst v8  }
0x109: {  	v8 =	vld.idx.msk [tilespmem:v2+s25+$0x0], $0xffff;
	_ =	sdelay $0x5  }
0x10a: {  	[tilespmem:s17+$0xFFFFFFD0] =	vst v8  }
0x10b: {  	v8 =	vld.idx.msk [tilespmem:v1+s25+$0x0], $0xffff;
	_ =	sdelay $0x5  }
0x10c: {  	[tilespmem:s17+$0xFFFFFFE0] =	vst v8  }
0x10d: {  	v8 =	vld.idx.msk [tilespmem:v0+s25+$0x0], $0xffff;
	_ =	sdelay $0x5  }
0x10e: {  	[tilespmem:s17+$0xFFFFFFF0] =	vst v8  }
0x10f: {  	v8 =	vld.idx.msk [tilespmem:v7+s26+$0x0], $0xffff;
	_ =	sdelay $0x5  }
0x110: {  	[tilespmem:s17+$0x0] =	vst v8  }
0x111: {  	v8 =	vld.idx.msk [tilespmem:v6+s26+$0x0], $0xffff;
	_ =	sdelay $0x5  }
0x112: {  	[tilespmem:s17+$0x10] =	vst v8  }
0x113: {  	v8 =	vld.idx.msk [tilespmem:v5+s26+$0x0], $0xffff;
	_ =	sdelay $0x5  }
0x114: {  	[tilespmem:s17+$0x20] =	vst v8  }
0x115: {  	v8 =	vld.idx.msk [tilespmem:v4+s26+$0x0], $0xffff;
	_ =	sdelay $0x5  }
0x116: {  	[tilespmem:s17+$0x30] =	vst v8  }
0x117: {  	v8 =	vld.idx.msk [tilespmem:v3+s26+$0x0], $0xffff;
	_ =	sdelay $0x5  }
0x118: {  	[tilespmem:s17+$0x40] =	vst v8  }
0x119: {  	v8 =	vld.idx.msk [tilespmem:v2+s26+$0x0], $0xffff;
	_ =	sdelay $0x5  }
0x11a: {  	[tilespmem:s17+$0x50] =	vst v8  }
0x11b: {  	v8 =	vld.idx.msk [tilespmem:v1+s26+$0x0], $0xffff;
	_ =	sdelay $0x5  }
0x11c: {  	[tilespmem:s17+$0x60] =	vst v8  }
0x11d: {  	v8 =	vld.idx.msk [tilespmem:v0+s26+$0x0], $0xffff;
	_ =	sdelay $0x5  }
0x11e: {  	[tilespmem:s17+$0x70] =	vst v8  }
0x11f: {  	v8 =	vld.idx.msk [tilespmem:v7+s28+$0x0], $0xffff;
	_ =	sdelay $0x5  }
0x120: {  	[tilespmem:s17+$0x80] =	vst v8  }
0x121: {  	v8 =	vld.idx.msk [tilespmem:v6+s28+$0x0], $0xffff;
	_ =	sdelay $0x5  }
0x122: {  	[tilespmem:s17+$0x90] =	vst v8  }
0x123: {  	v8 =	vld.idx.msk [tilespmem:v5+s28+$0x0], $0xffff;
	_ =	sdelay $0x5  }
0x124: {  	[tilespmem:s17+$0xA0] =	vst v8  }
0x125: {  	v8 =	vld.idx.msk [tilespmem:v4+s28+$0x0], $0xffff;
	_ =	sdelay $0x5  }
0x126: {  	[tilespmem:s17+$0xB0] =	vst v8  }
0x127: {  	v8 =	vld.idx.msk [tilespmem:v3+s28+$0x0], $0xffff;
	_ =	sdelay $0x5  }
0x128: {  	[tilespmem:s17+$0xC0] =	vst v8  }
0x129: {  	v8 =	vld.idx.msk [tilespmem:v2+s28+$0x0], $0xffff;
	_ =	sdelay $0x5  }
0x12a: {  	[tilespmem:s17+$0xD0] =	vst v8  }
0x12b: {  	v8 =	vld.idx.msk [tilespmem:v1+s28+$0x0], $0xffff;
	_ =	sdelay $0x5  }
0x12c: {  	[tilespmem:s17+$0xE0] =	vst v8  }
0x12d: {  	v8 =	vld.idx.msk [tilespmem:v0+s28+$0x0], $0xffff;
	_ =	sdelay $0x5  }
0x12e: {  	[tilespmem:s17+$0xF0] =	vst v8  }
0x12f: {  	v8 =	vld.idx.msk [tilespmem:v7+s29+$0x0], $0xffff;
	_ =	sdelay $0x5  }
0x130: {  	[tilespmem:s17+$0x100] =	vst v8  }
0x131: {  	v8 =	vld.idx.msk [tilespmem:v6+s29+$0x0], $0xffff;
	_ =	sdelay $0x5  }
0x132: {  	[tilespmem:s17+$0x110] =	vst v8  }
0x133: {  	v8 =	vld.idx.msk [tilespmem:v5+s29+$0x0], $0xffff;
	_ =	sdelay $0x5  }
0x134: {  	[tilespmem:s17+$0x120] =	vst v8  }
0x135: {  	v8 =	vld.idx.msk [tilespmem:v4+s29+$0x0], $0xffff;
	_ =	sdelay $0x5  }
0x136: {  	[tilespmem:s17+$0x130] =	vst v8  }
0x137: {  	v8 =	vld.idx.msk [tilespmem:v3+s29+$0x0], $0xffff;
	_ =	sdelay $0x5  }
0x138: {  	[tilespmem:s17+$0x140] =	vst v8  }
0x139: {  	v8 =	vld.idx.msk [tilespmem:v2+s29+$0x0], $0xffff;
	_ =	sdelay $0x5  }
0x13a: {  	[tilespmem:s17+$0x150] =	vst v8  }
0x13b: {  	v8 =	vld.idx.msk [tilespmem:v1+s29+$0x0], $0xffff;
	_ =	sdelay $0x5  }
0x13c: {  	[tilespmem:s17+$0x160] =	vst v8  }
0x13d: {  	v8 =	vld.idx.msk [tilespmem:v0+s29+$0x0], $0xffff;
	_ =	sdelay $0x5  }
0x13e: {  	[tilespmem:s17+$0x170] =	vst v8  }
0x13f: {  	v7 =	vld.idx.msk [tilespmem:v7+s30+$0x0], $0xffff;
	_ =	sdelay $0x5  }
0x140: {  	[tilespmem:s17+$0x180] =	vst v7  }
0x141: {  	v6 =	vld.idx.msk [tilespmem:v6+s30+$0x0], $0xffff;
	_ =	sdelay $0x5  }
0x142: {  	[tilespmem:s17+$0x190] =	vst v6  }
0x143: {  	v5 =	vld.idx.msk [tilespmem:v5+s30+$0x0], $0xffff;
	_ =	sdelay $0x5  }
0x144: {  	[tilespmem:s17+$0x1A0] =	vst v5  }
0x145: {  	v4 =	vld.idx.msk [tilespmem:v4+s30+$0x0], $0xffff;
	_ =	sdelay $0x5  }
0x146: {  	[tilespmem:s17+$0x1B0] =	vst v4  }
0x147: {  	v3 =	vld.idx.msk [tilespmem:v3+s30+$0x0], $0xffff;
	_ =	sdelay $0x5  }
0x148: {  	[tilespmem:s17+$0x1C0] =	vst v3  }
0x149: {  	v2 =	vld.idx.msk [tilespmem:v2+s30+$0x0], $0xffff;
	_ =	sdelay $0x5  }
0x14a: {  	[tilespmem:s17+$0x1D0] =	vst v2  }
0x14b: {  	v1 =	vld.idx.msk [tilespmem:v1+s30+$0x0], $0xffff;
	_ =	sdelay $0x5  }
0x14c: {  	[tilespmem:s17+$0x1E0] =	vst v1  }
0x14d: {  	v0 =	vld.idx.msk [tilespmem:v0+s30+$0x0], $0xffff;
	_ =	sdelay $0x1  }
.Ltmp4:
0x14e: {  	(pc) =	sbr.rel @p1 .LBB2_3-.Ltmp4, $2  }
0x14f: {  	_ =	sdelay $0x2  }
0x150: {  	s9 =	sshra.s32 s6, $0x2;
	s6 =	sadd.s32 $0x200, s6;
	[tilespmem:s17+$0x1F0] =	vst v0  }
0x151: {  	v0 =	vld [tilespmem:s9+$0x80];
	_ =	sdelay $0x5  }
0x152: {  	v1 =	vld [tilespmem:s9+$0x90]  }
0x153: {  	v3 =	vld [tilespmem:s9+$0xA0]  }
0x154: {  	v2 =	vld.idx.msk [tilespmem:v0+s5+$0x0], $0xffff  }
0x155: {  	v4 =	vld [tilespmem:s9+$0xB0]  }
0x156: {  	v5 =	vld [tilespmem:s9+$0xC0]  }
0x157: {  	v6 =	vld [tilespmem:s9+$0xD0]  }
0x158: {  	v7 =	vld [tilespmem:s9+$0xE0];
	s6 =	sadd.s32 $0x400, s17  }
0x159: {  	v8 =	vld [tilespmem:s9+$0xF0];
	[tilespmem:s6+$0xFFFFFE00] =	vst v2  }
0x15a: {  	v2 =	vld.idx.msk [tilespmem:v1+s5+$0x0], $0xffff;
	_ =	sdelay $0x4  }
0x15b: {  	[tilespmem:s6+$0xFFFFFE10] =	vst v2  }
0x15c: {  	v2 =	vld.idx.msk [tilespmem:v3+s5+$0x0], $0xffff;
	_ =	sdelay $0x4  }
0x15d: {  	[tilespmem:s6+$0xFFFFFE20] =	vst v2  }
0x15e: {  	v2 =	vld.idx.msk [tilespmem:v4+s5+$0x0], $0xffff;
	_ =	sdelay $0x4  }
0x15f: {  	[tilespmem:s6+$0xFFFFFE30] =	vst v2  }
0x160: {  	v2 =	vld.idx.msk [tilespmem:v5+s5+$0x0], $0xffff;
	_ =	sdelay $0x4  }
0x161: {  	[tilespmem:s6+$0xFFFFFE40] =	vst v2  }
0x162: {  	v2 =	vld.idx.msk [tilespmem:v6+s5+$0x0], $0xffff;
	_ =	sdelay $0x4  }
0x163: {  	[tilespmem:s6+$0xFFFFFE50] =	vst v2  }
0x164: {  	v2 =	vld.idx.msk [tilespmem:v7+s5+$0x0], $0xffff;
	_ =	sdelay $0x4  }
0x165: {  	[tilespmem:s6+$0xFFFFFE60] =	vst v2  }
0x166: {  	v2 =	vld.idx.msk [tilespmem:v8+s5+$0x0], $0xffff;
	_ =	sdelay $0x4  }
0x167: {  	[tilespmem:s6+$0xFFFFFE70] =	vst v2  }
0x168: {  	v2 =	vld.idx.msk [tilespmem:v0+s23+$0x0], $0xffff;
	_ =	sdelay $0x4  }
0x169: {  	[tilespmem:s6+$0xFFFFFE80] =	vst v2  }
0x16a: {  	v2 =	vld.idx.msk [tilespmem:v1+s23+$0x0], $0xffff;
	_ =	sdelay $0x4  }
0x16b: {  	[tilespmem:s6+$0xFFFFFE90] =	vst v2  }
0x16c: {  	v2 =	vld.idx.msk [tilespmem:v3+s23+$0x0], $0xffff;
	_ =	sdelay $0x4  }
0x16d: {  	[tilespmem:s6+$0xFFFFFEA0] =	vst v2  }
0x16e: {  	v2 =	vld.idx.msk [tilespmem:v4+s23+$0x0], $0xffff;
	_ =	sdelay $0x4  }
0x16f: {  	[tilespmem:s6+$0xFFFFFEB0] =	vst v2  }
0x170: {  	v2 =	vld.idx.msk [tilespmem:v5+s23+$0x0], $0xffff;
	_ =	sdelay $0x4  }
0x171: {  	[tilespmem:s6+$0xFFFFFEC0] =	vst v2  }
0x172: {  	v2 =	vld.idx.msk [tilespmem:v6+s23+$0x0], $0xffff;
	_ =	sdelay $0x4  }
0x173: {  	[tilespmem:s6+$0xFFFFFED0] =	vst v2  }
0x174: {  	v2 =	vld.idx.msk [tilespmem:v7+s23+$0x0], $0xffff;
	_ =	sdelay $0x4  }
0x175: {  	[tilespmem:s6+$0xFFFFFEE0] =	vst v2  }
0x176: {  	v2 =	vld.idx.msk [tilespmem:v8+s23+$0x0], $0xffff;
	_ =	sdelay $0x4  }
0x177: {  	[tilespmem:s6+$0xFFFFFEF0] =	vst v2  }
0x178: {  	v2 =	vld.idx.msk [tilespmem:v0+s24+$0x0], $0xffff;
	_ =	sdelay $0x4  }
0x179: {  	[tilespmem:s6+$0xFFFFFF00] =	vst v2  }
0x17a: {  	v2 =	vld.idx.msk [tilespmem:v1+s24+$0x0], $0xffff;
	_ =	sdelay $0x4  }
0x17b: {  	[tilespmem:s6+$0xFFFFFF10] =	vst v2  }
0x17c: {  	v2 =	vld.idx.msk [tilespmem:v3+s24+$0x0], $0xffff;
	_ =	sdelay $0x4  }
0x17d: {  	[tilespmem:s6+$0xFFFFFF20] =	vst v2  }
0x17e: {  	v2 =	vld.idx.msk [tilespmem:v4+s24+$0x0], $0xffff;
	_ =	sdelay $0x4  }
0x17f: {  	[tilespmem:s6+$0xFFFFFF30] =	vst v2  }
0x180: {  	v2 =	vld.idx.msk [tilespmem:v5+s24+$0x0], $0xffff;
	_ =	sdelay $0x4  }
0x181: {  	[tilespmem:s6+$0xFFFFFF40] =	vst v2  }
0x182: {  	v2 =	vld.idx.msk [tilespmem:v6+s24+$0x0], $0xffff;
	_ =	sdelay $0x4  }
0x183: {  	[tilespmem:s6+$0xFFFFFF50] =	vst v2  }
0x184: {  	v2 =	vld.idx.msk [tilespmem:v7+s24+$0x0], $0xffff;
	_ =	sdelay $0x4  }
0x185: {  	[tilespmem:s6+$0xFFFFFF60] =	vst v2  }
0x186: {  	v2 =	vld.idx.msk [tilespmem:v8+s24+$0x0], $0xffff;
	_ =	sdelay $0x4  }
0x187: {  	[tilespmem:s6+$0xFFFFFF70] =	vst v2  }
0x188: {  	v2 =	vld.idx.msk [tilespmem:v0+s25+$0x0], $0xffff;
	_ =	sdelay $0x4  }
0x189: {  	[tilespmem:s6+$0xFFFFFF80] =	vst v2  }
0x18a: {  	v2 =	vld.idx.msk [tilespmem:v1+s25+$0x0], $0xffff;
	_ =	sdelay $0x4  }
0x18b: {  	[tilespmem:s6+$0xFFFFFF90] =	vst v2  }
0x18c: {  	v2 =	vld.idx.msk [tilespmem:v3+s25+$0x0], $0xffff;
	_ =	sdelay $0x4  }
0x18d: {  	[tilespmem:s6+$0xFFFFFFA0] =	vst v2  }
0x18e: {  	v2 =	vld.idx.msk [tilespmem:v4+s25+$0x0], $0xffff;
	_ =	sdelay $0x4  }
0x18f: {  	[tilespmem:s6+$0xFFFFFFB0] =	vst v2  }
0x190: {  	v2 =	vld.idx.msk [tilespmem:v5+s25+$0x0], $0xffff;
	_ =	sdelay $0x4  }
0x191: {  	[tilespmem:s6+$0xFFFFFFC0] =	vst v2  }
0x192: {  	v2 =	vld.idx.msk [tilespmem:v6+s25+$0x0], $0xffff;
	_ =	sdelay $0x4  }
0x193: {  	[tilespmem:s6+$0xFFFFFFD0] =	vst v2  }
0x194: {  	v2 =	vld.idx.msk [tilespmem:v7+s25+$0x0], $0xffff;
	_ =	sdelay $0x4  }
0x195: {  	[tilespmem:s6+$0xFFFFFFE0] =	vst v2  }
0x196: {  	v2 =	vld.idx.msk [tilespmem:v8+s25+$0x0], $0xffff;
	_ =	sdelay $0x4  }
0x197: {  	[tilespmem:s6+$0xFFFFFFF0] =	vst v2  }
0x198: {  	v2 =	vld.idx.msk [tilespmem:v0+s26+$0x0], $0xffff;
	_ =	sdelay $0x4  }
0x199: {  	[tilespmem:s6+$0x0] =	vst v2  }
0x19a: {  	v2 =	vld.idx.msk [tilespmem:v1+s26+$0x0], $0xffff;
	_ =	sdelay $0x4  }
0x19b: {  	[tilespmem:s6+$0x10] =	vst v2  }
0x19c: {  	v2 =	vld.idx.msk [tilespmem:v3+s26+$0x0], $0xffff;
	_ =	sdelay $0x4  }
0x19d: {  	[tilespmem:s6+$0x20] =	vst v2  }
0x19e: {  	v2 =	vld.idx.msk [tilespmem:v4+s26+$0x0], $0xffff;
	_ =	sdelay $0x4  }
0x19f: {  	[tilespmem:s6+$0x30] =	vst v2  }
0x1a0: {  	v2 =	vld.idx.msk [tilespmem:v5+s26+$0x0], $0xffff;
	_ =	sdelay $0x4  }
0x1a1: {  	[tilespmem:s6+$0x40] =	vst v2  }
0x1a2: {  	v2 =	vld.idx.msk [tilespmem:v6+s26+$0x0], $0xffff;
	_ =	sdelay $0x4  }
0x1a3: {  	[tilespmem:s6+$0x50] =	vst v2  }
0x1a4: {  	v2 =	vld.idx.msk [tilespmem:v7+s26+$0x0], $0xffff;
	_ =	sdelay $0x4  }
0x1a5: {  	[tilespmem:s6+$0x60] =	vst v2  }
0x1a6: {  	v2 =	vld.idx.msk [tilespmem:v8+s26+$0x0], $0xffff;
	_ =	sdelay $0x4  }
0x1a7: {  	[tilespmem:s6+$0x70] =	vst v2  }
0x1a8: {  	v2 =	vld.idx.msk [tilespmem:v0+s28+$0x0], $0xffff;
	_ =	sdelay $0x4  }
0x1a9: {  	[tilespmem:s6+$0x80] =	vst v2  }
0x1aa: {  	v2 =	vld.idx.msk [tilespmem:v1+s28+$0x0], $0xffff;
	_ =	sdelay $0x4  }
0x1ab: {  	[tilespmem:s6+$0x90] =	vst v2  }
0x1ac: {  	v2 =	vld.idx.msk [tilespmem:v3+s28+$0x0], $0xffff;
	_ =	sdelay $0x4  }
0x1ad: {  	[tilespmem:s6+$0xA0] =	vst v2  }
0x1ae: {  	v2 =	vld.idx.msk [tilespmem:v4+s28+$0x0], $0xffff;
	_ =	sdelay $0x4  }
0x1af: {  	[tilespmem:s6+$0xB0] =	vst v2  }
0x1b0: {  	v2 =	vld.idx.msk [tilespmem:v5+s28+$0x0], $0xffff;
	_ =	sdelay $0x4  }
0x1b1: {  	[tilespmem:s6+$0xC0] =	vst v2  }
0x1b2: {  	v2 =	vld.idx.msk [tilespmem:v6+s28+$0x0], $0xffff;
	_ =	sdelay $0x4  }
0x1b3: {  	[tilespmem:s6+$0xD0] =	vst v2  }
0x1b4: {  	v2 =	vld.idx.msk [tilespmem:v7+s28+$0x0], $0xffff;
	_ =	sdelay $0x4  }
0x1b5: {  	[tilespmem:s6+$0xE0] =	vst v2  }
0x1b6: {  	v2 =	vld.idx.msk [tilespmem:v8+s28+$0x0], $0xffff;
	_ =	sdelay $0x4  }
0x1b7: {  	[tilespmem:s6+$0xF0] =	vst v2  }
0x1b8: {  	v2 =	vld.idx.msk [tilespmem:v0+s29+$0x0], $0xffff;
	_ =	sdelay $0x4  }
0x1b9: {  	[tilespmem:s6+$0x100] =	vst v2  }
0x1ba: {  	v2 =	vld.idx.msk [tilespmem:v1+s29+$0x0], $0xffff;
	_ =	sdelay $0x4  }
0x1bb: {  	[tilespmem:s6+$0x110] =	vst v2  }
0x1bc: {  	v2 =	vld.idx.msk [tilespmem:v3+s29+$0x0], $0xffff;
	_ =	sdelay $0x4  }
0x1bd: {  	[tilespmem:s6+$0x120] =	vst v2  }
0x1be: {  	v2 =	vld.idx.msk [tilespmem:v4+s29+$0x0], $0xffff;
	_ =	sdelay $0x4  }
0x1bf: {  	[tilespmem:s6+$0x130] =	vst v2  }
0x1c0: {  	v2 =	vld.idx.msk [tilespmem:v5+s29+$0x0], $0xffff;
	_ =	sdelay $0x4  }
0x1c1: {  	[tilespmem:s6+$0x140] =	vst v2  }
0x1c2: {  	v2 =	vld.idx.msk [tilespmem:v6+s29+$0x0], $0xffff;
	_ =	sdelay $0x4  }
0x1c3: {  	[tilespmem:s6+$0x150] =	vst v2  }
0x1c4: {  	v2 =	vld.idx.msk [tilespmem:v7+s29+$0x0], $0xffff;
	_ =	sdelay $0x4  }
0x1c5: {  	[tilespmem:s6+$0x160] =	vst v2  }
0x1c6: {  	v2 =	vld.idx.msk [tilespmem:v8+s29+$0x0], $0xffff;
	_ =	sdelay $0x4  }
0x1c7: {  	[tilespmem:s6+$0x170] =	vst v2  }
0x1c8: {  	v0 =	vld.idx.msk [tilespmem:v0+s30+$0x0], $0xffff;
	_ =	sdelay $0x4  }
0x1c9: {  	[tilespmem:s6+$0x180] =	vst v0  }
0x1ca: {  	v0 =	vld.idx.msk [tilespmem:v1+s30+$0x0], $0xffff;
	_ =	sdelay $0x4  }
0x1cb: {  	[tilespmem:s6+$0x190] =	vst v0  }
0x1cc: {  	v0 =	vld.idx.msk [tilespmem:v3+s30+$0x0], $0xffff;
	_ =	sdelay $0x4  }
0x1cd: {  	[tilespmem:s6+$0x1A0] =	vst v0  }
0x1ce: {  	v0 =	vld.idx.msk [tilespmem:v4+s30+$0x0], $0xffff;
	_ =	sdelay $0x4  }
0x1cf: {  	[tilespmem:s6+$0x1B0] =	vst v0  }
0x1d0: {  	v0 =	vld.idx.msk [tilespmem:v5+s30+$0x0], $0xffff;
	_ =	sdelay $0x4  }
0x1d1: {  	[tilespmem:s6+$0x1C0] =	vst v0  }
0x1d2: {  	v0 =	vld.idx.msk [tilespmem:v6+s30+$0x0], $0xffff;
	_ =	sdelay $0x4  }
0x1d3: {  	[tilespmem:s6+$0x1D0] =	vst v0  }
0x1d4: {  	v0 =	vld.idx.msk [tilespmem:v7+s30+$0x0], $0xffff;
	_ =	sdelay $0x4  }
0x1d5: {  	[tilespmem:s6+$0x1E0] =	vst v0  }
0x1d6: {  	v0 =	vld.idx.msk [tilespmem:v8+s30+$0x0], $0xffff;
	_ =	sdelay $0x4  }
0x1d7: {  	[tilespmem:s6+$0x1F0] =	vst v0  }
0x1d8: {  	_ =	swait.ge [sflag:s31], $0x2000  }
0x1d9: {  	[sflag:s31] =	ssyncset.done $0x0  }
0x1da: {  	s17 =	simm.s32 $0x0;
	[sflag:s31] =	ssyncadd.s32 $0xFFFFE000  }
0x1db: {  	v63 =	vld [tilespmem:s17+$0x1080];
	_ =	sdelay $0x3  }
0x1dc: {  	s6 =	simm.s32 $0xD180  }
0x1dd: {  	[tilespmem:s6+$0xFFFFFF00] =	vst v63  }
0x1de: {  	v0 =	vld [tilespmem:s17+$0x1090];
	_ =	sdelay $0x4  }
0x1df: {  	[tilespmem:s6+$0xFFFFFF10] =	vst v0  }
0x1e0: {  	v0 =	vld [tilespmem:s17+$0x10A0];
	_ =	sdelay $0x4  }
0x1e1: {  	[tilespmem:s6+$0xFFFFFF20] =	vst v0  }
0x1e2: {  	v0 =	vld [tilespmem:s17+$0x10B0];
	_ =	sdelay $0x4  }
0x1e3: {  	[tilespmem:s6+$0xFFFFFF30] =	vst v0  }
0x1e4: {  	v0 =	vld [tilespmem:s17+$0x10C0];
	_ =	sdelay $0x4  }
0x1e5: {  	[tilespmem:s6+$0xFFFFFF40] =	vst v0  }
0x1e6: {  	v0 =	vld [tilespmem:s17+$0x10D0];
	_ =	sdelay $0x4  }
0x1e7: {  	[tilespmem:s6+$0xFFFFFF50] =	vst v0  }
0x1e8: {  	v0 =	vld [tilespmem:s17+$0x10E0];
	_ =	sdelay $0x4  }
0x1e9: {  	[tilespmem:s6+$0xFFFFFF60] =	vst v0  }
0x1ea: {  	v0 =	vld [tilespmem:s17+$0x10F0];
	_ =	sdelay $0x4  }
0x1eb: {  	[tilespmem:s6+$0xFFFFFF70] =	vst v0  }
0x1ec: {  	v0 =	vld [tilespmem:s17+$0x1100];
	_ =	sdelay $0x4  }
0x1ed: {  	[tilespmem:s6+$0xFFFFFF80] =	vst v0  }
0x1ee: {  	v0 =	vld [tilespmem:s17+$0x1110];
	_ =	sdelay $0x4  }
0x1ef: {  	[tilespmem:s6+$0xFFFFFF90] =	vst v0  }
0x1f0: {  	v0 =	vld [tilespmem:s17+$0x1120];
	_ =	sdelay $0x4  }
0x1f1: {  	[tilespmem:s6+$0xFFFFFFA0] =	vst v0  }
0x1f2: {  	v0 =	vld [tilespmem:s17+$0x1130];
	_ =	sdelay $0x4  }
0x1f3: {  	[tilespmem:s6+$0xFFFFFFB0] =	vst v0  }
0x1f4: {  	v0 =	vld [tilespmem:s17+$0x1140];
	_ =	sdelay $0x4  }
0x1f5: {  	[tilespmem:s6+$0xFFFFFFC0] =	vst v0  }
0x1f6: {  	v0 =	vld [tilespmem:s17+$0x1150];
	_ =	sdelay $0x4  }
0x1f7: {  	[tilespmem:s6+$0xFFFFFFD0] =	vst v0  }
0x1f8: {  	v0 =	vld [tilespmem:s17+$0x1160];
	_ =	sdelay $0x4  }
0x1f9: {  	[tilespmem:s6+$0xFFFFFFE0] =	vst v0  }
0x1fa: {  	v0 =	vld [tilespmem:s17+$0x1170];
	_ =	sdelay $0x4  }
0x1fb: {  	[tilespmem:s6+$0xFFFFFFF0] =	vst v0  }
0x1fc: {  	v0 =	vld [tilespmem:s17+$0x1180];
	_ =	sdelay $0x4  }
0x1fd: {  	[tilespmem:s6+$0x0] =	vst v0  }
0x1fe: {  	v0 =	vld [tilespmem:s17+$0x1190];
	_ =	sdelay $0x4  }
0x1ff: {  	[tilespmem:s6+$0x10] =	vst v0  }
0x200: {  	v0 =	vld [tilespmem:s17+$0x11A0];
	_ =	sdelay $0x4  }
0x201: {  	[tilespmem:s6+$0x20] =	vst v0  }
0x202: {  	v0 =	vld [tilespmem:s17+$0x11B0];
	_ =	sdelay $0x4  }
0x203: {  	[tilespmem:s6+$0x30] =	vst v0  }
0x204: {  	v0 =	vld [tilespmem:s17+$0x11C0];
	_ =	sdelay $0x4  }
0x205: {  	[tilespmem:s6+$0x40] =	vst v0  }
0x206: {  	v0 =	vld [tilespmem:s17+$0x11D0];
	_ =	sdelay $0x4  }
0x207: {  	[tilespmem:s6+$0x50] =	vst v0  }
0x208: {  	v0 =	vld [tilespmem:s17+$0x11E0];
	_ =	sdelay $0x4  }
0x209: {  	[tilespmem:s6+$0x60] =	vst v0  }
0x20a: {  	v0 =	vld [tilespmem:s17+$0x11F0];
	_ =	sdelay $0x4  }
0x20b: {  	[tilespmem:s6+$0x70] =	vst v0  }
0x20c: {  	v0 =	vld [tilespmem:s17+$0x1200];
	_ =	sdelay $0x4  }
0x20d: {  	[tilespmem:s6+$0x80] =	vst v0  }
0x20e: {  	v0 =	vld [tilespmem:s17+$0x1210];
	_ =	sdelay $0x4  }
0x20f: {  	[tilespmem:s6+$0x90] =	vst v0  }
0x210: {  	v0 =	vld [tilespmem:s17+$0x1220];
	_ =	sdelay $0x4  }
0x211: {  	[tilespmem:s6+$0xA0] =	vst v0  }
0x212: {  	v0 =	vld [tilespmem:s17+$0x1230];
	_ =	sdelay $0x4  }
0x213: {  	[tilespmem:s6+$0xB0] =	vst v0  }
0x214: {  	v0 =	vld [tilespmem:s17+$0x1240];
	_ =	sdelay $0x4  }
0x215: {  	[tilespmem:s6+$0xC0] =	vst v0  }
0x216: {  	v0 =	vld [tilespmem:s17+$0x1250];
	_ =	sdelay $0x4  }
0x217: {  	[tilespmem:s6+$0xD0] =	vst v0  }
0x218: {  	v0 =	vld [tilespmem:s17+$0x1260];
	_ =	sdelay $0x4  }
0x219: {  	[tilespmem:s6+$0xE0] =	vst v0  }
0x21a: {  	v0 =	vld [tilespmem:s17+$0x1270];
	_ =	sdelay $0x4  }
0x21b: {  	s9 =	simm.s32 $0x1000;
	s17 =	simm.s32 $0x200;
	[tilespmem:s6+$0xF0] =	vst v0  }
.LBB2_5:
0x21c: {  	p1 =	sne.s32 s9, $0x7800;
	v0 =	vld [tilespmem:s17+$0x1080];
	_ =	sdelay $0x3  }
0x21d: {  	s6 =	sadd.s32 $0x400, s6  }
0x21e: {  	[tilespmem:s6+$0xFFFFFF00] =	vst v0  }
0x21f: {  	v0 =	vld [tilespmem:s17+$0x1090];
	_ =	sdelay $0x4  }
0x220: {  	[tilespmem:s6+$0xFFFFFF10] =	vst v0  }
0x221: {  	v0 =	vld [tilespmem:s17+$0x10A0];
	_ =	sdelay $0x4  }
0x222: {  	[tilespmem:s6+$0xFFFFFF20] =	vst v0  }
0x223: {  	v0 =	vld [tilespmem:s17+$0x10B0];
	_ =	sdelay $0x4  }
0x224: {  	[tilespmem:s6+$0xFFFFFF30] =	vst v0  }
0x225: {  	v0 =	vld [tilespmem:s17+$0x10C0];
	_ =	sdelay $0x4  }
0x226: {  	[tilespmem:s6+$0xFFFFFF40] =	vst v0  }
0x227: {  	v0 =	vld [tilespmem:s17+$0x10D0];
	_ =	sdelay $0x4  }
0x228: {  	[tilespmem:s6+$0xFFFFFF50] =	vst v0  }
0x229: {  	v0 =	vld [tilespmem:s17+$0x10E0];
	_ =	sdelay $0x4  }
0x22a: {  	[tilespmem:s6+$0xFFFFFF60] =	vst v0  }
0x22b: {  	v0 =	vld [tilespmem:s17+$0x10F0];
	_ =	sdelay $0x4  }
0x22c: {  	[tilespmem:s6+$0xFFFFFF70] =	vst v0  }
0x22d: {  	v0 =	vld [tilespmem:s17+$0x1100];
	_ =	sdelay $0x4  }
0x22e: {  	[tilespmem:s6+$0xFFFFFF80] =	vst v0  }
0x22f: {  	v0 =	vld [tilespmem:s17+$0x1110];
	_ =	sdelay $0x4  }
0x230: {  	[tilespmem:s6+$0xFFFFFF90] =	vst v0  }
0x231: {  	v0 =	vld [tilespmem:s17+$0x1120];
	_ =	sdelay $0x4  }
0x232: {  	[tilespmem:s6+$0xFFFFFFA0] =	vst v0  }
0x233: {  	v0 =	vld [tilespmem:s17+$0x1130];
	_ =	sdelay $0x4  }
0x234: {  	[tilespmem:s6+$0xFFFFFFB0] =	vst v0  }
0x235: {  	v0 =	vld [tilespmem:s17+$0x1140];
	_ =	sdelay $0x4  }
0x236: {  	[tilespmem:s6+$0xFFFFFFC0] =	vst v0  }
0x237: {  	v0 =	vld [tilespmem:s17+$0x1150];
	_ =	sdelay $0x4  }
0x238: {  	[tilespmem:s6+$0xFFFFFFD0] =	vst v0  }
0x239: {  	v0 =	vld [tilespmem:s17+$0x1160];
	_ =	sdelay $0x4  }
0x23a: {  	[tilespmem:s6+$0xFFFFFFE0] =	vst v0  }
0x23b: {  	v0 =	vld [tilespmem:s17+$0x1170];
	_ =	sdelay $0x4  }
0x23c: {  	[tilespmem:s6+$0xFFFFFFF0] =	vst v0  }
0x23d: {  	v0 =	vld [tilespmem:s17+$0x1180];
	_ =	sdelay $0x4  }
0x23e: {  	[tilespmem:s6+$0x0] =	vst v0  }
0x23f: {  	v0 =	vld [tilespmem:s17+$0x1190];
	_ =	sdelay $0x4  }
0x240: {  	[tilespmem:s6+$0x10] =	vst v0  }
0x241: {  	v0 =	vld [tilespmem:s17+$0x11A0];
	_ =	sdelay $0x4  }
0x242: {  	[tilespmem:s6+$0x20] =	vst v0  }
0x243: {  	v0 =	vld [tilespmem:s17+$0x11B0];
	_ =	sdelay $0x4  }
0x244: {  	[tilespmem:s6+$0x30] =	vst v0  }
0x245: {  	v0 =	vld [tilespmem:s17+$0x11C0];
	_ =	sdelay $0x4  }
0x246: {  	[tilespmem:s6+$0x40] =	vst v0  }
0x247: {  	v0 =	vld [tilespmem:s17+$0x11D0];
	_ =	sdelay $0x4  }
0x248: {  	[tilespmem:s6+$0x50] =	vst v0  }
0x249: {  	v0 =	vld [tilespmem:s17+$0x11E0];
	_ =	sdelay $0x4  }
0x24a: {  	[tilespmem:s6+$0x60] =	vst v0  }
0x24b: {  	v0 =	vld [tilespmem:s17+$0x11F0];
	_ =	sdelay $0x4  }
0x24c: {  	[tilespmem:s6+$0x70] =	vst v0  }
0x24d: {  	v0 =	vld [tilespmem:s17+$0x1200];
	_ =	sdelay $0x4  }
0x24e: {  	[tilespmem:s6+$0x80] =	vst v0  }
0x24f: {  	v0 =	vld [tilespmem:s17+$0x1210];
	_ =	sdelay $0x4  }
0x250: {  	[tilespmem:s6+$0x90] =	vst v0  }
0x251: {  	v0 =	vld [tilespmem:s17+$0x1220];
	_ =	sdelay $0x4  }
0x252: {  	[tilespmem:s6+$0xA0] =	vst v0  }
0x253: {  	v0 =	vld [tilespmem:s17+$0x1230];
	_ =	sdelay $0x4  }
0x254: {  	[tilespmem:s6+$0xB0] =	vst v0  }
0x255: {  	v0 =	vld [tilespmem:s17+$0x1240];
	_ =	sdelay $0x4  }
0x256: {  	[tilespmem:s6+$0xC0] =	vst v0  }
0x257: {  	v0 =	vld [tilespmem:s17+$0x1250];
	_ =	sdelay $0x4  }
0x258: {  	[tilespmem:s6+$0xD0] =	vst v0  }
0x259: {  	v0 =	vld [tilespmem:s17+$0x1260];
	_ =	sdelay $0x4  }
0x25a: {  	[tilespmem:s6+$0xE0] =	vst v0  }
0x25b: {  	v0 =	vld [tilespmem:s17+$0x1270]  }
.Ltmp5:
0x25c: {  	(pc) =	sbr.rel @p1 .LBB2_5-.Ltmp5, $2  }
0x25d: {  	_ =	sdelay $0x2  }
0x25e: {  	s17 =	sshra.s32 s9, $0x2;
	s9 =	sadd.s32 $0x800, s9;
	[tilespmem:s6+$0xF0] =	vst v0  }
0x25f: {  	v0 =	vld [tilespmem:s17+$0x1080];
	_ =	sdelay $0x3  }
0x260: {  	s6 =	sadd.s32 $0x400, s6  }
0x261: {  	[tilespmem:s6+$0xFFFFFF00] =	vst v0  }
0x262: {  	v0 =	vld [tilespmem:s17+$0x1090];
	_ =	sdelay $0x4  }
0x263: {  	[tilespmem:s6+$0xFFFFFF10] =	vst v0  }
0x264: {  	v0 =	vld [tilespmem:s17+$0x10A0];
	_ =	sdelay $0x4  }
0x265: {  	[tilespmem:s6+$0xFFFFFF20] =	vst v0  }
0x266: {  	v0 =	vld [tilespmem:s17+$0x10B0];
	_ =	sdelay $0x4  }
0x267: {  	[tilespmem:s6+$0xFFFFFF30] =	vst v0  }
0x268: {  	v0 =	vld [tilespmem:s17+$0x10C0];
	_ =	sdelay $0x4  }
0x269: {  	[tilespmem:s6+$0xFFFFFF40] =	vst v0  }
0x26a: {  	v0 =	vld [tilespmem:s17+$0x10D0];
	_ =	sdelay $0x4  }
0x26b: {  	[tilespmem:s6+$0xFFFFFF50] =	vst v0  }
0x26c: {  	v0 =	vld [tilespmem:s17+$0x10E0];
	_ =	sdelay $0x4  }
0x26d: {  	[tilespmem:s6+$0xFFFFFF60] =	vst v0  }
0x26e: {  	v0 =	vld [tilespmem:s17+$0x10F0];
	_ =	sdelay $0x4  }
0x26f: {  	[tilespmem:s6+$0xFFFFFF70] =	vst v0  }
0x270: {  	v0 =	vld [tilespmem:s17+$0x1100];
	_ =	sdelay $0x4  }
0x271: {  	[tilespmem:s6+$0xFFFFFF80] =	vst v0  }
0x272: {  	v0 =	vld [tilespmem:s17+$0x1110];
	_ =	sdelay $0x4  }
0x273: {  	[tilespmem:s6+$0xFFFFFF90] =	vst v0  }
0x274: {  	v0 =	vld [tilespmem:s17+$0x1120];
	_ =	sdelay $0x4  }
0x275: {  	[tilespmem:s6+$0xFFFFFFA0] =	vst v0  }
0x276: {  	v0 =	vld [tilespmem:s17+$0x1130];
	_ =	sdelay $0x4  }
0x277: {  	[tilespmem:s6+$0xFFFFFFB0] =	vst v0  }
0x278: {  	v0 =	vld [tilespmem:s17+$0x1140];
	_ =	sdelay $0x4  }
0x279: {  	[tilespmem:s6+$0xFFFFFFC0] =	vst v0  }
0x27a: {  	v0 =	vld [tilespmem:s17+$0x1150];
	_ =	sdelay $0x4  }
0x27b: {  	[tilespmem:s6+$0xFFFFFFD0] =	vst v0  }
0x27c: {  	v0 =	vld [tilespmem:s17+$0x1160];
	_ =	sdelay $0x4  }
0x27d: {  	[tilespmem:s6+$0xFFFFFFE0] =	vst v0  }
0x27e: {  	v0 =	vld [tilespmem:s17+$0x1170];
	_ =	sdelay $0x4  }
0x27f: {  	[tilespmem:s6+$0xFFFFFFF0] =	vst v0  }
0x280: {  	v0 =	vld [tilespmem:s17+$0x1180];
	_ =	sdelay $0x4  }
0x281: {  	[tilespmem:s6+$0x0] =	vst v0  }
0x282: {  	v0 =	vld [tilespmem:s17+$0x1190];
	_ =	sdelay $0x4  }
0x283: {  	[tilespmem:s6+$0x10] =	vst v0  }
0x284: {  	v0 =	vld [tilespmem:s17+$0x11A0];
	_ =	sdelay $0x4  }
0x285: {  	[tilespmem:s6+$0x20] =	vst v0  }
0x286: {  	v0 =	vld [tilespmem:s17+$0x11B0];
	_ =	sdelay $0x4  }
0x287: {  	[tilespmem:s6+$0x30] =	vst v0  }
0x288: {  	v0 =	vld [tilespmem:s17+$0x11C0];
	_ =	sdelay $0x4  }
0x289: {  	[tilespmem:s6+$0x40] =	vst v0  }
0x28a: {  	v0 =	vld [tilespmem:s17+$0x11D0];
	_ =	sdelay $0x4  }
0x28b: {  	[tilespmem:s6+$0x50] =	vst v0  }
0x28c: {  	v0 =	vld [tilespmem:s17+$0x11E0];
	_ =	sdelay $0x4  }
0x28d: {  	[tilespmem:s6+$0x60] =	vst v0  }
0x28e: {  	v0 =	vld [tilespmem:s17+$0x11F0];
	_ =	sdelay $0x4  }
0x28f: {  	[tilespmem:s6+$0x70] =	vst v0  }
0x290: {  	v0 =	vld [tilespmem:s17+$0x1200];
	_ =	sdelay $0x4  }
0x291: {  	[tilespmem:s6+$0x80] =	vst v0  }
0x292: {  	v0 =	vld [tilespmem:s17+$0x1210];
	_ =	sdelay $0x4  }
0x293: {  	[tilespmem:s6+$0x90] =	vst v0  }
0x294: {  	v0 =	vld [tilespmem:s17+$0x1220];
	_ =	sdelay $0x4  }
0x295: {  	[tilespmem:s6+$0xA0] =	vst v0  }
0x296: {  	v0 =	vld [tilespmem:s17+$0x1230];
	_ =	sdelay $0x4  }
0x297: {  	[tilespmem:s6+$0xB0] =	vst v0  }
0x298: {  	v0 =	vld [tilespmem:s17+$0x1240];
	_ =	sdelay $0x4  }
0x299: {  	[tilespmem:s6+$0xC0] =	vst v0  }
0x29a: {  	v0 =	vld [tilespmem:s17+$0x1250];
	_ =	sdelay $0x4  }
0x29b: {  	[tilespmem:s6+$0xD0] =	vst v0  }
0x29c: {  	v0 =	vld [tilespmem:s17+$0x1260];
	_ =	sdelay $0x4  }
0x29d: {  	[tilespmem:s6+$0xE0] =	vst v0  }
0x29e: {  	v0 =	vld [tilespmem:s17+$0x1270];
	_ =	sdelay $0x3  }
0x29f: {  	s9 =	sshll.u32 s16, $0xB;
	p1 =	sge.u32 s12, s13  }
0x2a0: {  	s17 =	sadd.s32 s3, s9;
	[tilespmem:s6+$0xF0] =	vst v0;
	s6 =	sadd.s32 @!p1 $0x40, s16  }
0x2a1: {  	[hbm4b:s17+s5] =	stream.linear.scatter [tilespmem:s0], [sflag:$0x5], $0x4000, $0x38;
	[tilespmem:$0x15080] =	vst v63  }
0x2a2: {  	s17 =	sadd.s32 s9, s15;
	s9 =	sshll.u32 @!p1 s6, $0x8  }
0x2a3: {  	s16 =	simm.s32 @!p1 $0x0;
	s6 =	sshll.u32 @!p1 s6, $0xA;
	s9 =	sand.u32 @!p1 $0x1FFFFF00, s9  }
0x2a4: {  	[hbm4b:s17+s5] =	stream.linear.scatter [tilespmem:s4], [sflag:$0x5], $0x4000, $0x38;
	[tilespmem:$0x15080] =	vst v63  }
0x2a5: {  	s6 =	sand.u32 @!p1 $0x1FFFFC00, s6;
	s9 =	sadd.s32 @!p1 s1, s9;
	s17 =	simm.s32 @!p1 $0x80  }
0x2a6: {  	[tilespmem:s17], [sflag:$0x1] =	stream.linear.gather @!p1 [hbm4b:s9+s16], $0x800, $0x38;
	[tilespmem:$0x15080] =	vst v63  }
0x2a7: {  	s6 =	sadd.s32 @!p1 s2, s6;
	s9 =	simm.s32 @!p1 $0x1080  }
0x2a8: {  	[tilespmem:s9], [sflag:$0x3] =	stream.linear.gather @!p1 [hbm4b:s6+s16], $0x2000, $0x38;
	[tilespmem:$0x15080] =	vst v63  }
0x2a9: {  	s6 =	sor.u32 $0x1, s12  }
0x2aa: {  	p1 =	sge.u32 s6, s8  }
.Ltmp6:
0x2ab: {  	_ = 	snop;
	(pc) =	sbr.rel @p1 .LBB2_12-.Ltmp6, $1  }
0x2ac: {  	_ =	sdelay $0x3  }
0x2ad: {  	_ =	swait.ge [sflag:s18], $0x800  }
0x2ae: {  	[sflag:s18] =	ssyncset.done $0x0  }
0x2af: {  	s9 =	simm.s32 @!p0 $0x6;
	[sflag:s18] =	ssyncadd.s32 $0xFFFFF800  }
0x2b0: {  	_ =	swait.ge @!p0 [sflag:s9], $0x4000  }
0x2b1: {  	[sflag:s9] =	ssyncset.done @!p0 $0x0  }
0x2b2: {  	[sflag:s9] =	ssyncadd.s32 @!p0 $0xFFFFC000  }
0x2b3: {  	_ =	swait.ge @!p0 [sflag:s9], $0x4000  }
0x2b4: {  	[sflag:s9] =	ssyncset.done @!p0 $0x0  }
0x2b5: {  	s16 =	simm.s32 $0x0;
	[sflag:s9] =	ssyncadd.s32 @!p0 $0xFFFFC000  }
0x2b6: {  	v0 =	vld [tilespmem:s16+$0x880];
	_ =	sdelay $0x5  }
0x2b7: {  	v1 =	vld [tilespmem:s16+$0x890]  }
0x2b8: {  	v3 =	vld [tilespmem:s16+$0x8A0]  }
0x2b9: {  	v2 =	vld.idx.msk [tilespmem:v0+s5+$0x0], $0xffff  }
0x2ba: {  	v4 =	vld [tilespmem:s16+$0x8B0]  }
0x2bb: {  	v5 =	vld [tilespmem:s16+$0x8C0]  }
0x2bc: {  	v6 =	vld [tilespmem:s16+$0x8D0]  }
0x2bd: {  	s17 =	simm.s32 $0x9280;
	v7 =	vld [tilespmem:s16+$0x8E0]  }
0x2be: {  	v8 =	vld [tilespmem:s16+$0x8F0];
	[tilespmem:s17+$0xFFFFFE00] =	vst v2  }
0x2bf: {  	v2 =	vld.idx.msk [tilespmem:v1+s5+$0x0], $0xffff;
	_ =	sdelay $0x4  }
0x2c0: {  	[tilespmem:s17+$0xFFFFFE10] =	vst v2  }
0x2c1: {  	v2 =	vld.idx.msk [tilespmem:v3+s5+$0x0], $0xffff;
	_ =	sdelay $0x4  }
0x2c2: {  	[tilespmem:s17+$0xFFFFFE20] =	vst v2  }
0x2c3: {  	v2 =	vld.idx.msk [tilespmem:v4+s5+$0x0], $0xffff;
	_ =	sdelay $0x4  }
0x2c4: {  	[tilespmem:s17+$0xFFFFFE30] =	vst v2  }
0x2c5: {  	v2 =	vld.idx.msk [tilespmem:v5+s5+$0x0], $0xffff;
	_ =	sdelay $0x4  }
0x2c6: {  	[tilespmem:s17+$0xFFFFFE40] =	vst v2  }
0x2c7: {  	v2 =	vld.idx.msk [tilespmem:v6+s5+$0x0], $0xffff;
	_ =	sdelay $0x4  }
0x2c8: {  	[tilespmem:s17+$0xFFFFFE50] =	vst v2  }
0x2c9: {  	v2 =	vld.idx.msk [tilespmem:v7+s5+$0x0], $0xffff;
	_ =	sdelay $0x4  }
0x2ca: {  	[tilespmem:s17+$0xFFFFFE60] =	vst v2  }
0x2cb: {  	v2 =	vld.idx.msk [tilespmem:v8+s5+$0x0], $0xffff;
	_ =	sdelay $0x4  }
0x2cc: {  	[tilespmem:s17+$0xFFFFFE70] =	vst v2  }
0x2cd: {  	v2 =	vld.idx.msk [tilespmem:v0+s23+$0x0], $0xffff;
	_ =	sdelay $0x4  }
0x2ce: {  	[tilespmem:s17+$0xFFFFFE80] =	vst v2  }
0x2cf: {  	v2 =	vld.idx.msk [tilespmem:v1+s23+$0x0], $0xffff;
	_ =	sdelay $0x4  }
0x2d0: {  	[tilespmem:s17+$0xFFFFFE90] =	vst v2  }
0x2d1: {  	v2 =	vld.idx.msk [tilespmem:v3+s23+$0x0], $0xffff;
	_ =	sdelay $0x4  }
0x2d2: {  	[tilespmem:s17+$0xFFFFFEA0] =	vst v2  }
0x2d3: {  	v2 =	vld.idx.msk [tilespmem:v4+s23+$0x0], $0xffff;
	_ =	sdelay $0x4  }
0x2d4: {  	[tilespmem:s17+$0xFFFFFEB0] =	vst v2  }
0x2d5: {  	v2 =	vld.idx.msk [tilespmem:v5+s23+$0x0], $0xffff;
	_ =	sdelay $0x4  }
0x2d6: {  	[tilespmem:s17+$0xFFFFFEC0] =	vst v2  }
0x2d7: {  	v2 =	vld.idx.msk [tilespmem:v6+s23+$0x0], $0xffff;
	_ =	sdelay $0x4  }
0x2d8: {  	[tilespmem:s17+$0xFFFFFED0] =	vst v2  }
0x2d9: {  	v2 =	vld.idx.msk [tilespmem:v7+s23+$0x0], $0xffff;
	_ =	sdelay $0x4  }
0x2da: {  	[tilespmem:s17+$0xFFFFFEE0] =	vst v2  }
0x2db: {  	v2 =	vld.idx.msk [tilespmem:v8+s23+$0x0], $0xffff;
	_ =	sdelay $0x4  }
0x2dc: {  	[tilespmem:s17+$0xFFFFFEF0] =	vst v2  }
0x2dd: {  	v2 =	vld.idx.msk [tilespmem:v0+s24+$0x0], $0xffff;
	_ =	sdelay $0x4  }
0x2de: {  	[tilespmem:s17+$0xFFFFFF00] =	vst v2  }
0x2df: {  	v2 =	vld.idx.msk [tilespmem:v1+s24+$0x0], $0xffff;
	_ =	sdelay $0x4  }
0x2e0: {  	[tilespmem:s17+$0xFFFFFF10] =	vst v2  }
0x2e1: {  	v2 =	vld.idx.msk [tilespmem:v3+s24+$0x0], $0xffff;
	_ =	sdelay $0x4  }
0x2e2: {  	[tilespmem:s17+$0xFFFFFF20] =	vst v2  }
0x2e3: {  	v2 =	vld.idx.msk [tilespmem:v4+s24+$0x0], $0xffff;
	_ =	sdelay $0x4  }
0x2e4: {  	[tilespmem:s17+$0xFFFFFF30] =	vst v2  }
0x2e5: {  	v2 =	vld.idx.msk [tilespmem:v5+s24+$0x0], $0xffff;
	_ =	sdelay $0x4  }
0x2e6: {  	[tilespmem:s17+$0xFFFFFF40] =	vst v2  }
0x2e7: {  	v2 =	vld.idx.msk [tilespmem:v6+s24+$0x0], $0xffff;
	_ =	sdelay $0x4  }
0x2e8: {  	[tilespmem:s17+$0xFFFFFF50] =	vst v2  }
0x2e9: {  	v2 =	vld.idx.msk [tilespmem:v7+s24+$0x0], $0xffff;
	_ =	sdelay $0x4  }
0x2ea: {  	[tilespmem:s17+$0xFFFFFF60] =	vst v2  }
0x2eb: {  	v2 =	vld.idx.msk [tilespmem:v8+s24+$0x0], $0xffff;
	_ =	sdelay $0x4  }
0x2ec: {  	[tilespmem:s17+$0xFFFFFF70] =	vst v2  }
0x2ed: {  	v2 =	vld.idx.msk [tilespmem:v0+s25+$0x0], $0xffff;
	_ =	sdelay $0x4  }
0x2ee: {  	[tilespmem:s17+$0xFFFFFF80] =	vst v2  }
0x2ef: {  	v2 =	vld.idx.msk [tilespmem:v1+s25+$0x0], $0xffff;
	_ =	sdelay $0x4  }
0x2f0: {  	[tilespmem:s17+$0xFFFFFF90] =	vst v2  }
0x2f1: {  	v2 =	vld.idx.msk [tilespmem:v3+s25+$0x0], $0xffff;
	_ =	sdelay $0x4  }
0x2f2: {  	[tilespmem:s17+$0xFFFFFFA0] =	vst v2  }
0x2f3: {  	v2 =	vld.idx.msk [tilespmem:v4+s25+$0x0], $0xffff;
	_ =	sdelay $0x4  }
0x2f4: {  	[tilespmem:s17+$0xFFFFFFB0] =	vst v2  }
0x2f5: {  	v2 =	vld.idx.msk [tilespmem:v5+s25+$0x0], $0xffff;
	_ =	sdelay $0x4  }
0x2f6: {  	[tilespmem:s17+$0xFFFFFFC0] =	vst v2  }
0x2f7: {  	v2 =	vld.idx.msk [tilespmem:v6+s25+$0x0], $0xffff;
	_ =	sdelay $0x4  }
0x2f8: {  	[tilespmem:s17+$0xFFFFFFD0] =	vst v2  }
0x2f9: {  	v2 =	vld.idx.msk [tilespmem:v7+s25+$0x0], $0xffff;
	_ =	sdelay $0x4  }
0x2fa: {  	[tilespmem:s17+$0xFFFFFFE0] =	vst v2  }
0x2fb: {  	v2 =	vld.idx.msk [tilespmem:v8+s25+$0x0], $0xffff;
	_ =	sdelay $0x4  }
0x2fc: {  	[tilespmem:s17+$0xFFFFFFF0] =	vst v2  }
0x2fd: {  	v2 =	vld.idx.msk [tilespmem:v0+s26+$0x0], $0xffff;
	_ =	sdelay $0x4  }
0x2fe: {  	[tilespmem:s17+$0x0] =	vst v2  }
0x2ff: {  	v2 =	vld.idx.msk [tilespmem:v1+s26+$0x0], $0xffff;
	_ =	sdelay $0x4  }
0x300: {  	[tilespmem:s17+$0x10] =	vst v2  }
0x301: {  	v2 =	vld.idx.msk [tilespmem:v3+s26+$0x0], $0xffff;
	_ =	sdelay $0x4  }
0x302: {  	[tilespmem:s17+$0x20] =	vst v2  }
0x303: {  	v2 =	vld.idx.msk [tilespmem:v4+s26+$0x0], $0xffff;
	_ =	sdelay $0x4  }
0x304: {  	[tilespmem:s17+$0x30] =	vst v2  }
0x305: {  	v2 =	vld.idx.msk [tilespmem:v5+s26+$0x0], $0xffff;
	_ =	sdelay $0x4  }
0x306: {  	[tilespmem:s17+$0x40] =	vst v2  }
0x307: {  	v2 =	vld.idx.msk [tilespmem:v6+s26+$0x0], $0xffff;
	_ =	sdelay $0x4  }
0x308: {  	[tilespmem:s17+$0x50] =	vst v2  }
0x309: {  	v2 =	vld.idx.msk [tilespmem:v7+s26+$0x0], $0xffff;
	_ =	sdelay $0x4  }
0x30a: {  	[tilespmem:s17+$0x60] =	vst v2  }
0x30b: {  	v2 =	vld.idx.msk [tilespmem:v8+s26+$0x0], $0xffff;
	_ =	sdelay $0x4  }
0x30c: {  	[tilespmem:s17+$0x70] =	vst v2  }
0x30d: {  	v2 =	vld.idx.msk [tilespmem:v0+s28+$0x0], $0xffff;
	_ =	sdelay $0x4  }
0x30e: {  	[tilespmem:s17+$0x80] =	vst v2  }
0x30f: {  	v2 =	vld.idx.msk [tilespmem:v1+s28+$0x0], $0xffff;
	_ =	sdelay $0x4  }
0x310: {  	[tilespmem:s17+$0x90] =	vst v2  }
0x311: {  	v2 =	vld.idx.msk [tilespmem:v3+s28+$0x0], $0xffff;
	_ =	sdelay $0x4  }
0x312: {  	[tilespmem:s17+$0xA0] =	vst v2  }
0x313: {  	v2 =	vld.idx.msk [tilespmem:v4+s28+$0x0], $0xffff;
	_ =	sdelay $0x4  }
0x314: {  	[tilespmem:s17+$0xB0] =	vst v2  }
0x315: {  	v2 =	vld.idx.msk [tilespmem:v5+s28+$0x0], $0xffff;
	_ =	sdelay $0x4  }
0x316: {  	[tilespmem:s17+$0xC0] =	vst v2  }
0x317: {  	v2 =	vld.idx.msk [tilespmem:v6+s28+$0x0], $0xffff;
	_ =	sdelay $0x4  }
0x318: {  	[tilespmem:s17+$0xD0] =	vst v2  }
0x319: {  	v2 =	vld.idx.msk [tilespmem:v7+s28+$0x0], $0xffff;
	_ =	sdelay $0x4  }
0x31a: {  	[tilespmem:s17+$0xE0] =	vst v2  }
0x31b: {  	v2 =	vld.idx.msk [tilespmem:v8+s28+$0x0], $0xffff;
	_ =	sdelay $0x4  }
0x31c: {  	[tilespmem:s17+$0xF0] =	vst v2  }
0x31d: {  	v2 =	vld.idx.msk [tilespmem:v0+s29+$0x0], $0xffff;
	_ =	sdelay $0x4  }
0x31e: {  	[tilespmem:s17+$0x100] =	vst v2  }
0x31f: {  	v2 =	vld.idx.msk [tilespmem:v1+s29+$0x0], $0xffff;
	_ =	sdelay $0x4  }
0x320: {  	[tilespmem:s17+$0x110] =	vst v2  }
0x321: {  	v2 =	vld.idx.msk [tilespmem:v3+s29+$0x0], $0xffff;
	_ =	sdelay $0x4  }
0x322: {  	[tilespmem:s17+$0x120] =	vst v2  }
0x323: {  	v2 =	vld.idx.msk [tilespmem:v4+s29+$0x0], $0xffff;
	_ =	sdelay $0x4  }
0x324: {  	[tilespmem:s17+$0x130] =	vst v2  }
0x325: {  	v2 =	vld.idx.msk [tilespmem:v5+s29+$0x0], $0xffff;
	_ =	sdelay $0x4  }
0x326: {  	[tilespmem:s17+$0x140] =	vst v2  }
0x327: {  	v2 =	vld.idx.msk [tilespmem:v6+s29+$0x0], $0xffff;
	_ =	sdelay $0x4  }
0x328: {  	[tilespmem:s17+$0x150] =	vst v2  }
0x329: {  	v2 =	vld.idx.msk [tilespmem:v7+s29+$0x0], $0xffff;
	_ =	sdelay $0x4  }
0x32a: {  	[tilespmem:s17+$0x160] =	vst v2  }
0x32b: {  	v2 =	vld.idx.msk [tilespmem:v8+s29+$0x0], $0xffff;
	_ =	sdelay $0x4  }
0x32c: {  	[tilespmem:s17+$0x170] =	vst v2  }
0x32d: {  	v0 =	vld.idx.msk [tilespmem:v0+s30+$0x0], $0xffff;
	_ =	sdelay $0x4  }
0x32e: {  	[tilespmem:s17+$0x180] =	vst v0  }
0x32f: {  	v0 =	vld.idx.msk [tilespmem:v1+s30+$0x0], $0xffff;
	_ =	sdelay $0x4  }
0x330: {  	[tilespmem:s17+$0x190] =	vst v0  }
0x331: {  	v0 =	vld.idx.msk [tilespmem:v3+s30+$0x0], $0xffff;
	_ =	sdelay $0x4  }
0x332: {  	[tilespmem:s17+$0x1A0] =	vst v0  }
0x333: {  	v0 =	vld.idx.msk [tilespmem:v4+s30+$0x0], $0xffff;
	_ =	sdelay $0x4  }
0x334: {  	[tilespmem:s17+$0x1B0] =	vst v0  }
0x335: {  	v0 =	vld.idx.msk [tilespmem:v5+s30+$0x0], $0xffff;
	_ =	sdelay $0x4  }
0x336: {  	[tilespmem:s17+$0x1C0] =	vst v0  }
0x337: {  	v0 =	vld.idx.msk [tilespmem:v6+s30+$0x0], $0xffff;
	_ =	sdelay $0x4  }
0x338: {  	[tilespmem:s17+$0x1D0] =	vst v0  }
0x339: {  	v0 =	vld.idx.msk [tilespmem:v7+s30+$0x0], $0xffff;
	_ =	sdelay $0x4  }
0x33a: {  	[tilespmem:s17+$0x1E0] =	vst v0  }
0x33b: {  	v0 =	vld.idx.msk [tilespmem:v8+s30+$0x0], $0xffff;
	_ =	sdelay $0x3  }
0x33c: {  	s6 =	sshll.u32 s6, $0x5  }
0x33d: {  	s9 =	simm.s32 $0x80;
	s16 =	sor.u32 s7, s6;
	s6 =	simm.s32 $0x400;
	[tilespmem:s17+$0x1F0] =	vst v0  }
.LBB2_8:
0x33e: {  	p0 =	sne.s32 s6, $0x1E00;
	v7 =	vld [tilespmem:s9+$0x880];
	_ =	sdelay $0x6  }
0x33f: {  	v6 =	vld [tilespmem:s9+$0x890]  }
0x340: {  	v8 =	vld.idx.msk [tilespmem:v7+s5+$0x0], $0xffff  }
0x341: {  	v5 =	vld [tilespmem:s9+$0x8A0]  }
0x342: {  	v4 =	vld [tilespmem:s9+$0x8B0]  }
0x343: {  	v3 =	vld [tilespmem:s9+$0x8C0]  }
0x344: {  	v2 =	vld [tilespmem:s9+$0x8D0]  }
0x345: {  	s17 =	sadd.s32 $0x400, s17;
	v1 =	vld [tilespmem:s9+$0x8E0]  }
0x346: {  	v0 =	vld [tilespmem:s9+$0x8F0];
	[tilespmem:s17+$0xFFFFFE00] =	vst v8  }
0x347: {  	v8 =	vld.idx.msk [tilespmem:v6+s5+$0x0], $0xffff;
	_ =	sdelay $0x5  }
0x348: {  	[tilespmem:s17+$0xFFFFFE10] =	vst v8  }
0x349: {  	v8 =	vld.idx.msk [tilespmem:v5+s5+$0x0], $0xffff;
	_ =	sdelay $0x5  }
0x34a: {  	[tilespmem:s17+$0xFFFFFE20] =	vst v8  }
0x34b: {  	v8 =	vld.idx.msk [tilespmem:v4+s5+$0x0], $0xffff;
	_ =	sdelay $0x5  }
0x34c: {  	[tilespmem:s17+$0xFFFFFE30] =	vst v8  }
0x34d: {  	v8 =	vld.idx.msk [tilespmem:v3+s5+$0x0], $0xffff;
	_ =	sdelay $0x5  }
0x34e: {  	[tilespmem:s17+$0xFFFFFE40] =	vst v8  }
0x34f: {  	v8 =	vld.idx.msk [tilespmem:v2+s5+$0x0], $0xffff;
	_ =	sdelay $0x5  }
0x350: {  	[tilespmem:s17+$0xFFFFFE50] =	vst v8  }
0x351: {  	v8 =	vld.idx.msk [tilespmem:v1+s5+$0x0], $0xffff;
	_ =	sdelay $0x5  }
0x352: {  	[tilespmem:s17+$0xFFFFFE60] =	vst v8  }
0x353: {  	v8 =	vld.idx.msk [tilespmem:v0+s5+$0x0], $0xffff;
	_ =	sdelay $0x5  }
0x354: {  	[tilespmem:s17+$0xFFFFFE70] =	vst v8  }
0x355: {  	v8 =	vld.idx.msk [tilespmem:v7+s23+$0x0], $0xffff;
	_ =	sdelay $0x5  }
0x356: {  	[tilespmem:s17+$0xFFFFFE80] =	vst v8  }
0x357: {  	v8 =	vld.idx.msk [tilespmem:v6+s23+$0x0], $0xffff;
	_ =	sdelay $0x5  }
0x358: {  	[tilespmem:s17+$0xFFFFFE90] =	vst v8  }
0x359: {  	v8 =	vld.idx.msk [tilespmem:v5+s23+$0x0], $0xffff;
	_ =	sdelay $0x5  }
0x35a: {  	[tilespmem:s17+$0xFFFFFEA0] =	vst v8  }
0x35b: {  	v8 =	vld.idx.msk [tilespmem:v4+s23+$0x0], $0xffff;
	_ =	sdelay $0x5  }
0x35c: {  	[tilespmem:s17+$0xFFFFFEB0] =	vst v8  }
0x35d: {  	v8 =	vld.idx.msk [tilespmem:v3+s23+$0x0], $0xffff;
	_ =	sdelay $0x5  }
0x35e: {  	[tilespmem:s17+$0xFFFFFEC0] =	vst v8  }
0x35f: {  	v8 =	vld.idx.msk [tilespmem:v2+s23+$0x0], $0xffff;
	_ =	sdelay $0x5  }
0x360: {  	[tilespmem:s17+$0xFFFFFED0] =	vst v8  }
0x361: {  	v8 =	vld.idx.msk [tilespmem:v1+s23+$0x0], $0xffff;
	_ =	sdelay $0x5  }
0x362: {  	[tilespmem:s17+$0xFFFFFEE0] =	vst v8  }
0x363: {  	v8 =	vld.idx.msk [tilespmem:v0+s23+$0x0], $0xffff;
	_ =	sdelay $0x5  }
0x364: {  	[tilespmem:s17+$0xFFFFFEF0] =	vst v8  }
0x365: {  	v8 =	vld.idx.msk [tilespmem:v7+s24+$0x0], $0xffff;
	_ =	sdelay $0x5  }
0x366: {  	[tilespmem:s17+$0xFFFFFF00] =	vst v8  }
0x367: {  	v8 =	vld.idx.msk [tilespmem:v6+s24+$0x0], $0xffff;
	_ =	sdelay $0x5  }
0x368: {  	[tilespmem:s17+$0xFFFFFF10] =	vst v8  }
0x369: {  	v8 =	vld.idx.msk [tilespmem:v5+s24+$0x0], $0xffff;
	_ =	sdelay $0x5  }
0x36a: {  	[tilespmem:s17+$0xFFFFFF20] =	vst v8  }
0x36b: {  	v8 =	vld.idx.msk [tilespmem:v4+s24+$0x0], $0xffff;
	_ =	sdelay $0x5  }
0x36c: {  	[tilespmem:s17+$0xFFFFFF30] =	vst v8  }
0x36d: {  	v8 =	vld.idx.msk [tilespmem:v3+s24+$0x0], $0xffff;
	_ =	sdelay $0x5  }
0x36e: {  	[tilespmem:s17+$0xFFFFFF40] =	vst v8  }
0x36f: {  	v8 =	vld.idx.msk [tilespmem:v2+s24+$0x0], $0xffff;
	_ =	sdelay $0x5  }
0x370: {  	[tilespmem:s17+$0xFFFFFF50] =	vst v8  }
0x371: {  	v8 =	vld.idx.msk [tilespmem:v1+s24+$0x0], $0xffff;
	_ =	sdelay $0x5  }
0x372: {  	[tilespmem:s17+$0xFFFFFF60] =	vst v8  }
0x373: {  	v8 =	vld.idx.msk [tilespmem:v0+s24+$0x0], $0xffff;
	_ =	sdelay $0x5  }
0x374: {  	[tilespmem:s17+$0xFFFFFF70] =	vst v8  }
0x375: {  	v8 =	vld.idx.msk [tilespmem:v7+s25+$0x0], $0xffff;
	_ =	sdelay $0x5  }
0x376: {  	[tilespmem:s17+$0xFFFFFF80] =	vst v8  }
0x377: {  	v8 =	vld.idx.msk [tilespmem:v6+s25+$0x0], $0xffff;
	_ =	sdelay $0x5  }
0x378: {  	[tilespmem:s17+$0xFFFFFF90] =	vst v8  }
0x379: {  	v8 =	vld.idx.msk [tilespmem:v5+s25+$0x0], $0xffff;
	_ =	sdelay $0x5  }
0x37a: {  	[tilespmem:s17+$0xFFFFFFA0] =	vst v8  }
0x37b: {  	v8 =	vld.idx.msk [tilespmem:v4+s25+$0x0], $0xffff;
	_ =	sdelay $0x5  }
0x37c: {  	[tilespmem:s17+$0xFFFFFFB0] =	vst v8  }
0x37d: {  	v8 =	vld.idx.msk [tilespmem:v3+s25+$0x0], $0xffff;
	_ =	sdelay $0x5  }
0x37e: {  	[tilespmem:s17+$0xFFFFFFC0] =	vst v8  }
0x37f: {  	v8 =	vld.idx.msk [tilespmem:v2+s25+$0x0], $0xffff;
	_ =	sdelay $0x5  }
0x380: {  	[tilespmem:s17+$0xFFFFFFD0] =	vst v8  }
0x381: {  	v8 =	vld.idx.msk [tilespmem:v1+s25+$0x0], $0xffff;
	_ =	sdelay $0x5  }
0x382: {  	[tilespmem:s17+$0xFFFFFFE0] =	vst v8  }
0x383: {  	v8 =	vld.idx.msk [tilespmem:v0+s25+$0x0], $0xffff;
	_ =	sdelay $0x5  }
0x384: {  	[tilespmem:s17+$0xFFFFFFF0] =	vst v8  }
0x385: {  	v8 =	vld.idx.msk [tilespmem:v7+s26+$0x0], $0xffff;
	_ =	sdelay $0x5  }
0x386: {  	[tilespmem:s17+$0x0] =	vst v8  }
0x387: {  	v8 =	vld.idx.msk [tilespmem:v6+s26+$0x0], $0xffff;
	_ =	sdelay $0x5  }
0x388: {  	[tilespmem:s17+$0x10] =	vst v8  }
0x389: {  	v8 =	vld.idx.msk [tilespmem:v5+s26+$0x0], $0xffff;
	_ =	sdelay $0x5  }
0x38a: {  	[tilespmem:s17+$0x20] =	vst v8  }
0x38b: {  	v8 =	vld.idx.msk [tilespmem:v4+s26+$0x0], $0xffff;
	_ =	sdelay $0x5  }
0x38c: {  	[tilespmem:s17+$0x30] =	vst v8  }
0x38d: {  	v8 =	vld.idx.msk [tilespmem:v3+s26+$0x0], $0xffff;
	_ =	sdelay $0x5  }
0x38e: {  	[tilespmem:s17+$0x40] =	vst v8  }
0x38f: {  	v8 =	vld.idx.msk [tilespmem:v2+s26+$0x0], $0xffff;
	_ =	sdelay $0x5  }
0x390: {  	[tilespmem:s17+$0x50] =	vst v8  }
0x391: {  	v8 =	vld.idx.msk [tilespmem:v1+s26+$0x0], $0xffff;
	_ =	sdelay $0x5  }
0x392: {  	[tilespmem:s17+$0x60] =	vst v8  }
0x393: {  	v8 =	vld.idx.msk [tilespmem:v0+s26+$0x0], $0xffff;
	_ =	sdelay $0x5  }
0x394: {  	[tilespmem:s17+$0x70] =	vst v8  }
0x395: {  	v8 =	vld.idx.msk [tilespmem:v7+s28+$0x0], $0xffff;
	_ =	sdelay $0x5  }
0x396: {  	[tilespmem:s17+$0x80] =	vst v8  }
0x397: {  	v8 =	vld.idx.msk [tilespmem:v6+s28+$0x0], $0xffff;
	_ =	sdelay $0x5  }
0x398: {  	[tilespmem:s17+$0x90] =	vst v8  }
0x399: {  	v8 =	vld.idx.msk [tilespmem:v5+s28+$0x0], $0xffff;
	_ =	sdelay $0x5  }
0x39a: {  	[tilespmem:s17+$0xA0] =	vst v8  }
0x39b: {  	v8 =	vld.idx.msk [tilespmem:v4+s28+$0x0], $0xffff;
	_ =	sdelay $0x5  }
0x39c: {  	[tilespmem:s17+$0xB0] =	vst v8  }
0x39d: {  	v8 =	vld.idx.msk [tilespmem:v3+s28+$0x0], $0xffff;
	_ =	sdelay $0x5  }
0x39e: {  	[tilespmem:s17+$0xC0] =	vst v8  }
0x39f: {  	v8 =	vld.idx.msk [tilespmem:v2+s28+$0x0], $0xffff;
	_ =	sdelay $0x5  }
0x3a0: {  	[tilespmem:s17+$0xD0] =	vst v8  }
0x3a1: {  	v8 =	vld.idx.msk [tilespmem:v1+s28+$0x0], $0xffff;
	_ =	sdelay $0x5  }
0x3a2: {  	[tilespmem:s17+$0xE0] =	vst v8  }
0x3a3: {  	v8 =	vld.idx.msk [tilespmem:v0+s28+$0x0], $0xffff;
	_ =	sdelay $0x5  }
0x3a4: {  	[tilespmem:s17+$0xF0] =	vst v8  }
0x3a5: {  	v8 =	vld.idx.msk [tilespmem:v7+s29+$0x0], $0xffff;
	_ =	sdelay $0x5  }
0x3a6: {  	[tilespmem:s17+$0x100] =	vst v8  }
0x3a7: {  	v8 =	vld.idx.msk [tilespmem:v6+s29+$0x0], $0xffff;
	_ =	sdelay $0x5  }
0x3a8: {  	[tilespmem:s17+$0x110] =	vst v8  }
0x3a9: {  	v8 =	vld.idx.msk [tilespmem:v5+s29+$0x0], $0xffff;
	_ =	sdelay $0x5  }
0x3aa: {  	[tilespmem:s17+$0x120] =	vst v8  }
0x3ab: {  	v8 =	vld.idx.msk [tilespmem:v4+s29+$0x0], $0xffff;
	_ =	sdelay $0x5  }
0x3ac: {  	[tilespmem:s17+$0x130] =	vst v8  }
0x3ad: {  	v8 =	vld.idx.msk [tilespmem:v3+s29+$0x0], $0xffff;
	_ =	sdelay $0x5  }
0x3ae: {  	[tilespmem:s17+$0x140] =	vst v8  }
0x3af: {  	v8 =	vld.idx.msk [tilespmem:v2+s29+$0x0], $0xffff;
	_ =	sdelay $0x5  }
0x3b0: {  	[tilespmem:s17+$0x150] =	vst v8  }
0x3b1: {  	v8 =	vld.idx.msk [tilespmem:v1+s29+$0x0], $0xffff;
	_ =	sdelay $0x5  }
0x3b2: {  	[tilespmem:s17+$0x160] =	vst v8  }
0x3b3: {  	v8 =	vld.idx.msk [tilespmem:v0+s29+$0x0], $0xffff;
	_ =	sdelay $0x5  }
0x3b4: {  	[tilespmem:s17+$0x170] =	vst v8  }
0x3b5: {  	v7 =	vld.idx.msk [tilespmem:v7+s30+$0x0], $0xffff;
	_ =	sdelay $0x5  }
0x3b6: {  	[tilespmem:s17+$0x180] =	vst v7  }
0x3b7: {  	v6 =	vld.idx.msk [tilespmem:v6+s30+$0x0], $0xffff;
	_ =	sdelay $0x5  }
0x3b8: {  	[tilespmem:s17+$0x190] =	vst v6  }
0x3b9: {  	v5 =	vld.idx.msk [tilespmem:v5+s30+$0x0], $0xffff;
	_ =	sdelay $0x5  }
0x3ba: {  	[tilespmem:s17+$0x1A0] =	vst v5  }
0x3bb: {  	v4 =	vld.idx.msk [tilespmem:v4+s30+$0x0], $0xffff;
	_ =	sdelay $0x5  }
0x3bc: {  	[tilespmem:s17+$0x1B0] =	vst v4  }
0x3bd: {  	v3 =	vld.idx.msk [tilespmem:v3+s30+$0x0], $0xffff;
	_ =	sdelay $0x5  }
0x3be: {  	[tilespmem:s17+$0x1C0] =	vst v3  }
0x3bf: {  	v2 =	vld.idx.msk [tilespmem:v2+s30+$0x0], $0xffff;
	_ =	sdelay $0x5  }
0x3c0: {  	[tilespmem:s17+$0x1D0] =	vst v2  }
0x3c1: {  	v1 =	vld.idx.msk [tilespmem:v1+s30+$0x0], $0xffff;
	_ =	sdelay $0x5  }
0x3c2: {  	[tilespmem:s17+$0x1E0] =	vst v1  }
0x3c3: {  	v0 =	vld.idx.msk [tilespmem:v0+s30+$0x0], $0xffff;
	_ =	sdelay $0x1  }
.Ltmp7:
0x3c4: {  	(pc) =	sbr.rel @p0 .LBB2_8-.Ltmp7, $2  }
0x3c5: {  	_ =	sdelay $0x2  }
0x3c6: {  	s9 =	sshra.s32 s6, $0x2;
	s6 =	sadd.s32 $0x200, s6;
	[tilespmem:s17+$0x1F0] =	vst v0  }
0x3c7: {  	v0 =	vld [tilespmem:s9+$0x880];
	_ =	sdelay $0x5  }
0x3c8: {  	v1 =	vld [tilespmem:s9+$0x890]  }
0x3c9: {  	v3 =	vld [tilespmem:s9+$0x8A0]  }
0x3ca: {  	v2 =	vld.idx.msk [tilespmem:v0+s5+$0x0], $0xffff  }
0x3cb: {  	v4 =	vld [tilespmem:s9+$0x8B0]  }
0x3cc: {  	v5 =	vld [tilespmem:s9+$0x8C0]  }
0x3cd: {  	v6 =	vld [tilespmem:s9+$0x8D0]  }
0x3ce: {  	v7 =	vld [tilespmem:s9+$0x8E0];
	s6 =	sadd.s32 $0x400, s17  }
0x3cf: {  	v8 =	vld [tilespmem:s9+$0x8F0];
	[tilespmem:s6+$0xFFFFFE00] =	vst v2  }
0x3d0: {  	v2 =	vld.idx.msk [tilespmem:v1+s5+$0x0], $0xffff;
	_ =	sdelay $0x4  }
0x3d1: {  	[tilespmem:s6+$0xFFFFFE10] =	vst v2  }
0x3d2: {  	v2 =	vld.idx.msk [tilespmem:v3+s5+$0x0], $0xffff;
	_ =	sdelay $0x4  }
0x3d3: {  	[tilespmem:s6+$0xFFFFFE20] =	vst v2  }
0x3d4: {  	v2 =	vld.idx.msk [tilespmem:v4+s5+$0x0], $0xffff;
	_ =	sdelay $0x4  }
0x3d5: {  	[tilespmem:s6+$0xFFFFFE30] =	vst v2  }
0x3d6: {  	v2 =	vld.idx.msk [tilespmem:v5+s5+$0x0], $0xffff;
	_ =	sdelay $0x4  }
0x3d7: {  	[tilespmem:s6+$0xFFFFFE40] =	vst v2  }
0x3d8: {  	v2 =	vld.idx.msk [tilespmem:v6+s5+$0x0], $0xffff;
	_ =	sdelay $0x4  }
0x3d9: {  	[tilespmem:s6+$0xFFFFFE50] =	vst v2  }
0x3da: {  	v2 =	vld.idx.msk [tilespmem:v7+s5+$0x0], $0xffff;
	_ =	sdelay $0x4  }
0x3db: {  	[tilespmem:s6+$0xFFFFFE60] =	vst v2  }
0x3dc: {  	v2 =	vld.idx.msk [tilespmem:v8+s5+$0x0], $0xffff;
	_ =	sdelay $0x4  }
0x3dd: {  	[tilespmem:s6+$0xFFFFFE70] =	vst v2  }
0x3de: {  	v2 =	vld.idx.msk [tilespmem:v0+s23+$0x0], $0xffff;
	_ =	sdelay $0x4  }
0x3df: {  	[tilespmem:s6+$0xFFFFFE80] =	vst v2  }
0x3e0: {  	v2 =	vld.idx.msk [tilespmem:v1+s23+$0x0], $0xffff;
	_ =	sdelay $0x4  }
0x3e1: {  	[tilespmem:s6+$0xFFFFFE90] =	vst v2  }
0x3e2: {  	v2 =	vld.idx.msk [tilespmem:v3+s23+$0x0], $0xffff;
	_ =	sdelay $0x4  }
0x3e3: {  	[tilespmem:s6+$0xFFFFFEA0] =	vst v2  }
0x3e4: {  	v2 =	vld.idx.msk [tilespmem:v4+s23+$0x0], $0xffff;
	_ =	sdelay $0x4  }
0x3e5: {  	[tilespmem:s6+$0xFFFFFEB0] =	vst v2  }
0x3e6: {  	v2 =	vld.idx.msk [tilespmem:v5+s23+$0x0], $0xffff;
	_ =	sdelay $0x4  }
0x3e7: {  	[tilespmem:s6+$0xFFFFFEC0] =	vst v2  }
0x3e8: {  	v2 =	vld.idx.msk [tilespmem:v6+s23+$0x0], $0xffff;
	_ =	sdelay $0x4  }
0x3e9: {  	[tilespmem:s6+$0xFFFFFED0] =	vst v2  }
0x3ea: {  	v2 =	vld.idx.msk [tilespmem:v7+s23+$0x0], $0xffff;
	_ =	sdelay $0x4  }
0x3eb: {  	[tilespmem:s6+$0xFFFFFEE0] =	vst v2  }
0x3ec: {  	v2 =	vld.idx.msk [tilespmem:v8+s23+$0x0], $0xffff;
	_ =	sdelay $0x4  }
0x3ed: {  	[tilespmem:s6+$0xFFFFFEF0] =	vst v2  }
0x3ee: {  	v2 =	vld.idx.msk [tilespmem:v0+s24+$0x0], $0xffff;
	_ =	sdelay $0x4  }
0x3ef: {  	[tilespmem:s6+$0xFFFFFF00] =	vst v2  }
0x3f0: {  	v2 =	vld.idx.msk [tilespmem:v1+s24+$0x0], $0xffff;
	_ =	sdelay $0x4  }
0x3f1: {  	[tilespmem:s6+$0xFFFFFF10] =	vst v2  }
0x3f2: {  	v2 =	vld.idx.msk [tilespmem:v3+s24+$0x0], $0xffff;
	_ =	sdelay $0x4  }
0x3f3: {  	[tilespmem:s6+$0xFFFFFF20] =	vst v2  }
0x3f4: {  	v2 =	vld.idx.msk [tilespmem:v4+s24+$0x0], $0xffff;
	_ =	sdelay $0x4  }
0x3f5: {  	[tilespmem:s6+$0xFFFFFF30] =	vst v2  }
0x3f6: {  	v2 =	vld.idx.msk [tilespmem:v5+s24+$0x0], $0xffff;
	_ =	sdelay $0x4  }
0x3f7: {  	[tilespmem:s6+$0xFFFFFF40] =	vst v2  }
0x3f8: {  	v2 =	vld.idx.msk [tilespmem:v6+s24+$0x0], $0xffff;
	_ =	sdelay $0x4  }
0x3f9: {  	[tilespmem:s6+$0xFFFFFF50] =	vst v2  }
0x3fa: {  	v2 =	vld.idx.msk [tilespmem:v7+s24+$0x0], $0xffff;
	_ =	sdelay $0x4  }
0x3fb: {  	[tilespmem:s6+$0xFFFFFF60] =	vst v2  }
0x3fc: {  	v2 =	vld.idx.msk [tilespmem:v8+s24+$0x0], $0xffff;
	_ =	sdelay $0x4  }
0x3fd: {  	[tilespmem:s6+$0xFFFFFF70] =	vst v2  }
0x3fe: {  	v2 =	vld.idx.msk [tilespmem:v0+s25+$0x0], $0xffff;
	_ =	sdelay $0x4  }
0x3ff: {  	[tilespmem:s6+$0xFFFFFF80] =	vst v2  }
0x400: {  	v2 =	vld.idx.msk [tilespmem:v1+s25+$0x0], $0xffff;
	_ =	sdelay $0x4  }
0x401: {  	[tilespmem:s6+$0xFFFFFF90] =	vst v2  }
0x402: {  	v2 =	vld.idx.msk [tilespmem:v3+s25+$0x0], $0xffff;
	_ =	sdelay $0x4  }
0x403: {  	[tilespmem:s6+$0xFFFFFFA0] =	vst v2  }
0x404: {  	v2 =	vld.idx.msk [tilespmem:v4+s25+$0x0], $0xffff;
	_ =	sdelay $0x4  }
0x405: {  	[tilespmem:s6+$0xFFFFFFB0] =	vst v2  }
0x406: {  	v2 =	vld.idx.msk [tilespmem:v5+s25+$0x0], $0xffff;
	_ =	sdelay $0x4  }
0x407: {  	[tilespmem:s6+$0xFFFFFFC0] =	vst v2  }
0x408: {  	v2 =	vld.idx.msk [tilespmem:v6+s25+$0x0], $0xffff;
	_ =	sdelay $0x4  }
0x409: {  	[tilespmem:s6+$0xFFFFFFD0] =	vst v2  }
0x40a: {  	v2 =	vld.idx.msk [tilespmem:v7+s25+$0x0], $0xffff;
	_ =	sdelay $0x4  }
0x40b: {  	[tilespmem:s6+$0xFFFFFFE0] =	vst v2  }
0x40c: {  	v2 =	vld.idx.msk [tilespmem:v8+s25+$0x0], $0xffff;
	_ =	sdelay $0x4  }
0x40d: {  	[tilespmem:s6+$0xFFFFFFF0] =	vst v2  }
0x40e: {  	v2 =	vld.idx.msk [tilespmem:v0+s26+$0x0], $0xffff;
	_ =	sdelay $0x4  }
0x40f: {  	[tilespmem:s6+$0x0] =	vst v2  }
0x410: {  	v2 =	vld.idx.msk [tilespmem:v1+s26+$0x0], $0xffff;
	_ =	sdelay $0x4  }
0x411: {  	[tilespmem:s6+$0x10] =	vst v2  }
0x412: {  	v2 =	vld.idx.msk [tilespmem:v3+s26+$0x0], $0xffff;
	_ =	sdelay $0x4  }
0x413: {  	[tilespmem:s6+$0x20] =	vst v2  }
0x414: {  	v2 =	vld.idx.msk [tilespmem:v4+s26+$0x0], $0xffff;
	_ =	sdelay $0x4  }
0x415: {  	[tilespmem:s6+$0x30] =	vst v2  }
0x416: {  	v2 =	vld.idx.msk [tilespmem:v5+s26+$0x0], $0xffff;
	_ =	sdelay $0x4  }
0x417: {  	[tilespmem:s6+$0x40] =	vst v2  }
0x418: {  	v2 =	vld.idx.msk [tilespmem:v6+s26+$0x0], $0xffff;
	_ =	sdelay $0x4  }
0x419: {  	[tilespmem:s6+$0x50] =	vst v2  }
0x41a: {  	v2 =	vld.idx.msk [tilespmem:v7+s26+$0x0], $0xffff;
	_ =	sdelay $0x4  }
0x41b: {  	[tilespmem:s6+$0x60] =	vst v2  }
0x41c: {  	v2 =	vld.idx.msk [tilespmem:v8+s26+$0x0], $0xffff;
	_ =	sdelay $0x4  }
0x41d: {  	[tilespmem:s6+$0x70] =	vst v2  }
0x41e: {  	v2 =	vld.idx.msk [tilespmem:v0+s28+$0x0], $0xffff;
	_ =	sdelay $0x4  }
0x41f: {  	[tilespmem:s6+$0x80] =	vst v2  }
0x420: {  	v2 =	vld.idx.msk [tilespmem:v1+s28+$0x0], $0xffff;
	_ =	sdelay $0x4  }
0x421: {  	[tilespmem:s6+$0x90] =	vst v2  }
0x422: {  	v2 =	vld.idx.msk [tilespmem:v3+s28+$0x0], $0xffff;
	_ =	sdelay $0x4  }
0x423: {  	[tilespmem:s6+$0xA0] =	vst v2  }
0x424: {  	v2 =	vld.idx.msk [tilespmem:v4+s28+$0x0], $0xffff;
	_ =	sdelay $0x4  }
0x425: {  	[tilespmem:s6+$0xB0] =	vst v2  }
0x426: {  	v2 =	vld.idx.msk [tilespmem:v5+s28+$0x0], $0xffff;
	_ =	sdelay $0x4  }
0x427: {  	[tilespmem:s6+$0xC0] =	vst v2  }
0x428: {  	v2 =	vld.idx.msk [tilespmem:v6+s28+$0x0], $0xffff;
	_ =	sdelay $0x4  }
0x429: {  	[tilespmem:s6+$0xD0] =	vst v2  }
0x42a: {  	v2 =	vld.idx.msk [tilespmem:v7+s28+$0x0], $0xffff;
	_ =	sdelay $0x4  }
0x42b: {  	[tilespmem:s6+$0xE0] =	vst v2  }
0x42c: {  	v2 =	vld.idx.msk [tilespmem:v8+s28+$0x0], $0xffff;
	_ =	sdelay $0x4  }
0x42d: {  	[tilespmem:s6+$0xF0] =	vst v2  }
0x42e: {  	v2 =	vld.idx.msk [tilespmem:v0+s29+$0x0], $0xffff;
	_ =	sdelay $0x4  }
0x42f: {  	[tilespmem:s6+$0x100] =	vst v2  }
0x430: {  	v2 =	vld.idx.msk [tilespmem:v1+s29+$0x0], $0xffff;
	_ =	sdelay $0x4  }
0x431: {  	[tilespmem:s6+$0x110] =	vst v2  }
0x432: {  	v2 =	vld.idx.msk [tilespmem:v3+s29+$0x0], $0xffff;
	_ =	sdelay $0x4  }
0x433: {  	[tilespmem:s6+$0x120] =	vst v2  }
0x434: {  	v2 =	vld.idx.msk [tilespmem:v4+s29+$0x0], $0xffff;
	_ =	sdelay $0x4  }
0x435: {  	[tilespmem:s6+$0x130] =	vst v2  }
0x436: {  	v2 =	vld.idx.msk [tilespmem:v5+s29+$0x0], $0xffff;
	_ =	sdelay $0x4  }
0x437: {  	[tilespmem:s6+$0x140] =	vst v2  }
0x438: {  	v2 =	vld.idx.msk [tilespmem:v6+s29+$0x0], $0xffff;
	_ =	sdelay $0x4  }
0x439: {  	[tilespmem:s6+$0x150] =	vst v2  }
0x43a: {  	v2 =	vld.idx.msk [tilespmem:v7+s29+$0x0], $0xffff;
	_ =	sdelay $0x4  }
0x43b: {  	[tilespmem:s6+$0x160] =	vst v2  }
0x43c: {  	v2 =	vld.idx.msk [tilespmem:v8+s29+$0x0], $0xffff;
	_ =	sdelay $0x4  }
0x43d: {  	[tilespmem:s6+$0x170] =	vst v2  }
0x43e: {  	v0 =	vld.idx.msk [tilespmem:v0+s30+$0x0], $0xffff;
	_ =	sdelay $0x4  }
0x43f: {  	[tilespmem:s6+$0x180] =	vst v0  }
0x440: {  	v0 =	vld.idx.msk [tilespmem:v1+s30+$0x0], $0xffff;
	_ =	sdelay $0x4  }
0x441: {  	[tilespmem:s6+$0x190] =	vst v0  }
0x442: {  	v0 =	vld.idx.msk [tilespmem:v3+s30+$0x0], $0xffff;
	_ =	sdelay $0x4  }
0x443: {  	[tilespmem:s6+$0x1A0] =	vst v0  }
0x444: {  	v0 =	vld.idx.msk [tilespmem:v4+s30+$0x0], $0xffff;
	_ =	sdelay $0x4  }
0x445: {  	[tilespmem:s6+$0x1B0] =	vst v0  }
0x446: {  	v0 =	vld.idx.msk [tilespmem:v5+s30+$0x0], $0xffff;
	_ =	sdelay $0x4  }
0x447: {  	[tilespmem:s6+$0x1C0] =	vst v0  }
0x448: {  	v0 =	vld.idx.msk [tilespmem:v6+s30+$0x0], $0xffff;
	_ =	sdelay $0x4  }
0x449: {  	[tilespmem:s6+$0x1D0] =	vst v0  }
0x44a: {  	v0 =	vld.idx.msk [tilespmem:v7+s30+$0x0], $0xffff;
	_ =	sdelay $0x4  }
0x44b: {  	[tilespmem:s6+$0x1E0] =	vst v0  }
0x44c: {  	v0 =	vld.idx.msk [tilespmem:v8+s30+$0x0], $0xffff;
	_ =	sdelay $0x4  }
0x44d: {  	[tilespmem:s6+$0x1F0] =	vst v0  }
0x44e: {  	_ =	swait.ge [sflag:s19], $0x2000  }
0x44f: {  	[sflag:s19] =	ssyncset.done $0x0  }
0x450: {  	s17 =	simm.s32 $0x0;
	[sflag:s19] =	ssyncadd.s32 $0xFFFFE000  }
0x451: {  	v63 =	vld [tilespmem:s17+$0x3080];
	_ =	sdelay $0x3  }
0x452: {  	s6 =	simm.s32 $0x11180  }
0x453: {  	[tilespmem:s6+$0xFFFFFF00] =	vst v63  }
0x454: {  	v0 =	vld [tilespmem:s17+$0x3090];
	_ =	sdelay $0x4  }
0x455: {  	[tilespmem:s6+$0xFFFFFF10] =	vst v0  }
0x456: {  	v0 =	vld [tilespmem:s17+$0x30A0];
	_ =	sdelay $0x4  }
0x457: {  	[tilespmem:s6+$0xFFFFFF20] =	vst v0  }
0x458: {  	v0 =	vld [tilespmem:s17+$0x30B0];
	_ =	sdelay $0x4  }
0x459: {  	[tilespmem:s6+$0xFFFFFF30] =	vst v0  }
0x45a: {  	v0 =	vld [tilespmem:s17+$0x30C0];
	_ =	sdelay $0x4  }
0x45b: {  	[tilespmem:s6+$0xFFFFFF40] =	vst v0  }
0x45c: {  	v0 =	vld [tilespmem:s17+$0x30D0];
	_ =	sdelay $0x4  }
0x45d: {  	[tilespmem:s6+$0xFFFFFF50] =	vst v0  }
0x45e: {  	v0 =	vld [tilespmem:s17+$0x30E0];
	_ =	sdelay $0x4  }
0x45f: {  	[tilespmem:s6+$0xFFFFFF60] =	vst v0  }
0x460: {  	v0 =	vld [tilespmem:s17+$0x30F0];
	_ =	sdelay $0x4  }
0x461: {  	[tilespmem:s6+$0xFFFFFF70] =	vst v0  }
0x462: {  	v0 =	vld [tilespmem:s17+$0x3100];
	_ =	sdelay $0x4  }
0x463: {  	[tilespmem:s6+$0xFFFFFF80] =	vst v0  }
0x464: {  	v0 =	vld [tilespmem:s17+$0x3110];
	_ =	sdelay $0x4  }
0x465: {  	[tilespmem:s6+$0xFFFFFF90] =	vst v0  }
0x466: {  	v0 =	vld [tilespmem:s17+$0x3120];
	_ =	sdelay $0x4  }
0x467: {  	[tilespmem:s6+$0xFFFFFFA0] =	vst v0  }
0x468: {  	v0 =	vld [tilespmem:s17+$0x3130];
	_ =	sdelay $0x4  }
0x469: {  	[tilespmem:s6+$0xFFFFFFB0] =	vst v0  }
0x46a: {  	v0 =	vld [tilespmem:s17+$0x3140];
	_ =	sdelay $0x4  }
0x46b: {  	[tilespmem:s6+$0xFFFFFFC0] =	vst v0  }
0x46c: {  	v0 =	vld [tilespmem:s17+$0x3150];
	_ =	sdelay $0x4  }
0x46d: {  	[tilespmem:s6+$0xFFFFFFD0] =	vst v0  }
0x46e: {  	v0 =	vld [tilespmem:s17+$0x3160];
	_ =	sdelay $0x4  }
0x46f: {  	[tilespmem:s6+$0xFFFFFFE0] =	vst v0  }
0x470: {  	v0 =	vld [tilespmem:s17+$0x3170];
	_ =	sdelay $0x4  }
0x471: {  	[tilespmem:s6+$0xFFFFFFF0] =	vst v0  }
0x472: {  	v0 =	vld [tilespmem:s17+$0x3180];
	_ =	sdelay $0x4  }
0x473: {  	[tilespmem:s6+$0x0] =	vst v0  }
0x474: {  	v0 =	vld [tilespmem:s17+$0x3190];
	_ =	sdelay $0x4  }
0x475: {  	[tilespmem:s6+$0x10] =	vst v0  }
0x476: {  	v0 =	vld [tilespmem:s17+$0x31A0];
	_ =	sdelay $0x4  }
0x477: {  	[tilespmem:s6+$0x20] =	vst v0  }
0x478: {  	v0 =	vld [tilespmem:s17+$0x31B0];
	_ =	sdelay $0x4  }
0x479: {  	[tilespmem:s6+$0x30] =	vst v0  }
0x47a: {  	v0 =	vld [tilespmem:s17+$0x31C0];
	_ =	sdelay $0x4  }
0x47b: {  	[tilespmem:s6+$0x40] =	vst v0  }
0x47c: {  	v0 =	vld [tilespmem:s17+$0x31D0];
	_ =	sdelay $0x4  }
0x47d: {  	[tilespmem:s6+$0x50] =	vst v0  }
0x47e: {  	v0 =	vld [tilespmem:s17+$0x31E0];
	_ =	sdelay $0x4  }
0x47f: {  	[tilespmem:s6+$0x60] =	vst v0  }
0x480: {  	v0 =	vld [tilespmem:s17+$0x31F0];
	_ =	sdelay $0x4  }
0x481: {  	[tilespmem:s6+$0x70] =	vst v0  }
0x482: {  	v0 =	vld [tilespmem:s17+$0x3200];
	_ =	sdelay $0x4  }
0x483: {  	[tilespmem:s6+$0x80] =	vst v0  }
0x484: {  	v0 =	vld [tilespmem:s17+$0x3210];
	_ =	sdelay $0x4  }
0x485: {  	[tilespmem:s6+$0x90] =	vst v0  }
0x486: {  	v0 =	vld [tilespmem:s17+$0x3220];
	_ =	sdelay $0x4  }
0x487: {  	[tilespmem:s6+$0xA0] =	vst v0  }
0x488: {  	v0 =	vld [tilespmem:s17+$0x3230];
	_ =	sdelay $0x4  }
0x489: {  	[tilespmem:s6+$0xB0] =	vst v0  }
0x48a: {  	v0 =	vld [tilespmem:s17+$0x3240];
	_ =	sdelay $0x4  }
0x48b: {  	[tilespmem:s6+$0xC0] =	vst v0  }
0x48c: {  	v0 =	vld [tilespmem:s17+$0x3250];
	_ =	sdelay $0x4  }
0x48d: {  	[tilespmem:s6+$0xD0] =	vst v0  }
0x48e: {  	v0 =	vld [tilespmem:s17+$0x3260];
	_ =	sdelay $0x4  }
0x48f: {  	[tilespmem:s6+$0xE0] =	vst v0  }
0x490: {  	v0 =	vld [tilespmem:s17+$0x3270];
	_ =	sdelay $0x4  }
0x491: {  	s9 =	simm.s32 $0x1000;
	s17 =	simm.s32 $0x200;
	[tilespmem:s6+$0xF0] =	vst v0  }
.LBB2_10:
0x492: {  	p0 =	sne.s32 s9, $0x7800;
	v0 =	vld [tilespmem:s17+$0x3080];
	_ =	sdelay $0x3  }
0x493: {  	s6 =	sadd.s32 $0x400, s6  }
0x494: {  	[tilespmem:s6+$0xFFFFFF00] =	vst v0  }
0x495: {  	v0 =	vld [tilespmem:s17+$0x3090];
	_ =	sdelay $0x4  }
0x496: {  	[tilespmem:s6+$0xFFFFFF10] =	vst v0  }
0x497: {  	v0 =	vld [tilespmem:s17+$0x30A0];
	_ =	sdelay $0x4  }
0x498: {  	[tilespmem:s6+$0xFFFFFF20] =	vst v0  }
0x499: {  	v0 =	vld [tilespmem:s17+$0x30B0];
	_ =	sdelay $0x4  }
0x49a: {  	[tilespmem:s6+$0xFFFFFF30] =	vst v0  }
0x49b: {  	v0 =	vld [tilespmem:s17+$0x30C0];
	_ =	sdelay $0x4  }
0x49c: {  	[tilespmem:s6+$0xFFFFFF40] =	vst v0  }
0x49d: {  	v0 =	vld [tilespmem:s17+$0x30D0];
	_ =	sdelay $0x4  }
0x49e: {  	[tilespmem:s6+$0xFFFFFF50] =	vst v0  }
0x49f: {  	v0 =	vld [tilespmem:s17+$0x30E0];
	_ =	sdelay $0x4  }
0x4a0: {  	[tilespmem:s6+$0xFFFFFF60] =	vst v0  }
0x4a1: {  	v0 =	vld [tilespmem:s17+$0x30F0];
	_ =	sdelay $0x4  }
0x4a2: {  	[tilespmem:s6+$0xFFFFFF70] =	vst v0  }
0x4a3: {  	v0 =	vld [tilespmem:s17+$0x3100];
	_ =	sdelay $0x4  }
0x4a4: {  	[tilespmem:s6+$0xFFFFFF80] =	vst v0  }
0x4a5: {  	v0 =	vld [tilespmem:s17+$0x3110];
	_ =	sdelay $0x4  }
0x4a6: {  	[tilespmem:s6+$0xFFFFFF90] =	vst v0  }
0x4a7: {  	v0 =	vld [tilespmem:s17+$0x3120];
	_ =	sdelay $0x4  }
0x4a8: {  	[tilespmem:s6+$0xFFFFFFA0] =	vst v0  }
0x4a9: {  	v0 =	vld [tilespmem:s17+$0x3130];
	_ =	sdelay $0x4  }
0x4aa: {  	[tilespmem:s6+$0xFFFFFFB0] =	vst v0  }
0x4ab: {  	v0 =	vld [tilespmem:s17+$0x3140];
	_ =	sdelay $0x4  }
0x4ac: {  	[tilespmem:s6+$0xFFFFFFC0] =	vst v0  }
0x4ad: {  	v0 =	vld [tilespmem:s17+$0x3150];
	_ =	sdelay $0x4  }
0x4ae: {  	[tilespmem:s6+$0xFFFFFFD0] =	vst v0  }
0x4af: {  	v0 =	vld [tilespmem:s17+$0x3160];
	_ =	sdelay $0x4  }
0x4b0: {  	[tilespmem:s6+$0xFFFFFFE0] =	vst v0  }
0x4b1: {  	v0 =	vld [tilespmem:s17+$0x3170];
	_ =	sdelay $0x4  }
0x4b2: {  	[tilespmem:s6+$0xFFFFFFF0] =	vst v0  }
0x4b3: {  	v0 =	vld [tilespmem:s17+$0x3180];
	_ =	sdelay $0x4  }
0x4b4: {  	[tilespmem:s6+$0x0] =	vst v0  }
0x4b5: {  	v0 =	vld [tilespmem:s17+$0x3190];
	_ =	sdelay $0x4  }
0x4b6: {  	[tilespmem:s6+$0x10] =	vst v0  }
0x4b7: {  	v0 =	vld [tilespmem:s17+$0x31A0];
	_ =	sdelay $0x4  }
0x4b8: {  	[tilespmem:s6+$0x20] =	vst v0  }
0x4b9: {  	v0 =	vld [tilespmem:s17+$0x31B0];
	_ =	sdelay $0x4  }
0x4ba: {  	[tilespmem:s6+$0x30] =	vst v0  }
0x4bb: {  	v0 =	vld [tilespmem:s17+$0x31C0];
	_ =	sdelay $0x4  }
0x4bc: {  	[tilespmem:s6+$0x40] =	vst v0  }
0x4bd: {  	v0 =	vld [tilespmem:s17+$0x31D0];
	_ =	sdelay $0x4  }
0x4be: {  	[tilespmem:s6+$0x50] =	vst v0  }
0x4bf: {  	v0 =	vld [tilespmem:s17+$0x31E0];
	_ =	sdelay $0x4  }
0x4c0: {  	[tilespmem:s6+$0x60] =	vst v0  }
0x4c1: {  	v0 =	vld [tilespmem:s17+$0x31F0];
	_ =	sdelay $0x4  }
0x4c2: {  	[tilespmem:s6+$0x70] =	vst v0  }
0x4c3: {  	v0 =	vld [tilespmem:s17+$0x3200];
	_ =	sdelay $0x4  }
0x4c4: {  	[tilespmem:s6+$0x80] =	vst v0  }
0x4c5: {  	v0 =	vld [tilespmem:s17+$0x3210];
	_ =	sdelay $0x4  }
0x4c6: {  	[tilespmem:s6+$0x90] =	vst v0  }
0x4c7: {  	v0 =	vld [tilespmem:s17+$0x3220];
	_ =	sdelay $0x4  }
0x4c8: {  	[tilespmem:s6+$0xA0] =	vst v0  }
0x4c9: {  	v0 =	vld [tilespmem:s17+$0x3230];
	_ =	sdelay $0x4  }
0x4ca: {  	[tilespmem:s6+$0xB0] =	vst v0  }
0x4cb: {  	v0 =	vld [tilespmem:s17+$0x3240];
	_ =	sdelay $0x4  }
0x4cc: {  	[tilespmem:s6+$0xC0] =	vst v0  }
0x4cd: {  	v0 =	vld [tilespmem:s17+$0x3250];
	_ =	sdelay $0x4  }
0x4ce: {  	[tilespmem:s6+$0xD0] =	vst v0  }
0x4cf: {  	v0 =	vld [tilespmem:s17+$0x3260];
	_ =	sdelay $0x4  }
0x4d0: {  	[tilespmem:s6+$0xE0] =	vst v0  }
0x4d1: {  	v0 =	vld [tilespmem:s17+$0x3270]  }
.Ltmp8:
0x4d2: {  	(pc) =	sbr.rel @p0 .LBB2_10-.Ltmp8, $2  }
0x4d3: {  	_ =	sdelay $0x2  }
0x4d4: {  	s17 =	sshra.s32 s9, $0x2;
	s9 =	sadd.s32 $0x800, s9;
	[tilespmem:s6+$0xF0] =	vst v0  }
0x4d5: {  	v0 =	vld [tilespmem:s17+$0x3080];
	_ =	sdelay $0x3  }
0x4d6: {  	s6 =	sadd.s32 $0x400, s6  }
0x4d7: {  	[tilespmem:s6+$0xFFFFFF00] =	vst v0  }
0x4d8: {  	v0 =	vld [tilespmem:s17+$0x3090];
	_ =	sdelay $0x4  }
0x4d9: {  	[tilespmem:s6+$0xFFFFFF10] =	vst v0  }
0x4da: {  	v0 =	vld [tilespmem:s17+$0x30A0];
	_ =	sdelay $0x4  }
0x4db: {  	[tilespmem:s6+$0xFFFFFF20] =	vst v0  }
0x4dc: {  	v0 =	vld [tilespmem:s17+$0x30B0];
	_ =	sdelay $0x4  }
0x4dd: {  	[tilespmem:s6+$0xFFFFFF30] =	vst v0  }
0x4de: {  	v0 =	vld [tilespmem:s17+$0x30C0];
	_ =	sdelay $0x4  }
0x4df: {  	[tilespmem:s6+$0xFFFFFF40] =	vst v0  }
0x4e0: {  	v0 =	vld [tilespmem:s17+$0x30D0];
	_ =	sdelay $0x4  }
0x4e1: {  	[tilespmem:s6+$0xFFFFFF50] =	vst v0  }
0x4e2: {  	v0 =	vld [tilespmem:s17+$0x30E0];
	_ =	sdelay $0x4  }
0x4e3: {  	[tilespmem:s6+$0xFFFFFF60] =	vst v0  }
0x4e4: {  	v0 =	vld [tilespmem:s17+$0x30F0];
	_ =	sdelay $0x4  }
0x4e5: {  	[tilespmem:s6+$0xFFFFFF70] =	vst v0  }
0x4e6: {  	v0 =	vld [tilespmem:s17+$0x3100];
	_ =	sdelay $0x4  }
0x4e7: {  	[tilespmem:s6+$0xFFFFFF80] =	vst v0  }
0x4e8: {  	v0 =	vld [tilespmem:s17+$0x3110];
	_ =	sdelay $0x4  }
0x4e9: {  	[tilespmem:s6+$0xFFFFFF90] =	vst v0  }
0x4ea: {  	v0 =	vld [tilespmem:s17+$0x3120];
	_ =	sdelay $0x4  }
0x4eb: {  	[tilespmem:s6+$0xFFFFFFA0] =	vst v0  }
0x4ec: {  	v0 =	vld [tilespmem:s17+$0x3130];
	_ =	sdelay $0x4  }
0x4ed: {  	[tilespmem:s6+$0xFFFFFFB0] =	vst v0  }
0x4ee: {  	v0 =	vld [tilespmem:s17+$0x3140];
	_ =	sdelay $0x4  }
0x4ef: {  	[tilespmem:s6+$0xFFFFFFC0] =	vst v0  }
0x4f0: {  	v0 =	vld [tilespmem:s17+$0x3150];
	_ =	sdelay $0x4  }
0x4f1: {  	[tilespmem:s6+$0xFFFFFFD0] =	vst v0  }
0x4f2: {  	v0 =	vld [tilespmem:s17+$0x3160];
	_ =	sdelay $0x4  }
0x4f3: {  	[tilespmem:s6+$0xFFFFFFE0] =	vst v0  }
0x4f4: {  	v0 =	vld [tilespmem:s17+$0x3170];
	_ =	sdelay $0x4  }
0x4f5: {  	[tilespmem:s6+$0xFFFFFFF0] =	vst v0  }
0x4f6: {  	v0 =	vld [tilespmem:s17+$0x3180];
	_ =	sdelay $0x4  }
0x4f7: {  	[tilespmem:s6+$0x0] =	vst v0  }
0x4f8: {  	v0 =	vld [tilespmem:s17+$0x3190];
	_ =	sdelay $0x4  }
0x4f9: {  	[tilespmem:s6+$0x10] =	vst v0  }
0x4fa: {  	v0 =	vld [tilespmem:s17+$0x31A0];
	_ =	sdelay $0x4  }
0x4fb: {  	[tilespmem:s6+$0x20] =	vst v0  }
0x4fc: {  	v0 =	vld [tilespmem:s17+$0x31B0];
	_ =	sdelay $0x4  }
0x4fd: {  	[tilespmem:s6+$0x30] =	vst v0  }
0x4fe: {  	v0 =	vld [tilespmem:s17+$0x31C0];
	_ =	sdelay $0x4  }
0x4ff: {  	[tilespmem:s6+$0x40] =	vst v0  }
0x500: {  	v0 =	vld [tilespmem:s17+$0x31D0];
	_ =	sdelay $0x4  }
0x501: {  	[tilespmem:s6+$0x50] =	vst v0  }
0x502: {  	v0 =	vld [tilespmem:s17+$0x31E0];
	_ =	sdelay $0x4  }
0x503: {  	[tilespmem:s6+$0x60] =	vst v0  }
0x504: {  	v0 =	vld [tilespmem:s17+$0x31F0];
	_ =	sdelay $0x4  }
0x505: {  	[tilespmem:s6+$0x70] =	vst v0  }
0x506: {  	v0 =	vld [tilespmem:s17+$0x3200];
	_ =	sdelay $0x4  }
0x507: {  	[tilespmem:s6+$0x80] =	vst v0  }
0x508: {  	v0 =	vld [tilespmem:s17+$0x3210];
	_ =	sdelay $0x4  }
0x509: {  	[tilespmem:s6+$0x90] =	vst v0  }
0x50a: {  	v0 =	vld [tilespmem:s17+$0x3220];
	_ =	sdelay $0x4  }
0x50b: {  	[tilespmem:s6+$0xA0] =	vst v0  }
0x50c: {  	v0 =	vld [tilespmem:s17+$0x3230];
	_ =	sdelay $0x4  }
0x50d: {  	[tilespmem:s6+$0xB0] =	vst v0  }
0x50e: {  	v0 =	vld [tilespmem:s17+$0x3240];
	_ =	sdelay $0x4  }
0x50f: {  	[tilespmem:s6+$0xC0] =	vst v0  }
0x510: {  	v0 =	vld [tilespmem:s17+$0x3250];
	_ =	sdelay $0x4  }
0x511: {  	[tilespmem:s6+$0xD0] =	vst v0  }
0x512: {  	v0 =	vld [tilespmem:s17+$0x3260];
	_ =	sdelay $0x4  }
0x513: {  	[tilespmem:s6+$0xE0] =	vst v0  }
0x514: {  	v0 =	vld [tilespmem:s17+$0x3270];
	_ =	sdelay $0x3  }
0x515: {  	s9 =	sshll.u32 s16, $0xB;
	p0 =	sge.u32 s12, s14  }
0x516: {  	s17 =	sadd.s32 s3, s9;
	[tilespmem:s6+$0xF0] =	vst v0;
	s6 =	sadd.s32 @!p0 $0x40, s16  }
0x517: {  	[hbm4b:s17+s5] =	stream.linear.scatter [tilespmem:s20], [sflag:$0x6], $0x4000, $0x38;
	[tilespmem:$0x15080] =	vst v63  }
0x518: {  	s12 =	simm.s32 @!p0 $0x0;
	s17 =	sadd.s32 s9, s15;
	s9 =	sshll.u32 @!p0 s6, $0x8  }
0x519: {  	[hbm4b:s17+s5] =	stream.linear.scatter [tilespmem:s21], [sflag:$0x6], $0x4000, $0x38;
	[tilespmem:$0x15080] =	vst v63  }
.Ltmp9:
0x51a: {  	s6 =	sshll.u32 @!p0 s6, $0xA;
	s9 =	sand.u32 @!p0 $0x1FFFFF00, s9;
	(pc) =	sbr.rel .LBB2_12-.Ltmp9, $4  }
0x51b: {  	s16 =	simm.s32 @!p0 $0x880;
	s6 =	sand.u32 @!p0 $0x1FFFFC00, s6;
	s9 =	sadd.s32 @!p0 s1, s9  }
0x51c: {  	[tilespmem:s16], [sflag:$0x2] =	stream.linear.gather @!p0 [hbm4b:s9+s12], $0x800, $0x38;
	[tilespmem:$0x15080] =	vst v63  }
0x51d: {  	s6 =	sadd.s32 @!p0 s2, s6;
	s9 =	simm.s32 @!p0 $0x3080  }
0x51e: {  	[tilespmem:s9], [sflag:$0x4] =	stream.linear.gather @!p0 [hbm4b:s6+s12], $0x2000, $0x38;
	[tilespmem:$0x15080] =	vst v63  }
.LBB2_14:
0x51f: {  	_ =	sfence.sel $0x180000  }
0x520: {  	[bflag:$0x0] =	sbarrier.arrive $0xFFFF  }
0x521: {  	_ =	strace $0x90000047  }
0x522: {  	s0 =	stileid.u32;
	[bflag:$0x2] =	sbarrier.arrive $0xFFFF  }
0x523: {  	p0 =	sne.s32 s0, $0x0;
	s0 =	rddreg [dreg:$0x4]  }
0x524: {  	s0 =	sadd.s32 @!p0 $0x100000, s0  }
0x525: {  	[sflag:s0] =	ssyncadd.tile.s32 @!p0 $0x1;
	_ =	shalt  }
.Lfunc_end2:
_tile_overlayer_lowered:
.L_overlay_start_2:
0x526: {  	(tag) =	ssettag $0x2  }
0x527: {  	s0 =	rddreg [dreg:$0x0];
	s2 =	stileid.u32  }
0x528: {  	s1 =	rddreg [dreg:$0x1];
	p0 =	sne.s32 s2, $0x0  }
0x529: {  	s3 =	rddreg [dreg:$0x2];
	[bflag:$0x3] =	sbarrier.arrive $0xFFFF;
	s2 =	simm.s32 @!p0 $0x1C07  }
0x52a: {  	[timem:s3], [sflag:s2] =	dma.local @!p0 [hbm:s0], s1  }
0x52b: {  	s0 =	simm.s32 @!p0 $0x7  }
0x52c: {  	_ =	swait.ge @!p0 [sflag:s0], s1  }
0x52d: {  	s1 =	ssub.s32 @!p0 $0x0, s1;
	[sflag:s0] =	ssyncset.done @!p0 $0x0  }
0x52e: {  	[sflag:s0] =	ssyncadd.s32 @!p0 s1  }
0x52f: {  	[bflag:$0x3] =	sbarrier.arrive $0xFFFF  }
0x530: {  	_ =	shalt  }

</sc_bundles>
